<compile_context>
chip_gen: v7x
topology: tpu7x:2x2x1
jax: 0.10.2.dev20260603
libtpu: 0.0.44.dev20260713+nightly
codegen_flags: <defaults>
</compile_context>

<pallas_src>
import functools

import jax
import jax.numpy as jnp
from jax import lax
from jax.experimental import pallas as pl
from jax.experimental.pallas import tpu as pltpu
from jax.experimental.pallas import tpu_sc as plsc

N = 16 * 512 * 512
NW = 32
PER_W = N // NW
CH = 8192
NCH = PER_W // CH
VB = 4095
NB = VB + 1
RANGE = 10.0
INV_W = VB / RANGE
W = RANGE / VB
SLICE = NB // 16

_mesh = plsc.VectorSubcoreMesh(core_axis_name="c", subcore_axis_name="s")
_params = pltpu.CompilerParams(needs_layout_passes=False)


@functools.partial(
    pl.kernel,
    out_type=(
        jax.ShapeDtypeStruct((NW * NB,), jnp.int32),
        jax.ShapeDtypeStruct((NW * NB,), jnp.int32),
    ),
    mesh=_mesh,
    compiler_params=_params,
    scratch_types=[
        pltpu.VMEM((16 * NB,), jnp.int32),
        pltpu.VMEM((CH,), jnp.float32),
        pltpu.VMEM((CH,), jnp.float32),
        pltpu.VMEM((CH,), jnp.float32),
        pltpu.VMEM((CH,), jnp.float32),
        pltpu.VMEM((NB,), jnp.int32),
        pltpu.VMEM((NB,), jnp.int32),
        pltpu.SemaphoreType.DMA,
        pltpu.SemaphoreType.DMA,
        pltpu.SemaphoreType.DMA,
        pltpu.SemaphoreType.DMA,
    ],
)
def _hist_kernel(lg, tg, cnt_out, pos_out, hist, lb0, lb1, tb0, tb1,
                 crow, prow, sl0, sl1, st0, st1):
    cid = lax.axis_index("c")
    sid = lax.axis_index("s")
    wid = sid * 2 + cid
    base = wid * PER_W
    lane = lax.iota(jnp.int32, 16)
    lane_off = lane * NB

    zeros = jnp.zeros((16,), jnp.int32)

    @plsc.parallel_loop(0, NB, unroll=8)
    def zbody(k):
        hist[pl.ds(k * 16, 16)] = zeros

    lbufs = (lb0, lb1)
    tbufs = (tb0, tb1)
    lsems = (sl0, sl1)
    tsems = (st0, st1)

    for b in range(2):
        off = base + b * CH
        pltpu.async_copy(lg.at[pl.ds(off, CH)], lbufs[b], lsems[b])
        pltpu.async_copy(tg.at[pl.ds(off, CH)], tbufs[b], tsems[b])

    def outer(g, _):
        for b in range(2):
            c = g * 2 + b
            off = base + c * CH
            pltpu.make_async_copy(lg.at[pl.ds(off, CH)], lbufs[b], lsems[b]).wait()
            pltpu.make_async_copy(tg.at[pl.ds(off, CH)], tbufs[b], tsems[b]).wait()

            @plsc.parallel_loop(0, CH // 16, unroll=8)
            def vbody(j):
                o = j * 16
                lv = lbufs[b][pl.ds(o, 16)]
                tv = tbufs[b][pl.ds(o, 16)]
                sw = tv * (2.0 * INV_W) - INV_W
                q = INV_W - lv * sw
                bi = q.astype(jnp.int32)
                br = jnp.minimum(jnp.maximum((VB - 1) - bi, 0), VB)
                val = jnp.where(tv > 0.5, jnp.int32(16385), jnp.int32(16384))
                plsc.addupdate_scatter(hist, [br + lane_off], val)

            @pl.when(c + 2 < NCH)
            def _():
                off2 = base + (c + 2) * CH
                pltpu.async_copy(lg.at[pl.ds(off2, CH)], lbufs[b], lsems[b])
                pltpu.async_copy(tg.at[pl.ds(off2, CH)], tbufs[b], tsems[b])

        return 0

    lax.fori_loop(0, NCH // 2, outer, 0)

    @plsc.parallel_loop(0, NB // 16, unroll=2)
    def rbody(k):
        o = k * 16
        accc = jnp.zeros((16,), jnp.int32)
        accp = jnp.zeros((16,), jnp.int32)
        for l in range(16):
            v = hist[pl.ds(l * NB + o, 16)]
            accc = accc + (v >> 14)
            accp = accp + (v & 16383)
        crow[pl.ds(o, 16)] = accc
        prow[pl.ds(o, 16)] = accp

    pltpu.sync_copy(crow, cnt_out.at[pl.ds(wid * NB, NB)])
    pltpu.sync_copy(prow, pos_out.at[pl.ds(wid * NB, NB)])


SL3 = NB // 16


@functools.partial(
    pl.kernel,
    out_type=jax.ShapeDtypeStruct((16,), jnp.float32),
    mesh=_mesh,
    compiler_params=_params,
    scratch_types=[
        pltpu.VMEM((NW, SL3), jnp.int32),
        pltpu.VMEM((NW, SL3), jnp.int32),
        pltpu.VMEM((SL3,), jnp.int32),
        pltpu.VMEM((SL3,), jnp.int32),
        pltpu.VMEM((NB,), jnp.int32),
        pltpu.VMEM((NB,), jnp.int32),
        pltpu.VMEM((16,), jnp.float32),
        pltpu.VMEM_SHARED((NB,), jnp.int32),
        pltpu.VMEM_SHARED((NB,), jnp.int32),
        pltpu.SemaphoreType.DMA,
    ],
)
def _tail_kernel(cnt_in, pos_in, out, bufc, bufp, outc, outp,
                 cred, pred_, stf, shc, shp, sem):
    cid = lax.axis_index("c")
    sid = lax.axis_index("s")
    lane = lax.iota(jnp.int32, 16)

    @pl.when(cid == 0)
    def _work():
        off = sid * SL3
        for r in range(NW):
            pltpu.async_copy(cnt_in.at[pl.ds(r * NB + off, SL3)],
                             bufc.at[r], sem)
            pltpu.async_copy(pos_in.at[pl.ds(r * NB + off, SL3)],
                             bufp.at[r], sem)
        for r in range(NW):
            pltpu.make_async_copy(cnt_in.at[pl.ds(r * NB + off, SL3)],
                                  bufc.at[r], sem).wait()
            pltpu.make_async_copy(pos_in.at[pl.ds(r * NB + off, SL3)],
                                  bufp.at[r], sem).wait()

        @plsc.parallel_loop(0, SL3 // 16, unroll=2)
        def redbody(k):
            o = k * 16
            ac = jnp.zeros((16,), jnp.int32)
            ap = jnp.zeros((16,), jnp.int32)
            for r in range(NW):
                ac = ac + bufc[r, pl.ds(o, 16)]
                ap = ap + bufp[r, pl.ds(o, 16)]
            outc[pl.ds(o, 16)] = ac
            outp[pl.ds(o, 16)] = ap

        pltpu.sync_copy(outc, shc.at[pl.ds(off, SL3)])
        pltpu.sync_copy(outp, shp.at[pl.ds(off, SL3)])
        plsc.subcore_barrier()

        @pl.when(sid == 0)
        def _finish():
            pltpu.sync_copy(shc, cred)
            pltpu.sync_copy(shp, pred_)

            @plsc.parallel_loop(0, NB // 16, unroll=4,
                                carry=jnp.zeros((16,), jnp.int32))
            def gbody(k, pc):
                return pc + pred_[pl.ds(k * 16, 16)]

            gpos = jnp.sum(gbody)
            gf = gpos.astype(jnp.float32)

            def scanbody(k, carry):
                ncar, pcar, acc = carry
                o = k * 16
                cv = cred[pl.ds(o, 16)]
                pv = pred_[pl.ds(o, 16)]
                cin = plsc.cumsum(cv)
                pin = plsc.cumsum(pv)
                n0 = (ncar + cin - cv).astype(jnp.float32)
                p0 = (pcar + pin - pv).astype(jnp.float32)
                cf = cv.astype(jnp.float32)
                pf = pv.astype(jnp.float32)
                a0 = gf - p0
                d0 = gf + n0 - p0
                d1 = d0 + cf - pf
                num = a0 * (cf - pf) + pf * d0
                dj = num / jnp.maximum(d0 * d1, 1.0)
                gb = o + lane
                mf = (jnp.float32(VB) - 0.5 - gb.astype(jnp.float32)) * W
                mf = jnp.where(gb == VB, 0.0, mf)
                return (ncar + jnp.sum(cv), pcar + jnp.sum(pv),
                        acc + mf * dj)

            _, _, accv = lax.fori_loop(0, NB // 16, scanbody,
                                       (jnp.int32(0), jnp.int32(0),
                                        jnp.zeros((16,), jnp.float32)))

            stf[...] = lax.broadcast(jnp.sum(accv), (16,))
            pltpu.sync_copy(stf, out)


def _tiled_flat(x):
    return x.reshape(16, 64, 8, 4, 128).transpose(0, 1, 3, 2, 4).reshape(-1)


def kernel(logits, targets):
    cnt, pos = _hist_kernel(_tiled_flat(logits), _tiled_flat(targets))
    res = _tail_kernel(cnt, pos)
    return res[0]

# --- scband reference (transcript-rebuilt; emitter-appended) ---
"""Pipeline reference for scband-lovasz-softmax-loss-65025804861994 (READ-ONLY COPY).

The authoritative reference and input builder live on the scoring server;
editing this copy changes nothing except your own understanding.
"""

import jax, jax.numpy as jnp
import numpy as np


def setup_inputs(seed: int = 0) -> dict:
    key = jax.random.key(seed)
    k1, k2 = jax.random.split(key)
    logits = jax.random.normal(k1, (16, 512, 512), dtype=jnp.float32)
    targets = jax.random.randint(k2, (16, 512, 512), 0, 2).astype(jnp.float32)
    return {"logits": logits, "targets": targets}


def reference(logits, targets):
    logits = logits.reshape(-1)
    targets = targets.reshape(-1)
    signs = 2.0 * targets - 1.0
    errors = 1.0 - logits * signs
    # torch.sort descending: sort errors in descending order, keep permutation
    perm = jnp.argsort(-errors)
    errors_sorted = errors[perm]
    gt_sorted = targets[perm]
    gts = gt_sorted.sum()
    intersection = gts - jnp.cumsum(gt_sorted)
    union = gts + jnp.cumsum(1.0 - gt_sorted)
    jaccard = 1.0 - intersection / union
    jaccard = jnp.concatenate([jaccard[:1], jaccard[1:] - jaccard[:-1]])
    loss = jnp.dot(jax.nn.relu(errors_sorted), jaccard)
    return loss

if __name__ == "__main__":
    import jax
    _d = setup_inputs()
    print(jax.jit(kernel)(*tuple(_d.values())))

</pallas_src>

<mosaic_0001>
#map = affine_map<(d0, d1) -> (0)>
module attributes {stable_mosaic.version = 14 : i64} {
  func.func @_hist_kernel(%arg0: i32, %arg1: i32, %arg2: memref<4194304xf32, #tpu.memory_space<hbm>>, %arg3: memref<4194304xf32, #tpu.memory_space<hbm>>, %arg4: memref<131072xi32, #tpu.memory_space<hbm>>, %arg5: memref<131072xi32, #tpu.memory_space<hbm>>, %arg6: memref<65536xi32, #tpu.memory_space<vmem>>, %arg7: memref<8192xf32, #tpu.memory_space<vmem>>, %arg8: memref<8192xf32, #tpu.memory_space<vmem>>, %arg9: memref<8192xf32, #tpu.memory_space<vmem>>, %arg10: memref<8192xf32, #tpu.memory_space<vmem>>, %arg11: memref<4096xi32, #tpu.memory_space<vmem>>, %arg12: memref<4096xi32, #tpu.memory_space<vmem>>, %arg13: memref<!tpu.dma_semaphore, #tpu.memory_space<semaphore_mem>>, %arg14: memref<!tpu.dma_semaphore, #tpu.memory_space<semaphore_mem>>, %arg15: memref<!tpu.dma_semaphore, #tpu.memory_space<semaphore_mem>>, %arg16: memref<!tpu.dma_semaphore, #tpu.memory_space<semaphore_mem>>) attributes {dimension_semantics = [#tpu.dimension_semantics<core_parallel>, #tpu.dimension_semantics<subcore_parallel>], iteration_bounds = array<i64: 2, 16>, scalar_prefetch = 0 : i64, scratch_operands = 11 : i64, tpu.core_type = #tpu.core_type<sc_vector_subcore>, window_params = [{transform_indices = #map}, {transform_indices = #map}, {transform_indices = #map}, {transform_indices = #map}]} {
    %mul3A = arith.constant 2 : i32
    %mul3A_0 = arith.muli %arg1, %mul3A : i32
    %add3A = arith.addi %mul3A_0, %arg0 : i32
    %mul3A_1 = arith.constant 131072 : i32
    %mul3A_2 = arith.muli %add3A, %mul3A_1 : i32
    %iota3A = tpu.iota {dimensions = array<i32: 0>} : vector<16xi32>
    %mul3A_3 = arith.constant 4096 : i32
    %mul3A_4 = vector.broadcast %mul3A_3 : i32 to vector<16xi32>
    %mul3A_5 = arith.muli %iota3A, %mul3A_4 : vector<16xi32>
    %broadcast_in_dim3A = arith.constant 0 : i32
    %broadcast_in_dim3A_6 = vector.broadcast %broadcast_in_dim3A : i32 to vector<16xi32>
    %parallel_loop3A = arith.constant 0 : i32
    %parallel_loop3A_7 = arith.constant 4096 : i32
    %parallel_loop3A_8 = arith.constant 1 : i32
    scf.for %parallel_loop3A_33 = %parallel_loop3A to %parallel_loop3A_7 step %parallel_loop3A_8  : i32 {
      %parallel_loop3A_34 = arith.constant 16 : i32
      %parallel_loop3A_35 = arith.muli %parallel_loop3A_33, %parallel_loop3A_34 : i32
      %parallel_loop3A_36 = arith.index_cast %parallel_loop3A_35 : i32 to index
      %parallel_loop3A_37 = tpu.vector_load %arg6[%parallel_loop3A_36] {strides = array<i32>} : memref<65536xi32, #tpu.memory_space<vmem>>, vector<16xi32>,
      tpu.vector_store %arg6[%parallel_loop3A_36], %broadcast_in_dim3A_6 {strides = array<i32>} : memref<65536xi32, #tpu.memory_space<vmem>>, vector<16xi32>,
    } {sc.loop_unroll_factor = 8 : i64, sc.parallel_access}
    %add3A_9 = arith.constant 0 : i32
    %add3A_10 = arith.addi %mul3A_2, %add3A_9 : i32
    %dma_start3A = tpu.memref_slice %arg2[%add3A_10] : memref<4194304xf32, #tpu.memory_space<hbm>> -> memref<8192xf32, #tpu.memory_space<hbm>>
    %dma_start3A_11 = tpu.memref_slice %arg2[%add3A_10] : memref<4194304xf32, #tpu.memory_space<hbm>> -> memref<8192xf32, #tpu.memory_space<hbm>>
    tpu.enqueue_dma source(%dma_start3A_11 : memref<8192xf32, #tpu.memory_space<hbm>>) target(%arg7 : memref<8192xf32, #tpu.memory_space<vmem>>) target_semaphore(%arg13 : memref<!tpu.dma_semaphore, #tpu.memory_space<semaphore_mem>>)
    %dma_start3A_12 = tpu.memref_slice %arg3[%add3A_10] : memref<4194304xf32, #tpu.memory_space<hbm>> -> memref<8192xf32, #tpu.memory_space<hbm>>
    %dma_start3A_13 = tpu.memref_slice %arg3[%add3A_10] : memref<4194304xf32, #tpu.memory_space<hbm>> -> memref<8192xf32, #tpu.memory_space<hbm>>
    tpu.enqueue_dma source(%dma_start3A_13 : memref<8192xf32, #tpu.memory_space<hbm>>) target(%arg9 : memref<8192xf32, #tpu.memory_space<vmem>>) target_semaphore(%arg15 : memref<!tpu.dma_semaphore, #tpu.memory_space<semaphore_mem>>)
    %add3A_14 = arith.constant 8192 : i32
    %add3A_15 = arith.addi %mul3A_2, %add3A_14 : i32
    %dma_start3A_16 = tpu.memref_slice %arg2[%add3A_15] : memref<4194304xf32, #tpu.memory_space<hbm>> -> memref<8192xf32, #tpu.memory_space<hbm>>
    %dma_start3A_17 = tpu.memref_slice %arg2[%add3A_15] : memref<4194304xf32, #tpu.memory_space<hbm>> -> memref<8192xf32, #tpu.memory_space<hbm>>
    tpu.enqueue_dma source(%dma_start3A_17 : memref<8192xf32, #tpu.memory_space<hbm>>) target(%arg8 : memref<8192xf32, #tpu.memory_space<vmem>>) target_semaphore(%arg14 : memref<!tpu.dma_semaphore, #tpu.memory_space<semaphore_mem>>)
    %dma_start3A_18 = tpu.memref_slice %arg3[%add3A_15] : memref<4194304xf32, #tpu.memory_space<hbm>> -> memref<8192xf32, #tpu.memory_space<hbm>>
    %dma_start3A_19 = tpu.memref_slice %arg3[%add3A_15] : memref<4194304xf32, #tpu.memory_space<hbm>> -> memref<8192xf32, #tpu.memory_space<hbm>>
    tpu.enqueue_dma source(%dma_start3A_19 : memref<8192xf32, #tpu.memory_space<hbm>>) target(%arg10 : memref<8192xf32, #tpu.memory_space<vmem>>) target_semaphore(%arg16 : memref<!tpu.dma_semaphore, #tpu.memory_space<semaphore_mem>>)
    %scan3A = arith.constant 0 : i32
    %scan3A_20 = arith.constant 0 : i32
    %scan3A_21 = arith.constant 8 : i32
    %scan3A_22 = arith.addi %scan3A_20, %scan3A_21 : i32
    %scan3A_23 = arith.constant 1 : i32
    %scan3A_24 = scf.for %scan3A_33 = %scan3A_20 to %scan3A_22 step %scan3A_23 iter_args(%scan3A_34 = %scan3A) -> (i32)  : i32 {
      %mul3A_35 = arith.constant 2 : i32
      %mul3A_36 = arith.muli %scan3A_33, %mul3A_35 : i32
      %add3A_37 = arith.constant 0 : i32
      %add3A_38 = arith.addi %mul3A_36, %add3A_37 : i32
      %mul3A_39 = arith.constant 8192 : i32
      %mul3A_40 = arith.muli %add3A_38, %mul3A_39 : i32
      %add3A_41 = arith.addi %mul3A_2, %mul3A_40 : i32
      %dma_wait3A = tpu.memref_slice %arg2[%add3A_41] : memref<4194304xf32, #tpu.memory_space<hbm>> -> memref<8192xf32, #tpu.memory_space<hbm>>
      %dma_wait3A_42 = tpu.memref_slice %arg2[%add3A_41] : memref<4194304xf32, #tpu.memory_space<hbm>> -> memref<8192xf32, #tpu.memory_space<hbm>>
      tpu.wait_dma2 semaphore(%arg13 : memref<!tpu.dma_semaphore, #tpu.memory_space<semaphore_mem>>) src(%dma_wait3A_42 : memref<8192xf32, #tpu.memory_space<hbm>>) dst(%arg7 : memref<8192xf32, #tpu.memory_space<vmem>>)
      %dma_wait3A_43 = tpu.memref_slice %arg3[%add3A_41] : memref<4194304xf32, #tpu.memory_space<hbm>> -> memref<8192xf32, #tpu.memory_space<hbm>>
      %dma_wait3A_44 = tpu.memref_slice %arg3[%add3A_41] : memref<4194304xf32, #tpu.memory_space<hbm>> -> memref<8192xf32, #tpu.memory_space<hbm>>
      tpu.wait_dma2 semaphore(%arg15 : memref<!tpu.dma_semaphore, #tpu.memory_space<semaphore_mem>>) src(%dma_wait3A_44 : memref<8192xf32, #tpu.memory_space<hbm>>) dst(%arg9 : memref<8192xf32, #tpu.memory_space<vmem>>)
      %parallel_loop3A_45 = arith.constant 0 : i32
      %parallel_loop3A_46 = arith.constant 512 : i32
      %parallel_loop3A_47 = arith.constant 1 : i32
      scf.for %parallel_loop3A_74 = %parallel_loop3A_45 to %parallel_loop3A_46 step %parallel_loop3A_47  : i32 {
        %parallel_loop3A_75 = arith.constant 16 : i32
        %parallel_loop3A_76 = arith.muli %parallel_loop3A_74, %parallel_loop3A_75 : i32
        %parallel_loop3A_77 = arith.index_cast %parallel_loop3A_76 : i32 to index
        %parallel_loop3A_78 = tpu.vector_load %arg7[%parallel_loop3A_77] {strides = array<i32>} : memref<8192xf32, #tpu.memory_space<vmem>>, vector<16xf32>,
        %parallel_loop3A_79 = arith.index_cast %parallel_loop3A_76 : i32 to index
        %parallel_loop3A_80 = tpu.vector_load %arg9[%parallel_loop3A_79] {strides = array<i32>} : memref<8192xf32, #tpu.memory_space<vmem>>, vector<16xf32>,
        %parallel_loop3A_81 = arith.constant 8.190000e+02 : f32
        %parallel_loop3A_82 = vector.broadcast %parallel_loop3A_81 : f32 to vector<16xf32>
        %parallel_loop3A_83 = arith.mulf %parallel_loop3A_80, %parallel_loop3A_82 : vector<16xf32>
        %parallel_loop3A_84 = arith.constant 4.095000e+02 : f32
        %parallel_loop3A_85 = vector.broadcast %parallel_loop3A_84 : f32 to vector<16xf32>
        %parallel_loop3A_86 = arith.subf %parallel_loop3A_83, %parallel_loop3A_85 : vector<16xf32>
        %parallel_loop3A_87 = arith.mulf %parallel_loop3A_78, %parallel_loop3A_86 : vector<16xf32>
        %parallel_loop3A_88 = arith.constant 4.095000e+02 : f32
        %parallel_loop3A_89 = vector.broadcast %parallel_loop3A_88 : f32 to vector<16xf32>
        %parallel_loop3A_90 = arith.subf %parallel_loop3A_89, %parallel_loop3A_87 : vector<16xf32>
        %parallel_loop3A_91 = arith.fptosi %parallel_loop3A_90 : vector<16xf32> to vector<16xi32>
        %parallel_loop3A_92 = arith.constant 4094 : i32
        %parallel_loop3A_93 = vector.broadcast %parallel_loop3A_92 : i32 to vector<16xi32>
        %parallel_loop3A_94 = arith.subi %parallel_loop3A_93, %parallel_loop3A_91 : vector<16xi32>
        %parallel_loop3A_95 = arith.constant 0 : i32
        %parallel_loop3A_96 = vector.broadcast %parallel_loop3A_95 : i32 to vector<16xi32>
        %parallel_loop3A_97 = arith.maxsi %parallel_loop3A_94, %parallel_loop3A_96 : vector<16xi32>
        %parallel_loop3A_98 = arith.constant 4095 : i32
        %parallel_loop3A_99 = vector.broadcast %parallel_loop3A_98 : i32 to vector<16xi32>
        %parallel_loop3A_100 = arith.minsi %parallel_loop3A_97, %parallel_loop3A_99 : vector<16xi32>
        %parallel_loop3A_101 = arith.constant 5.000000e-01 : f32
        %parallel_loop3A_102 = vector.broadcast %parallel_loop3A_101 : f32 to vector<16xf32>
        %parallel_loop3A_103 = arith.cmpf ogt, %parallel_loop3A_80, %parallel_loop3A_102 : vector<16xf32>
        %parallel_loop3A_104 = arith.constant 16385 : i32
        %parallel_loop3A_105 = arith.constant 16384 : i32
        %parallel_loop3A_106 = vector.broadcast %parallel_loop3A_104 : i32 to vector<16xi32>
        %parallel_loop3A_107 = vector.broadcast %parallel_loop3A_105 : i32 to vector<16xi32>
        %parallel_loop3A_108 = arith.select %parallel_loop3A_103, %parallel_loop3A_106, %parallel_loop3A_107 : vector<16xi1>, vector<16xi32>
        %parallel_loop3A_109 = arith.addi %parallel_loop3A_100, %mul3A_5 : vector<16xi32>
        tpu.vector_store_idx %arg6[%parallel_loop3A_109], %parallel_loop3A_108 {add = true} : memref<65536xi32, #tpu.memory_space<vmem>>[vector<16xi32>], vector<16xi32>,
      } {sc.loop_unroll_factor = 8 : i64, sc.parallel_access}
      %add3A_48 = arith.constant 2 : i32
      %add3A_49 = arith.addi %add3A_38, %add3A_48 : i32
      %lt3A = arith.constant 16 : i32
      %lt3A_50 = arith.cmpi slt, %add3A_49, %lt3A : i32
      %convert_element_type3A = arith.extui %lt3A_50 : i1 to i32
      %cond3A = arith.constant 0 : i32
      %cond3A_51 = arith.cmpi ne, %convert_element_type3A, %cond3A : i32
      scf.if %cond3A_51 {
        %add3A_74 = arith.constant 2 : i32
        %add3A_75 = arith.addi %add3A_38, %add3A_74 : i32
        %mul3A_76 = arith.constant 8192 : i32
        %mul3A_77 = arith.muli %add3A_75, %mul3A_76 : i32
        %add3A_78 = arith.addi %mul3A_2, %mul3A_77 : i32
        %dma_start3A_79 = tpu.memref_slice %arg2[%add3A_78] : memref<4194304xf32, #tpu.memory_space<hbm>> -> memref<8192xf32, #tpu.memory_space<hbm>>
        %dma_start3A_80 = tpu.memref_slice %arg2[%add3A_78] : memref<4194304xf32, #tpu.memory_space<hbm>> -> memref<8192xf32, #tpu.memory_space<hbm>>
        tpu.enqueue_dma source(%dma_start3A_80 : memref<8192xf32, #tpu.memory_space<hbm>>) target(%arg7 : memref<8192xf32, #tpu.memory_space<vmem>>) target_semaphore(%arg13 : memref<!tpu.dma_semaphore, #tpu.memory_space<semaphore_mem>>)
        %dma_start3A_81 = tpu.memref_slice %arg3[%add3A_78] : memref<4194304xf32, #tpu.memory_space<hbm>> -> memref<8192xf32, #tpu.memory_space<hbm>>
        %dma_start3A_82 = tpu.memref_slice %arg3[%add3A_78] : memref<4194304xf32, #tpu.memory_space<hbm>> -> memref<8192xf32, #tpu.memory_space<hbm>>
        tpu.enqueue_dma source(%dma_start3A_82 : memref<8192xf32, #tpu.memory_space<hbm>>) target(%arg9 : memref<8192xf32, #tpu.memory_space<vmem>>) target_semaphore(%arg15 : memref<!tpu.dma_semaphore, #tpu.memory_space<semaphore_mem>>)
      } else {
      }
      %mul3A_52 = arith.constant 2 : i32
      %mul3A_53 = arith.muli %scan3A_33, %mul3A_52 : i32
      %add3A_54 = arith.constant 1 : i32
      %add3A_55 = arith.addi %mul3A_53, %add3A_54 : i32
      %mul3A_56 = arith.constant 8192 : i32
      %mul3A_57 = arith.muli %add3A_55, %mul3A_56 : i32
      %add3A_58 = arith.addi %mul3A_2, %mul3A_57 : i32
      %dma_wait3A_59 = tpu.memref_slice %arg2[%add3A_58] : memref<4194304xf32, #tpu.memory_space<hbm>> -> memref<8192xf32, #tpu.memory_space<hbm>>
      %dma_wait3A_60 = tpu.memref_slice %arg2[%add3A_58] : memref<4194304xf32, #tpu.memory_space<hbm>> -> memref<8192xf32, #tpu.memory_space<hbm>>
      tpu.wait_dma2 semaphore(%arg14 : memref<!tpu.dma_semaphore, #tpu.memory_space<semaphore_mem>>) src(%dma_wait3A_60 : memref<8192xf32, #tpu.memory_space<hbm>>) dst(%arg8 : memref<8192xf32, #tpu.memory_space<vmem>>)
      %dma_wait3A_61 = tpu.memref_slice %arg3[%add3A_58] : memref<4194304xf32, #tpu.memory_space<hbm>> -> memref<8192xf32, #tpu.memory_space<hbm>>
      %dma_wait3A_62 = tpu.memref_slice %arg3[%add3A_58] : memref<4194304xf32, #tpu.memory_space<hbm>> -> memref<8192xf32, #tpu.memory_space<hbm>>
      tpu.wait_dma2 semaphore(%arg16 : memref<!tpu.dma_semaphore, #tpu.memory_space<semaphore_mem>>) src(%dma_wait3A_62 : memref<8192xf32, #tpu.memory_space<hbm>>) dst(%arg10 : memref<8192xf32, #tpu.memory_space<vmem>>)
      %parallel_loop3A_63 = arith.constant 0 : i32
      %parallel_loop3A_64 = arith.constant 512 : i32
      %parallel_loop3A_65 = arith.constant 1 : i32
      scf.for %parallel_loop3A_74 = %parallel_loop3A_63 to %parallel_loop3A_64 step %parallel_loop3A_65  : i32 {
        %parallel_loop3A_75 = arith.constant 16 : i32
        %parallel_loop3A_76 = arith.muli %parallel_loop3A_74, %parallel_loop3A_75 : i32
        %parallel_loop3A_77 = arith.index_cast %parallel_loop3A_76 : i32 to index
        %parallel_loop3A_78 = tpu.vector_load %arg8[%parallel_loop3A_77] {strides = array<i32>} : memref<8192xf32, #tpu.memory_space<vmem>>, vector<16xf32>,
        %parallel_loop3A_79 = arith.index_cast %parallel_loop3A_76 : i32 to index
        %parallel_loop3A_80 = tpu.vector_load %arg10[%parallel_loop3A_79] {strides = array<i32>} : memref<8192xf32, #tpu.memory_space<vmem>>, vector<16xf32>,
        %parallel_loop3A_81 = arith.constant 8.190000e+02 : f32
        %parallel_loop3A_82 = vector.broadcast %parallel_loop3A_81 : f32 to vector<16xf32>
        %parallel_loop3A_83 = arith.mulf %parallel_loop3A_80, %parallel_loop3A_82 : vector<16xf32>
        %parallel_loop3A_84 = arith.constant 4.095000e+02 : f32
        %parallel_loop3A_85 = vector.broadcast %parallel_loop3A_84 : f32 to vector<16xf32>
        %parallel_loop3A_86 = arith.subf %parallel_loop3A_83, %parallel_loop3A_85 : vector<16xf32>
        %parallel_loop3A_87 = arith.mulf %parallel_loop3A_78, %parallel_loop3A_86 : vector<16xf32>
        %parallel_loop3A_88 = arith.constant 4.095000e+02 : f32
        %parallel_loop3A_89 = vector.broadcast %parallel_loop3A_88 : f32 to vector<16xf32>
        %parallel_loop3A_90 = arith.subf %parallel_loop3A_89, %parallel_loop3A_87 : vector<16xf32>
        %parallel_loop3A_91 = arith.fptosi %parallel_loop3A_90 : vector<16xf32> to vector<16xi32>
        %parallel_loop3A_92 = arith.constant 4094 : i32
        %parallel_loop3A_93 = vector.broadcast %parallel_loop3A_92 : i32 to vector<16xi32>
        %parallel_loop3A_94 = arith.subi %parallel_loop3A_93, %parallel_loop3A_91 : vector<16xi32>
        %parallel_loop3A_95 = arith.constant 0 : i32
        %parallel_loop3A_96 = vector.broadcast %parallel_loop3A_95 : i32 to vector<16xi32>
        %parallel_loop3A_97 = arith.maxsi %parallel_loop3A_94, %parallel_loop3A_96 : vector<16xi32>
        %parallel_loop3A_98 = arith.constant 4095 : i32
        %parallel_loop3A_99 = vector.broadcast %parallel_loop3A_98 : i32 to vector<16xi32>
        %parallel_loop3A_100 = arith.minsi %parallel_loop3A_97, %parallel_loop3A_99 : vector<16xi32>
        %parallel_loop3A_101 = arith.constant 5.000000e-01 : f32
        %parallel_loop3A_102 = vector.broadcast %parallel_loop3A_101 : f32 to vector<16xf32>
        %parallel_loop3A_103 = arith.cmpf ogt, %parallel_loop3A_80, %parallel_loop3A_102 : vector<16xf32>
        %parallel_loop3A_104 = arith.constant 16385 : i32
        %parallel_loop3A_105 = arith.constant 16384 : i32
        %parallel_loop3A_106 = vector.broadcast %parallel_loop3A_104 : i32 to vector<16xi32>
        %parallel_loop3A_107 = vector.broadcast %parallel_loop3A_105 : i32 to vector<16xi32>
        %parallel_loop3A_108 = arith.select %parallel_loop3A_103, %parallel_loop3A_106, %parallel_loop3A_107 : vector<16xi1>, vector<16xi32>
        %parallel_loop3A_109 = arith.addi %parallel_loop3A_100, %mul3A_5 : vector<16xi32>
        tpu.vector_store_idx %arg6[%parallel_loop3A_109], %parallel_loop3A_108 {add = true} : memref<65536xi32, #tpu.memory_space<vmem>>[vector<16xi32>], vector<16xi32>,
      } {sc.loop_unroll_factor = 8 : i64, sc.parallel_access}
      %add3A_66 = arith.constant 2 : i32
      %add3A_67 = arith.addi %add3A_55, %add3A_66 : i32
      %lt3A_68 = arith.constant 16 : i32
      %lt3A_69 = arith.cmpi slt, %add3A_67, %lt3A_68 : i32
      %convert_element_type3A_70 = arith.extui %lt3A_69 : i1 to i32
      %cond3A_71 = arith.constant 0 : i32
      %cond3A_72 = arith.cmpi ne, %convert_element_type3A_70, %cond3A_71 : i32
      scf.if %cond3A_72 {
        %add3A_74 = arith.constant 2 : i32
        %add3A_75 = arith.addi %add3A_55, %add3A_74 : i32
        %mul3A_76 = arith.constant 8192 : i32
        %mul3A_77 = arith.muli %add3A_75, %mul3A_76 : i32
        %add3A_78 = arith.addi %mul3A_2, %mul3A_77 : i32
        %dma_start3A_79 = tpu.memref_slice %arg2[%add3A_78] : memref<4194304xf32, #tpu.memory_space<hbm>> -> memref<8192xf32, #tpu.memory_space<hbm>>
        %dma_start3A_80 = tpu.memref_slice %arg2[%add3A_78] : memref<4194304xf32, #tpu.memory_space<hbm>> -> memref<8192xf32, #tpu.memory_space<hbm>>
        tpu.enqueue_dma source(%dma_start3A_80 : memref<8192xf32, #tpu.memory_space<hbm>>) target(%arg8 : memref<8192xf32, #tpu.memory_space<vmem>>) target_semaphore(%arg14 : memref<!tpu.dma_semaphore, #tpu.memory_space<semaphore_mem>>)
        %dma_start3A_81 = tpu.memref_slice %arg3[%add3A_78] : memref<4194304xf32, #tpu.memory_space<hbm>> -> memref<8192xf32, #tpu.memory_space<hbm>>
        %dma_start3A_82 = tpu.memref_slice %arg3[%add3A_78] : memref<4194304xf32, #tpu.memory_space<hbm>> -> memref<8192xf32, #tpu.memory_space<hbm>>
        tpu.enqueue_dma source(%dma_start3A_82 : memref<8192xf32, #tpu.memory_space<hbm>>) target(%arg10 : memref<8192xf32, #tpu.memory_space<vmem>>) target_semaphore(%arg16 : memref<!tpu.dma_semaphore, #tpu.memory_space<semaphore_mem>>)
      } else {
      }
      %scan3A_73 = arith.constant 0 : i32
      scf.yield %scan3A_73 : i32
    }
    %scan3A_25 = arith.constant 8 : i32
    %parallel_loop3A_26 = arith.constant 0 : i32
    %parallel_loop3A_27 = arith.constant 256 : i32
    %parallel_loop3A_28 = arith.constant 1 : i32
    scf.for %parallel_loop3A_33 = %parallel_loop3A_26 to %parallel_loop3A_27 step %parallel_loop3A_28  : i32 {
      %parallel_loop3A_34 = arith.constant 16 : i32
      %parallel_loop3A_35 = arith.muli %parallel_loop3A_33, %parallel_loop3A_34 : i32
      %parallel_loop3A_36 = arith.constant 0 : i32
      %parallel_loop3A_37 = vector.broadcast %parallel_loop3A_36 : i32 to vector<16xi32>
      %parallel_loop3A_38 = arith.constant 0 : i32
      %parallel_loop3A_39 = vector.broadcast %parallel_loop3A_38 : i32 to vector<16xi32>
      %parallel_loop3A_40 = arith.constant 0 : i32
      %parallel_loop3A_41 = arith.addi %parallel_loop3A_40, %parallel_loop3A_35 : i32
      %parallel_loop3A_42 = arith.index_cast %parallel_loop3A_41 : i32 to index
      %parallel_loop3A_43 = tpu.vector_load %arg6[%parallel_loop3A_42] {strides = array<i32>} : memref<65536xi32, #tpu.memory_space<vmem>>, vector<16xi32>,
      %parallel_loop3A_44 = arith.constant 14 : i32
      %parallel_loop3A_45 = vector.broadcast %parallel_loop3A_44 : i32 to vector<16xi32>
      %parallel_loop3A_46 = arith.shrsi %parallel_loop3A_43, %parallel_loop3A_45 : vector<16xi32>
      %parallel_loop3A_47 = arith.addi %parallel_loop3A_37, %parallel_loop3A_46 : vector<16xi32>
      %parallel_loop3A_48 = arith.constant 16383 : i32
      %parallel_loop3A_49 = vector.broadcast %parallel_loop3A_48 : i32 to vector<16xi32>
      %parallel_loop3A_50 = arith.andi %parallel_loop3A_43, %parallel_loop3A_49 : vector<16xi32>
      %parallel_loop3A_51 = arith.addi %parallel_loop3A_39, %parallel_loop3A_50 : vector<16xi32>
      %parallel_loop3A_52 = arith.constant 4096 : i32
      %parallel_loop3A_53 = arith.addi %parallel_loop3A_52, %parallel_loop3A_35 : i32
      %parallel_loop3A_54 = arith.index_cast %parallel_loop3A_53 : i32 to index
      %parallel_loop3A_55 = tpu.vector_load %arg6[%parallel_loop3A_54] {strides = array<i32>} : memref<65536xi32, #tpu.memory_space<vmem>>, vector<16xi32>,
      %parallel_loop3A_56 = arith.constant 14 : i32
      %parallel_loop3A_57 = vector.broadcast %parallel_loop3A_56 : i32 to vector<16xi32>
      %parallel_loop3A_58 = arith.shrsi %parallel_loop3A_55, %parallel_loop3A_57 : vector<16xi32>
      %parallel_loop3A_59 = arith.addi %parallel_loop3A_47, %parallel_loop3A_58 : vector<16xi32>
      %parallel_loop3A_60 = arith.constant 16383 : i32
      %parallel_loop3A_61 = vector.broadcast %parallel_loop3A_60 : i32 to vector<16xi32>
      %parallel_loop3A_62 = arith.andi %parallel_loop3A_55, %parallel_loop3A_61 : vector<16xi32>
      %parallel_loop3A_63 = arith.addi %parallel_loop3A_51, %parallel_loop3A_62 : vector<16xi32>
      %parallel_loop3A_64 = arith.constant 8192 : i32
      %parallel_loop3A_65 = arith.addi %parallel_loop3A_64, %parallel_loop3A_35 : i32
      %parallel_loop3A_66 = arith.index_cast %parallel_loop3A_65 : i32 to index
      %parallel_loop3A_67 = tpu.vector_load %arg6[%parallel_loop3A_66] {strides = array<i32>} : memref<65536xi32, #tpu.memory_space<vmem>>, vector<16xi32>,
      %parallel_loop3A_68 = arith.constant 14 : i32
      %parallel_loop3A_69 = vector.broadcast %parallel_loop3A_68 : i32 to vector<16xi32>
      %parallel_loop3A_70 = arith.shrsi %parallel_loop3A_67, %parallel_loop3A_69 : vector<16xi32>
      %parallel_loop3A_71 = arith.addi %parallel_loop3A_59, %parallel_loop3A_70 : vector<16xi32>
      %parallel_loop3A_72 = arith.constant 16383 : i32
      %parallel_loop3A_73 = vector.broadcast %parallel_loop3A_72 : i32 to vector<16xi32>
      %parallel_loop3A_74 = arith.andi %parallel_loop3A_67, %parallel_loop3A_73 : vector<16xi32>
      %parallel_loop3A_75 = arith.addi %parallel_loop3A_63, %parallel_loop3A_74 : vector<16xi32>
      %parallel_loop3A_76 = arith.constant 12288 : i32
      %parallel_loop3A_77 = arith.addi %parallel_loop3A_76, %parallel_loop3A_35 : i32
      %parallel_loop3A_78 = arith.index_cast %parallel_loop3A_77 : i32 to index
      %parallel_loop3A_79 = tpu.vector_load %arg6[%parallel_loop3A_78] {strides = array<i32>} : memref<65536xi32, #tpu.memory_space<vmem>>, vector<16xi32>,
      %parallel_loop3A_80 = arith.constant 14 : i32
      %parallel_loop3A_81 = vector.broadcast %parallel_loop3A_80 : i32 to vector<16xi32>
      %parallel_loop3A_82 = arith.shrsi %parallel_loop3A_79, %parallel_loop3A_81 : vector<16xi32>
      %parallel_loop3A_83 = arith.addi %parallel_loop3A_71, %parallel_loop3A_82 : vector<16xi32>
      %parallel_loop3A_84 = arith.constant 16383 : i32
      %parallel_loop3A_85 = vector.broadcast %parallel_loop3A_84 : i32 to vector<16xi32>
      %parallel_loop3A_86 = arith.andi %parallel_loop3A_79, %parallel_loop3A_85 : vector<16xi32>
      %parallel_loop3A_87 = arith.addi %parallel_loop3A_75, %parallel_loop3A_86 : vector<16xi32>
      %parallel_loop3A_88 = arith.constant 16384 : i32
      %parallel_loop3A_89 = arith.addi %parallel_loop3A_88, %parallel_loop3A_35 : i32
      %parallel_loop3A_90 = arith.index_cast %parallel_loop3A_89 : i32 to index
      %parallel_loop3A_91 = tpu.vector_load %arg6[%parallel_loop3A_90] {strides = array<i32>} : memref<65536xi32, #tpu.memory_space<vmem>>, vector<16xi32>,
      %parallel_loop3A_92 = arith.constant 14 : i32
      %parallel_loop3A_93 = vector.broadcast %parallel_loop3A_92 : i32 to vector<16xi32>
      %parallel_loop3A_94 = arith.shrsi %parallel_loop3A_91, %parallel_loop3A_93 : vector<16xi32>
      %parallel_loop3A_95 = arith.addi %parallel_loop3A_83, %parallel_loop3A_94 : vector<16xi32>
      %parallel_loop3A_96 = arith.constant 16383 : i32
      %parallel_loop3A_97 = vector.broadcast %parallel_loop3A_96 : i32 to vector<16xi32>
      %parallel_loop3A_98 = arith.andi %parallel_loop3A_91, %parallel_loop3A_97 : vector<16xi32>
      %parallel_loop3A_99 = arith.addi %parallel_loop3A_87, %parallel_loop3A_98 : vector<16xi32>
      %parallel_loop3A_100 = arith.constant 20480 : i32
      %parallel_loop3A_101 = arith.addi %parallel_loop3A_100, %parallel_loop3A_35 : i32
      %parallel_loop3A_102 = arith.index_cast %parallel_loop3A_101 : i32 to index
      %parallel_loop3A_103 = tpu.vector_load %arg6[%parallel_loop3A_102] {strides = array<i32>} : memref<65536xi32, #tpu.memory_space<vmem>>, vector<16xi32>,
      %parallel_loop3A_104 = arith.constant 14 : i32
      %parallel_loop3A_105 = vector.broadcast %parallel_loop3A_104 : i32 to vector<16xi32>
      %parallel_loop3A_106 = arith.shrsi %parallel_loop3A_103, %parallel_loop3A_105 : vector<16xi32>
      %parallel_loop3A_107 = arith.addi %parallel_loop3A_95, %parallel_loop3A_106 : vector<16xi32>
      %parallel_loop3A_108 = arith.constant 16383 : i32
      %parallel_loop3A_109 = vector.broadcast %parallel_loop3A_108 : i32 to vector<16xi32>
      %parallel_loop3A_110 = arith.andi %parallel_loop3A_103, %parallel_loop3A_109 : vector<16xi32>
      %parallel_loop3A_111 = arith.addi %parallel_loop3A_99, %parallel_loop3A_110 : vector<16xi32>
      %parallel_loop3A_112 = arith.constant 24576 : i32
      %parallel_loop3A_113 = arith.addi %parallel_loop3A_112, %parallel_loop3A_35 : i32
      %parallel_loop3A_114 = arith.index_cast %parallel_loop3A_113 : i32 to index
      %parallel_loop3A_115 = tpu.vector_load %arg6[%parallel_loop3A_114] {strides = array<i32>} : memref<65536xi32, #tpu.memory_space<vmem>>, vector<16xi32>,
      %parallel_loop3A_116 = arith.constant 14 : i32
      %parallel_loop3A_117 = vector.broadcast %parallel_loop3A_116 : i32 to vector<16xi32>
      %parallel_loop3A_118 = arith.shrsi %parallel_loop3A_115, %parallel_loop3A_117 : vector<16xi32>
      %parallel_loop3A_119 = arith.addi %parallel_loop3A_107, %parallel_loop3A_118 : vector<16xi32>
      %parallel_loop3A_120 = arith.constant 16383 : i32
      %parallel_loop3A_121 = vector.broadcast %parallel_loop3A_120 : i32 to vector<16xi32>
      %parallel_loop3A_122 = arith.andi %parallel_loop3A_115, %parallel_loop3A_121 : vector<16xi32>
      %parallel_loop3A_123 = arith.addi %parallel_loop3A_111, %parallel_loop3A_122 : vector<16xi32>
      %parallel_loop3A_124 = arith.constant 28672 : i32
      %parallel_loop3A_125 = arith.addi %parallel_loop3A_124, %parallel_loop3A_35 : i32
      %parallel_loop3A_126 = arith.index_cast %parallel_loop3A_125 : i32 to index
      %parallel_loop3A_127 = tpu.vector_load %arg6[%parallel_loop3A_126] {strides = array<i32>} : memref<65536xi32, #tpu.memory_space<vmem>>, vector<16xi32>,
      %parallel_loop3A_128 = arith.constant 14 : i32
      %parallel_loop3A_129 = vector.broadcast %parallel_loop3A_128 : i32 to vector<16xi32>
      %parallel_loop3A_130 = arith.shrsi %parallel_loop3A_127, %parallel_loop3A_129 : vector<16xi32>
      %parallel_loop3A_131 = arith.addi %parallel_loop3A_119, %parallel_loop3A_130 : vector<16xi32>
      %parallel_loop3A_132 = arith.constant 16383 : i32
      %parallel_loop3A_133 = vector.broadcast %parallel_loop3A_132 : i32 to vector<16xi32>
      %parallel_loop3A_134 = arith.andi %parallel_loop3A_127, %parallel_loop3A_133 : vector<16xi32>
      %parallel_loop3A_135 = arith.addi %parallel_loop3A_123, %parallel_loop3A_134 : vector<16xi32>
      %parallel_loop3A_136 = arith.constant 32768 : i32
      %parallel_loop3A_137 = arith.addi %parallel_loop3A_136, %parallel_loop3A_35 : i32
      %parallel_loop3A_138 = arith.index_cast %parallel_loop3A_137 : i32 to index
      %parallel_loop3A_139 = tpu.vector_load %arg6[%parallel_loop3A_138] {strides = array<i32>} : memref<65536xi32, #tpu.memory_space<vmem>>, vector<16xi32>,
      %parallel_loop3A_140 = arith.constant 14 : i32
      %parallel_loop3A_141 = vector.broadcast %parallel_loop3A_140 : i32 to vector<16xi32>
      %parallel_loop3A_142 = arith.shrsi %parallel_loop3A_139, %parallel_loop3A_141 : vector<16xi32>
      %parallel_loop3A_143 = arith.addi %parallel_loop3A_131, %parallel_loop3A_142 : vector<16xi32>
      %parallel_loop3A_144 = arith.constant 16383 : i32
      %parallel_loop3A_145 = vector.broadcast %parallel_loop3A_144 : i32 to vector<16xi32>
      %parallel_loop3A_146 = arith.andi %parallel_loop3A_139, %parallel_loop3A_145 : vector<16xi32>
      %parallel_loop3A_147 = arith.addi %parallel_loop3A_135, %parallel_loop3A_146 : vector<16xi32>
      %parallel_loop3A_148 = arith.constant 36864 : i32
      %parallel_loop3A_149 = arith.addi %parallel_loop3A_148, %parallel_loop3A_35 : i32
      %parallel_loop3A_150 = arith.index_cast %parallel_loop3A_149 : i32 to index
      %parallel_loop3A_151 = tpu.vector_load %arg6[%parallel_loop3A_150] {strides = array<i32>} : memref<65536xi32, #tpu.memory_space<vmem>>, vector<16xi32>,
      %parallel_loop3A_152 = arith.constant 14 : i32
      %parallel_loop3A_153 = vector.broadcast %parallel_loop3A_152 : i32 to vector<16xi32>
      %parallel_loop3A_154 = arith.shrsi %parallel_loop3A_151, %parallel_loop3A_153 : vector<16xi32>
      %parallel_loop3A_155 = arith.addi %parallel_loop3A_143, %parallel_loop3A_154 : vector<16xi32>
      %parallel_loop3A_156 = arith.constant 16383 : i32
      %parallel_loop3A_157 = vector.broadcast %parallel_loop3A_156 : i32 to vector<16xi32>
      %parallel_loop3A_158 = arith.andi %parallel_loop3A_151, %parallel_loop3A_157 : vector<16xi32>
      %parallel_loop3A_159 = arith.addi %parallel_loop3A_147, %parallel_loop3A_158 : vector<16xi32>
      %parallel_loop3A_160 = arith.constant 40960 : i32
      %parallel_loop3A_161 = arith.addi %parallel_loop3A_160, %parallel_loop3A_35 : i32
      %parallel_loop3A_162 = arith.index_cast %parallel_loop3A_161 : i32 to index
      %parallel_loop3A_163 = tpu.vector_load %arg6[%parallel_loop3A_162] {strides = array<i32>} : memref<65536xi32, #tpu.memory_space<vmem>>, vector<16xi32>,
      %parallel_loop3A_164 = arith.constant 14 : i32
      %parallel_loop3A_165 = vector.broadcast %parallel_loop3A_164 : i32 to vector<16xi32>
      %parallel_loop3A_166 = arith.shrsi %parallel_loop3A_163, %parallel_loop3A_165 : vector<16xi32>
      %parallel_loop3A_167 = arith.addi %parallel_loop3A_155, %parallel_loop3A_166 : vector<16xi32>
      %parallel_loop3A_168 = arith.constant 16383 : i32
      %parallel_loop3A_169 = vector.broadcast %parallel_loop3A_168 : i32 to vector<16xi32>
      %parallel_loop3A_170 = arith.andi %parallel_loop3A_163, %parallel_loop3A_169 : vector<16xi32>
      %parallel_loop3A_171 = arith.addi %parallel_loop3A_159, %parallel_loop3A_170 : vector<16xi32>
      %parallel_loop3A_172 = arith.constant 45056 : i32
      %parallel_loop3A_173 = arith.addi %parallel_loop3A_172, %parallel_loop3A_35 : i32
      %parallel_loop3A_174 = arith.index_cast %parallel_loop3A_173 : i32 to index
      %parallel_loop3A_175 = tpu.vector_load %arg6[%parallel_loop3A_174] {strides = array<i32>} : memref<65536xi32, #tpu.memory_space<vmem>>, vector<16xi32>,
      %parallel_loop3A_176 = arith.constant 14 : i32
      %parallel_loop3A_177 = vector.broadcast %parallel_loop3A_176 : i32 to vector<16xi32>
      %parallel_loop3A_178 = arith.shrsi %parallel_loop3A_175, %parallel_loop3A_177 : vector<16xi32>
      %parallel_loop3A_179 = arith.addi %parallel_loop3A_167, %parallel_loop3A_178 : vector<16xi32>
      %parallel_loop3A_180 = arith.constant 16383 : i32
      %parallel_loop3A_181 = vector.broadcast %parallel_loop3A_180 : i32 to vector<16xi32>
      %parallel_loop3A_182 = arith.andi %parallel_loop3A_175, %parallel_loop3A_181 : vector<16xi32>
      %parallel_loop3A_183 = arith.addi %parallel_loop3A_171, %parallel_loop3A_182 : vector<16xi32>
      %parallel_loop3A_184 = arith.constant 49152 : i32
      %parallel_loop3A_185 = arith.addi %parallel_loop3A_184, %parallel_loop3A_35 : i32
      %parallel_loop3A_186 = arith.index_cast %parallel_loop3A_185 : i32 to index
      %parallel_loop3A_187 = tpu.vector_load %arg6[%parallel_loop3A_186] {strides = array<i32>} : memref<65536xi32, #tpu.memory_space<vmem>>, vector<16xi32>,
      %parallel_loop3A_188 = arith.constant 14 : i32
      %parallel_loop3A_189 = vector.broadcast %parallel_loop3A_188 : i32 to vector<16xi32>
      %parallel_loop3A_190 = arith.shrsi %parallel_loop3A_187, %parallel_loop3A_189 : vector<16xi32>
      %parallel_loop3A_191 = arith.addi %parallel_loop3A_179, %parallel_loop3A_190 : vector<16xi32>
      %parallel_loop3A_192 = arith.constant 16383 : i32
      %parallel_loop3A_193 = vector.broadcast %parallel_loop3A_192 : i32 to vector<16xi32>
      %parallel_loop3A_194 = arith.andi %parallel_loop3A_187, %parallel_loop3A_193 : vector<16xi32>
      %parallel_loop3A_195 = arith.addi %parallel_loop3A_183, %parallel_loop3A_194 : vector<16xi32>
      %parallel_loop3A_196 = arith.constant 53248 : i32
      %parallel_loop3A_197 = arith.addi %parallel_loop3A_196, %parallel_loop3A_35 : i32
      %parallel_loop3A_198 = arith.index_cast %parallel_loop3A_197 : i32 to index
      %parallel_loop3A_199 = tpu.vector_load %arg6[%parallel_loop3A_198] {strides = array<i32>} : memref<65536xi32, #tpu.memory_space<vmem>>, vector<16xi32>,
      %parallel_loop3A_200 = arith.constant 14 : i32
      %parallel_loop3A_201 = vector.broadcast %parallel_loop3A_200 : i32 to vector<16xi32>
      %parallel_loop3A_202 = arith.shrsi %parallel_loop3A_199, %parallel_loop3A_201 : vector<16xi32>
      %parallel_loop3A_203 = arith.addi %parallel_loop3A_191, %parallel_loop3A_202 : vector<16xi32>
      %parallel_loop3A_204 = arith.constant 16383 : i32
      %parallel_loop3A_205 = vector.broadcast %parallel_loop3A_204 : i32 to vector<16xi32>
      %parallel_loop3A_206 = arith.andi %parallel_loop3A_199, %parallel_loop3A_205 : vector<16xi32>
      %parallel_loop3A_207 = arith.addi %parallel_loop3A_195, %parallel_loop3A_206 : vector<16xi32>
      %parallel_loop3A_208 = arith.constant 57344 : i32
      %parallel_loop3A_209 = arith.addi %parallel_loop3A_208, %parallel_loop3A_35 : i32
      %parallel_loop3A_210 = arith.index_cast %parallel_loop3A_209 : i32 to index
      %parallel_loop3A_211 = tpu.vector_load %arg6[%parallel_loop3A_210] {strides = array<i32>} : memref<65536xi32, #tpu.memory_space<vmem>>, vector<16xi32>,
      %parallel_loop3A_212 = arith.constant 14 : i32
      %parallel_loop3A_213 = vector.broadcast %parallel_loop3A_212 : i32 to vector<16xi32>
      %parallel_loop3A_214 = arith.shrsi %parallel_loop3A_211, %parallel_loop3A_213 : vector<16xi32>
      %parallel_loop3A_215 = arith.addi %parallel_loop3A_203, %parallel_loop3A_214 : vector<16xi32>
      %parallel_loop3A_216 = arith.constant 16383 : i32
      %parallel_loop3A_217 = vector.broadcast %parallel_loop3A_216 : i32 to vector<16xi32>
      %parallel_loop3A_218 = arith.andi %parallel_loop3A_211, %parallel_loop3A_217 : vector<16xi32>
      %parallel_loop3A_219 = arith.addi %parallel_loop3A_207, %parallel_loop3A_218 : vector<16xi32>
      %parallel_loop3A_220 = arith.constant 61440 : i32
      %parallel_loop3A_221 = arith.addi %parallel_loop3A_220, %parallel_loop3A_35 : i32
      %parallel_loop3A_222 = arith.index_cast %parallel_loop3A_221 : i32 to index
      %parallel_loop3A_223 = tpu.vector_load %arg6[%parallel_loop3A_222] {strides = array<i32>} : memref<65536xi32, #tpu.memory_space<vmem>>, vector<16xi32>,
      %parallel_loop3A_224 = arith.constant 14 : i32
      %parallel_loop3A_225 = vector.broadcast %parallel_loop3A_224 : i32 to vector<16xi32>
      %parallel_loop3A_226 = arith.shrsi %parallel_loop3A_223, %parallel_loop3A_225 : vector<16xi32>
      %parallel_loop3A_227 = arith.addi %parallel_loop3A_215, %parallel_loop3A_226 : vector<16xi32>
      %parallel_loop3A_228 = arith.constant 16383 : i32
      %parallel_loop3A_229 = vector.broadcast %parallel_loop3A_228 : i32 to vector<16xi32>
      %parallel_loop3A_230 = arith.andi %parallel_loop3A_223, %parallel_loop3A_229 : vector<16xi32>
      %parallel_loop3A_231 = arith.addi %parallel_loop3A_219, %parallel_loop3A_230 : vector<16xi32>
      %parallel_loop3A_232 = arith.index_cast %parallel_loop3A_35 : i32 to index
      %parallel_loop3A_233 = tpu.vector_load %arg11[%parallel_loop3A_232] {strides = array<i32>} : memref<4096xi32, #tpu.memory_space<vmem>>, vector<16xi32>,
      tpu.vector_store %arg11[%parallel_loop3A_232], %parallel_loop3A_227 {strides = array<i32>} : memref<4096xi32, #tpu.memory_space<vmem>>, vector<16xi32>,
      %parallel_loop3A_234 = arith.index_cast %parallel_loop3A_35 : i32 to index
      %parallel_loop3A_235 = tpu.vector_load %arg12[%parallel_loop3A_234] {strides = array<i32>} : memref<4096xi32, #tpu.memory_space<vmem>>, vector<16xi32>,
      tpu.vector_store %arg12[%parallel_loop3A_234], %parallel_loop3A_231 {strides = array<i32>} : memref<4096xi32, #tpu.memory_space<vmem>>, vector<16xi32>,
    } {sc.loop_unroll_factor = 2 : i64, sc.parallel_access}
    %mul3A_29 = arith.constant 4096 : i32
    %mul3A_30 = arith.muli %add3A, %mul3A_29 : i32
    "tpu.region"() ({
      %run_scoped3A = tpu.sem_alloc : memref<!tpu.dma_semaphore, #tpu.memory_space<semaphore_mem>>
      %dma_start3A_33 = tpu.memref_slice %arg4[%mul3A_30] : memref<131072xi32, #tpu.memory_space<hbm>> -> memref<4096xi32, #tpu.memory_space<hbm>>
      %dma_start3A_34 = tpu.memref_slice %arg4[%mul3A_30] : memref<131072xi32, #tpu.memory_space<hbm>> -> memref<4096xi32, #tpu.memory_space<hbm>>
      tpu.enqueue_dma source(%arg11 : memref<4096xi32, #tpu.memory_space<vmem>>) target(%dma_start3A_34 : memref<4096xi32, #tpu.memory_space<hbm>>) target_semaphore(%run_scoped3A : memref<!tpu.dma_semaphore, #tpu.memory_space<semaphore_mem>>)
      %dma_wait3A = tpu.memref_slice %arg4[%mul3A_30] : memref<131072xi32, #tpu.memory_space<hbm>> -> memref<4096xi32, #tpu.memory_space<hbm>>
      %dma_wait3A_35 = tpu.memref_slice %arg4[%mul3A_30] : memref<131072xi32, #tpu.memory_space<hbm>> -> memref<4096xi32, #tpu.memory_space<hbm>>
      tpu.wait_dma2 semaphore(%run_scoped3A : memref<!tpu.dma_semaphore, #tpu.memory_space<semaphore_mem>>) src(%arg11 : memref<4096xi32, #tpu.memory_space<vmem>>) dst(%dma_wait3A_35 : memref<4096xi32, #tpu.memory_space<hbm>>)
      tpu.yield
    }) : () -> ()
    %mul3A_31 = arith.constant 4096 : i32
    %mul3A_32 = arith.muli %add3A, %mul3A_31 : i32
    "tpu.region"() ({
      %run_scoped3A = tpu.sem_alloc : memref<!tpu.dma_semaphore, #tpu.memory_space<semaphore_mem>>
      %dma_start3A_33 = tpu.memref_slice %arg5[%mul3A_32] : memref<131072xi32, #tpu.memory_space<hbm>> -> memref<4096xi32, #tpu.memory_space<hbm>>
      %dma_start3A_34 = tpu.memref_slice %arg5[%mul3A_32] : memref<131072xi32, #tpu.memory_space<hbm>> -> memref<4096xi32, #tpu.memory_space<hbm>>
      tpu.enqueue_dma source(%arg12 : memref<4096xi32, #tpu.memory_space<vmem>>) target(%dma_start3A_34 : memref<4096xi32, #tpu.memory_space<hbm>>) target_semaphore(%run_scoped3A : memref<!tpu.dma_semaphore, #tpu.memory_space<semaphore_mem>>)
      %dma_wait3A = tpu.memref_slice %arg5[%mul3A_32] : memref<131072xi32, #tpu.memory_space<hbm>> -> memref<4096xi32, #tpu.memory_space<hbm>>
      %dma_wait3A_35 = tpu.memref_slice %arg5[%mul3A_32] : memref<131072xi32, #tpu.memory_space<hbm>> -> memref<4096xi32, #tpu.memory_space<hbm>>
      tpu.wait_dma2 semaphore(%run_scoped3A : memref<!tpu.dma_semaphore, #tpu.memory_space<semaphore_mem>>) src(%arg12 : memref<4096xi32, #tpu.memory_space<vmem>>) dst(%dma_wait3A_35 : memref<4096xi32, #tpu.memory_space<hbm>>)
      tpu.yield
    }) : () -> ()
    return
  }
}

#map = affine_map<(d0, d1) -> (0)>
module attributes {stable_mosaic.version = 14 : i64} {
  func.func @_tail_kernel(%arg0: i32, %arg1: i32, %arg2: memref<131072xi32, #tpu.memory_space<hbm>>, %arg3: memref<131072xi32, #tpu.memory_space<hbm>>, %arg4: memref<16xf32, #tpu.memory_space<hbm>>, %arg5: memref<32x256xi32, #tpu.memory_space<vmem>>, %arg6: memref<32x256xi32, #tpu.memory_space<vmem>>, %arg7: memref<256xi32, #tpu.memory_space<vmem>>, %arg8: memref<256xi32, #tpu.memory_space<vmem>>, %arg9: memref<4096xi32, #tpu.memory_space<vmem>>, %arg10: memref<4096xi32, #tpu.memory_space<vmem>>, %arg11: memref<16xf32, #tpu.memory_space<vmem>>, %arg12: memref<4096xi32, #tpu.memory_space<vmem_shared>>, %arg13: memref<4096xi32, #tpu.memory_space<vmem_shared>>, %arg14: memref<!tpu.dma_semaphore, #tpu.memory_space<semaphore_mem>>) attributes {dimension_semantics = [#tpu.dimension_semantics<core_parallel>, #tpu.dimension_semantics<subcore_parallel>], iteration_bounds = array<i64: 2, 16>, scalar_prefetch = 0 : i64, scratch_operands = 10 : i64, tpu.core_type = #tpu.core_type<sc_vector_subcore>, window_params = [{transform_indices = #map}, {transform_indices = #map}, {transform_indices = #map}]} {
    %iota3A = tpu.iota {dimensions = array<i32: 0>} : vector<16xi32>
    %eq3A = arith.constant 0 : i32
    %eq3A_0 = arith.cmpi eq, %arg0, %eq3A : i32
    %convert_element_type3A = arith.extui %eq3A_0 : i1 to i32
    %cond3A = arith.constant 0 : i32
    %cond3A_1 = arith.cmpi ne, %convert_element_type3A, %cond3A : i32
    scf.if %cond3A_1 {
      %mul3A = arith.constant 256 : i32
      %mul3A_2 = arith.muli %arg1, %mul3A : i32
      %add3A = arith.constant 0 : i32
      %add3A_3 = arith.addi %add3A, %mul3A_2 : i32
      %dma_start3A = arith.constant 0 : i32
      %dma_start3A_4 = arith.constant 0 : i32
      %dma_start3A_5 = tpu.memref_slice %arg5[%dma_start3A, %dma_start3A_4] : memref<32x256xi32, #tpu.memory_space<vmem>> -> memref<1x256xi32, #tpu.memory_space<vmem>>
      %dma_start3A_6 = tpu.memref_squeeze %dma_start3A_5 : memref<1x256xi32, #tpu.memory_space<vmem>> -> memref<256xi32, #tpu.memory_space<vmem>>
      %dma_start3A_7 = tpu.memref_slice %arg2[%add3A_3] : memref<131072xi32, #tpu.memory_space<hbm>> -> memref<256xi32, #tpu.memory_space<hbm>>
      %dma_start3A_8 = arith.constant 0 : i32
      %dma_start3A_9 = tpu.memref_slice %arg5[%dma_start3A, %dma_start3A_8] : memref<32x256xi32, #tpu.memory_space<vmem>> -> memref<1x256xi32, #tpu.memory_space<vmem>>
      %dma_start3A_10 = tpu.memref_squeeze %dma_start3A_9 : memref<1x256xi32, #tpu.memory_space<vmem>> -> memref<256xi32, #tpu.memory_space<vmem>>
      %dma_start3A_11 = tpu.memref_slice %arg2[%add3A_3] : memref<131072xi32, #tpu.memory_space<hbm>> -> memref<256xi32, #tpu.memory_space<hbm>>
      tpu.enqueue_dma source(%dma_start3A_11 : memref<256xi32, #tpu.memory_space<hbm>>) target(%dma_start3A_10 : memref<256xi32, #tpu.memory_space<vmem>>) target_semaphore(%arg14 : memref<!tpu.dma_semaphore, #tpu.memory_space<semaphore_mem>>)
      %add3A_12 = arith.constant 0 : i32
      %add3A_13 = arith.addi %add3A_12, %mul3A_2 : i32
      %dma_start3A_14 = arith.constant 0 : i32
      %dma_start3A_15 = arith.constant 0 : i32
      %dma_start3A_16 = tpu.memref_slice %arg6[%dma_start3A_14, %dma_start3A_15] : memref<32x256xi32, #tpu.memory_space<vmem>> -> memref<1x256xi32, #tpu.memory_space<vmem>>
      %dma_start3A_17 = tpu.memref_squeeze %dma_start3A_16 : memref<1x256xi32, #tpu.memory_space<vmem>> -> memref<256xi32, #tpu.memory_space<vmem>>
      %dma_start3A_18 = tpu.memref_slice %arg3[%add3A_13] : memref<131072xi32, #tpu.memory_space<hbm>> -> memref<256xi32, #tpu.memory_space<hbm>>
      %dma_start3A_19 = arith.constant 0 : i32
      %dma_start3A_20 = tpu.memref_slice %arg6[%dma_start3A_14, %dma_start3A_19] : memref<32x256xi32, #tpu.memory_space<vmem>> -> memref<1x256xi32, #tpu.memory_space<vmem>>
      %dma_start3A_21 = tpu.memref_squeeze %dma_start3A_20 : memref<1x256xi32, #tpu.memory_space<vmem>> -> memref<256xi32, #tpu.memory_space<vmem>>
      %dma_start3A_22 = tpu.memref_slice %arg3[%add3A_13] : memref<131072xi32, #tpu.memory_space<hbm>> -> memref<256xi32, #tpu.memory_space<hbm>>
      tpu.enqueue_dma source(%dma_start3A_22 : memref<256xi32, #tpu.memory_space<hbm>>) target(%dma_start3A_21 : memref<256xi32, #tpu.memory_space<vmem>>) target_semaphore(%arg14 : memref<!tpu.dma_semaphore, #tpu.memory_space<semaphore_mem>>)
      %add3A_23 = arith.constant 4096 : i32
      %add3A_24 = arith.addi %add3A_23, %mul3A_2 : i32
      %dma_start3A_25 = arith.constant 1 : i32
      %dma_start3A_26 = arith.constant 0 : i32
      %dma_start3A_27 = tpu.memref_slice %arg5[%dma_start3A_25, %dma_start3A_26] : memref<32x256xi32, #tpu.memory_space<vmem>> -> memref<1x256xi32, #tpu.memory_space<vmem>>
      %dma_start3A_28 = tpu.memref_squeeze %dma_start3A_27 : memref<1x256xi32, #tpu.memory_space<vmem>> -> memref<256xi32, #tpu.memory_space<vmem>>
      %dma_start3A_29 = tpu.memref_slice %arg2[%add3A_24] : memref<131072xi32, #tpu.memory_space<hbm>> -> memref<256xi32, #tpu.memory_space<hbm>>
      %dma_start3A_30 = arith.constant 0 : i32
      %dma_start3A_31 = tpu.memref_slice %arg5[%dma_start3A_25, %dma_start3A_30] : memref<32x256xi32, #tpu.memory_space<vmem>> -> memref<1x256xi32, #tpu.memory_space<vmem>>
      %dma_start3A_32 = tpu.memref_squeeze %dma_start3A_31 : memref<1x256xi32, #tpu.memory_space<vmem>> -> memref<256xi32, #tpu.memory_space<vmem>>
      %dma_start3A_33 = tpu.memref_slice %arg2[%add3A_24] : memref<131072xi32, #tpu.memory_space<hbm>> -> memref<256xi32, #tpu.memory_space<hbm>>
      tpu.enqueue_dma source(%dma_start3A_33 : memref<256xi32, #tpu.memory_space<hbm>>) target(%dma_start3A_32 : memref<256xi32, #tpu.memory_space<vmem>>) target_semaphore(%arg14 : memref<!tpu.dma_semaphore, #tpu.memory_space<semaphore_mem>>)
      %add3A_34 = arith.constant 4096 : i32
      %add3A_35 = arith.addi %add3A_34, %mul3A_2 : i32
      %dma_start3A_36 = arith.constant 1 : i32
      %dma_start3A_37 = arith.constant 0 : i32
      %dma_start3A_38 = tpu.memref_slice %arg6[%dma_start3A_36, %dma_start3A_37] : memref<32x256xi32, #tpu.memory_space<vmem>> -> memref<1x256xi32, #tpu.memory_space<vmem>>
      %dma_start3A_39 = tpu.memref_squeeze %dma_start3A_38 : memref<1x256xi32, #tpu.memory_space<vmem>> -> memref<256xi32, #tpu.memory_space<vmem>>
      %dma_start3A_40 = tpu.memref_slice %arg3[%add3A_35] : memref<131072xi32, #tpu.memory_space<hbm>> -> memref<256xi32, #tpu.memory_space<hbm>>
      %dma_start3A_41 = arith.constant 0 : i32
      %dma_start3A_42 = tpu.memref_slice %arg6[%dma_start3A_36, %dma_start3A_41] : memref<32x256xi32, #tpu.memory_space<vmem>> -> memref<1x256xi32, #tpu.memory_space<vmem>>
      %dma_start3A_43 = tpu.memref_squeeze %dma_start3A_42 : memref<1x256xi32, #tpu.memory_space<vmem>> -> memref<256xi32, #tpu.memory_space<vmem>>
      %dma_start3A_44 = tpu.memref_slice %arg3[%add3A_35] : memref<131072xi32, #tpu.memory_space<hbm>> -> memref<256xi32, #tpu.memory_space<hbm>>
      tpu.enqueue_dma source(%dma_start3A_44 : memref<256xi32, #tpu.memory_space<hbm>>) target(%dma_start3A_43 : memref<256xi32, #tpu.memory_space<vmem>>) target_semaphore(%arg14 : memref<!tpu.dma_semaphore, #tpu.memory_space<semaphore_mem>>)
      %add3A_45 = arith.constant 8192 : i32
      %add3A_46 = arith.addi %add3A_45, %mul3A_2 : i32
      %dma_start3A_47 = arith.constant 2 : i32
      %dma_start3A_48 = arith.constant 0 : i32
      %dma_start3A_49 = tpu.memref_slice %arg5[%dma_start3A_47, %dma_start3A_48] : memref<32x256xi32, #tpu.memory_space<vmem>> -> memref<1x256xi32, #tpu.memory_space<vmem>>
      %dma_start3A_50 = tpu.memref_squeeze %dma_start3A_49 : memref<1x256xi32, #tpu.memory_space<vmem>> -> memref<256xi32, #tpu.memory_space<vmem>>
      %dma_start3A_51 = tpu.memref_slice %arg2[%add3A_46] : memref<131072xi32, #tpu.memory_space<hbm>> -> memref<256xi32, #tpu.memory_space<hbm>>
      %dma_start3A_52 = arith.constant 0 : i32
      %dma_start3A_53 = tpu.memref_slice %arg5[%dma_start3A_47, %dma_start3A_52] : memref<32x256xi32, #tpu.memory_space<vmem>> -> memref<1x256xi32, #tpu.memory_space<vmem>>
      %dma_start3A_54 = tpu.memref_squeeze %dma_start3A_53 : memref<1x256xi32, #tpu.memory_space<vmem>> -> memref<256xi32, #tpu.memory_space<vmem>>
      %dma_start3A_55 = tpu.memref_slice %arg2[%add3A_46] : memref<131072xi32, #tpu.memory_space<hbm>> -> memref<256xi32, #tpu.memory_space<hbm>>
      tpu.enqueue_dma source(%dma_start3A_55 : memref<256xi32, #tpu.memory_space<hbm>>) target(%dma_start3A_54 : memref<256xi32, #tpu.memory_space<vmem>>) target_semaphore(%arg14 : memref<!tpu.dma_semaphore, #tpu.memory_space<semaphore_mem>>)
      %add3A_56 = arith.constant 8192 : i32
      %add3A_57 = arith.addi %add3A_56, %mul3A_2 : i32
      %dma_start3A_58 = arith.constant 2 : i32
      %dma_start3A_59 = arith.constant 0 : i32
      %dma_start3A_60 = tpu.memref_slice %arg6[%dma_start3A_58, %dma_start3A_59] : memref<32x256xi32, #tpu.memory_space<vmem>> -> memref<1x256xi32, #tpu.memory_space<vmem>>
      %dma_start3A_61 = tpu.memref_squeeze %dma_start3A_60 : memref<1x256xi32, #tpu.memory_space<vmem>> -> memref<256xi32, #tpu.memory_space<vmem>>
      %dma_start3A_62 = tpu.memref_slice %arg3[%add3A_57] : memref<131072xi32, #tpu.memory_space<hbm>> -> memref<256xi32, #tpu.memory_space<hbm>>
      %dma_start3A_63 = arith.constant 0 : i32
      %dma_start3A_64 = tpu.memref_slice %arg6[%dma_start3A_58, %dma_start3A_63] : memref<32x256xi32, #tpu.memory_space<vmem>> -> memref<1x256xi32, #tpu.memory_space<vmem>>
      %dma_start3A_65 = tpu.memref_squeeze %dma_start3A_64 : memref<1x256xi32, #tpu.memory_space<vmem>> -> memref<256xi32, #tpu.memory_space<vmem>>
      %dma_start3A_66 = tpu.memref_slice %arg3[%add3A_57] : memref<131072xi32, #tpu.memory_space<hbm>> -> memref<256xi32, #tpu.memory_space<hbm>>
      tpu.enqueue_dma source(%dma_start3A_66 : memref<256xi32, #tpu.memory_space<hbm>>) target(%dma_start3A_65 : memref<256xi32, #tpu.memory_space<vmem>>) target_semaphore(%arg14 : memref<!tpu.dma_semaphore, #tpu.memory_space<semaphore_mem>>)
      %add3A_67 = arith.constant 12288 : i32
      %add3A_68 = arith.addi %add3A_67, %mul3A_2 : i32
      %dma_start3A_69 = arith.constant 3 : i32
      %dma_start3A_70 = arith.constant 0 : i32
      %dma_start3A_71 = tpu.memref_slice %arg5[%dma_start3A_69, %dma_start3A_70] : memref<32x256xi32, #tpu.memory_space<vmem>> -> memref<1x256xi32, #tpu.memory_space<vmem>>
      %dma_start3A_72 = tpu.memref_squeeze %dma_start3A_71 : memref<1x256xi32, #tpu.memory_space<vmem>> -> memref<256xi32, #tpu.memory_space<vmem>>
      %dma_start3A_73 = tpu.memref_slice %arg2[%add3A_68] : memref<131072xi32, #tpu.memory_space<hbm>> -> memref<256xi32, #tpu.memory_space<hbm>>
      %dma_start3A_74 = arith.constant 0 : i32
      %dma_start3A_75 = tpu.memref_slice %arg5[%dma_start3A_69, %dma_start3A_74] : memref<32x256xi32, #tpu.memory_space<vmem>> -> memref<1x256xi32, #tpu.memory_space<vmem>>
      %dma_start3A_76 = tpu.memref_squeeze %dma_start3A_75 : memref<1x256xi32, #tpu.memory_space<vmem>> -> memref<256xi32, #tpu.memory_space<vmem>>
      %dma_start3A_77 = tpu.memref_slice %arg2[%add3A_68] : memref<131072xi32, #tpu.memory_space<hbm>> -> memref<256xi32, #tpu.memory_space<hbm>>
      tpu.enqueue_dma source(%dma_start3A_77 : memref<256xi32, #tpu.memory_space<hbm>>) target(%dma_start3A_76 : memref<256xi32, #tpu.memory_space<vmem>>) target_semaphore(%arg14 : memref<!tpu.dma_semaphore, #tpu.memory_space<semaphore_mem>>)
      %add3A_78 = arith.constant 12288 : i32
      %add3A_79 = arith.addi %add3A_78, %mul3A_2 : i32
      %dma_start3A_80 = arith.constant 3 : i32
      %dma_start3A_81 = arith.constant 0 : i32
      %dma_start3A_82 = tpu.memref_slice %arg6[%dma_start3A_80, %dma_start3A_81] : memref<32x256xi32, #tpu.memory_space<vmem>> -> memref<1x256xi32, #tpu.memory_space<vmem>>
      %dma_start3A_83 = tpu.memref_squeeze %dma_start3A_82 : memref<1x256xi32, #tpu.memory_space<vmem>> -> memref<256xi32, #tpu.memory_space<vmem>>
      %dma_start3A_84 = tpu.memref_slice %arg3[%add3A_79] : memref<131072xi32, #tpu.memory_space<hbm>> -> memref<256xi32, #tpu.memory_space<hbm>>
      %dma_start3A_85 = arith.constant 0 : i32
      %dma_start3A_86 = tpu.memref_slice %arg6[%dma_start3A_80, %dma_start3A_85] : memref<32x256xi32, #tpu.memory_space<vmem>> -> memref<1x256xi32, #tpu.memory_space<vmem>>
      %dma_start3A_87 = tpu.memref_squeeze %dma_start3A_86 : memref<1x256xi32, #tpu.memory_space<vmem>> -> memref<256xi32, #tpu.memory_space<vmem>>
      %dma_start3A_88 = tpu.memref_slice %arg3[%add3A_79] : memref<131072xi32, #tpu.memory_space<hbm>> -> memref<256xi32, #tpu.memory_space<hbm>>
      tpu.enqueue_dma source(%dma_start3A_88 : memref<256xi32, #tpu.memory_space<hbm>>) target(%dma_start3A_87 : memref<256xi32, #tpu.memory_space<vmem>>) target_semaphore(%arg14 : memref<!tpu.dma_semaphore, #tpu.memory_space<semaphore_mem>>)
      %add3A_89 = arith.constant 16384 : i32
      %add3A_90 = arith.addi %add3A_89, %mul3A_2 : i32
      %dma_start3A_91 = arith.constant 4 : i32
      %dma_start3A_92 = arith.constant 0 : i32
      %dma_start3A_93 = tpu.memref_slice %arg5[%dma_start3A_91, %dma_start3A_92] : memref<32x256xi32, #tpu.memory_space<vmem>> -> memref<1x256xi32, #tpu.memory_space<vmem>>
      %dma_start3A_94 = tpu.memref_squeeze %dma_start3A_93 : memref<1x256xi32, #tpu.memory_space<vmem>> -> memref<256xi32, #tpu.memory_space<vmem>>
      %dma_start3A_95 = tpu.memref_slice %arg2[%add3A_90] : memref<131072xi32, #tpu.memory_space<hbm>> -> memref<256xi32, #tpu.memory_space<hbm>>
      %dma_start3A_96 = arith.constant 0 : i32
      %dma_start3A_97 = tpu.memref_slice %arg5[%dma_start3A_91, %dma_start3A_96] : memref<32x256xi32, #tpu.memory_space<vmem>> -> memref<1x256xi32, #tpu.memory_space<vmem>>
      %dma_start3A_98 = tpu.memref_squeeze %dma_start3A_97 : memref<1x256xi32, #tpu.memory_space<vmem>> -> memref<256xi32, #tpu.memory_space<vmem>>
      %dma_start3A_99 = tpu.memref_slice %arg2[%add3A_90] : memref<131072xi32, #tpu.memory_space<hbm>> -> memref<256xi32, #tpu.memory_space<hbm>>
      tpu.enqueue_dma source(%dma_start3A_99 : memref<256xi32, #tpu.memory_space<hbm>>) target(%dma_start3A_98 : memref<256xi32, #tpu.memory_space<vmem>>) target_semaphore(%arg14 : memref<!tpu.dma_semaphore, #tpu.memory_space<semaphore_mem>>)
      %add3A_100 = arith.constant 16384 : i32
      %add3A_101 = arith.addi %add3A_100, %mul3A_2 : i32
      %dma_start3A_102 = arith.constant 4 : i32
      %dma_start3A_103 = arith.constant 0 : i32
      %dma_start3A_104 = tpu.memref_slice %arg6[%dma_start3A_102, %dma_start3A_103] : memref<32x256xi32, #tpu.memory_space<vmem>> -> memref<1x256xi32, #tpu.memory_space<vmem>>
      %dma_start3A_105 = tpu.memref_squeeze %dma_start3A_104 : memref<1x256xi32, #tpu.memory_space<vmem>> -> memref<256xi32, #tpu.memory_space<vmem>>
      %dma_start3A_106 = tpu.memref_slice %arg3[%add3A_101] : memref<131072xi32, #tpu.memory_space<hbm>> -> memref<256xi32, #tpu.memory_space<hbm>>
      %dma_start3A_107 = arith.constant 0 : i32
      %dma_start3A_108 = tpu.memref_slice %arg6[%dma_start3A_102, %dma_start3A_107] : memref<32x256xi32, #tpu.memory_space<vmem>> -> memref<1x256xi32, #tpu.memory_space<vmem>>
      %dma_start3A_109 = tpu.memref_squeeze %dma_start3A_108 : memref<1x256xi32, #tpu.memory_space<vmem>> -> memref<256xi32, #tpu.memory_space<vmem>>
      %dma_start3A_110 = tpu.memref_slice %arg3[%add3A_101] : memref<131072xi32, #tpu.memory_space<hbm>> -> memref<256xi32, #tpu.memory_space<hbm>>
      tpu.enqueue_dma source(%dma_start3A_110 : memref<256xi32, #tpu.memory_space<hbm>>) target(%dma_start3A_109 : memref<256xi32, #tpu.memory_space<vmem>>) target_semaphore(%arg14 : memref<!tpu.dma_semaphore, #tpu.memory_space<semaphore_mem>>)
      %add3A_111 = arith.constant 20480 : i32
      %add3A_112 = arith.addi %add3A_111, %mul3A_2 : i32
      %dma_start3A_113 = arith.constant 5 : i32
      %dma_start3A_114 = arith.constant 0 : i32
      %dma_start3A_115 = tpu.memref_slice %arg5[%dma_start3A_113, %dma_start3A_114] : memref<32x256xi32, #tpu.memory_space<vmem>> -> memref<1x256xi32, #tpu.memory_space<vmem>>
      %dma_start3A_116 = tpu.memref_squeeze %dma_start3A_115 : memref<1x256xi32, #tpu.memory_space<vmem>> -> memref<256xi32, #tpu.memory_space<vmem>>
      %dma_start3A_117 = tpu.memref_slice %arg2[%add3A_112] : memref<131072xi32, #tpu.memory_space<hbm>> -> memref<256xi32, #tpu.memory_space<hbm>>
      %dma_start3A_118 = arith.constant 0 : i32
      %dma_start3A_119 = tpu.memref_slice %arg5[%dma_start3A_113, %dma_start3A_118] : memref<32x256xi32, #tpu.memory_space<vmem>> -> memref<1x256xi32, #tpu.memory_space<vmem>>
      %dma_start3A_120 = tpu.memref_squeeze %dma_start3A_119 : memref<1x256xi32, #tpu.memory_space<vmem>> -> memref<256xi32, #tpu.memory_space<vmem>>
      %dma_start3A_121 = tpu.memref_slice %arg2[%add3A_112] : memref<131072xi32, #tpu.memory_space<hbm>> -> memref<256xi32, #tpu.memory_space<hbm>>
      tpu.enqueue_dma source(%dma_start3A_121 : memref<256xi32, #tpu.memory_space<hbm>>) target(%dma_start3A_120 : memref<256xi32, #tpu.memory_space<vmem>>) target_semaphore(%arg14 : memref<!tpu.dma_semaphore, #tpu.memory_space<semaphore_mem>>)
      %add3A_122 = arith.constant 20480 : i32
      %add3A_123 = arith.addi %add3A_122, %mul3A_2 : i32
      %dma_start3A_124 = arith.constant 5 : i32
      %dma_start3A_125 = arith.constant 0 : i32
      %dma_start3A_126 = tpu.memref_slice %arg6[%dma_start3A_124, %dma_start3A_125] : memref<32x256xi32, #tpu.memory_space<vmem>> -> memref<1x256xi32, #tpu.memory_space<vmem>>
      %dma_start3A_127 = tpu.memref_squeeze %dma_start3A_126 : memref<1x256xi32, #tpu.memory_space<vmem>> -> memref<256xi32, #tpu.memory_space<vmem>>
      %dma_start3A_128 = tpu.memref_slice %arg3[%add3A_123] : memref<131072xi32, #tpu.memory_space<hbm>> -> memref<256xi32, #tpu.memory_space<hbm>>
      %dma_start3A_129 = arith.constant 0 : i32
      %dma_start3A_130 = tpu.memref_slice %arg6[%dma_start3A_124, %dma_start3A_129] : memref<32x256xi32, #tpu.memory_space<vmem>> -> memref<1x256xi32, #tpu.memory_space<vmem>>
      %dma_start3A_131 = tpu.memref_squeeze %dma_start3A_130 : memref<1x256xi32, #tpu.memory_space<vmem>> -> memref<256xi32, #tpu.memory_space<vmem>>
      %dma_start3A_132 = tpu.memref_slice %arg3[%add3A_123] : memref<131072xi32, #tpu.memory_space<hbm>> -> memref<256xi32, #tpu.memory_space<hbm>>
      tpu.enqueue_dma source(%dma_start3A_132 : memref<256xi32, #tpu.memory_space<hbm>>) target(%dma_start3A_131 : memref<256xi32, #tpu.memory_space<vmem>>) target_semaphore(%arg14 : memref<!tpu.dma_semaphore, #tpu.memory_space<semaphore_mem>>)
      %add3A_133 = arith.constant 24576 : i32
      %add3A_134 = arith.addi %add3A_133, %mul3A_2 : i32
      %dma_start3A_135 = arith.constant 6 : i32
      %dma_start3A_136 = arith.constant 0 : i32
      %dma_start3A_137 = tpu.memref_slice %arg5[%dma_start3A_135, %dma_start3A_136] : memref<32x256xi32, #tpu.memory_space<vmem>> -> memref<1x256xi32, #tpu.memory_space<vmem>>
      %dma_start3A_138 = tpu.memref_squeeze %dma_start3A_137 : memref<1x256xi32, #tpu.memory_space<vmem>> -> memref<256xi32, #tpu.memory_space<vmem>>
      %dma_start3A_139 = tpu.memref_slice %arg2[%add3A_134] : memref<131072xi32, #tpu.memory_space<hbm>> -> memref<256xi32, #tpu.memory_space<hbm>>
      %dma_start3A_140 = arith.constant 0 : i32
      %dma_start3A_141 = tpu.memref_slice %arg5[%dma_start3A_135, %dma_start3A_140] : memref<32x256xi32, #tpu.memory_space<vmem>> -> memref<1x256xi32, #tpu.memory_space<vmem>>
      %dma_start3A_142 = tpu.memref_squeeze %dma_start3A_141 : memref<1x256xi32, #tpu.memory_space<vmem>> -> memref<256xi32, #tpu.memory_space<vmem>>
      %dma_start3A_143 = tpu.memref_slice %arg2[%add3A_134] : memref<131072xi32, #tpu.memory_space<hbm>> -> memref<256xi32, #tpu.memory_space<hbm>>
      tpu.enqueue_dma source(%dma_start3A_143 : memref<256xi32, #tpu.memory_space<hbm>>) target(%dma_start3A_142 : memref<256xi32, #tpu.memory_space<vmem>>) target_semaphore(%arg14 : memref<!tpu.dma_semaphore, #tpu.memory_space<semaphore_mem>>)
      %add3A_144 = arith.constant 24576 : i32
      %add3A_145 = arith.addi %add3A_144, %mul3A_2 : i32
      %dma_start3A_146 = arith.constant 6 : i32
      %dma_start3A_147 = arith.constant 0 : i32
      %dma_start3A_148 = tpu.memref_slice %arg6[%dma_start3A_146, %dma_start3A_147] : memref<32x256xi32, #tpu.memory_space<vmem>> -> memref<1x256xi32, #tpu.memory_space<vmem>>
      %dma_start3A_149 = tpu.memref_squeeze %dma_start3A_148 : memref<1x256xi32, #tpu.memory_space<vmem>> -> memref<256xi32, #tpu.memory_space<vmem>>
      %dma_start3A_150 = tpu.memref_slice %arg3[%add3A_145] : memref<131072xi32, #tpu.memory_space<hbm>> -> memref<256xi32, #tpu.memory_space<hbm>>
      %dma_start3A_151 = arith.constant 0 : i32
      %dma_start3A_152 = tpu.memref_slice %arg6[%dma_start3A_146, %dma_start3A_151] : memref<32x256xi32, #tpu.memory_space<vmem>> -> memref<1x256xi32, #tpu.memory_space<vmem>>
      %dma_start3A_153 = tpu.memref_squeeze %dma_start3A_152 : memref<1x256xi32, #tpu.memory_space<vmem>> -> memref<256xi32, #tpu.memory_space<vmem>>
      %dma_start3A_154 = tpu.memref_slice %arg3[%add3A_145] : memref<131072xi32, #tpu.memory_space<hbm>> -> memref<256xi32, #tpu.memory_space<hbm>>
      tpu.enqueue_dma source(%dma_start3A_154 : memref<256xi32, #tpu.memory_space<hbm>>) target(%dma_start3A_153 : memref<256xi32, #tpu.memory_space<vmem>>) target_semaphore(%arg14 : memref<!tpu.dma_semaphore, #tpu.memory_space<semaphore_mem>>)
      %add3A_155 = arith.constant 28672 : i32
      %add3A_156 = arith.addi %add3A_155, %mul3A_2 : i32
      %dma_start3A_157 = arith.constant 7 : i32
      %dma_start3A_158 = arith.constant 0 : i32
      %dma_start3A_159 = tpu.memref_slice %arg5[%dma_start3A_157, %dma_start3A_158] : memref<32x256xi32, #tpu.memory_space<vmem>> -> memref<1x256xi32, #tpu.memory_space<vmem>>
      %dma_start3A_160 = tpu.memref_squeeze %dma_start3A_159 : memref<1x256xi32, #tpu.memory_space<vmem>> -> memref<256xi32, #tpu.memory_space<vmem>>
      %dma_start3A_161 = tpu.memref_slice %arg2[%add3A_156] : memref<131072xi32, #tpu.memory_space<hbm>> -> memref<256xi32, #tpu.memory_space<hbm>>
      %dma_start3A_162 = arith.constant 0 : i32
      %dma_start3A_163 = tpu.memref_slice %arg5[%dma_start3A_157, %dma_start3A_162] : memref<32x256xi32, #tpu.memory_space<vmem>> -> memref<1x256xi32, #tpu.memory_space<vmem>>
      %dma_start3A_164 = tpu.memref_squeeze %dma_start3A_163 : memref<1x256xi32, #tpu.memory_space<vmem>> -> memref<256xi32, #tpu.memory_space<vmem>>
      %dma_start3A_165 = tpu.memref_slice %arg2[%add3A_156] : memref<131072xi32, #tpu.memory_space<hbm>> -> memref<256xi32, #tpu.memory_space<hbm>>
      tpu.enqueue_dma source(%dma_start3A_165 : memref<256xi32, #tpu.memory_space<hbm>>) target(%dma_start3A_164 : memref<256xi32, #tpu.memory_space<vmem>>) target_semaphore(%arg14 : memref<!tpu.dma_semaphore, #tpu.memory_space<semaphore_mem>>)
      %add3A_166 = arith.constant 28672 : i32
      %add3A_167 = arith.addi %add3A_166, %mul3A_2 : i32
      %dma_start3A_168 = arith.constant 7 : i32
      %dma_start3A_169 = arith.constant 0 : i32
      %dma_start3A_170 = tpu.memref_slice %arg6[%dma_start3A_168, %dma_start3A_169] : memref<32x256xi32, #tpu.memory_space<vmem>> -> memref<1x256xi32, #tpu.memory_space<vmem>>
      %dma_start3A_171 = tpu.memref_squeeze %dma_start3A_170 : memref<1x256xi32, #tpu.memory_space<vmem>> -> memref<256xi32, #tpu.memory_space<vmem>>
      %dma_start3A_172 = tpu.memref_slice %arg3[%add3A_167] : memref<131072xi32, #tpu.memory_space<hbm>> -> memref<256xi32, #tpu.memory_space<hbm>>
      %dma_start3A_173 = arith.constant 0 : i32
      %dma_start3A_174 = tpu.memref_slice %arg6[%dma_start3A_168, %dma_start3A_173] : memref<32x256xi32, #tpu.memory_space<vmem>> -> memref<1x256xi32, #tpu.memory_space<vmem>>
      %dma_start3A_175 = tpu.memref_squeeze %dma_start3A_174 : memref<1x256xi32, #tpu.memory_space<vmem>> -> memref<256xi32, #tpu.memory_space<vmem>>
      %dma_start3A_176 = tpu.memref_slice %arg3[%add3A_167] : memref<131072xi32, #tpu.memory_space<hbm>> -> memref<256xi32, #tpu.memory_space<hbm>>
      tpu.enqueue_dma source(%dma_start3A_176 : memref<256xi32, #tpu.memory_space<hbm>>) target(%dma_start3A_175 : memref<256xi32, #tpu.memory_space<vmem>>) target_semaphore(%arg14 : memref<!tpu.dma_semaphore, #tpu.memory_space<semaphore_mem>>)
      %add3A_177 = arith.constant 32768 : i32
      %add3A_178 = arith.addi %add3A_177, %mul3A_2 : i32
      %dma_start3A_179 = arith.constant 8 : i32
      %dma_start3A_180 = arith.constant 0 : i32
      %dma_start3A_181 = tpu.memref_slice %arg5[%dma_start3A_179, %dma_start3A_180] : memref<32x256xi32, #tpu.memory_space<vmem>> -> memref<1x256xi32, #tpu.memory_space<vmem>>
      %dma_start3A_182 = tpu.memref_squeeze %dma_start3A_181 : memref<1x256xi32, #tpu.memory_space<vmem>> -> memref<256xi32, #tpu.memory_space<vmem>>
      %dma_start3A_183 = tpu.memref_slice %arg2[%add3A_178] : memref<131072xi32, #tpu.memory_space<hbm>> -> memref<256xi32, #tpu.memory_space<hbm>>
      %dma_start3A_184 = arith.constant 0 : i32
      %dma_start3A_185 = tpu.memref_slice %arg5[%dma_start3A_179, %dma_start3A_184] : memref<32x256xi32, #tpu.memory_space<vmem>> -> memref<1x256xi32, #tpu.memory_space<vmem>>
      %dma_start3A_186 = tpu.memref_squeeze %dma_start3A_185 : memref<1x256xi32, #tpu.memory_space<vmem>> -> memref<256xi32, #tpu.memory_space<vmem>>
      %dma_start3A_187 = tpu.memref_slice %arg2[%add3A_178] : memref<131072xi32, #tpu.memory_space<hbm>> -> memref<256xi32, #tpu.memory_space<hbm>>
      tpu.enqueue_dma source(%dma_start3A_187 : memref<256xi32, #tpu.memory_space<hbm>>) target(%dma_start3A_186 : memref<256xi32, #tpu.memory_space<vmem>>) target_semaphore(%arg14 : memref<!tpu.dma_semaphore, #tpu.memory_space<semaphore_mem>>)
      %add3A_188 = arith.constant 32768 : i32
      %add3A_189 = arith.addi %add3A_188, %mul3A_2 : i32
      %dma_start3A_190 = arith.constant 8 : i32
      %dma_start3A_191 = arith.constant 0 : i32
      %dma_start3A_192 = tpu.memref_slice %arg6[%dma_start3A_190, %dma_start3A_191] : memref<32x256xi32, #tpu.memory_space<vmem>> -> memref<1x256xi32, #tpu.memory_space<vmem>>
      %dma_start3A_193 = tpu.memref_squeeze %dma_start3A_192 : memref<1x256xi32, #tpu.memory_space<vmem>> -> memref<256xi32, #tpu.memory_space<vmem>>
      %dma_start3A_194 = tpu.memref_slice %arg3[%add3A_189] : memref<131072xi32, #tpu.memory_space<hbm>> -> memref<256xi32, #tpu.memory_space<hbm>>
      %dma_start3A_195 = arith.constant 0 : i32
      %dma_start3A_196 = tpu.memref_slice %arg6[%dma_start3A_190, %dma_start3A_195] : memref<32x256xi32, #tpu.memory_space<vmem>> -> memref<1x256xi32, #tpu.memory_space<vmem>>
      %dma_start3A_197 = tpu.memref_squeeze %dma_start3A_196 : memref<1x256xi32, #tpu.memory_space<vmem>> -> memref<256xi32, #tpu.memory_space<vmem>>
      %dma_start3A_198 = tpu.memref_slice %arg3[%add3A_189] : memref<131072xi32, #tpu.memory_space<hbm>> -> memref<256xi32, #tpu.memory_space<hbm>>
      tpu.enqueue_dma source(%dma_start3A_198 : memref<256xi32, #tpu.memory_space<hbm>>) target(%dma_start3A_197 : memref<256xi32, #tpu.memory_space<vmem>>) target_semaphore(%arg14 : memref<!tpu.dma_semaphore, #tpu.memory_space<semaphore_mem>>)
      %add3A_199 = arith.constant 36864 : i32
      %add3A_200 = arith.addi %add3A_199, %mul3A_2 : i32
      %dma_start3A_201 = arith.constant 9 : i32
      %dma_start3A_202 = arith.constant 0 : i32
      %dma_start3A_203 = tpu.memref_slice %arg5[%dma_start3A_201, %dma_start3A_202] : memref<32x256xi32, #tpu.memory_space<vmem>> -> memref<1x256xi32, #tpu.memory_space<vmem>>
      %dma_start3A_204 = tpu.memref_squeeze %dma_start3A_203 : memref<1x256xi32, #tpu.memory_space<vmem>> -> memref<256xi32, #tpu.memory_space<vmem>>
      %dma_start3A_205 = tpu.memref_slice %arg2[%add3A_200] : memref<131072xi32, #tpu.memory_space<hbm>> -> memref<256xi32, #tpu.memory_space<hbm>>
      %dma_start3A_206 = arith.constant 0 : i32
      %dma_start3A_207 = tpu.memref_slice %arg5[%dma_start3A_201, %dma_start3A_206] : memref<32x256xi32, #tpu.memory_space<vmem>> -> memref<1x256xi32, #tpu.memory_space<vmem>>
      %dma_start3A_208 = tpu.memref_squeeze %dma_start3A_207 : memref<1x256xi32, #tpu.memory_space<vmem>> -> memref<256xi32, #tpu.memory_space<vmem>>
      %dma_start3A_209 = tpu.memref_slice %arg2[%add3A_200] : memref<131072xi32, #tpu.memory_space<hbm>> -> memref<256xi32, #tpu.memory_space<hbm>>
      tpu.enqueue_dma source(%dma_start3A_209 : memref<256xi32, #tpu.memory_space<hbm>>) target(%dma_start3A_208 : memref<256xi32, #tpu.memory_space<vmem>>) target_semaphore(%arg14 : memref<!tpu.dma_semaphore, #tpu.memory_space<semaphore_mem>>)
      %add3A_210 = arith.constant 36864 : i32
      %add3A_211 = arith.addi %add3A_210, %mul3A_2 : i32
      %dma_start3A_212 = arith.constant 9 : i32
      %dma_start3A_213 = arith.constant 0 : i32
      %dma_start3A_214 = tpu.memref_slice %arg6[%dma_start3A_212, %dma_start3A_213] : memref<32x256xi32, #tpu.memory_space<vmem>> -> memref<1x256xi32, #tpu.memory_space<vmem>>
      %dma_start3A_215 = tpu.memref_squeeze %dma_start3A_214 : memref<1x256xi32, #tpu.memory_space<vmem>> -> memref<256xi32, #tpu.memory_space<vmem>>
      %dma_start3A_216 = tpu.memref_slice %arg3[%add3A_211] : memref<131072xi32, #tpu.memory_space<hbm>> -> memref<256xi32, #tpu.memory_space<hbm>>
      %dma_start3A_217 = arith.constant 0 : i32
      %dma_start3A_218 = tpu.memref_slice %arg6[%dma_start3A_212, %dma_start3A_217] : memref<32x256xi32, #tpu.memory_space<vmem>> -> memref<1x256xi32, #tpu.memory_space<vmem>>
      %dma_start3A_219 = tpu.memref_squeeze %dma_start3A_218 : memref<1x256xi32, #tpu.memory_space<vmem>> -> memref<256xi32, #tpu.memory_space<vmem>>
      %dma_start3A_220 = tpu.memref_slice %arg3[%add3A_211] : memref<131072xi32, #tpu.memory_space<hbm>> -> memref<256xi32, #tpu.memory_space<hbm>>
      tpu.enqueue_dma source(%dma_start3A_220 : memref<256xi32, #tpu.memory_space<hbm>>) target(%dma_start3A_219 : memref<256xi32, #tpu.memory_space<vmem>>) target_semaphore(%arg14 : memref<!tpu.dma_semaphore, #tpu.memory_space<semaphore_mem>>)
      %add3A_221 = arith.constant 40960 : i32
      %add3A_222 = arith.addi %add3A_221, %mul3A_2 : i32
      %dma_start3A_223 = arith.constant 10 : i32
      %dma_start3A_224 = arith.constant 0 : i32
      %dma_start3A_225 = tpu.memref_slice %arg5[%dma_start3A_223, %dma_start3A_224] : memref<32x256xi32, #tpu.memory_space<vmem>> -> memref<1x256xi32, #tpu.memory_space<vmem>>
      %dma_start3A_226 = tpu.memref_squeeze %dma_start3A_225 : memref<1x256xi32, #tpu.memory_space<vmem>> -> memref<256xi32, #tpu.memory_space<vmem>>
      %dma_start3A_227 = tpu.memref_slice %arg2[%add3A_222] : memref<131072xi32, #tpu.memory_space<hbm>> -> memref<256xi32, #tpu.memory_space<hbm>>
      %dma_start3A_228 = arith.constant 0 : i32
      %dma_start3A_229 = tpu.memref_slice %arg5[%dma_start3A_223, %dma_start3A_228] : memref<32x256xi32, #tpu.memory_space<vmem>> -> memref<1x256xi32, #tpu.memory_space<vmem>>
      %dma_start3A_230 = tpu.memref_squeeze %dma_start3A_229 : memref<1x256xi32, #tpu.memory_space<vmem>> -> memref<256xi32, #tpu.memory_space<vmem>>
      %dma_start3A_231 = tpu.memref_slice %arg2[%add3A_222] : memref<131072xi32, #tpu.memory_space<hbm>> -> memref<256xi32, #tpu.memory_space<hbm>>
      tpu.enqueue_dma source(%dma_start3A_231 : memref<256xi32, #tpu.memory_space<hbm>>) target(%dma_start3A_230 : memref<256xi32, #tpu.memory_space<vmem>>) target_semaphore(%arg14 : memref<!tpu.dma_semaphore, #tpu.memory_space<semaphore_mem>>)
      %add3A_232 = arith.constant 40960 : i32
      %add3A_233 = arith.addi %add3A_232, %mul3A_2 : i32
      %dma_start3A_234 = arith.constant 10 : i32
      %dma_start3A_235 = arith.constant 0 : i32
      %dma_start3A_236 = tpu.memref_slice %arg6[%dma_start3A_234, %dma_start3A_235] : memref<32x256xi32, #tpu.memory_space<vmem>> -> memref<1x256xi32, #tpu.memory_space<vmem>>
      %dma_start3A_237 = tpu.memref_squeeze %dma_start3A_236 : memref<1x256xi32, #tpu.memory_space<vmem>> -> memref<256xi32, #tpu.memory_space<vmem>>
      %dma_start3A_238 = tpu.memref_slice %arg3[%add3A_233] : memref<131072xi32, #tpu.memory_space<hbm>> -> memref<256xi32, #tpu.memory_space<hbm>>
      %dma_start3A_239 = arith.constant 0 : i32
      %dma_start3A_240 = tpu.memref_slice %arg6[%dma_start3A_234, %dma_start3A_239] : memref<32x256xi32, #tpu.memory_space<vmem>> -> memref<1x256xi32, #tpu.memory_space<vmem>>
      %dma_start3A_241 = tpu.memref_squeeze %dma_start3A_240 : memref<1x256xi32, #tpu.memory_space<vmem>> -> memref<256xi32, #tpu.memory_space<vmem>>
      %dma_start3A_242 = tpu.memref_slice %arg3[%add3A_233] : memref<131072xi32, #tpu.memory_space<hbm>> -> memref<256xi32, #tpu.memory_space<hbm>>
      tpu.enqueue_dma source(%dma_start3A_242 : memref<256xi32, #tpu.memory_space<hbm>>) target(%dma_start3A_241 : memref<256xi32, #tpu.memory_space<vmem>>) target_semaphore(%arg14 : memref<!tpu.dma_semaphore, #tpu.memory_space<semaphore_mem>>)
      %add3A_243 = arith.constant 45056 : i32
      %add3A_244 = arith.addi %add3A_243, %mul3A_2 : i32
      %dma_start3A_245 = arith.constant 11 : i32
      %dma_start3A_246 = arith.constant 0 : i32
      %dma_start3A_247 = tpu.memref_slice %arg5[%dma_start3A_245, %dma_start3A_246] : memref<32x256xi32, #tpu.memory_space<vmem>> -> memref<1x256xi32, #tpu.memory_space<vmem>>
      %dma_start3A_248 = tpu.memref_squeeze %dma_start3A_247 : memref<1x256xi32, #tpu.memory_space<vmem>> -> memref<256xi32, #tpu.memory_space<vmem>>
      %dma_start3A_249 = tpu.memref_slice %arg2[%add3A_244] : memref<131072xi32, #tpu.memory_space<hbm>> -> memref<256xi32, #tpu.memory_space<hbm>>
      %dma_start3A_250 = arith.constant 0 : i32
      %dma_start3A_251 = tpu.memref_slice %arg5[%dma_start3A_245, %dma_start3A_250] : memref<32x256xi32, #tpu.memory_space<vmem>> -> memref<1x256xi32, #tpu.memory_space<vmem>>
      %dma_start3A_252 = tpu.memref_squeeze %dma_start3A_251 : memref<1x256xi32, #tpu.memory_space<vmem>> -> memref<256xi32, #tpu.memory_space<vmem>>
      %dma_start3A_253 = tpu.memref_slice %arg2[%add3A_244] : memref<131072xi32, #tpu.memory_space<hbm>> -> memref<256xi32, #tpu.memory_space<hbm>>
      tpu.enqueue_dma source(%dma_start3A_253 : memref<256xi32, #tpu.memory_space<hbm>>) target(%dma_start3A_252 : memref<256xi32, #tpu.memory_space<vmem>>) target_semaphore(%arg14 : memref<!tpu.dma_semaphore, #tpu.memory_space<semaphore_mem>>)
      %add3A_254 = arith.constant 45056 : i32
      %add3A_255 = arith.addi %add3A_254, %mul3A_2 : i32
      %dma_start3A_256 = arith.constant 11 : i32
      %dma_start3A_257 = arith.constant 0 : i32
      %dma_start3A_258 = tpu.memref_slice %arg6[%dma_start3A_256, %dma_start3A_257] : memref<32x256xi32, #tpu.memory_space<vmem>> -> memref<1x256xi32, #tpu.memory_space<vmem>>
      %dma_start3A_259 = tpu.memref_squeeze %dma_start3A_258 : memref<1x256xi32, #tpu.memory_space<vmem>> -> memref<256xi32, #tpu.memory_space<vmem>>
      %dma_start3A_260 = tpu.memref_slice %arg3[%add3A_255] : memref<131072xi32, #tpu.memory_space<hbm>> -> memref<256xi32, #tpu.memory_space<hbm>>
      %dma_start3A_261 = arith.constant 0 : i32
      %dma_start3A_262 = tpu.memref_slice %arg6[%dma_start3A_256, %dma_start3A_261] : memref<32x256xi32, #tpu.memory_space<vmem>> -> memref<1x256xi32, #tpu.memory_space<vmem>>
      %dma_start3A_263 = tpu.memref_squeeze %dma_start3A_262 : memref<1x256xi32, #tpu.memory_space<vmem>> -> memref<256xi32, #tpu.memory_space<vmem>>
      %dma_start3A_264 = tpu.memref_slice %arg3[%add3A_255] : memref<131072xi32, #tpu.memory_space<hbm>> -> memref<256xi32, #tpu.memory_space<hbm>>
      tpu.enqueue_dma source(%dma_start3A_264 : memref<256xi32, #tpu.memory_space<hbm>>) target(%dma_start3A_263 : memref<256xi32, #tpu.memory_space<vmem>>) target_semaphore(%arg14 : memref<!tpu.dma_semaphore, #tpu.memory_space<semaphore_mem>>)
      %add3A_265 = arith.constant 49152 : i32
      %add3A_266 = arith.addi %add3A_265, %mul3A_2 : i32
      %dma_start3A_267 = arith.constant 12 : i32
      %dma_start3A_268 = arith.constant 0 : i32
      %dma_start3A_269 = tpu.memref_slice %arg5[%dma_start3A_267, %dma_start3A_268] : memref<32x256xi32, #tpu.memory_space<vmem>> -> memref<1x256xi32, #tpu.memory_space<vmem>>
      %dma_start3A_270 = tpu.memref_squeeze %dma_start3A_269 : memref<1x256xi32, #tpu.memory_space<vmem>> -> memref<256xi32, #tpu.memory_space<vmem>>
      %dma_start3A_271 = tpu.memref_slice %arg2[%add3A_266] : memref<131072xi32, #tpu.memory_space<hbm>> -> memref<256xi32, #tpu.memory_space<hbm>>
      %dma_start3A_272 = arith.constant 0 : i32
      %dma_start3A_273 = tpu.memref_slice %arg5[%dma_start3A_267, %dma_start3A_272] : memref<32x256xi32, #tpu.memory_space<vmem>> -> memref<1x256xi32, #tpu.memory_space<vmem>>
      %dma_start3A_274 = tpu.memref_squeeze %dma_start3A_273 : memref<1x256xi32, #tpu.memory_space<vmem>> -> memref<256xi32, #tpu.memory_space<vmem>>
      %dma_start3A_275 = tpu.memref_slice %arg2[%add3A_266] : memref<131072xi32, #tpu.memory_space<hbm>> -> memref<256xi32, #tpu.memory_space<hbm>>
      tpu.enqueue_dma source(%dma_start3A_275 : memref<256xi32, #tpu.memory_space<hbm>>) target(%dma_start3A_274 : memref<256xi32, #tpu.memory_space<vmem>>) target_semaphore(%arg14 : memref<!tpu.dma_semaphore, #tpu.memory_space<semaphore_mem>>)
      %add3A_276 = arith.constant 49152 : i32
      %add3A_277 = arith.addi %add3A_276, %mul3A_2 : i32
      %dma_start3A_278 = arith.constant 12 : i32
      %dma_start3A_279 = arith.constant 0 : i32
      %dma_start3A_280 = tpu.memref_slice %arg6[%dma_start3A_278, %dma_start3A_279] : memref<32x256xi32, #tpu.memory_space<vmem>> -> memref<1x256xi32, #tpu.memory_space<vmem>>
      %dma_start3A_281 = tpu.memref_squeeze %dma_start3A_280 : memref<1x256xi32, #tpu.memory_space<vmem>> -> memref<256xi32, #tpu.memory_space<vmem>>
      %dma_start3A_282 = tpu.memref_slice %arg3[%add3A_277] : memref<131072xi32, #tpu.memory_space<hbm>> -> memref<256xi32, #tpu.memory_space<hbm>>
      %dma_start3A_283 = arith.constant 0 : i32
      %dma_start3A_284 = tpu.memref_slice %arg6[%dma_start3A_278, %dma_start3A_283] : memref<32x256xi32, #tpu.memory_space<vmem>> -> memref<1x256xi32, #tpu.memory_space<vmem>>
      %dma_start3A_285 = tpu.memref_squeeze %dma_start3A_284 : memref<1x256xi32, #tpu.memory_space<vmem>> -> memref<256xi32, #tpu.memory_space<vmem>>
      %dma_start3A_286 = tpu.memref_slice %arg3[%add3A_277] : memref<131072xi32, #tpu.memory_space<hbm>> -> memref<256xi32, #tpu.memory_space<hbm>>
      tpu.enqueue_dma source(%dma_start3A_286 : memref<256xi32, #tpu.memory_space<hbm>>) target(%dma_start3A_285 : memref<256xi32, #tpu.memory_space<vmem>>) target_semaphore(%arg14 : memref<!tpu.dma_semaphore, #tpu.memory_space<semaphore_mem>>)
      %add3A_287 = arith.constant 53248 : i32
      %add3A_288 = arith.addi %add3A_287, %mul3A_2 : i32
      %dma_start3A_289 = arith.constant 13 : i32
      %dma_start3A_290 = arith.constant 0 : i32
      %dma_start3A_291 = tpu.memref_slice %arg5[%dma_start3A_289, %dma_start3A_290] : memref<32x256xi32, #tpu.memory_space<vmem>> -> memref<1x256xi32, #tpu.memory_space<vmem>>
      %dma_start3A_292 = tpu.memref_squeeze %dma_start3A_291 : memref<1x256xi32, #tpu.memory_space<vmem>> -> memref<256xi32, #tpu.memory_space<vmem>>
      %dma_start3A_293 = tpu.memref_slice %arg2[%add3A_288] : memref<131072xi32, #tpu.memory_space<hbm>> -> memref<256xi32, #tpu.memory_space<hbm>>
      %dma_start3A_294 = arith.constant 0 : i32
      %dma_start3A_295 = tpu.memref_slice %arg5[%dma_start3A_289, %dma_start3A_294] : memref<32x256xi32, #tpu.memory_space<vmem>> -> memref<1x256xi32, #tpu.memory_space<vmem>>
      %dma_start3A_296 = tpu.memref_squeeze %dma_start3A_295 : memref<1x256xi32, #tpu.memory_space<vmem>> -> memref<256xi32, #tpu.memory_space<vmem>>
      %dma_start3A_297 = tpu.memref_slice %arg2[%add3A_288] : memref<131072xi32, #tpu.memory_space<hbm>> -> memref<256xi32, #tpu.memory_space<hbm>>
      tpu.enqueue_dma source(%dma_start3A_297 : memref<256xi32, #tpu.memory_space<hbm>>) target(%dma_start3A_296 : memref<256xi32, #tpu.memory_space<vmem>>) target_semaphore(%arg14 : memref<!tpu.dma_semaphore, #tpu.memory_space<semaphore_mem>>)
      %add3A_298 = arith.constant 53248 : i32
      %add3A_299 = arith.addi %add3A_298, %mul3A_2 : i32
      %dma_start3A_300 = arith.constant 13 : i32
      %dma_start3A_301 = arith.constant 0 : i32
      %dma_start3A_302 = tpu.memref_slice %arg6[%dma_start3A_300, %dma_start3A_301] : memref<32x256xi32, #tpu.memory_space<vmem>> -> memref<1x256xi32, #tpu.memory_space<vmem>>
      %dma_start3A_303 = tpu.memref_squeeze %dma_start3A_302 : memref<1x256xi32, #tpu.memory_space<vmem>> -> memref<256xi32, #tpu.memory_space<vmem>>
      %dma_start3A_304 = tpu.memref_slice %arg3[%add3A_299] : memref<131072xi32, #tpu.memory_space<hbm>> -> memref<256xi32, #tpu.memory_space<hbm>>
      %dma_start3A_305 = arith.constant 0 : i32
      %dma_start3A_306 = tpu.memref_slice %arg6[%dma_start3A_300, %dma_start3A_305] : memref<32x256xi32, #tpu.memory_space<vmem>> -> memref<1x256xi32, #tpu.memory_space<vmem>>
      %dma_start3A_307 = tpu.memref_squeeze %dma_start3A_306 : memref<1x256xi32, #tpu.memory_space<vmem>> -> memref<256xi32, #tpu.memory_space<vmem>>
      %dma_start3A_308 = tpu.memref_slice %arg3[%add3A_299] : memref<131072xi32, #tpu.memory_space<hbm>> -> memref<256xi32, #tpu.memory_space<hbm>>
      tpu.enqueue_dma source(%dma_start3A_308 : memref<256xi32, #tpu.memory_space<hbm>>) target(%dma_start3A_307 : memref<256xi32, #tpu.memory_space<vmem>>) target_semaphore(%arg14 : memref<!tpu.dma_semaphore, #tpu.memory_space<semaphore_mem>>)
      %add3A_309 = arith.constant 57344 : i32
      %add3A_310 = arith.addi %add3A_309, %mul3A_2 : i32
      %dma_start3A_311 = arith.constant 14 : i32
      %dma_start3A_312 = arith.constant 0 : i32
      %dma_start3A_313 = tpu.memref_slice %arg5[%dma_start3A_311, %dma_start3A_312] : memref<32x256xi32, #tpu.memory_space<vmem>> -> memref<1x256xi32, #tpu.memory_space<vmem>>
      %dma_start3A_314 = tpu.memref_squeeze %dma_start3A_313 : memref<1x256xi32, #tpu.memory_space<vmem>> -> memref<256xi32, #tpu.memory_space<vmem>>
      %dma_start3A_315 = tpu.memref_slice %arg2[%add3A_310] : memref<131072xi32, #tpu.memory_space<hbm>> -> memref<256xi32, #tpu.memory_space<hbm>>
      %dma_start3A_316 = arith.constant 0 : i32
      %dma_start3A_317 = tpu.memref_slice %arg5[%dma_start3A_311, %dma_start3A_316] : memref<32x256xi32, #tpu.memory_space<vmem>> -> memref<1x256xi32, #tpu.memory_space<vmem>>
      %dma_start3A_318 = tpu.memref_squeeze %dma_start3A_317 : memref<1x256xi32, #tpu.memory_space<vmem>> -> memref<256xi32, #tpu.memory_space<vmem>>
      %dma_start3A_319 = tpu.memref_slice %arg2[%add3A_310] : memref<131072xi32, #tpu.memory_space<hbm>> -> memref<256xi32, #tpu.memory_space<hbm>>
      tpu.enqueue_dma source(%dma_start3A_319 : memref<256xi32, #tpu.memory_space<hbm>>) target(%dma_start3A_318 : memref<256xi32, #tpu.memory_space<vmem>>) target_semaphore(%arg14 : memref<!tpu.dma_semaphore, #tpu.memory_space<semaphore_mem>>)
      %add3A_320 = arith.constant 57344 : i32
      %add3A_321 = arith.addi %add3A_320, %mul3A_2 : i32
      %dma_start3A_322 = arith.constant 14 : i32
      %dma_start3A_323 = arith.constant 0 : i32
      %dma_start3A_324 = tpu.memref_slice %arg6[%dma_start3A_322, %dma_start3A_323] : memref<32x256xi32, #tpu.memory_space<vmem>> -> memref<1x256xi32, #tpu.memory_space<vmem>>
      %dma_start3A_325 = tpu.memref_squeeze %dma_start3A_324 : memref<1x256xi32, #tpu.memory_space<vmem>> -> memref<256xi32, #tpu.memory_space<vmem>>
      %dma_start3A_326 = tpu.memref_slice %arg3[%add3A_321] : memref<131072xi32, #tpu.memory_space<hbm>> -> memref<256xi32, #tpu.memory_space<hbm>>
      %dma_start3A_327 = arith.constant 0 : i32
      %dma_start3A_328 = tpu.memref_slice %arg6[%dma_start3A_322, %dma_start3A_327] : memref<32x256xi32, #tpu.memory_space<vmem>> -> memref<1x256xi32, #tpu.memory_space<vmem>>
      %dma_start3A_329 = tpu.memref_squeeze %dma_start3A_328 : memref<1x256xi32, #tpu.memory_space<vmem>> -> memref<256xi32, #tpu.memory_space<vmem>>
      %dma_start3A_330 = tpu.memref_slice %arg3[%add3A_321] : memref<131072xi32, #tpu.memory_space<hbm>> -> memref<256xi32, #tpu.memory_space<hbm>>
      tpu.enqueue_dma source(%dma_start3A_330 : memref<256xi32, #tpu.memory_space<hbm>>) target(%dma_start3A_329 : memref<256xi32, #tpu.memory_space<vmem>>) target_semaphore(%arg14 : memref<!tpu.dma_semaphore, #tpu.memory_space<semaphore_mem>>)
      %add3A_331 = arith.constant 61440 : i32
      %add3A_332 = arith.addi %add3A_331, %mul3A_2 : i32
      %dma_start3A_333 = arith.constant 15 : i32
      %dma_start3A_334 = arith.constant 0 : i32
      %dma_start3A_335 = tpu.memref_slice %arg5[%dma_start3A_333, %dma_start3A_334] : memref<32x256xi32, #tpu.memory_space<vmem>> -> memref<1x256xi32, #tpu.memory_space<vmem>>
      %dma_start3A_336 = tpu.memref_squeeze %dma_start3A_335 : memref<1x256xi32, #tpu.memory_space<vmem>> -> memref<256xi32, #tpu.memory_space<vmem>>
      %dma_start3A_337 = tpu.memref_slice %arg2[%add3A_332] : memref<131072xi32, #tpu.memory_space<hbm>> -> memref<256xi32, #tpu.memory_space<hbm>>
      %dma_start3A_338 = arith.constant 0 : i32
      %dma_start3A_339 = tpu.memref_slice %arg5[%dma_start3A_333, %dma_start3A_338] : memref<32x256xi32, #tpu.memory_space<vmem>> -> memref<1x256xi32, #tpu.memory_space<vmem>>
      %dma_start3A_340 = tpu.memref_squeeze %dma_start3A_339 : memref<1x256xi32, #tpu.memory_space<vmem>> -> memref<256xi32, #tpu.memory_space<vmem>>
      %dma_start3A_341 = tpu.memref_slice %arg2[%add3A_332] : memref<131072xi32, #tpu.memory_space<hbm>> -> memref<256xi32, #tpu.memory_space<hbm>>
      tpu.enqueue_dma source(%dma_start3A_341 : memref<256xi32, #tpu.memory_space<hbm>>) target(%dma_start3A_340 : memref<256xi32, #tpu.memory_space<vmem>>) target_semaphore(%arg14 : memref<!tpu.dma_semaphore, #tpu.memory_space<semaphore_mem>>)
      %add3A_342 = arith.constant 61440 : i32
      %add3A_343 = arith.addi %add3A_342, %mul3A_2 : i32
      %dma_start3A_344 = arith.constant 15 : i32
      %dma_start3A_345 = arith.constant 0 : i32
      %dma_start3A_346 = tpu.memref_slice %arg6[%dma_start3A_344, %dma_start3A_345] : memref<32x256xi32, #tpu.memory_space<vmem>> -> memref<1x256xi32, #tpu.memory_space<vmem>>
      %dma_start3A_347 = tpu.memref_squeeze %dma_start3A_346 : memref<1x256xi32, #tpu.memory_space<vmem>> -> memref<256xi32, #tpu.memory_space<vmem>>
      %dma_start3A_348 = tpu.memref_slice %arg3[%add3A_343] : memref<131072xi32, #tpu.memory_space<hbm>> -> memref<256xi32, #tpu.memory_space<hbm>>
      %dma_start3A_349 = arith.constant 0 : i32
      %dma_start3A_350 = tpu.memref_slice %arg6[%dma_start3A_344, %dma_start3A_349] : memref<32x256xi32, #tpu.memory_space<vmem>> -> memref<1x256xi32, #tpu.memory_space<vmem>>
      %dma_start3A_351 = tpu.memref_squeeze %dma_start3A_350 : memref<1x256xi32, #tpu.memory_space<vmem>> -> memref<256xi32, #tpu.memory_space<vmem>>
      %dma_start3A_352 = tpu.memref_slice %arg3[%add3A_343] : memref<131072xi32, #tpu.memory_space<hbm>> -> memref<256xi32, #tpu.memory_space<hbm>>
      tpu.enqueue_dma source(%dma_start3A_352 : memref<256xi32, #tpu.memory_space<hbm>>) target(%dma_start3A_351 : memref<256xi32, #tpu.memory_space<vmem>>) target_semaphore(%arg14 : memref<!tpu.dma_semaphore, #tpu.memory_space<semaphore_mem>>)
      %add3A_353 = arith.constant 65536 : i32
      %add3A_354 = arith.addi %add3A_353, %mul3A_2 : i32
      %dma_start3A_355 = arith.constant 16 : i32
      %dma_start3A_356 = arith.constant 0 : i32
      %dma_start3A_357 = tpu.memref_slice %arg5[%dma_start3A_355, %dma_start3A_356] : memref<32x256xi32, #tpu.memory_space<vmem>> -> memref<1x256xi32, #tpu.memory_space<vmem>>
      %dma_start3A_358 = tpu.memref_squeeze %dma_start3A_357 : memref<1x256xi32, #tpu.memory_space<vmem>> -> memref<256xi32, #tpu.memory_space<vmem>>
      %dma_start3A_359 = tpu.memref_slice %arg2[%add3A_354] : memref<131072xi32, #tpu.memory_space<hbm>> -> memref<256xi32, #tpu.memory_space<hbm>>
      %dma_start3A_360 = arith.constant 0 : i32
      %dma_start3A_361 = tpu.memref_slice %arg5[%dma_start3A_355, %dma_start3A_360] : memref<32x256xi32, #tpu.memory_space<vmem>> -> memref<1x256xi32, #tpu.memory_space<vmem>>
      %dma_start3A_362 = tpu.memref_squeeze %dma_start3A_361 : memref<1x256xi32, #tpu.memory_space<vmem>> -> memref<256xi32, #tpu.memory_space<vmem>>
      %dma_start3A_363 = tpu.memref_slice %arg2[%add3A_354] : memref<131072xi32, #tpu.memory_space<hbm>> -> memref<256xi32, #tpu.memory_space<hbm>>
      tpu.enqueue_dma source(%dma_start3A_363 : memref<256xi32, #tpu.memory_space<hbm>>) target(%dma_start3A_362 : memref<256xi32, #tpu.memory_space<vmem>>) target_semaphore(%arg14 : memref<!tpu.dma_semaphore, #tpu.memory_space<semaphore_mem>>)
      %add3A_364 = arith.constant 65536 : i32
      %add3A_365 = arith.addi %add3A_364, %mul3A_2 : i32
      %dma_start3A_366 = arith.constant 16 : i32
      %dma_start3A_367 = arith.constant 0 : i32
      %dma_start3A_368 = tpu.memref_slice %arg6[%dma_start3A_366, %dma_start3A_367] : memref<32x256xi32, #tpu.memory_space<vmem>> -> memref<1x256xi32, #tpu.memory_space<vmem>>
      %dma_start3A_369 = tpu.memref_squeeze %dma_start3A_368 : memref<1x256xi32, #tpu.memory_space<vmem>> -> memref<256xi32, #tpu.memory_space<vmem>>
      %dma_start3A_370 = tpu.memref_slice %arg3[%add3A_365] : memref<131072xi32, #tpu.memory_space<hbm>> -> memref<256xi32, #tpu.memory_space<hbm>>
      %dma_start3A_371 = arith.constant 0 : i32
      %dma_start3A_372 = tpu.memref_slice %arg6[%dma_start3A_366, %dma_start3A_371] : memref<32x256xi32, #tpu.memory_space<vmem>> -> memref<1x256xi32, #tpu.memory_space<vmem>>
      %dma_start3A_373 = tpu.memref_squeeze %dma_start3A_372 : memref<1x256xi32, #tpu.memory_space<vmem>> -> memref<256xi32, #tpu.memory_space<vmem>>
      %dma_start3A_374 = tpu.memref_slice %arg3[%add3A_365] : memref<131072xi32, #tpu.memory_space<hbm>> -> memref<256xi32, #tpu.memory_space<hbm>>
      tpu.enqueue_dma source(%dma_start3A_374 : memref<256xi32, #tpu.memory_space<hbm>>) target(%dma_start3A_373 : memref<256xi32, #tpu.memory_space<vmem>>) target_semaphore(%arg14 : memref<!tpu.dma_semaphore, #tpu.memory_space<semaphore_mem>>)
      %add3A_375 = arith.constant 69632 : i32
      %add3A_376 = arith.addi %add3A_375, %mul3A_2 : i32
      %dma_start3A_377 = arith.constant 17 : i32
      %dma_start3A_378 = arith.constant 0 : i32
      %dma_start3A_379 = tpu.memref_slice %arg5[%dma_start3A_377, %dma_start3A_378] : memref<32x256xi32, #tpu.memory_space<vmem>> -> memref<1x256xi32, #tpu.memory_space<vmem>>
      %dma_start3A_380 = tpu.memref_squeeze %dma_start3A_379 : memref<1x256xi32, #tpu.memory_space<vmem>> -> memref<256xi32, #tpu.memory_space<vmem>>
      %dma_start3A_381 = tpu.memref_slice %arg2[%add3A_376] : memref<131072xi32, #tpu.memory_space<hbm>> -> memref<256xi32, #tpu.memory_space<hbm>>
      %dma_start3A_382 = arith.constant 0 : i32
      %dma_start3A_383 = tpu.memref_slice %arg5[%dma_start3A_377, %dma_start3A_382] : memref<32x256xi32, #tpu.memory_space<vmem>> -> memref<1x256xi32, #tpu.memory_space<vmem>>
      %dma_start3A_384 = tpu.memref_squeeze %dma_start3A_383 : memref<1x256xi32, #tpu.memory_space<vmem>> -> memref<256xi32, #tpu.memory_space<vmem>>
      %dma_start3A_385 = tpu.memref_slice %arg2[%add3A_376] : memref<131072xi32, #tpu.memory_space<hbm>> -> memref<256xi32, #tpu.memory_space<hbm>>
      tpu.enqueue_dma source(%dma_start3A_385 : memref<256xi32, #tpu.memory_space<hbm>>) target(%dma_start3A_384 : memref<256xi32, #tpu.memory_space<vmem>>) target_semaphore(%arg14 : memref<!tpu.dma_semaphore, #tpu.memory_space<semaphore_mem>>)
      %add3A_386 = arith.constant 69632 : i32
      %add3A_387 = arith.addi %add3A_386, %mul3A_2 : i32
      %dma_start3A_388 = arith.constant 17 : i32
      %dma_start3A_389 = arith.constant 0 : i32
      %dma_start3A_390 = tpu.memref_slice %arg6[%dma_start3A_388, %dma_start3A_389] : memref<32x256xi32, #tpu.memory_space<vmem>> -> memref<1x256xi32, #tpu.memory_space<vmem>>
      %dma_start3A_391 = tpu.memref_squeeze %dma_start3A_390 : memref<1x256xi32, #tpu.memory_space<vmem>> -> memref<256xi32, #tpu.memory_space<vmem>>
      %dma_start3A_392 = tpu.memref_slice %arg3[%add3A_387] : memref<131072xi32, #tpu.memory_space<hbm>> -> memref<256xi32, #tpu.memory_space<hbm>>
      %dma_start3A_393 = arith.constant 0 : i32
      %dma_start3A_394 = tpu.memref_slice %arg6[%dma_start3A_388, %dma_start3A_393] : memref<32x256xi32, #tpu.memory_space<vmem>> -> memref<1x256xi32, #tpu.memory_space<vmem>>
      %dma_start3A_395 = tpu.memref_squeeze %dma_start3A_394 : memref<1x256xi32, #tpu.memory_space<vmem>> -> memref<256xi32, #tpu.memory_space<vmem>>
      %dma_start3A_396 = tpu.memref_slice %arg3[%add3A_387] : memref<131072xi32, #tpu.memory_space<hbm>> -> memref<256xi32, #tpu.memory_space<hbm>>
      tpu.enqueue_dma source(%dma_start3A_396 : memref<256xi32, #tpu.memory_space<hbm>>) target(%dma_start3A_395 : memref<256xi32, #tpu.memory_space<vmem>>) target_semaphore(%arg14 : memref<!tpu.dma_semaphore, #tpu.memory_space<semaphore_mem>>)
      %add3A_397 = arith.constant 73728 : i32
      %add3A_398 = arith.addi %add3A_397, %mul3A_2 : i32
      %dma_start3A_399 = arith.constant 18 : i32
      %dma_start3A_400 = arith.constant 0 : i32
      %dma_start3A_401 = tpu.memref_slice %arg5[%dma_start3A_399, %dma_start3A_400] : memref<32x256xi32, #tpu.memory_space<vmem>> -> memref<1x256xi32, #tpu.memory_space<vmem>>
      %dma_start3A_402 = tpu.memref_squeeze %dma_start3A_401 : memref<1x256xi32, #tpu.memory_space<vmem>> -> memref<256xi32, #tpu.memory_space<vmem>>
      %dma_start3A_403 = tpu.memref_slice %arg2[%add3A_398] : memref<131072xi32, #tpu.memory_space<hbm>> -> memref<256xi32, #tpu.memory_space<hbm>>
      %dma_start3A_404 = arith.constant 0 : i32
      %dma_start3A_405 = tpu.memref_slice %arg5[%dma_start3A_399, %dma_start3A_404] : memref<32x256xi32, #tpu.memory_space<vmem>> -> memref<1x256xi32, #tpu.memory_space<vmem>>
      %dma_start3A_406 = tpu.memref_squeeze %dma_start3A_405 : memref<1x256xi32, #tpu.memory_space<vmem>> -> memref<256xi32, #tpu.memory_space<vmem>>
      %dma_start3A_407 = tpu.memref_slice %arg2[%add3A_398] : memref<131072xi32, #tpu.memory_space<hbm>> -> memref<256xi32, #tpu.memory_space<hbm>>
      tpu.enqueue_dma source(%dma_start3A_407 : memref<256xi32, #tpu.memory_space<hbm>>) target(%dma_start3A_406 : memref<256xi32, #tpu.memory_space<vmem>>) target_semaphore(%arg14 : memref<!tpu.dma_semaphore, #tpu.memory_space<semaphore_mem>>)
      %add3A_408 = arith.constant 73728 : i32
      %add3A_409 = arith.addi %add3A_408, %mul3A_2 : i32
      %dma_start3A_410 = arith.constant 18 : i32
      %dma_start3A_411 = arith.constant 0 : i32
      %dma_start3A_412 = tpu.memref_slice %arg6[%dma_start3A_410, %dma_start3A_411] : memref<32x256xi32, #tpu.memory_space<vmem>> -> memref<1x256xi32, #tpu.memory_space<vmem>>
      %dma_start3A_413 = tpu.memref_squeeze %dma_start3A_412 : memref<1x256xi32, #tpu.memory_space<vmem>> -> memref<256xi32, #tpu.memory_space<vmem>>
      %dma_start3A_414 = tpu.memref_slice %arg3[%add3A_409] : memref<131072xi32, #tpu.memory_space<hbm>> -> memref<256xi32, #tpu.memory_space<hbm>>
      %dma_start3A_415 = arith.constant 0 : i32
      %dma_start3A_416 = tpu.memref_slice %arg6[%dma_start3A_410, %dma_start3A_415] : memref<32x256xi32, #tpu.memory_space<vmem>> -> memref<1x256xi32, #tpu.memory_space<vmem>>
      %dma_start3A_417 = tpu.memref_squeeze %dma_start3A_416 : memref<1x256xi32, #tpu.memory_space<vmem>> -> memref<256xi32, #tpu.memory_space<vmem>>
      %dma_start3A_418 = tpu.memref_slice %arg3[%add3A_409] : memref<131072xi32, #tpu.memory_space<hbm>> -> memref<256xi32, #tpu.memory_space<hbm>>
      tpu.enqueue_dma source(%dma_start3A_418 : memref<256xi32, #tpu.memory_space<hbm>>) target(%dma_start3A_417 : memref<256xi32, #tpu.memory_space<vmem>>) target_semaphore(%arg14 : memref<!tpu.dma_semaphore, #tpu.memory_space<semaphore_mem>>)
      %add3A_419 = arith.constant 77824 : i32
      %add3A_420 = arith.addi %add3A_419, %mul3A_2 : i32
      %dma_start3A_421 = arith.constant 19 : i32
      %dma_start3A_422 = arith.constant 0 : i32
      %dma_start3A_423 = tpu.memref_slice %arg5[%dma_start3A_421, %dma_start3A_422] : memref<32x256xi32, #tpu.memory_space<vmem>> -> memref<1x256xi32, #tpu.memory_space<vmem>>
      %dma_start3A_424 = tpu.memref_squeeze %dma_start3A_423 : memref<1x256xi32, #tpu.memory_space<vmem>> -> memref<256xi32, #tpu.memory_space<vmem>>
      %dma_start3A_425 = tpu.memref_slice %arg2[%add3A_420] : memref<131072xi32, #tpu.memory_space<hbm>> -> memref<256xi32, #tpu.memory_space<hbm>>
      %dma_start3A_426 = arith.constant 0 : i32
      %dma_start3A_427 = tpu.memref_slice %arg5[%dma_start3A_421, %dma_start3A_426] : memref<32x256xi32, #tpu.memory_space<vmem>> -> memref<1x256xi32, #tpu.memory_space<vmem>>
      %dma_start3A_428 = tpu.memref_squeeze %dma_start3A_427 : memref<1x256xi32, #tpu.memory_space<vmem>> -> memref<256xi32, #tpu.memory_space<vmem>>
      %dma_start3A_429 = tpu.memref_slice %arg2[%add3A_420] : memref<131072xi32, #tpu.memory_space<hbm>> -> memref<256xi32, #tpu.memory_space<hbm>>
      tpu.enqueue_dma source(%dma_start3A_429 : memref<256xi32, #tpu.memory_space<hbm>>) target(%dma_start3A_428 : memref<256xi32, #tpu.memory_space<vmem>>) target_semaphore(%arg14 : memref<!tpu.dma_semaphore, #tpu.memory_space<semaphore_mem>>)
      %add3A_430 = arith.constant 77824 : i32
      %add3A_431 = arith.addi %add3A_430, %mul3A_2 : i32
      %dma_start3A_432 = arith.constant 19 : i32
      %dma_start3A_433 = arith.constant 0 : i32
      %dma_start3A_434 = tpu.memref_slice %arg6[%dma_start3A_432, %dma_start3A_433] : memref<32x256xi32, #tpu.memory_space<vmem>> -> memref<1x256xi32, #tpu.memory_space<vmem>>
      %dma_start3A_435 = tpu.memref_squeeze %dma_start3A_434 : memref<1x256xi32, #tpu.memory_space<vmem>> -> memref<256xi32, #tpu.memory_space<vmem>>
      %dma_start3A_436 = tpu.memref_slice %arg3[%add3A_431] : memref<131072xi32, #tpu.memory_space<hbm>> -> memref<256xi32, #tpu.memory_space<hbm>>
      %dma_start3A_437 = arith.constant 0 : i32
      %dma_start3A_438 = tpu.memref_slice %arg6[%dma_start3A_432, %dma_start3A_437] : memref<32x256xi32, #tpu.memory_space<vmem>> -> memref<1x256xi32, #tpu.memory_space<vmem>>
      %dma_start3A_439 = tpu.memref_squeeze %dma_start3A_438 : memref<1x256xi32, #tpu.memory_space<vmem>> -> memref<256xi32, #tpu.memory_space<vmem>>
      %dma_start3A_440 = tpu.memref_slice %arg3[%add3A_431] : memref<131072xi32, #tpu.memory_space<hbm>> -> memref<256xi32, #tpu.memory_space<hbm>>
      tpu.enqueue_dma source(%dma_start3A_440 : memref<256xi32, #tpu.memory_space<hbm>>) target(%dma_start3A_439 : memref<256xi32, #tpu.memory_space<vmem>>) target_semaphore(%arg14 : memref<!tpu.dma_semaphore, #tpu.memory_space<semaphore_mem>>)
      %add3A_441 = arith.constant 81920 : i32
      %add3A_442 = arith.addi %add3A_441, %mul3A_2 : i32
      %dma_start3A_443 = arith.constant 20 : i32
      %dma_start3A_444 = arith.constant 0 : i32
      %dma_start3A_445 = tpu.memref_slice %arg5[%dma_start3A_443, %dma_start3A_444] : memref<32x256xi32, #tpu.memory_space<vmem>> -> memref<1x256xi32, #tpu.memory_space<vmem>>
      %dma_start3A_446 = tpu.memref_squeeze %dma_start3A_445 : memref<1x256xi32, #tpu.memory_space<vmem>> -> memref<256xi32, #tpu.memory_space<vmem>>
      %dma_start3A_447 = tpu.memref_slice %arg2[%add3A_442] : memref<131072xi32, #tpu.memory_space<hbm>> -> memref<256xi32, #tpu.memory_space<hbm>>
      %dma_start3A_448 = arith.constant 0 : i32
      %dma_start3A_449 = tpu.memref_slice %arg5[%dma_start3A_443, %dma_start3A_448] : memref<32x256xi32, #tpu.memory_space<vmem>> -> memref<1x256xi32, #tpu.memory_space<vmem>>
      %dma_start3A_450 = tpu.memref_squeeze %dma_start3A_449 : memref<1x256xi32, #tpu.memory_space<vmem>> -> memref<256xi32, #tpu.memory_space<vmem>>
      %dma_start3A_451 = tpu.memref_slice %arg2[%add3A_442] : memref<131072xi32, #tpu.memory_space<hbm>> -> memref<256xi32, #tpu.memory_space<hbm>>
      tpu.enqueue_dma source(%dma_start3A_451 : memref<256xi32, #tpu.memory_space<hbm>>) target(%dma_start3A_450 : memref<256xi32, #tpu.memory_space<vmem>>) target_semaphore(%arg14 : memref<!tpu.dma_semaphore, #tpu.memory_space<semaphore_mem>>)
      %add3A_452 = arith.constant 81920 : i32
      %add3A_453 = arith.addi %add3A_452, %mul3A_2 : i32
      %dma_start3A_454 = arith.constant 20 : i32
      %dma_start3A_455 = arith.constant 0 : i32
      %dma_start3A_456 = tpu.memref_slice %arg6[%dma_start3A_454, %dma_start3A_455] : memref<32x256xi32, #tpu.memory_space<vmem>> -> memref<1x256xi32, #tpu.memory_space<vmem>>
      %dma_start3A_457 = tpu.memref_squeeze %dma_start3A_456 : memref<1x256xi32, #tpu.memory_space<vmem>> -> memref<256xi32, #tpu.memory_space<vmem>>
      %dma_start3A_458 = tpu.memref_slice %arg3[%add3A_453] : memref<131072xi32, #tpu.memory_space<hbm>> -> memref<256xi32, #tpu.memory_space<hbm>>
      %dma_start3A_459 = arith.constant 0 : i32
      %dma_start3A_460 = tpu.memref_slice %arg6[%dma_start3A_454, %dma_start3A_459] : memref<32x256xi32, #tpu.memory_space<vmem>> -> memref<1x256xi32, #tpu.memory_space<vmem>>
      %dma_start3A_461 = tpu.memref_squeeze %dma_start3A_460 : memref<1x256xi32, #tpu.memory_space<vmem>> -> memref<256xi32, #tpu.memory_space<vmem>>
      %dma_start3A_462 = tpu.memref_slice %arg3[%add3A_453] : memref<131072xi32, #tpu.memory_space<hbm>> -> memref<256xi32, #tpu.memory_space<hbm>>
      tpu.enqueue_dma source(%dma_start3A_462 : memref<256xi32, #tpu.memory_space<hbm>>) target(%dma_start3A_461 : memref<256xi32, #tpu.memory_space<vmem>>) target_semaphore(%arg14 : memref<!tpu.dma_semaphore, #tpu.memory_space<semaphore_mem>>)
      %add3A_463 = arith.constant 86016 : i32
      %add3A_464 = arith.addi %add3A_463, %mul3A_2 : i32
      %dma_start3A_465 = arith.constant 21 : i32
      %dma_start3A_466 = arith.constant 0 : i32
      %dma_start3A_467 = tpu.memref_slice %arg5[%dma_start3A_465, %dma_start3A_466] : memref<32x256xi32, #tpu.memory_space<vmem>> -> memref<1x256xi32, #tpu.memory_space<vmem>>
      %dma_start3A_468 = tpu.memref_squeeze %dma_start3A_467 : memref<1x256xi32, #tpu.memory_space<vmem>> -> memref<256xi32, #tpu.memory_space<vmem>>
      %dma_start3A_469 = tpu.memref_slice %arg2[%add3A_464] : memref<131072xi32, #tpu.memory_space<hbm>> -> memref<256xi32, #tpu.memory_space<hbm>>
      %dma_start3A_470 = arith.constant 0 : i32
      %dma_start3A_471 = tpu.memref_slice %arg5[%dma_start3A_465, %dma_start3A_470] : memref<32x256xi32, #tpu.memory_space<vmem>> -> memref<1x256xi32, #tpu.memory_space<vmem>>
      %dma_start3A_472 = tpu.memref_squeeze %dma_start3A_471 : memref<1x256xi32, #tpu.memory_space<vmem>> -> memref<256xi32, #tpu.memory_space<vmem>>
      %dma_start3A_473 = tpu.memref_slice %arg2[%add3A_464] : memref<131072xi32, #tpu.memory_space<hbm>> -> memref<256xi32, #tpu.memory_space<hbm>>
      tpu.enqueue_dma source(%dma_start3A_473 : memref<256xi32, #tpu.memory_space<hbm>>) target(%dma_start3A_472 : memref<256xi32, #tpu.memory_space<vmem>>) target_semaphore(%arg14 : memref<!tpu.dma_semaphore, #tpu.memory_space<semaphore_mem>>)
      %add3A_474 = arith.constant 86016 : i32
      %add3A_475 = arith.addi %add3A_474, %mul3A_2 : i32
      %dma_start3A_476 = arith.constant 21 : i32
      %dma_start3A_477 = arith.constant 0 : i32
      %dma_start3A_478 = tpu.memref_slice %arg6[%dma_start3A_476, %dma_start3A_477] : memref<32x256xi32, #tpu.memory_space<vmem>> -> memref<1x256xi32, #tpu.memory_space<vmem>>
      %dma_start3A_479 = tpu.memref_squeeze %dma_start3A_478 : memref<1x256xi32, #tpu.memory_space<vmem>> -> memref<256xi32, #tpu.memory_space<vmem>>
      %dma_start3A_480 = tpu.memref_slice %arg3[%add3A_475] : memref<131072xi32, #tpu.memory_space<hbm>> -> memref<256xi32, #tpu.memory_space<hbm>>
      %dma_start3A_481 = arith.constant 0 : i32
      %dma_start3A_482 = tpu.memref_slice %arg6[%dma_start3A_476, %dma_start3A_481] : memref<32x256xi32, #tpu.memory_space<vmem>> -> memref<1x256xi32, #tpu.memory_space<vmem>>
      %dma_start3A_483 = tpu.memref_squeeze %dma_start3A_482 : memref<1x256xi32, #tpu.memory_space<vmem>> -> memref<256xi32, #tpu.memory_space<vmem>>
      %dma_start3A_484 = tpu.memref_slice %arg3[%add3A_475] : memref<131072xi32, #tpu.memory_space<hbm>> -> memref<256xi32, #tpu.memory_space<hbm>>
      tpu.enqueue_dma source(%dma_start3A_484 : memref<256xi32, #tpu.memory_space<hbm>>) target(%dma_start3A_483 : memref<256xi32, #tpu.memory_space<vmem>>) target_semaphore(%arg14 : memref<!tpu.dma_semaphore, #tpu.memory_space<semaphore_mem>>)
      %add3A_485 = arith.constant 90112 : i32
      %add3A_486 = arith.addi %add3A_485, %mul3A_2 : i32
      %dma_start3A_487 = arith.constant 22 : i32
      %dma_start3A_488 = arith.constant 0 : i32
      %dma_start3A_489 = tpu.memref_slice %arg5[%dma_start3A_487, %dma_start3A_488] : memref<32x256xi32, #tpu.memory_space<vmem>> -> memref<1x256xi32, #tpu.memory_space<vmem>>
      %dma_start3A_490 = tpu.memref_squeeze %dma_start3A_489 : memref<1x256xi32, #tpu.memory_space<vmem>> -> memref<256xi32, #tpu.memory_space<vmem>>
      %dma_start3A_491 = tpu.memref_slice %arg2[%add3A_486] : memref<131072xi32, #tpu.memory_space<hbm>> -> memref<256xi32, #tpu.memory_space<hbm>>
      %dma_start3A_492 = arith.constant 0 : i32
      %dma_start3A_493 = tpu.memref_slice %arg5[%dma_start3A_487, %dma_start3A_492] : memref<32x256xi32, #tpu.memory_space<vmem>> -> memref<1x256xi32, #tpu.memory_space<vmem>>
      %dma_start3A_494 = tpu.memref_squeeze %dma_start3A_493 : memref<1x256xi32, #tpu.memory_space<vmem>> -> memref<256xi32, #tpu.memory_space<vmem>>
      %dma_start3A_495 = tpu.memref_slice %arg2[%add3A_486] : memref<131072xi32, #tpu.memory_space<hbm>> -> memref<256xi32, #tpu.memory_space<hbm>>
      tpu.enqueue_dma source(%dma_start3A_495 : memref<256xi32, #tpu.memory_space<hbm>>) target(%dma_start3A_494 : memref<256xi32, #tpu.memory_space<vmem>>) target_semaphore(%arg14 : memref<!tpu.dma_semaphore, #tpu.memory_space<semaphore_mem>>)
      %add3A_496 = arith.constant 90112 : i32
      %add3A_497 = arith.addi %add3A_496, %mul3A_2 : i32
      %dma_start3A_498 = arith.constant 22 : i32
      %dma_start3A_499 = arith.constant 0 : i32
      %dma_start3A_500 = tpu.memref_slice %arg6[%dma_start3A_498, %dma_start3A_499] : memref<32x256xi32, #tpu.memory_space<vmem>> -> memref<1x256xi32, #tpu.memory_space<vmem>>
      %dma_start3A_501 = tpu.memref_squeeze %dma_start3A_500 : memref<1x256xi32, #tpu.memory_space<vmem>> -> memref<256xi32, #tpu.memory_space<vmem>>
      %dma_start3A_502 = tpu.memref_slice %arg3[%add3A_497] : memref<131072xi32, #tpu.memory_space<hbm>> -> memref<256xi32, #tpu.memory_space<hbm>>
      %dma_start3A_503 = arith.constant 0 : i32
      %dma_start3A_504 = tpu.memref_slice %arg6[%dma_start3A_498, %dma_start3A_503] : memref<32x256xi32, #tpu.memory_space<vmem>> -> memref<1x256xi32, #tpu.memory_space<vmem>>
      %dma_start3A_505 = tpu.memref_squeeze %dma_start3A_504 : memref<1x256xi32, #tpu.memory_space<vmem>> -> memref<256xi32, #tpu.memory_space<vmem>>
      %dma_start3A_506 = tpu.memref_slice %arg3[%add3A_497] : memref<131072xi32, #tpu.memory_space<hbm>> -> memref<256xi32, #tpu.memory_space<hbm>>
      tpu.enqueue_dma source(%dma_start3A_506 : memref<256xi32, #tpu.memory_space<hbm>>) target(%dma_start3A_505 : memref<256xi32, #tpu.memory_space<vmem>>) target_semaphore(%arg14 : memref<!tpu.dma_semaphore, #tpu.memory_space<semaphore_mem>>)
      %add3A_507 = arith.constant 94208 : i32
      %add3A_508 = arith.addi %add3A_507, %mul3A_2 : i32
      %dma_start3A_509 = arith.constant 23 : i32
      %dma_start3A_510 = arith.constant 0 : i32
      %dma_start3A_511 = tpu.memref_slice %arg5[%dma_start3A_509, %dma_start3A_510] : memref<32x256xi32, #tpu.memory_space<vmem>> -> memref<1x256xi32, #tpu.memory_space<vmem>>
      %dma_start3A_512 = tpu.memref_squeeze %dma_start3A_511 : memref<1x256xi32, #tpu.memory_space<vmem>> -> memref<256xi32, #tpu.memory_space<vmem>>
      %dma_start3A_513 = tpu.memref_slice %arg2[%add3A_508] : memref<131072xi32, #tpu.memory_space<hbm>> -> memref<256xi32, #tpu.memory_space<hbm>>
      %dma_start3A_514 = arith.constant 0 : i32
      %dma_start3A_515 = tpu.memref_slice %arg5[%dma_start3A_509, %dma_start3A_514] : memref<32x256xi32, #tpu.memory_space<vmem>> -> memref<1x256xi32, #tpu.memory_space<vmem>>
      %dma_start3A_516 = tpu.memref_squeeze %dma_start3A_515 : memref<1x256xi32, #tpu.memory_space<vmem>> -> memref<256xi32, #tpu.memory_space<vmem>>
      %dma_start3A_517 = tpu.memref_slice %arg2[%add3A_508] : memref<131072xi32, #tpu.memory_space<hbm>> -> memref<256xi32, #tpu.memory_space<hbm>>
      tpu.enqueue_dma source(%dma_start3A_517 : memref<256xi32, #tpu.memory_space<hbm>>) target(%dma_start3A_516 : memref<256xi32, #tpu.memory_space<vmem>>) target_semaphore(%arg14 : memref<!tpu.dma_semaphore, #tpu.memory_space<semaphore_mem>>)
      %add3A_518 = arith.constant 94208 : i32
      %add3A_519 = arith.addi %add3A_518, %mul3A_2 : i32
      %dma_start3A_520 = arith.constant 23 : i32
      %dma_start3A_521 = arith.constant 0 : i32
      %dma_start3A_522 = tpu.memref_slice %arg6[%dma_start3A_520, %dma_start3A_521] : memref<32x256xi32, #tpu.memory_space<vmem>> -> memref<1x256xi32, #tpu.memory_space<vmem>>
      %dma_start3A_523 = tpu.memref_squeeze %dma_start3A_522 : memref<1x256xi32, #tpu.memory_space<vmem>> -> memref<256xi32, #tpu.memory_space<vmem>>
      %dma_start3A_524 = tpu.memref_slice %arg3[%add3A_519] : memref<131072xi32, #tpu.memory_space<hbm>> -> memref<256xi32, #tpu.memory_space<hbm>>
      %dma_start3A_525 = arith.constant 0 : i32
      %dma_start3A_526 = tpu.memref_slice %arg6[%dma_start3A_520, %dma_start3A_525] : memref<32x256xi32, #tpu.memory_space<vmem>> -> memref<1x256xi32, #tpu.memory_space<vmem>>
      %dma_start3A_527 = tpu.memref_squeeze %dma_start3A_526 : memref<1x256xi32, #tpu.memory_space<vmem>> -> memref<256xi32, #tpu.memory_space<vmem>>
      %dma_start3A_528 = tpu.memref_slice %arg3[%add3A_519] : memref<131072xi32, #tpu.memory_space<hbm>> -> memref<256xi32, #tpu.memory_space<hbm>>
      tpu.enqueue_dma source(%dma_start3A_528 : memref<256xi32, #tpu.memory_space<hbm>>) target(%dma_start3A_527 : memref<256xi32, #tpu.memory_space<vmem>>) target_semaphore(%arg14 : memref<!tpu.dma_semaphore, #tpu.memory_space<semaphore_mem>>)
      %add3A_529 = arith.constant 98304 : i32
      %add3A_530 = arith.addi %add3A_529, %mul3A_2 : i32
      %dma_start3A_531 = arith.constant 24 : i32
      %dma_start3A_532 = arith.constant 0 : i32
      %dma_start3A_533 = tpu.memref_slice %arg5[%dma_start3A_531, %dma_start3A_532] : memref<32x256xi32, #tpu.memory_space<vmem>> -> memref<1x256xi32, #tpu.memory_space<vmem>>
      %dma_start3A_534 = tpu.memref_squeeze %dma_start3A_533 : memref<1x256xi32, #tpu.memory_space<vmem>> -> memref<256xi32, #tpu.memory_space<vmem>>
      %dma_start3A_535 = tpu.memref_slice %arg2[%add3A_530] : memref<131072xi32, #tpu.memory_space<hbm>> -> memref<256xi32, #tpu.memory_space<hbm>>
      %dma_start3A_536 = arith.constant 0 : i32
      %dma_start3A_537 = tpu.memref_slice %arg5[%dma_start3A_531, %dma_start3A_536] : memref<32x256xi32, #tpu.memory_space<vmem>> -> memref<1x256xi32, #tpu.memory_space<vmem>>
      %dma_start3A_538 = tpu.memref_squeeze %dma_start3A_537 : memref<1x256xi32, #tpu.memory_space<vmem>> -> memref<256xi32, #tpu.memory_space<vmem>>
      %dma_start3A_539 = tpu.memref_slice %arg2[%add3A_530] : memref<131072xi32, #tpu.memory_space<hbm>> -> memref<256xi32, #tpu.memory_space<hbm>>
      tpu.enqueue_dma source(%dma_start3A_539 : memref<256xi32, #tpu.memory_space<hbm>>) target(%dma_start3A_538 : memref<256xi32, #tpu.memory_space<vmem>>) target_semaphore(%arg14 : memref<!tpu.dma_semaphore, #tpu.memory_space<semaphore_mem>>)
      %add3A_540 = arith.constant 98304 : i32
      %add3A_541 = arith.addi %add3A_540, %mul3A_2 : i32
      %dma_start3A_542 = arith.constant 24 : i32
      %dma_start3A_543 = arith.constant 0 : i32
      %dma_start3A_544 = tpu.memref_slice %arg6[%dma_start3A_542, %dma_start3A_543] : memref<32x256xi32, #tpu.memory_space<vmem>> -> memref<1x256xi32, #tpu.memory_space<vmem>>
      %dma_start3A_545 = tpu.memref_squeeze %dma_start3A_544 : memref<1x256xi32, #tpu.memory_space<vmem>> -> memref<256xi32, #tpu.memory_space<vmem>>
      %dma_start3A_546 = tpu.memref_slice %arg3[%add3A_541] : memref<131072xi32, #tpu.memory_space<hbm>> -> memref<256xi32, #tpu.memory_space<hbm>>
      %dma_start3A_547 = arith.constant 0 : i32
      %dma_start3A_548 = tpu.memref_slice %arg6[%dma_start3A_542, %dma_start3A_547] : memref<32x256xi32, #tpu.memory_space<vmem>> -> memref<1x256xi32, #tpu.memory_space<vmem>>
      %dma_start3A_549 = tpu.memref_squeeze %dma_start3A_548 : memref<1x256xi32, #tpu.memory_space<vmem>> -> memref<256xi32, #tpu.memory_space<vmem>>
      %dma_start3A_550 = tpu.memref_slice %arg3[%add3A_541] : memref<131072xi32, #tpu.memory_space<hbm>> -> memref<256xi32, #tpu.memory_space<hbm>>
      tpu.enqueue_dma source(%dma_start3A_550 : memref<256xi32, #tpu.memory_space<hbm>>) target(%dma_start3A_549 : memref<256xi32, #tpu.memory_space<vmem>>) target_semaphore(%arg14 : memref<!tpu.dma_semaphore, #tpu.memory_space<semaphore_mem>>)
      %add3A_551 = arith.constant 102400 : i32
      %add3A_552 = arith.addi %add3A_551, %mul3A_2 : i32
      %dma_start3A_553 = arith.constant 25 : i32
      %dma_start3A_554 = arith.constant 0 : i32
      %dma_start3A_555 = tpu.memref_slice %arg5[%dma_start3A_553, %dma_start3A_554] : memref<32x256xi32, #tpu.memory_space<vmem>> -> memref<1x256xi32, #tpu.memory_space<vmem>>
      %dma_start3A_556 = tpu.memref_squeeze %dma_start3A_555 : memref<1x256xi32, #tpu.memory_space<vmem>> -> memref<256xi32, #tpu.memory_space<vmem>>
      %dma_start3A_557 = tpu.memref_slice %arg2[%add3A_552] : memref<131072xi32, #tpu.memory_space<hbm>> -> memref<256xi32, #tpu.memory_space<hbm>>
      %dma_start3A_558 = arith.constant 0 : i32
      %dma_start3A_559 = tpu.memref_slice %arg5[%dma_start3A_553, %dma_start3A_558] : memref<32x256xi32, #tpu.memory_space<vmem>> -> memref<1x256xi32, #tpu.memory_space<vmem>>
      %dma_start3A_560 = tpu.memref_squeeze %dma_start3A_559 : memref<1x256xi32, #tpu.memory_space<vmem>> -> memref<256xi32, #tpu.memory_space<vmem>>
      %dma_start3A_561 = tpu.memref_slice %arg2[%add3A_552] : memref<131072xi32, #tpu.memory_space<hbm>> -> memref<256xi32, #tpu.memory_space<hbm>>
      tpu.enqueue_dma source(%dma_start3A_561 : memref<256xi32, #tpu.memory_space<hbm>>) target(%dma_start3A_560 : memref<256xi32, #tpu.memory_space<vmem>>) target_semaphore(%arg14 : memref<!tpu.dma_semaphore, #tpu.memory_space<semaphore_mem>>)
      %add3A_562 = arith.constant 102400 : i32
      %add3A_563 = arith.addi %add3A_562, %mul3A_2 : i32
      %dma_start3A_564 = arith.constant 25 : i32
      %dma_start3A_565 = arith.constant 0 : i32
      %dma_start3A_566 = tpu.memref_slice %arg6[%dma_start3A_564, %dma_start3A_565] : memref<32x256xi32, #tpu.memory_space<vmem>> -> memref<1x256xi32, #tpu.memory_space<vmem>>
      %dma_start3A_567 = tpu.memref_squeeze %dma_start3A_566 : memref<1x256xi32, #tpu.memory_space<vmem>> -> memref<256xi32, #tpu.memory_space<vmem>>
      %dma_start3A_568 = tpu.memref_slice %arg3[%add3A_563] : memref<131072xi32, #tpu.memory_space<hbm>> -> memref<256xi32, #tpu.memory_space<hbm>>
      %dma_start3A_569 = arith.constant 0 : i32
      %dma_start3A_570 = tpu.memref_slice %arg6[%dma_start3A_564, %dma_start3A_569] : memref<32x256xi32, #tpu.memory_space<vmem>> -> memref<1x256xi32, #tpu.memory_space<vmem>>
      %dma_start3A_571 = tpu.memref_squeeze %dma_start3A_570 : memref<1x256xi32, #tpu.memory_space<vmem>> -> memref<256xi32, #tpu.memory_space<vmem>>
      %dma_start3A_572 = tpu.memref_slice %arg3[%add3A_563] : memref<131072xi32, #tpu.memory_space<hbm>> -> memref<256xi32, #tpu.memory_space<hbm>>
      tpu.enqueue_dma source(%dma_start3A_572 : memref<256xi32, #tpu.memory_space<hbm>>) target(%dma_start3A_571 : memref<256xi32, #tpu.memory_space<vmem>>) target_semaphore(%arg14 : memref<!tpu.dma_semaphore, #tpu.memory_space<semaphore_mem>>)
      %add3A_573 = arith.constant 106496 : i32
      %add3A_574 = arith.addi %add3A_573, %mul3A_2 : i32
      %dma_start3A_575 = arith.constant 26 : i32
      %dma_start3A_576 = arith.constant 0 : i32
      %dma_start3A_577 = tpu.memref_slice %arg5[%dma_start3A_575, %dma_start3A_576] : memref<32x256xi32, #tpu.memory_space<vmem>> -> memref<1x256xi32, #tpu.memory_space<vmem>>
      %dma_start3A_578 = tpu.memref_squeeze %dma_start3A_577 : memref<1x256xi32, #tpu.memory_space<vmem>> -> memref<256xi32, #tpu.memory_space<vmem>>
      %dma_start3A_579 = tpu.memref_slice %arg2[%add3A_574] : memref<131072xi32, #tpu.memory_space<hbm>> -> memref<256xi32, #tpu.memory_space<hbm>>
      %dma_start3A_580 = arith.constant 0 : i32
      %dma_start3A_581 = tpu.memref_slice %arg5[%dma_start3A_575, %dma_start3A_580] : memref<32x256xi32, #tpu.memory_space<vmem>> -> memref<1x256xi32, #tpu.memory_space<vmem>>
      %dma_start3A_582 = tpu.memref_squeeze %dma_start3A_581 : memref<1x256xi32, #tpu.memory_space<vmem>> -> memref<256xi32, #tpu.memory_space<vmem>>
      %dma_start3A_583 = tpu.memref_slice %arg2[%add3A_574] : memref<131072xi32, #tpu.memory_space<hbm>> -> memref<256xi32, #tpu.memory_space<hbm>>
      tpu.enqueue_dma source(%dma_start3A_583 : memref<256xi32, #tpu.memory_space<hbm>>) target(%dma_start3A_582 : memref<256xi32, #tpu.memory_space<vmem>>) target_semaphore(%arg14 : memref<!tpu.dma_semaphore, #tpu.memory_space<semaphore_mem>>)
      %add3A_584 = arith.constant 106496 : i32
      %add3A_585 = arith.addi %add3A_584, %mul3A_2 : i32
      %dma_start3A_586 = arith.constant 26 : i32
      %dma_start3A_587 = arith.constant 0 : i32
      %dma_start3A_588 = tpu.memref_slice %arg6[%dma_start3A_586, %dma_start3A_587] : memref<32x256xi32, #tpu.memory_space<vmem>> -> memref<1x256xi32, #tpu.memory_space<vmem>>
      %dma_start3A_589 = tpu.memref_squeeze %dma_start3A_588 : memref<1x256xi32, #tpu.memory_space<vmem>> -> memref<256xi32, #tpu.memory_space<vmem>>
      %dma_start3A_590 = tpu.memref_slice %arg3[%add3A_585] : memref<131072xi32, #tpu.memory_space<hbm>> -> memref<256xi32, #tpu.memory_space<hbm>>
      %dma_start3A_591 = arith.constant 0 : i32
      %dma_start3A_592 = tpu.memref_slice %arg6[%dma_start3A_586, %dma_start3A_591] : memref<32x256xi32, #tpu.memory_space<vmem>> -> memref<1x256xi32, #tpu.memory_space<vmem>>
      %dma_start3A_593 = tpu.memref_squeeze %dma_start3A_592 : memref<1x256xi32, #tpu.memory_space<vmem>> -> memref<256xi32, #tpu.memory_space<vmem>>
      %dma_start3A_594 = tpu.memref_slice %arg3[%add3A_585] : memref<131072xi32, #tpu.memory_space<hbm>> -> memref<256xi32, #tpu.memory_space<hbm>>
      tpu.enqueue_dma source(%dma_start3A_594 : memref<256xi32, #tpu.memory_space<hbm>>) target(%dma_start3A_593 : memref<256xi32, #tpu.memory_space<vmem>>) target_semaphore(%arg14 : memref<!tpu.dma_semaphore, #tpu.memory_space<semaphore_mem>>)
      %add3A_595 = arith.constant 110592 : i32
      %add3A_596 = arith.addi %add3A_595, %mul3A_2 : i32
      %dma_start3A_597 = arith.constant 27 : i32
      %dma_start3A_598 = arith.constant 0 : i32
      %dma_start3A_599 = tpu.memref_slice %arg5[%dma_start3A_597, %dma_start3A_598] : memref<32x256xi32, #tpu.memory_space<vmem>> -> memref<1x256xi32, #tpu.memory_space<vmem>>
      %dma_start3A_600 = tpu.memref_squeeze %dma_start3A_599 : memref<1x256xi32, #tpu.memory_space<vmem>> -> memref<256xi32, #tpu.memory_space<vmem>>
      %dma_start3A_601 = tpu.memref_slice %arg2[%add3A_596] : memref<131072xi32, #tpu.memory_space<hbm>> -> memref<256xi32, #tpu.memory_space<hbm>>
      %dma_start3A_602 = arith.constant 0 : i32
      %dma_start3A_603 = tpu.memref_slice %arg5[%dma_start3A_597, %dma_start3A_602] : memref<32x256xi32, #tpu.memory_space<vmem>> -> memref<1x256xi32, #tpu.memory_space<vmem>>
      %dma_start3A_604 = tpu.memref_squeeze %dma_start3A_603 : memref<1x256xi32, #tpu.memory_space<vmem>> -> memref<256xi32, #tpu.memory_space<vmem>>
      %dma_start3A_605 = tpu.memref_slice %arg2[%add3A_596] : memref<131072xi32, #tpu.memory_space<hbm>> -> memref<256xi32, #tpu.memory_space<hbm>>
      tpu.enqueue_dma source(%dma_start3A_605 : memref<256xi32, #tpu.memory_space<hbm>>) target(%dma_start3A_604 : memref<256xi32, #tpu.memory_space<vmem>>) target_semaphore(%arg14 : memref<!tpu.dma_semaphore, #tpu.memory_space<semaphore_mem>>)
      %add3A_606 = arith.constant 110592 : i32
      %add3A_607 = arith.addi %add3A_606, %mul3A_2 : i32
      %dma_start3A_608 = arith.constant 27 : i32
      %dma_start3A_609 = arith.constant 0 : i32
      %dma_start3A_610 = tpu.memref_slice %arg6[%dma_start3A_608, %dma_start3A_609] : memref<32x256xi32, #tpu.memory_space<vmem>> -> memref<1x256xi32, #tpu.memory_space<vmem>>
      %dma_start3A_611 = tpu.memref_squeeze %dma_start3A_610 : memref<1x256xi32, #tpu.memory_space<vmem>> -> memref<256xi32, #tpu.memory_space<vmem>>
      %dma_start3A_612 = tpu.memref_slice %arg3[%add3A_607] : memref<131072xi32, #tpu.memory_space<hbm>> -> memref<256xi32, #tpu.memory_space<hbm>>
      %dma_start3A_613 = arith.constant 0 : i32
      %dma_start3A_614 = tpu.memref_slice %arg6[%dma_start3A_608, %dma_start3A_613] : memref<32x256xi32, #tpu.memory_space<vmem>> -> memref<1x256xi32, #tpu.memory_space<vmem>>
      %dma_start3A_615 = tpu.memref_squeeze %dma_start3A_614 : memref<1x256xi32, #tpu.memory_space<vmem>> -> memref<256xi32, #tpu.memory_space<vmem>>
      %dma_start3A_616 = tpu.memref_slice %arg3[%add3A_607] : memref<131072xi32, #tpu.memory_space<hbm>> -> memref<256xi32, #tpu.memory_space<hbm>>
      tpu.enqueue_dma source(%dma_start3A_616 : memref<256xi32, #tpu.memory_space<hbm>>) target(%dma_start3A_615 : memref<256xi32, #tpu.memory_space<vmem>>) target_semaphore(%arg14 : memref<!tpu.dma_semaphore, #tpu.memory_space<semaphore_mem>>)
      %add3A_617 = arith.constant 114688 : i32
      %add3A_618 = arith.addi %add3A_617, %mul3A_2 : i32
      %dma_start3A_619 = arith.constant 28 : i32
      %dma_start3A_620 = arith.constant 0 : i32
      %dma_start3A_621 = tpu.memref_slice %arg5[%dma_start3A_619, %dma_start3A_620] : memref<32x256xi32, #tpu.memory_space<vmem>> -> memref<1x256xi32, #tpu.memory_space<vmem>>
      %dma_start3A_622 = tpu.memref_squeeze %dma_start3A_621 : memref<1x256xi32, #tpu.memory_space<vmem>> -> memref<256xi32, #tpu.memory_space<vmem>>
      %dma_start3A_623 = tpu.memref_slice %arg2[%add3A_618] : memref<131072xi32, #tpu.memory_space<hbm>> -> memref<256xi32, #tpu.memory_space<hbm>>
      %dma_start3A_624 = arith.constant 0 : i32
      %dma_start3A_625 = tpu.memref_slice %arg5[%dma_start3A_619, %dma_start3A_624] : memref<32x256xi32, #tpu.memory_space<vmem>> -> memref<1x256xi32, #tpu.memory_space<vmem>>
      %dma_start3A_626 = tpu.memref_squeeze %dma_start3A_625 : memref<1x256xi32, #tpu.memory_space<vmem>> -> memref<256xi32, #tpu.memory_space<vmem>>
      %dma_start3A_627 = tpu.memref_slice %arg2[%add3A_618] : memref<131072xi32, #tpu.memory_space<hbm>> -> memref<256xi32, #tpu.memory_space<hbm>>
      tpu.enqueue_dma source(%dma_start3A_627 : memref<256xi32, #tpu.memory_space<hbm>>) target(%dma_start3A_626 : memref<256xi32, #tpu.memory_space<vmem>>) target_semaphore(%arg14 : memref<!tpu.dma_semaphore, #tpu.memory_space<semaphore_mem>>)
      %add3A_628 = arith.constant 114688 : i32
      %add3A_629 = arith.addi %add3A_628, %mul3A_2 : i32
      %dma_start3A_630 = arith.constant 28 : i32
      %dma_start3A_631 = arith.constant 0 : i32
      %dma_start3A_632 = tpu.memref_slice %arg6[%dma_start3A_630, %dma_start3A_631] : memref<32x256xi32, #tpu.memory_space<vmem>> -> memref<1x256xi32, #tpu.memory_space<vmem>>
      %dma_start3A_633 = tpu.memref_squeeze %dma_start3A_632 : memref<1x256xi32, #tpu.memory_space<vmem>> -> memref<256xi32, #tpu.memory_space<vmem>>
      %dma_start3A_634 = tpu.memref_slice %arg3[%add3A_629] : memref<131072xi32, #tpu.memory_space<hbm>> -> memref<256xi32, #tpu.memory_space<hbm>>
      %dma_start3A_635 = arith.constant 0 : i32
      %dma_start3A_636 = tpu.memref_slice %arg6[%dma_start3A_630, %dma_start3A_635] : memref<32x256xi32, #tpu.memory_space<vmem>> -> memref<1x256xi32, #tpu.memory_space<vmem>>
      %dma_start3A_637 = tpu.memref_squeeze %dma_start3A_636 : memref<1x256xi32, #tpu.memory_space<vmem>> -> memref<256xi32, #tpu.memory_space<vmem>>
      %dma_start3A_638 = tpu.memref_slice %arg3[%add3A_629] : memref<131072xi32, #tpu.memory_space<hbm>> -> memref<256xi32, #tpu.memory_space<hbm>>
      tpu.enqueue_dma source(%dma_start3A_638 : memref<256xi32, #tpu.memory_space<hbm>>) target(%dma_start3A_637 : memref<256xi32, #tpu.memory_space<vmem>>) target_semaphore(%arg14 : memref<!tpu.dma_semaphore, #tpu.memory_space<semaphore_mem>>)
      %add3A_639 = arith.constant 118784 : i32
      %add3A_640 = arith.addi %add3A_639, %mul3A_2 : i32
      %dma_start3A_641 = arith.constant 29 : i32
      %dma_start3A_642 = arith.constant 0 : i32
      %dma_start3A_643 = tpu.memref_slice %arg5[%dma_start3A_641, %dma_start3A_642] : memref<32x256xi32, #tpu.memory_space<vmem>> -> memref<1x256xi32, #tpu.memory_space<vmem>>
      %dma_start3A_644 = tpu.memref_squeeze %dma_start3A_643 : memref<1x256xi32, #tpu.memory_space<vmem>> -> memref<256xi32, #tpu.memory_space<vmem>>
      %dma_start3A_645 = tpu.memref_slice %arg2[%add3A_640] : memref<131072xi32, #tpu.memory_space<hbm>> -> memref<256xi32, #tpu.memory_space<hbm>>
      %dma_start3A_646 = arith.constant 0 : i32
      %dma_start3A_647 = tpu.memref_slice %arg5[%dma_start3A_641, %dma_start3A_646] : memref<32x256xi32, #tpu.memory_space<vmem>> -> memref<1x256xi32, #tpu.memory_space<vmem>>
      %dma_start3A_648 = tpu.memref_squeeze %dma_start3A_647 : memref<1x256xi32, #tpu.memory_space<vmem>> -> memref<256xi32, #tpu.memory_space<vmem>>
      %dma_start3A_649 = tpu.memref_slice %arg2[%add3A_640] : memref<131072xi32, #tpu.memory_space<hbm>> -> memref<256xi32, #tpu.memory_space<hbm>>
      tpu.enqueue_dma source(%dma_start3A_649 : memref<256xi32, #tpu.memory_space<hbm>>) target(%dma_start3A_648 : memref<256xi32, #tpu.memory_space<vmem>>) target_semaphore(%arg14 : memref<!tpu.dma_semaphore, #tpu.memory_space<semaphore_mem>>)
      %add3A_650 = arith.constant 118784 : i32
      %add3A_651 = arith.addi %add3A_650, %mul3A_2 : i32
      %dma_start3A_652 = arith.constant 29 : i32
      %dma_start3A_653 = arith.constant 0 : i32
      %dma_start3A_654 = tpu.memref_slice %arg6[%dma_start3A_652, %dma_start3A_653] : memref<32x256xi32, #tpu.memory_space<vmem>> -> memref<1x256xi32, #tpu.memory_space<vmem>>
      %dma_start3A_655 = tpu.memref_squeeze %dma_start3A_654 : memref<1x256xi32, #tpu.memory_space<vmem>> -> memref<256xi32, #tpu.memory_space<vmem>>
      %dma_start3A_656 = tpu.memref_slice %arg3[%add3A_651] : memref<131072xi32, #tpu.memory_space<hbm>> -> memref<256xi32, #tpu.memory_space<hbm>>
      %dma_start3A_657 = arith.constant 0 : i32
      %dma_start3A_658 = tpu.memref_slice %arg6[%dma_start3A_652, %dma_start3A_657] : memref<32x256xi32, #tpu.memory_space<vmem>> -> memref<1x256xi32, #tpu.memory_space<vmem>>
      %dma_start3A_659 = tpu.memref_squeeze %dma_start3A_658 : memref<1x256xi32, #tpu.memory_space<vmem>> -> memref<256xi32, #tpu.memory_space<vmem>>
      %dma_start3A_660 = tpu.memref_slice %arg3[%add3A_651] : memref<131072xi32, #tpu.memory_space<hbm>> -> memref<256xi32, #tpu.memory_space<hbm>>
      tpu.enqueue_dma source(%dma_start3A_660 : memref<256xi32, #tpu.memory_space<hbm>>) target(%dma_start3A_659 : memref<256xi32, #tpu.memory_space<vmem>>) target_semaphore(%arg14 : memref<!tpu.dma_semaphore, #tpu.memory_space<semaphore_mem>>)
      %add3A_661 = arith.constant 122880 : i32
      %add3A_662 = arith.addi %add3A_661, %mul3A_2 : i32
      %dma_start3A_663 = arith.constant 30 : i32
      %dma_start3A_664 = arith.constant 0 : i32
      %dma_start3A_665 = tpu.memref_slice %arg5[%dma_start3A_663, %dma_start3A_664] : memref<32x256xi32, #tpu.memory_space<vmem>> -> memref<1x256xi32, #tpu.memory_space<vmem>>
      %dma_start3A_666 = tpu.memref_squeeze %dma_start3A_665 : memref<1x256xi32, #tpu.memory_space<vmem>> -> memref<256xi32, #tpu.memory_space<vmem>>
      %dma_start3A_667 = tpu.memref_slice %arg2[%add3A_662] : memref<131072xi32, #tpu.memory_space<hbm>> -> memref<256xi32, #tpu.memory_space<hbm>>
      %dma_start3A_668 = arith.constant 0 : i32
      %dma_start3A_669 = tpu.memref_slice %arg5[%dma_start3A_663, %dma_start3A_668] : memref<32x256xi32, #tpu.memory_space<vmem>> -> memref<1x256xi32, #tpu.memory_space<vmem>>
      %dma_start3A_670 = tpu.memref_squeeze %dma_start3A_669 : memref<1x256xi32, #tpu.memory_space<vmem>> -> memref<256xi32, #tpu.memory_space<vmem>>
      %dma_start3A_671 = tpu.memref_slice %arg2[%add3A_662] : memref<131072xi32, #tpu.memory_space<hbm>> -> memref<256xi32, #tpu.memory_space<hbm>>
      tpu.enqueue_dma source(%dma_start3A_671 : memref<256xi32, #tpu.memory_space<hbm>>) target(%dma_start3A_670 : memref<256xi32, #tpu.memory_space<vmem>>) target_semaphore(%arg14 : memref<!tpu.dma_semaphore, #tpu.memory_space<semaphore_mem>>)
      %add3A_672 = arith.constant 122880 : i32
      %add3A_673 = arith.addi %add3A_672, %mul3A_2 : i32
      %dma_start3A_674 = arith.constant 30 : i32
      %dma_start3A_675 = arith.constant 0 : i32
      %dma_start3A_676 = tpu.memref_slice %arg6[%dma_start3A_674, %dma_start3A_675] : memref<32x256xi32, #tpu.memory_space<vmem>> -> memref<1x256xi32, #tpu.memory_space<vmem>>
      %dma_start3A_677 = tpu.memref_squeeze %dma_start3A_676 : memref<1x256xi32, #tpu.memory_space<vmem>> -> memref<256xi32, #tpu.memory_space<vmem>>
      %dma_start3A_678 = tpu.memref_slice %arg3[%add3A_673] : memref<131072xi32, #tpu.memory_space<hbm>> -> memref<256xi32, #tpu.memory_space<hbm>>
      %dma_start3A_679 = arith.constant 0 : i32
      %dma_start3A_680 = tpu.memref_slice %arg6[%dma_start3A_674, %dma_start3A_679] : memref<32x256xi32, #tpu.memory_space<vmem>> -> memref<1x256xi32, #tpu.memory_space<vmem>>
      %dma_start3A_681 = tpu.memref_squeeze %dma_start3A_680 : memref<1x256xi32, #tpu.memory_space<vmem>> -> memref<256xi32, #tpu.memory_space<vmem>>
      %dma_start3A_682 = tpu.memref_slice %arg3[%add3A_673] : memref<131072xi32, #tpu.memory_space<hbm>> -> memref<256xi32, #tpu.memory_space<hbm>>
      tpu.enqueue_dma source(%dma_start3A_682 : memref<256xi32, #tpu.memory_space<hbm>>) target(%dma_start3A_681 : memref<256xi32, #tpu.memory_space<vmem>>) target_semaphore(%arg14 : memref<!tpu.dma_semaphore, #tpu.memory_space<semaphore_mem>>)
      %add3A_683 = arith.constant 126976 : i32
      %add3A_684 = arith.addi %add3A_683, %mul3A_2 : i32
      %dma_start3A_685 = arith.constant 31 : i32
      %dma_start3A_686 = arith.constant 0 : i32
      %dma_start3A_687 = tpu.memref_slice %arg5[%dma_start3A_685, %dma_start3A_686] : memref<32x256xi32, #tpu.memory_space<vmem>> -> memref<1x256xi32, #tpu.memory_space<vmem>>
      %dma_start3A_688 = tpu.memref_squeeze %dma_start3A_687 : memref<1x256xi32, #tpu.memory_space<vmem>> -> memref<256xi32, #tpu.memory_space<vmem>>
      %dma_start3A_689 = tpu.memref_slice %arg2[%add3A_684] : memref<131072xi32, #tpu.memory_space<hbm>> -> memref<256xi32, #tpu.memory_space<hbm>>
      %dma_start3A_690 = arith.constant 0 : i32
      %dma_start3A_691 = tpu.memref_slice %arg5[%dma_start3A_685, %dma_start3A_690] : memref<32x256xi32, #tpu.memory_space<vmem>> -> memref<1x256xi32, #tpu.memory_space<vmem>>
      %dma_start3A_692 = tpu.memref_squeeze %dma_start3A_691 : memref<1x256xi32, #tpu.memory_space<vmem>> -> memref<256xi32, #tpu.memory_space<vmem>>
      %dma_start3A_693 = tpu.memref_slice %arg2[%add3A_684] : memref<131072xi32, #tpu.memory_space<hbm>> -> memref<256xi32, #tpu.memory_space<hbm>>
      tpu.enqueue_dma source(%dma_start3A_693 : memref<256xi32, #tpu.memory_space<hbm>>) target(%dma_start3A_692 : memref<256xi32, #tpu.memory_space<vmem>>) target_semaphore(%arg14 : memref<!tpu.dma_semaphore, #tpu.memory_space<semaphore_mem>>)
      %add3A_694 = arith.constant 126976 : i32
      %add3A_695 = arith.addi %add3A_694, %mul3A_2 : i32
      %dma_start3A_696 = arith.constant 31 : i32
      %dma_start3A_697 = arith.constant 0 : i32
      %dma_start3A_698 = tpu.memref_slice %arg6[%dma_start3A_696, %dma_start3A_697] : memref<32x256xi32, #tpu.memory_space<vmem>> -> memref<1x256xi32, #tpu.memory_space<vmem>>
      %dma_start3A_699 = tpu.memref_squeeze %dma_start3A_698 : memref<1x256xi32, #tpu.memory_space<vmem>> -> memref<256xi32, #tpu.memory_space<vmem>>
      %dma_start3A_700 = tpu.memref_slice %arg3[%add3A_695] : memref<131072xi32, #tpu.memory_space<hbm>> -> memref<256xi32, #tpu.memory_space<hbm>>
      %dma_start3A_701 = arith.constant 0 : i32
      %dma_start3A_702 = tpu.memref_slice %arg6[%dma_start3A_696, %dma_start3A_701] : memref<32x256xi32, #tpu.memory_space<vmem>> -> memref<1x256xi32, #tpu.memory_space<vmem>>
      %dma_start3A_703 = tpu.memref_squeeze %dma_start3A_702 : memref<1x256xi32, #tpu.memory_space<vmem>> -> memref<256xi32, #tpu.memory_space<vmem>>
      %dma_start3A_704 = tpu.memref_slice %arg3[%add3A_695] : memref<131072xi32, #tpu.memory_space<hbm>> -> memref<256xi32, #tpu.memory_space<hbm>>
      tpu.enqueue_dma source(%dma_start3A_704 : memref<256xi32, #tpu.memory_space<hbm>>) target(%dma_start3A_703 : memref<256xi32, #tpu.memory_space<vmem>>) target_semaphore(%arg14 : memref<!tpu.dma_semaphore, #tpu.memory_space<semaphore_mem>>)
      %add3A_705 = arith.constant 0 : i32
      %add3A_706 = arith.addi %add3A_705, %mul3A_2 : i32
      %dma_wait3A = arith.constant 0 : i32
      %dma_wait3A_707 = arith.constant 0 : i32
      %dma_wait3A_708 = tpu.memref_slice %arg5[%dma_wait3A, %dma_wait3A_707] : memref<32x256xi32, #tpu.memory_space<vmem>> -> memref<1x256xi32, #tpu.memory_space<vmem>>
      %dma_wait3A_709 = tpu.memref_squeeze %dma_wait3A_708 : memref<1x256xi32, #tpu.memory_space<vmem>> -> memref<256xi32, #tpu.memory_space<vmem>>
      %dma_wait3A_710 = tpu.memref_slice %arg2[%add3A_706] : memref<131072xi32, #tpu.memory_space<hbm>> -> memref<256xi32, #tpu.memory_space<hbm>>
      %dma_wait3A_711 = arith.constant 0 : i32
      %dma_wait3A_712 = tpu.memref_slice %arg5[%dma_wait3A, %dma_wait3A_711] : memref<32x256xi32, #tpu.memory_space<vmem>> -> memref<1x256xi32, #tpu.memory_space<vmem>>
      %dma_wait3A_713 = tpu.memref_squeeze %dma_wait3A_712 : memref<1x256xi32, #tpu.memory_space<vmem>> -> memref<256xi32, #tpu.memory_space<vmem>>
      %dma_wait3A_714 = tpu.memref_slice %arg2[%add3A_706] : memref<131072xi32, #tpu.memory_space<hbm>> -> memref<256xi32, #tpu.memory_space<hbm>>
      tpu.wait_dma2 semaphore(%arg14 : memref<!tpu.dma_semaphore, #tpu.memory_space<semaphore_mem>>) src(%dma_wait3A_714 : memref<256xi32, #tpu.memory_space<hbm>>) dst(%dma_wait3A_713 : memref<256xi32, #tpu.memory_space<vmem>>)
      %add3A_715 = arith.constant 0 : i32
      %add3A_716 = arith.addi %add3A_715, %mul3A_2 : i32
      %dma_wait3A_717 = arith.constant 0 : i32
      %dma_wait3A_718 = arith.constant 0 : i32
      %dma_wait3A_719 = tpu.memref_slice %arg6[%dma_wait3A_717, %dma_wait3A_718] : memref<32x256xi32, #tpu.memory_space<vmem>> -> memref<1x256xi32, #tpu.memory_space<vmem>>
      %dma_wait3A_720 = tpu.memref_squeeze %dma_wait3A_719 : memref<1x256xi32, #tpu.memory_space<vmem>> -> memref<256xi32, #tpu.memory_space<vmem>>
      %dma_wait3A_721 = tpu.memref_slice %arg3[%add3A_716] : memref<131072xi32, #tpu.memory_space<hbm>> -> memref<256xi32, #tpu.memory_space<hbm>>
      %dma_wait3A_722 = arith.constant 0 : i32
      %dma_wait3A_723 = tpu.memref_slice %arg6[%dma_wait3A_717, %dma_wait3A_722] : memref<32x256xi32, #tpu.memory_space<vmem>> -> memref<1x256xi32, #tpu.memory_space<vmem>>
      %dma_wait3A_724 = tpu.memref_squeeze %dma_wait3A_723 : memref<1x256xi32, #tpu.memory_space<vmem>> -> memref<256xi32, #tpu.memory_space<vmem>>
      %dma_wait3A_725 = tpu.memref_slice %arg3[%add3A_716] : memref<131072xi32, #tpu.memory_space<hbm>> -> memref<256xi32, #tpu.memory_space<hbm>>
      tpu.wait_dma2 semaphore(%arg14 : memref<!tpu.dma_semaphore, #tpu.memory_space<semaphore_mem>>) src(%dma_wait3A_725 : memref<256xi32, #tpu.memory_space<hbm>>) dst(%dma_wait3A_724 : memref<256xi32, #tpu.memory_space<vmem>>)
      %add3A_726 = arith.constant 4096 : i32
      %add3A_727 = arith.addi %add3A_726, %mul3A_2 : i32
      %dma_wait3A_728 = arith.constant 1 : i32
      %dma_wait3A_729 = arith.constant 0 : i32
      %dma_wait3A_730 = tpu.memref_slice %arg5[%dma_wait3A_728, %dma_wait3A_729] : memref<32x256xi32, #tpu.memory_space<vmem>> -> memref<1x256xi32, #tpu.memory_space<vmem>>
      %dma_wait3A_731 = tpu.memref_squeeze %dma_wait3A_730 : memref<1x256xi32, #tpu.memory_space<vmem>> -> memref<256xi32, #tpu.memory_space<vmem>>
      %dma_wait3A_732 = tpu.memref_slice %arg2[%add3A_727] : memref<131072xi32, #tpu.memory_space<hbm>> -> memref<256xi32, #tpu.memory_space<hbm>>
      %dma_wait3A_733 = arith.constant 0 : i32
      %dma_wait3A_734 = tpu.memref_slice %arg5[%dma_wait3A_728, %dma_wait3A_733] : memref<32x256xi32, #tpu.memory_space<vmem>> -> memref<1x256xi32, #tpu.memory_space<vmem>>
      %dma_wait3A_735 = tpu.memref_squeeze %dma_wait3A_734 : memref<1x256xi32, #tpu.memory_space<vmem>> -> memref<256xi32, #tpu.memory_space<vmem>>
      %dma_wait3A_736 = tpu.memref_slice %arg2[%add3A_727] : memref<131072xi32, #tpu.memory_space<hbm>> -> memref<256xi32, #tpu.memory_space<hbm>>
      tpu.wait_dma2 semaphore(%arg14 : memref<!tpu.dma_semaphore, #tpu.memory_space<semaphore_mem>>) src(%dma_wait3A_736 : memref<256xi32, #tpu.memory_space<hbm>>) dst(%dma_wait3A_735 : memref<256xi32, #tpu.memory_space<vmem>>)
      %add3A_737 = arith.constant 4096 : i32
      %add3A_738 = arith.addi %add3A_737, %mul3A_2 : i32
      %dma_wait3A_739 = arith.constant 1 : i32
      %dma_wait3A_740 = arith.constant 0 : i32
      %dma_wait3A_741 = tpu.memref_slice %arg6[%dma_wait3A_739, %dma_wait3A_740] : memref<32x256xi32, #tpu.memory_space<vmem>> -> memref<1x256xi32, #tpu.memory_space<vmem>>
      %dma_wait3A_742 = tpu.memref_squeeze %dma_wait3A_741 : memref<1x256xi32, #tpu.memory_space<vmem>> -> memref<256xi32, #tpu.memory_space<vmem>>
      %dma_wait3A_743 = tpu.memref_slice %arg3[%add3A_738] : memref<131072xi32, #tpu.memory_space<hbm>> -> memref<256xi32, #tpu.memory_space<hbm>>
      %dma_wait3A_744 = arith.constant 0 : i32
      %dma_wait3A_745 = tpu.memref_slice %arg6[%dma_wait3A_739, %dma_wait3A_744] : memref<32x256xi32, #tpu.memory_space<vmem>> -> memref<1x256xi32, #tpu.memory_space<vmem>>
      %dma_wait3A_746 = tpu.memref_squeeze %dma_wait3A_745 : memref<1x256xi32, #tpu.memory_space<vmem>> -> memref<256xi32, #tpu.memory_space<vmem>>
      %dma_wait3A_747 = tpu.memref_slice %arg3[%add3A_738] : memref<131072xi32, #tpu.memory_space<hbm>> -> memref<256xi32, #tpu.memory_space<hbm>>
      tpu.wait_dma2 semaphore(%arg14 : memref<!tpu.dma_semaphore, #tpu.memory_space<semaphore_mem>>) src(%dma_wait3A_747 : memref<256xi32, #tpu.memory_space<hbm>>) dst(%dma_wait3A_746 : memref<256xi32, #tpu.memory_space<vmem>>)
      %add3A_748 = arith.constant 8192 : i32
      %add3A_749 = arith.addi %add3A_748, %mul3A_2 : i32
      %dma_wait3A_750 = arith.constant 2 : i32
      %dma_wait3A_751 = arith.constant 0 : i32
      %dma_wait3A_752 = tpu.memref_slice %arg5[%dma_wait3A_750, %dma_wait3A_751] : memref<32x256xi32, #tpu.memory_space<vmem>> -> memref<1x256xi32, #tpu.memory_space<vmem>>
      %dma_wait3A_753 = tpu.memref_squeeze %dma_wait3A_752 : memref<1x256xi32, #tpu.memory_space<vmem>> -> memref<256xi32, #tpu.memory_space<vmem>>
      %dma_wait3A_754 = tpu.memref_slice %arg2[%add3A_749] : memref<131072xi32, #tpu.memory_space<hbm>> -> memref<256xi32, #tpu.memory_space<hbm>>
      %dma_wait3A_755 = arith.constant 0 : i32
      %dma_wait3A_756 = tpu.memref_slice %arg5[%dma_wait3A_750, %dma_wait3A_755] : memref<32x256xi32, #tpu.memory_space<vmem>> -> memref<1x256xi32, #tpu.memory_space<vmem>>
      %dma_wait3A_757 = tpu.memref_squeeze %dma_wait3A_756 : memref<1x256xi32, #tpu.memory_space<vmem>> -> memref<256xi32, #tpu.memory_space<vmem>>
      %dma_wait3A_758 = tpu.memref_slice %arg2[%add3A_749] : memref<131072xi32, #tpu.memory_space<hbm>> -> memref<256xi32, #tpu.memory_space<hbm>>
      tpu.wait_dma2 semaphore(%arg14 : memref<!tpu.dma_semaphore, #tpu.memory_space<semaphore_mem>>) src(%dma_wait3A_758 : memref<256xi32, #tpu.memory_space<hbm>>) dst(%dma_wait3A_757 : memref<256xi32, #tpu.memory_space<vmem>>)
      %add3A_759 = arith.constant 8192 : i32
      %add3A_760 = arith.addi %add3A_759, %mul3A_2 : i32
      %dma_wait3A_761 = arith.constant 2 : i32
      %dma_wait3A_762 = arith.constant 0 : i32
      %dma_wait3A_763 = tpu.memref_slice %arg6[%dma_wait3A_761, %dma_wait3A_762] : memref<32x256xi32, #tpu.memory_space<vmem>> -> memref<1x256xi32, #tpu.memory_space<vmem>>
      %dma_wait3A_764 = tpu.memref_squeeze %dma_wait3A_763 : memref<1x256xi32, #tpu.memory_space<vmem>> -> memref<256xi32, #tpu.memory_space<vmem>>
      %dma_wait3A_765 = tpu.memref_slice %arg3[%add3A_760] : memref<131072xi32, #tpu.memory_space<hbm>> -> memref<256xi32, #tpu.memory_space<hbm>>
      %dma_wait3A_766 = arith.constant 0 : i32
      %dma_wait3A_767 = tpu.memref_slice %arg6[%dma_wait3A_761, %dma_wait3A_766] : memref<32x256xi32, #tpu.memory_space<vmem>> -> memref<1x256xi32, #tpu.memory_space<vmem>>
      %dma_wait3A_768 = tpu.memref_squeeze %dma_wait3A_767 : memref<1x256xi32, #tpu.memory_space<vmem>> -> memref<256xi32, #tpu.memory_space<vmem>>
      %dma_wait3A_769 = tpu.memref_slice %arg3[%add3A_760] : memref<131072xi32, #tpu.memory_space<hbm>> -> memref<256xi32, #tpu.memory_space<hbm>>
      tpu.wait_dma2 semaphore(%arg14 : memref<!tpu.dma_semaphore, #tpu.memory_space<semaphore_mem>>) src(%dma_wait3A_769 : memref<256xi32, #tpu.memory_space<hbm>>) dst(%dma_wait3A_768 : memref<256xi32, #tpu.memory_space<vmem>>)
      %add3A_770 = arith.constant 12288 : i32
      %add3A_771 = arith.addi %add3A_770, %mul3A_2 : i32
      %dma_wait3A_772 = arith.constant 3 : i32
      %dma_wait3A_773 = arith.constant 0 : i32
      %dma_wait3A_774 = tpu.memref_slice %arg5[%dma_wait3A_772, %dma_wait3A_773] : memref<32x256xi32, #tpu.memory_space<vmem>> -> memref<1x256xi32, #tpu.memory_space<vmem>>
      %dma_wait3A_775 = tpu.memref_squeeze %dma_wait3A_774 : memref<1x256xi32, #tpu.memory_space<vmem>> -> memref<256xi32, #tpu.memory_space<vmem>>
      %dma_wait3A_776 = tpu.memref_slice %arg2[%add3A_771] : memref<131072xi32, #tpu.memory_space<hbm>> -> memref<256xi32, #tpu.memory_space<hbm>>
      %dma_wait3A_777 = arith.constant 0 : i32
      %dma_wait3A_778 = tpu.memref_slice %arg5[%dma_wait3A_772, %dma_wait3A_777] : memref<32x256xi32, #tpu.memory_space<vmem>> -> memref<1x256xi32, #tpu.memory_space<vmem>>
      %dma_wait3A_779 = tpu.memref_squeeze %dma_wait3A_778 : memref<1x256xi32, #tpu.memory_space<vmem>> -> memref<256xi32, #tpu.memory_space<vmem>>
      %dma_wait3A_780 = tpu.memref_slice %arg2[%add3A_771] : memref<131072xi32, #tpu.memory_space<hbm>> -> memref<256xi32, #tpu.memory_space<hbm>>
      tpu.wait_dma2 semaphore(%arg14 : memref<!tpu.dma_semaphore, #tpu.memory_space<semaphore_mem>>) src(%dma_wait3A_780 : memref<256xi32, #tpu.memory_space<hbm>>) dst(%dma_wait3A_779 : memref<256xi32, #tpu.memory_space<vmem>>)
      %add3A_781 = arith.constant 12288 : i32
      %add3A_782 = arith.addi %add3A_781, %mul3A_2 : i32
      %dma_wait3A_783 = arith.constant 3 : i32
      %dma_wait3A_784 = arith.constant 0 : i32
      %dma_wait3A_785 = tpu.memref_slice %arg6[%dma_wait3A_783, %dma_wait3A_784] : memref<32x256xi32, #tpu.memory_space<vmem>> -> memref<1x256xi32, #tpu.memory_space<vmem>>
      %dma_wait3A_786 = tpu.memref_squeeze %dma_wait3A_785 : memref<1x256xi32, #tpu.memory_space<vmem>> -> memref<256xi32, #tpu.memory_space<vmem>>
      %dma_wait3A_787 = tpu.memref_slice %arg3[%add3A_782] : memref<131072xi32, #tpu.memory_space<hbm>> -> memref<256xi32, #tpu.memory_space<hbm>>
      %dma_wait3A_788 = arith.constant 0 : i32
      %dma_wait3A_789 = tpu.memref_slice %arg6[%dma_wait3A_783, %dma_wait3A_788] : memref<32x256xi32, #tpu.memory_space<vmem>> -> memref<1x256xi32, #tpu.memory_space<vmem>>
      %dma_wait3A_790 = tpu.memref_squeeze %dma_wait3A_789 : memref<1x256xi32, #tpu.memory_space<vmem>> -> memref<256xi32, #tpu.memory_space<vmem>>
      %dma_wait3A_791 = tpu.memref_slice %arg3[%add3A_782] : memref<131072xi32, #tpu.memory_space<hbm>> -> memref<256xi32, #tpu.memory_space<hbm>>
      tpu.wait_dma2 semaphore(%arg14 : memref<!tpu.dma_semaphore, #tpu.memory_space<semaphore_mem>>) src(%dma_wait3A_791 : memref<256xi32, #tpu.memory_space<hbm>>) dst(%dma_wait3A_790 : memref<256xi32, #tpu.memory_space<vmem>>)
      %add3A_792 = arith.constant 16384 : i32
      %add3A_793 = arith.addi %add3A_792, %mul3A_2 : i32
      %dma_wait3A_794 = arith.constant 4 : i32
      %dma_wait3A_795 = arith.constant 0 : i32
      %dma_wait3A_796 = tpu.memref_slice %arg5[%dma_wait3A_794, %dma_wait3A_795] : memref<32x256xi32, #tpu.memory_space<vmem>> -> memref<1x256xi32, #tpu.memory_space<vmem>>
      %dma_wait3A_797 = tpu.memref_squeeze %dma_wait3A_796 : memref<1x256xi32, #tpu.memory_space<vmem>> -> memref<256xi32, #tpu.memory_space<vmem>>
      %dma_wait3A_798 = tpu.memref_slice %arg2[%add3A_793] : memref<131072xi32, #tpu.memory_space<hbm>> -> memref<256xi32, #tpu.memory_space<hbm>>
      %dma_wait3A_799 = arith.constant 0 : i32
      %dma_wait3A_800 = tpu.memref_slice %arg5[%dma_wait3A_794, %dma_wait3A_799] : memref<32x256xi32, #tpu.memory_space<vmem>> -> memref<1x256xi32, #tpu.memory_space<vmem>>
      %dma_wait3A_801 = tpu.memref_squeeze %dma_wait3A_800 : memref<1x256xi32, #tpu.memory_space<vmem>> -> memref<256xi32, #tpu.memory_space<vmem>>
      %dma_wait3A_802 = tpu.memref_slice %arg2[%add3A_793] : memref<131072xi32, #tpu.memory_space<hbm>> -> memref<256xi32, #tpu.memory_space<hbm>>
      tpu.wait_dma2 semaphore(%arg14 : memref<!tpu.dma_semaphore, #tpu.memory_space<semaphore_mem>>) src(%dma_wait3A_802 : memref<256xi32, #tpu.memory_space<hbm>>) dst(%dma_wait3A_801 : memref<256xi32, #tpu.memory_space<vmem>>)
      %add3A_803 = arith.constant 16384 : i32
      %add3A_804 = arith.addi %add3A_803, %mul3A_2 : i32
      %dma_wait3A_805 = arith.constant 4 : i32
      %dma_wait3A_806 = arith.constant 0 : i32
      %dma_wait3A_807 = tpu.memref_slice %arg6[%dma_wait3A_805, %dma_wait3A_806] : memref<32x256xi32, #tpu.memory_space<vmem>> -> memref<1x256xi32, #tpu.memory_space<vmem>>
      %dma_wait3A_808 = tpu.memref_squeeze %dma_wait3A_807 : memref<1x256xi32, #tpu.memory_space<vmem>> -> memref<256xi32, #tpu.memory_space<vmem>>
      %dma_wait3A_809 = tpu.memref_slice %arg3[%add3A_804] : memref<131072xi32, #tpu.memory_space<hbm>> -> memref<256xi32, #tpu.memory_space<hbm>>
      %dma_wait3A_810 = arith.constant 0 : i32
      %dma_wait3A_811 = tpu.memref_slice %arg6[%dma_wait3A_805, %dma_wait3A_810] : memref<32x256xi32, #tpu.memory_space<vmem>> -> memref<1x256xi32, #tpu.memory_space<vmem>>
      %dma_wait3A_812 = tpu.memref_squeeze %dma_wait3A_811 : memref<1x256xi32, #tpu.memory_space<vmem>> -> memref<256xi32, #tpu.memory_space<vmem>>
      %dma_wait3A_813 = tpu.memref_slice %arg3[%add3A_804] : memref<131072xi32, #tpu.memory_space<hbm>> -> memref<256xi32, #tpu.memory_space<hbm>>
      tpu.wait_dma2 semaphore(%arg14 : memref<!tpu.dma_semaphore, #tpu.memory_space<semaphore_mem>>) src(%dma_wait3A_813 : memref<256xi32, #tpu.memory_space<hbm>>) dst(%dma_wait3A_812 : memref<256xi32, #tpu.memory_space<vmem>>)
      %add3A_814 = arith.constant 20480 : i32
      %add3A_815 = arith.addi %add3A_814, %mul3A_2 : i32
      %dma_wait3A_816 = arith.constant 5 : i32
      %dma_wait3A_817 = arith.constant 0 : i32
      %dma_wait3A_818 = tpu.memref_slice %arg5[%dma_wait3A_816, %dma_wait3A_817] : memref<32x256xi32, #tpu.memory_space<vmem>> -> memref<1x256xi32, #tpu.memory_space<vmem>>
      %dma_wait3A_819 = tpu.memref_squeeze %dma_wait3A_818 : memref<1x256xi32, #tpu.memory_space<vmem>> -> memref<256xi32, #tpu.memory_space<vmem>>
      %dma_wait3A_820 = tpu.memref_slice %arg2[%add3A_815] : memref<131072xi32, #tpu.memory_space<hbm>> -> memref<256xi32, #tpu.memory_space<hbm>>
      %dma_wait3A_821 = arith.constant 0 : i32
      %dma_wait3A_822 = tpu.memref_slice %arg5[%dma_wait3A_816, %dma_wait3A_821] : memref<32x256xi32, #tpu.memory_space<vmem>> -> memref<1x256xi32, #tpu.memory_space<vmem>>
      %dma_wait3A_823 = tpu.memref_squeeze %dma_wait3A_822 : memref<1x256xi32, #tpu.memory_space<vmem>> -> memref<256xi32, #tpu.memory_space<vmem>>
      %dma_wait3A_824 = tpu.memref_slice %arg2[%add3A_815] : memref<131072xi32, #tpu.memory_space<hbm>> -> memref<256xi32, #tpu.memory_space<hbm>>
      tpu.wait_dma2 semaphore(%arg14 : memref<!tpu.dma_semaphore, #tpu.memory_space<semaphore_mem>>) src(%dma_wait3A_824 : memref<256xi32, #tpu.memory_space<hbm>>) dst(%dma_wait3A_823 : memref<256xi32, #tpu.memory_space<vmem>>)
      %add3A_825 = arith.constant 20480 : i32
      %add3A_826 = arith.addi %add3A_825, %mul3A_2 : i32
      %dma_wait3A_827 = arith.constant 5 : i32
      %dma_wait3A_828 = arith.constant 0 : i32
      %dma_wait3A_829 = tpu.memref_slice %arg6[%dma_wait3A_827, %dma_wait3A_828] : memref<32x256xi32, #tpu.memory_space<vmem>> -> memref<1x256xi32, #tpu.memory_space<vmem>>
      %dma_wait3A_830 = tpu.memref_squeeze %dma_wait3A_829 : memref<1x256xi32, #tpu.memory_space<vmem>> -> memref<256xi32, #tpu.memory_space<vmem>>
      %dma_wait3A_831 = tpu.memref_slice %arg3[%add3A_826] : memref<131072xi32, #tpu.memory_space<hbm>> -> memref<256xi32, #tpu.memory_space<hbm>>
      %dma_wait3A_832 = arith.constant 0 : i32
      %dma_wait3A_833 = tpu.memref_slice %arg6[%dma_wait3A_827, %dma_wait3A_832] : memref<32x256xi32, #tpu.memory_space<vmem>> -> memref<1x256xi32, #tpu.memory_space<vmem>>
      %dma_wait3A_834 = tpu.memref_squeeze %dma_wait3A_833 : memref<1x256xi32, #tpu.memory_space<vmem>> -> memref<256xi32, #tpu.memory_space<vmem>>
      %dma_wait3A_835 = tpu.memref_slice %arg3[%add3A_826] : memref<131072xi32, #tpu.memory_space<hbm>> -> memref<256xi32, #tpu.memory_space<hbm>>
      tpu.wait_dma2 semaphore(%arg14 : memref<!tpu.dma_semaphore, #tpu.memory_space<semaphore_mem>>) src(%dma_wait3A_835 : memref<256xi32, #tpu.memory_space<hbm>>) dst(%dma_wait3A_834 : memref<256xi32, #tpu.memory_space<vmem>>)
      %add3A_836 = arith.constant 24576 : i32
      %add3A_837 = arith.addi %add3A_836, %mul3A_2 : i32
      %dma_wait3A_838 = arith.constant 6 : i32
      %dma_wait3A_839 = arith.constant 0 : i32
      %dma_wait3A_840 = tpu.memref_slice %arg5[%dma_wait3A_838, %dma_wait3A_839] : memref<32x256xi32, #tpu.memory_space<vmem>> -> memref<1x256xi32, #tpu.memory_space<vmem>>
      %dma_wait3A_841 = tpu.memref_squeeze %dma_wait3A_840 : memref<1x256xi32, #tpu.memory_space<vmem>> -> memref<256xi32, #tpu.memory_space<vmem>>
      %dma_wait3A_842 = tpu.memref_slice %arg2[%add3A_837] : memref<131072xi32, #tpu.memory_space<hbm>> -> memref<256xi32, #tpu.memory_space<hbm>>
      %dma_wait3A_843 = arith.constant 0 : i32
      %dma_wait3A_844 = tpu.memref_slice %arg5[%dma_wait3A_838, %dma_wait3A_843] : memref<32x256xi32, #tpu.memory_space<vmem>> -> memref<1x256xi32, #tpu.memory_space<vmem>>
      %dma_wait3A_845 = tpu.memref_squeeze %dma_wait3A_844 : memref<1x256xi32, #tpu.memory_space<vmem>> -> memref<256xi32, #tpu.memory_space<vmem>>
      %dma_wait3A_846 = tpu.memref_slice %arg2[%add3A_837] : memref<131072xi32, #tpu.memory_space<hbm>> -> memref<256xi32, #tpu.memory_space<hbm>>
      tpu.wait_dma2 semaphore(%arg14 : memref<!tpu.dma_semaphore, #tpu.memory_space<semaphore_mem>>) src(%dma_wait3A_846 : memref<256xi32, #tpu.memory_space<hbm>>) dst(%dma_wait3A_845 : memref<256xi32, #tpu.memory_space<vmem>>)
      %add3A_847 = arith.constant 24576 : i32
      %add3A_848 = arith.addi %add3A_847, %mul3A_2 : i32
      %dma_wait3A_849 = arith.constant 6 : i32
      %dma_wait3A_850 = arith.constant 0 : i32
      %dma_wait3A_851 = tpu.memref_slice %arg6[%dma_wait3A_849, %dma_wait3A_850] : memref<32x256xi32, #tpu.memory_space<vmem>> -> memref<1x256xi32, #tpu.memory_space<vmem>>
      %dma_wait3A_852 = tpu.memref_squeeze %dma_wait3A_851 : memref<1x256xi32, #tpu.memory_space<vmem>> -> memref<256xi32, #tpu.memory_space<vmem>>
      %dma_wait3A_853 = tpu.memref_slice %arg3[%add3A_848] : memref<131072xi32, #tpu.memory_space<hbm>> -> memref<256xi32, #tpu.memory_space<hbm>>
      %dma_wait3A_854 = arith.constant 0 : i32
      %dma_wait3A_855 = tpu.memref_slice %arg6[%dma_wait3A_849, %dma_wait3A_854] : memref<32x256xi32, #tpu.memory_space<vmem>> -> memref<1x256xi32, #tpu.memory_space<vmem>>
      %dma_wait3A_856 = tpu.memref_squeeze %dma_wait3A_855 : memref<1x256xi32, #tpu.memory_space<vmem>> -> memref<256xi32, #tpu.memory_space<vmem>>
      %dma_wait3A_857 = tpu.memref_slice %arg3[%add3A_848] : memref<131072xi32, #tpu.memory_space<hbm>> -> memref<256xi32, #tpu.memory_space<hbm>>
      tpu.wait_dma2 semaphore(%arg14 : memref<!tpu.dma_semaphore, #tpu.memory_space<semaphore_mem>>) src(%dma_wait3A_857 : memref<256xi32, #tpu.memory_space<hbm>>) dst(%dma_wait3A_856 : memref<256xi32, #tpu.memory_space<vmem>>)
      %add3A_858 = arith.constant 28672 : i32
      %add3A_859 = arith.addi %add3A_858, %mul3A_2 : i32
      %dma_wait3A_860 = arith.constant 7 : i32
      %dma_wait3A_861 = arith.constant 0 : i32
      %dma_wait3A_862 = tpu.memref_slice %arg5[%dma_wait3A_860, %dma_wait3A_861] : memref<32x256xi32, #tpu.memory_space<vmem>> -> memref<1x256xi32, #tpu.memory_space<vmem>>
      %dma_wait3A_863 = tpu.memref_squeeze %dma_wait3A_862 : memref<1x256xi32, #tpu.memory_space<vmem>> -> memref<256xi32, #tpu.memory_space<vmem>>
      %dma_wait3A_864 = tpu.memref_slice %arg2[%add3A_859] : memref<131072xi32, #tpu.memory_space<hbm>> -> memref<256xi32, #tpu.memory_space<hbm>>
      %dma_wait3A_865 = arith.constant 0 : i32
      %dma_wait3A_866 = tpu.memref_slice %arg5[%dma_wait3A_860, %dma_wait3A_865] : memref<32x256xi32, #tpu.memory_space<vmem>> -> memref<1x256xi32, #tpu.memory_space<vmem>>
      %dma_wait3A_867 = tpu.memref_squeeze %dma_wait3A_866 : memref<1x256xi32, #tpu.memory_space<vmem>> -> memref<256xi32, #tpu.memory_space<vmem>>
      %dma_wait3A_868 = tpu.memref_slice %arg2[%add3A_859] : memref<131072xi32, #tpu.memory_space<hbm>> -> memref<256xi32, #tpu.memory_space<hbm>>
      tpu.wait_dma2 semaphore(%arg14 : memref<!tpu.dma_semaphore, #tpu.memory_space<semaphore_mem>>) src(%dma_wait3A_868 : memref<256xi32, #tpu.memory_space<hbm>>) dst(%dma_wait3A_867 : memref<256xi32, #tpu.memory_space<vmem>>)
      %add3A_869 = arith.constant 28672 : i32
      %add3A_870 = arith.addi %add3A_869, %mul3A_2 : i32
      %dma_wait3A_871 = arith.constant 7 : i32
      %dma_wait3A_872 = arith.constant 0 : i32
      %dma_wait3A_873 = tpu.memref_slice %arg6[%dma_wait3A_871, %dma_wait3A_872] : memref<32x256xi32, #tpu.memory_space<vmem>> -> memref<1x256xi32, #tpu.memory_space<vmem>>
      %dma_wait3A_874 = tpu.memref_squeeze %dma_wait3A_873 : memref<1x256xi32, #tpu.memory_space<vmem>> -> memref<256xi32, #tpu.memory_space<vmem>>
      %dma_wait3A_875 = tpu.memref_slice %arg3[%add3A_870] : memref<131072xi32, #tpu.memory_space<hbm>> -> memref<256xi32, #tpu.memory_space<hbm>>
      %dma_wait3A_876 = arith.constant 0 : i32
      %dma_wait3A_877 = tpu.memref_slice %arg6[%dma_wait3A_871, %dma_wait3A_876] : memref<32x256xi32, #tpu.memory_space<vmem>> -> memref<1x256xi32, #tpu.memory_space<vmem>>
      %dma_wait3A_878 = tpu.memref_squeeze %dma_wait3A_877 : memref<1x256xi32, #tpu.memory_space<vmem>> -> memref<256xi32, #tpu.memory_space<vmem>>
      %dma_wait3A_879 = tpu.memref_slice %arg3[%add3A_870] : memref<131072xi32, #tpu.memory_space<hbm>> -> memref<256xi32, #tpu.memory_space<hbm>>
      tpu.wait_dma2 semaphore(%arg14 : memref<!tpu.dma_semaphore, #tpu.memory_space<semaphore_mem>>) src(%dma_wait3A_879 : memref<256xi32, #tpu.memory_space<hbm>>) dst(%dma_wait3A_878 : memref<256xi32, #tpu.memory_space<vmem>>)
      %add3A_880 = arith.constant 32768 : i32
      %add3A_881 = arith.addi %add3A_880, %mul3A_2 : i32
      %dma_wait3A_882 = arith.constant 8 : i32
      %dma_wait3A_883 = arith.constant 0 : i32
      %dma_wait3A_884 = tpu.memref_slice %arg5[%dma_wait3A_882, %dma_wait3A_883] : memref<32x256xi32, #tpu.memory_space<vmem>> -> memref<1x256xi32, #tpu.memory_space<vmem>>
      %dma_wait3A_885 = tpu.memref_squeeze %dma_wait3A_884 : memref<1x256xi32, #tpu.memory_space<vmem>> -> memref<256xi32, #tpu.memory_space<vmem>>
      %dma_wait3A_886 = tpu.memref_slice %arg2[%add3A_881] : memref<131072xi32, #tpu.memory_space<hbm>> -> memref<256xi32, #tpu.memory_space<hbm>>
      %dma_wait3A_887 = arith.constant 0 : i32
      %dma_wait3A_888 = tpu.memref_slice %arg5[%dma_wait3A_882, %dma_wait3A_887] : memref<32x256xi32, #tpu.memory_space<vmem>> -> memref<1x256xi32, #tpu.memory_space<vmem>>
      %dma_wait3A_889 = tpu.memref_squeeze %dma_wait3A_888 : memref<1x256xi32, #tpu.memory_space<vmem>> -> memref<256xi32, #tpu.memory_space<vmem>>
      %dma_wait3A_890 = tpu.memref_slice %arg2[%add3A_881] : memref<131072xi32, #tpu.memory_space<hbm>> -> memref<256xi32, #tpu.memory_space<hbm>>
      tpu.wait_dma2 semaphore(%arg14 : memref<!tpu.dma_semaphore, #tpu.memory_space<semaphore_mem>>) src(%dma_wait3A_890 : memref<256xi32, #tpu.memory_space<hbm>>) dst(%dma_wait3A_889 : memref<256xi32, #tpu.memory_space<vmem>>)
      %add3A_891 = arith.constant 32768 : i32
      %add3A_892 = arith.addi %add3A_891, %mul3A_2 : i32
      %dma_wait3A_893 = arith.constant 8 : i32
      %dma_wait3A_894 = arith.constant 0 : i32
      %dma_wait3A_895 = tpu.memref_slice %arg6[%dma_wait3A_893, %dma_wait3A_894] : memref<32x256xi32, #tpu.memory_space<vmem>> -> memref<1x256xi32, #tpu.memory_space<vmem>>
      %dma_wait3A_896 = tpu.memref_squeeze %dma_wait3A_895 : memref<1x256xi32, #tpu.memory_space<vmem>> -> memref<256xi32, #tpu.memory_space<vmem>>
      %dma_wait3A_897 = tpu.memref_slice %arg3[%add3A_892] : memref<131072xi32, #tpu.memory_space<hbm>> -> memref<256xi32, #tpu.memory_space<hbm>>
      %dma_wait3A_898 = arith.constant 0 : i32
      %dma_wait3A_899 = tpu.memref_slice %arg6[%dma_wait3A_893, %dma_wait3A_898] : memref<32x256xi32, #tpu.memory_space<vmem>> -> memref<1x256xi32, #tpu.memory_space<vmem>>
      %dma_wait3A_900 = tpu.memref_squeeze %dma_wait3A_899 : memref<1x256xi32, #tpu.memory_space<vmem>> -> memref<256xi32, #tpu.memory_space<vmem>>
      %dma_wait3A_901 = tpu.memref_slice %arg3[%add3A_892] : memref<131072xi32, #tpu.memory_space<hbm>> -> memref<256xi32, #tpu.memory_space<hbm>>
      tpu.wait_dma2 semaphore(%arg14 : memref<!tpu.dma_semaphore, #tpu.memory_space<semaphore_mem>>) src(%dma_wait3A_901 : memref<256xi32, #tpu.memory_space<hbm>>) dst(%dma_wait3A_900 : memref<256xi32, #tpu.memory_space<vmem>>)
      %add3A_902 = arith.constant 36864 : i32
      %add3A_903 = arith.addi %add3A_902, %mul3A_2 : i32
      %dma_wait3A_904 = arith.constant 9 : i32
      %dma_wait3A_905 = arith.constant 0 : i32
      %dma_wait3A_906 = tpu.memref_slice %arg5[%dma_wait3A_904, %dma_wait3A_905] : memref<32x256xi32, #tpu.memory_space<vmem>> -> memref<1x256xi32, #tpu.memory_space<vmem>>
      %dma_wait3A_907 = tpu.memref_squeeze %dma_wait3A_906 : memref<1x256xi32, #tpu.memory_space<vmem>> -> memref<256xi32, #tpu.memory_space<vmem>>
      %dma_wait3A_908 = tpu.memref_slice %arg2[%add3A_903] : memref<131072xi32, #tpu.memory_space<hbm>> -> memref<256xi32, #tpu.memory_space<hbm>>
      %dma_wait3A_909 = arith.constant 0 : i32
      %dma_wait3A_910 = tpu.memref_slice %arg5[%dma_wait3A_904, %dma_wait3A_909] : memref<32x256xi32, #tpu.memory_space<vmem>> -> memref<1x256xi32, #tpu.memory_space<vmem>>
      %dma_wait3A_911 = tpu.memref_squeeze %dma_wait3A_910 : memref<1x256xi32, #tpu.memory_space<vmem>> -> memref<256xi32, #tpu.memory_space<vmem>>
      %dma_wait3A_912 = tpu.memref_slice %arg2[%add3A_903] : memref<131072xi32, #tpu.memory_space<hbm>> -> memref<256xi32, #tpu.memory_space<hbm>>
      tpu.wait_dma2 semaphore(%arg14 : memref<!tpu.dma_semaphore, #tpu.memory_space<semaphore_mem>>) src(%dma_wait3A_912 : memref<256xi32, #tpu.memory_space<hbm>>) dst(%dma_wait3A_911 : memref<256xi32, #tpu.memory_space<vmem>>)
      %add3A_913 = arith.constant 36864 : i32
      %add3A_914 = arith.addi %add3A_913, %mul3A_2 : i32
      %dma_wait3A_915 = arith.constant 9 : i32
      %dma_wait3A_916 = arith.constant 0 : i32
      %dma_wait3A_917 = tpu.memref_slice %arg6[%dma_wait3A_915, %dma_wait3A_916] : memref<32x256xi32, #tpu.memory_space<vmem>> -> memref<1x256xi32, #tpu.memory_space<vmem>>
      %dma_wait3A_918 = tpu.memref_squeeze %dma_wait3A_917 : memref<1x256xi32, #tpu.memory_space<vmem>> -> memref<256xi32, #tpu.memory_space<vmem>>
      %dma_wait3A_919 = tpu.memref_slice %arg3[%add3A_914] : memref<131072xi32, #tpu.memory_space<hbm>> -> memref<256xi32, #tpu.memory_space<hbm>>
      %dma_wait3A_920 = arith.constant 0 : i32
      %dma_wait3A_921 = tpu.memref_slice %arg6[%dma_wait3A_915, %dma_wait3A_920] : memref<32x256xi32, #tpu.memory_space<vmem>> -> memref<1x256xi32, #tpu.memory_space<vmem>>
      %dma_wait3A_922 = tpu.memref_squeeze %dma_wait3A_921 : memref<1x256xi32, #tpu.memory_space<vmem>> -> memref<256xi32, #tpu.memory_space<vmem>>
      %dma_wait3A_923 = tpu.memref_slice %arg3[%add3A_914] : memref<131072xi32, #tpu.memory_space<hbm>> -> memref<256xi32, #tpu.memory_space<hbm>>
      tpu.wait_dma2 semaphore(%arg14 : memref<!tpu.dma_semaphore, #tpu.memory_space<semaphore_mem>>) src(%dma_wait3A_923 : memref<256xi32, #tpu.memory_space<hbm>>) dst(%dma_wait3A_922 : memref<256xi32, #tpu.memory_space<vmem>>)
      %add3A_924 = arith.constant 40960 : i32
      %add3A_925 = arith.addi %add3A_924, %mul3A_2 : i32
      %dma_wait3A_926 = arith.constant 10 : i32
      %dma_wait3A_927 = arith.constant 0 : i32
      %dma_wait3A_928 = tpu.memref_slice %arg5[%dma_wait3A_926, %dma_wait3A_927] : memref<32x256xi32, #tpu.memory_space<vmem>> -> memref<1x256xi32, #tpu.memory_space<vmem>>
      %dma_wait3A_929 = tpu.memref_squeeze %dma_wait3A_928 : memref<1x256xi32, #tpu.memory_space<vmem>> -> memref<256xi32, #tpu.memory_space<vmem>>
      %dma_wait3A_930 = tpu.memref_slice %arg2[%add3A_925] : memref<131072xi32, #tpu.memory_space<hbm>> -> memref<256xi32, #tpu.memory_space<hbm>>
      %dma_wait3A_931 = arith.constant 0 : i32
      %dma_wait3A_932 = tpu.memref_slice %arg5[%dma_wait3A_926, %dma_wait3A_931] : memref<32x256xi32, #tpu.memory_space<vmem>> -> memref<1x256xi32, #tpu.memory_space<vmem>>
      %dma_wait3A_933 = tpu.memref_squeeze %dma_wait3A_932 : memref<1x256xi32, #tpu.memory_space<vmem>> -> memref<256xi32, #tpu.memory_space<vmem>>
      %dma_wait3A_934 = tpu.memref_slice %arg2[%add3A_925] : memref<131072xi32, #tpu.memory_space<hbm>> -> memref<256xi32, #tpu.memory_space<hbm>>
      tpu.wait_dma2 semaphore(%arg14 : memref<!tpu.dma_semaphore, #tpu.memory_space<semaphore_mem>>) src(%dma_wait3A_934 : memref<256xi32, #tpu.memory_space<hbm>>) dst(%dma_wait3A_933 : memref<256xi32, #tpu.memory_space<vmem>>)
      %add3A_935 = arith.constant 40960 : i32
      %add3A_936 = arith.addi %add3A_935, %mul3A_2 : i32
      %dma_wait3A_937 = arith.constant 10 : i32
      %dma_wait3A_938 = arith.constant 0 : i32
      %dma_wait3A_939 = tpu.memref_slice %arg6[%dma_wait3A_937, %dma_wait3A_938] : memref<32x256xi32, #tpu.memory_space<vmem>> -> memref<1x256xi32, #tpu.memory_space<vmem>>
      %dma_wait3A_940 = tpu.memref_squeeze %dma_wait3A_939 : memref<1x256xi32, #tpu.memory_space<vmem>> -> memref<256xi32, #tpu.memory_space<vmem>>
      %dma_wait3A_941 = tpu.memref_slice %arg3[%add3A_936] : memref<131072xi32, #tpu.memory_space<hbm>> -> memref<256xi32, #tpu.memory_space<hbm>>
      %dma_wait3A_942 = arith.constant 0 : i32
      %dma_wait3A_943 = tpu.memref_slice %arg6[%dma_wait3A_937, %dma_wait3A_942] : memref<32x256xi32, #tpu.memory_space<vmem>> -> memref<1x256xi32, #tpu.memory_space<vmem>>
      %dma_wait3A_944 = tpu.memref_squeeze %dma_wait3A_943 : memref<1x256xi32, #tpu.memory_space<vmem>> -> memref<256xi32, #tpu.memory_space<vmem>>
      %dma_wait3A_945 = tpu.memref_slice %arg3[%add3A_936] : memref<131072xi32, #tpu.memory_space<hbm>> -> memref<256xi32, #tpu.memory_space<hbm>>
      tpu.wait_dma2 semaphore(%arg14 : memref<!tpu.dma_semaphore, #tpu.memory_space<semaphore_mem>>) src(%dma_wait3A_945 : memref<256xi32, #tpu.memory_space<hbm>>) dst(%dma_wait3A_944 : memref<256xi32, #tpu.memory_space<vmem>>)
      %add3A_946 = arith.constant 45056 : i32
      %add3A_947 = arith.addi %add3A_946, %mul3A_2 : i32
      %dma_wait3A_948 = arith.constant 11 : i32
      %dma_wait3A_949 = arith.constant 0 : i32
      %dma_wait3A_950 = tpu.memref_slice %arg5[%dma_wait3A_948, %dma_wait3A_949] : memref<32x256xi32, #tpu.memory_space<vmem>> -> memref<1x256xi32, #tpu.memory_space<vmem>>
      %dma_wait3A_951 = tpu.memref_squeeze %dma_wait3A_950 : memref<1x256xi32, #tpu.memory_space<vmem>> -> memref<256xi32, #tpu.memory_space<vmem>>
      %dma_wait3A_952 = tpu.memref_slice %arg2[%add3A_947] : memref<131072xi32, #tpu.memory_space<hbm>> -> memref<256xi32, #tpu.memory_space<hbm>>
      %dma_wait3A_953 = arith.constant 0 : i32
      %dma_wait3A_954 = tpu.memref_slice %arg5[%dma_wait3A_948, %dma_wait3A_953] : memref<32x256xi32, #tpu.memory_space<vmem>> -> memref<1x256xi32, #tpu.memory_space<vmem>>
      %dma_wait3A_955 = tpu.memref_squeeze %dma_wait3A_954 : memref<1x256xi32, #tpu.memory_space<vmem>> -> memref<256xi32, #tpu.memory_space<vmem>>
      %dma_wait3A_956 = tpu.memref_slice %arg2[%add3A_947] : memref<131072xi32, #tpu.memory_space<hbm>> -> memref<256xi32, #tpu.memory_space<hbm>>
      tpu.wait_dma2 semaphore(%arg14 : memref<!tpu.dma_semaphore, #tpu.memory_space<semaphore_mem>>) src(%dma_wait3A_956 : memref<256xi32, #tpu.memory_space<hbm>>) dst(%dma_wait3A_955 : memref<256xi32, #tpu.memory_space<vmem>>)
      %add3A_957 = arith.constant 45056 : i32
      %add3A_958 = arith.addi %add3A_957, %mul3A_2 : i32
      %dma_wait3A_959 = arith.constant 11 : i32
      %dma_wait3A_960 = arith.constant 0 : i32
      %dma_wait3A_961 = tpu.memref_slice %arg6[%dma_wait3A_959, %dma_wait3A_960] : memref<32x256xi32, #tpu.memory_space<vmem>> -> memref<1x256xi32, #tpu.memory_space<vmem>>
      %dma_wait3A_962 = tpu.memref_squeeze %dma_wait3A_961 : memref<1x256xi32, #tpu.memory_space<vmem>> -> memref<256xi32, #tpu.memory_space<vmem>>
      %dma_wait3A_963 = tpu.memref_slice %arg3[%add3A_958] : memref<131072xi32, #tpu.memory_space<hbm>> -> memref<256xi32, #tpu.memory_space<hbm>>
      %dma_wait3A_964 = arith.constant 0 : i32
      %dma_wait3A_965 = tpu.memref_slice %arg6[%dma_wait3A_959, %dma_wait3A_964] : memref<32x256xi32, #tpu.memory_space<vmem>> -> memref<1x256xi32, #tpu.memory_space<vmem>>
      %dma_wait3A_966 = tpu.memref_squeeze %dma_wait3A_965 : memref<1x256xi32, #tpu.memory_space<vmem>> -> memref<256xi32, #tpu.memory_space<vmem>>
      %dma_wait3A_967 = tpu.memref_slice %arg3[%add3A_958] : memref<131072xi32, #tpu.memory_space<hbm>> -> memref<256xi32, #tpu.memory_space<hbm>>
      tpu.wait_dma2 semaphore(%arg14 : memref<!tpu.dma_semaphore, #tpu.memory_space<semaphore_mem>>) src(%dma_wait3A_967 : memref<256xi32, #tpu.memory_space<hbm>>) dst(%dma_wait3A_966 : memref<256xi32, #tpu.memory_space<vmem>>)
      %add3A_968 = arith.constant 49152 : i32
      %add3A_969 = arith.addi %add3A_968, %mul3A_2 : i32
      %dma_wait3A_970 = arith.constant 12 : i32
      %dma_wait3A_971 = arith.constant 0 : i32
      %dma_wait3A_972 = tpu.memref_slice %arg5[%dma_wait3A_970, %dma_wait3A_971] : memref<32x256xi32, #tpu.memory_space<vmem>> -> memref<1x256xi32, #tpu.memory_space<vmem>>
      %dma_wait3A_973 = tpu.memref_squeeze %dma_wait3A_972 : memref<1x256xi32, #tpu.memory_space<vmem>> -> memref<256xi32, #tpu.memory_space<vmem>>
      %dma_wait3A_974 = tpu.memref_slice %arg2[%add3A_969] : memref<131072xi32, #tpu.memory_space<hbm>> -> memref<256xi32, #tpu.memory_space<hbm>>
      %dma_wait3A_975 = arith.constant 0 : i32
      %dma_wait3A_976 = tpu.memref_slice %arg5[%dma_wait3A_970, %dma_wait3A_975] : memref<32x256xi32, #tpu.memory_space<vmem>> -> memref<1x256xi32, #tpu.memory_space<vmem>>
      %dma_wait3A_977 = tpu.memref_squeeze %dma_wait3A_976 : memref<1x256xi32, #tpu.memory_space<vmem>> -> memref<256xi32, #tpu.memory_space<vmem>>
      %dma_wait3A_978 = tpu.memref_slice %arg2[%add3A_969] : memref<131072xi32, #tpu.memory_space<hbm>> -> memref<256xi32, #tpu.memory_space<hbm>>
      tpu.wait_dma2 semaphore(%arg14 : memref<!tpu.dma_semaphore, #tpu.memory_space<semaphore_mem>>) src(%dma_wait3A_978 : memref<256xi32, #tpu.memory_space<hbm>>) dst(%dma_wait3A_977 : memref<256xi32, #tpu.memory_space<vmem>>)
      %add3A_979 = arith.constant 49152 : i32
      %add3A_980 = arith.addi %add3A_979, %mul3A_2 : i32
      %dma_wait3A_981 = arith.constant 12 : i32
      %dma_wait3A_982 = arith.constant 0 : i32
      %dma_wait3A_983 = tpu.memref_slice %arg6[%dma_wait3A_981, %dma_wait3A_982] : memref<32x256xi32, #tpu.memory_space<vmem>> -> memref<1x256xi32, #tpu.memory_space<vmem>>
      %dma_wait3A_984 = tpu.memref_squeeze %dma_wait3A_983 : memref<1x256xi32, #tpu.memory_space<vmem>> -> memref<256xi32, #tpu.memory_space<vmem>>
      %dma_wait3A_985 = tpu.memref_slice %arg3[%add3A_980] : memref<131072xi32, #tpu.memory_space<hbm>> -> memref<256xi32, #tpu.memory_space<hbm>>
      %dma_wait3A_986 = arith.constant 0 : i32
      %dma_wait3A_987 = tpu.memref_slice %arg6[%dma_wait3A_981, %dma_wait3A_986] : memref<32x256xi32, #tpu.memory_space<vmem>> -> memref<1x256xi32, #tpu.memory_space<vmem>>
      %dma_wait3A_988 = tpu.memref_squeeze %dma_wait3A_987 : memref<1x256xi32, #tpu.memory_space<vmem>> -> memref<256xi32, #tpu.memory_space<vmem>>
      %dma_wait3A_989 = tpu.memref_slice %arg3[%add3A_980] : memref<131072xi32, #tpu.memory_space<hbm>> -> memref<256xi32, #tpu.memory_space<hbm>>
      tpu.wait_dma2 semaphore(%arg14 : memref<!tpu.dma_semaphore, #tpu.memory_space<semaphore_mem>>) src(%dma_wait3A_989 : memref<256xi32, #tpu.memory_space<hbm>>) dst(%dma_wait3A_988 : memref<256xi32, #tpu.memory_space<vmem>>)
      %add3A_990 = arith.constant 53248 : i32
      %add3A_991 = arith.addi %add3A_990, %mul3A_2 : i32
      %dma_wait3A_992 = arith.constant 13 : i32
      %dma_wait3A_993 = arith.constant 0 : i32
      %dma_wait3A_994 = tpu.memref_slice %arg5[%dma_wait3A_992, %dma_wait3A_993] : memref<32x256xi32, #tpu.memory_space<vmem>> -> memref<1x256xi32, #tpu.memory_space<vmem>>
      %dma_wait3A_995 = tpu.memref_squeeze %dma_wait3A_994 : memref<1x256xi32, #tpu.memory_space<vmem>> -> memref<256xi32, #tpu.memory_space<vmem>>
      %dma_wait3A_996 = tpu.memref_slice %arg2[%add3A_991] : memref<131072xi32, #tpu.memory_space<hbm>> -> memref<256xi32, #tpu.memory_space<hbm>>
      %dma_wait3A_997 = arith.constant 0 : i32
      %dma_wait3A_998 = tpu.memref_slice %arg5[%dma_wait3A_992, %dma_wait3A_997] : memref<32x256xi32, #tpu.memory_space<vmem>> -> memref<1x256xi32, #tpu.memory_space<vmem>>
      %dma_wait3A_999 = tpu.memref_squeeze %dma_wait3A_998 : memref<1x256xi32, #tpu.memory_space<vmem>> -> memref<256xi32, #tpu.memory_space<vmem>>
      %dma_wait3A_1000 = tpu.memref_slice %arg2[%add3A_991] : memref<131072xi32, #tpu.memory_space<hbm>> -> memref<256xi32, #tpu.memory_space<hbm>>
      tpu.wait_dma2 semaphore(%arg14 : memref<!tpu.dma_semaphore, #tpu.memory_space<semaphore_mem>>) src(%dma_wait3A_1000 : memref<256xi32, #tpu.memory_space<hbm>>) dst(%dma_wait3A_999 : memref<256xi32, #tpu.memory_space<vmem>>)
      %add3A_1001 = arith.constant 53248 : i32
      %add3A_1002 = arith.addi %add3A_1001, %mul3A_2 : i32
      %dma_wait3A_1003 = arith.constant 13 : i32
      %dma_wait3A_1004 = arith.constant 0 : i32
      %dma_wait3A_1005 = tpu.memref_slice %arg6[%dma_wait3A_1003, %dma_wait3A_1004] : memref<32x256xi32, #tpu.memory_space<vmem>> -> memref<1x256xi32, #tpu.memory_space<vmem>>
      %dma_wait3A_1006 = tpu.memref_squeeze %dma_wait3A_1005 : memref<1x256xi32, #tpu.memory_space<vmem>> -> memref<256xi32, #tpu.memory_space<vmem>>
      %dma_wait3A_1007 = tpu.memref_slice %arg3[%add3A_1002] : memref<131072xi32, #tpu.memory_space<hbm>> -> memref<256xi32, #tpu.memory_space<hbm>>
      %dma_wait3A_1008 = arith.constant 0 : i32
      %dma_wait3A_1009 = tpu.memref_slice %arg6[%dma_wait3A_1003, %dma_wait3A_1008] : memref<32x256xi32, #tpu.memory_space<vmem>> -> memref<1x256xi32, #tpu.memory_space<vmem>>
      %dma_wait3A_1010 = tpu.memref_squeeze %dma_wait3A_1009 : memref<1x256xi32, #tpu.memory_space<vmem>> -> memref<256xi32, #tpu.memory_space<vmem>>
      %dma_wait3A_1011 = tpu.memref_slice %arg3[%add3A_1002] : memref<131072xi32, #tpu.memory_space<hbm>> -> memref<256xi32, #tpu.memory_space<hbm>>
      tpu.wait_dma2 semaphore(%arg14 : memref<!tpu.dma_semaphore, #tpu.memory_space<semaphore_mem>>) src(%dma_wait3A_1011 : memref<256xi32, #tpu.memory_space<hbm>>) dst(%dma_wait3A_1010 : memref<256xi32, #tpu.memory_space<vmem>>)
      %add3A_1012 = arith.constant 57344 : i32
      %add3A_1013 = arith.addi %add3A_1012, %mul3A_2 : i32
      %dma_wait3A_1014 = arith.constant 14 : i32
      %dma_wait3A_1015 = arith.constant 0 : i32
      %dma_wait3A_1016 = tpu.memref_slice %arg5[%dma_wait3A_1014, %dma_wait3A_1015] : memref<32x256xi32, #tpu.memory_space<vmem>> -> memref<1x256xi32, #tpu.memory_space<vmem>>
      %dma_wait3A_1017 = tpu.memref_squeeze %dma_wait3A_1016 : memref<1x256xi32, #tpu.memory_space<vmem>> -> memref<256xi32, #tpu.memory_space<vmem>>
      %dma_wait3A_1018 = tpu.memref_slice %arg2[%add3A_1013] : memref<131072xi32, #tpu.memory_space<hbm>> -> memref<256xi32, #tpu.memory_space<hbm>>
      %dma_wait3A_1019 = arith.constant 0 : i32
      %dma_wait3A_1020 = tpu.memref_slice %arg5[%dma_wait3A_1014, %dma_wait3A_1019] : memref<32x256xi32, #tpu.memory_space<vmem>> -> memref<1x256xi32, #tpu.memory_space<vmem>>
      %dma_wait3A_1021 = tpu.memref_squeeze %dma_wait3A_1020 : memref<1x256xi32, #tpu.memory_space<vmem>> -> memref<256xi32, #tpu.memory_space<vmem>>
      %dma_wait3A_1022 = tpu.memref_slice %arg2[%add3A_1013] : memref<131072xi32, #tpu.memory_space<hbm>> -> memref<256xi32, #tpu.memory_space<hbm>>
      tpu.wait_dma2 semaphore(%arg14 : memref<!tpu.dma_semaphore, #tpu.memory_space<semaphore_mem>>) src(%dma_wait3A_1022 : memref<256xi32, #tpu.memory_space<hbm>>) dst(%dma_wait3A_1021 : memref<256xi32, #tpu.memory_space<vmem>>)
      %add3A_1023 = arith.constant 57344 : i32
      %add3A_1024 = arith.addi %add3A_1023, %mul3A_2 : i32
      %dma_wait3A_1025 = arith.constant 14 : i32
      %dma_wait3A_1026 = arith.constant 0 : i32
      %dma_wait3A_1027 = tpu.memref_slice %arg6[%dma_wait3A_1025, %dma_wait3A_1026] : memref<32x256xi32, #tpu.memory_space<vmem>> -> memref<1x256xi32, #tpu.memory_space<vmem>>
      %dma_wait3A_1028 = tpu.memref_squeeze %dma_wait3A_1027 : memref<1x256xi32, #tpu.memory_space<vmem>> -> memref<256xi32, #tpu.memory_space<vmem>>
      %dma_wait3A_1029 = tpu.memref_slice %arg3[%add3A_1024] : memref<131072xi32, #tpu.memory_space<hbm>> -> memref<256xi32, #tpu.memory_space<hbm>>
      %dma_wait3A_1030 = arith.constant 0 : i32
      %dma_wait3A_1031 = tpu.memref_slice %arg6[%dma_wait3A_1025, %dma_wait3A_1030] : memref<32x256xi32, #tpu.memory_space<vmem>> -> memref<1x256xi32, #tpu.memory_space<vmem>>
      %dma_wait3A_1032 = tpu.memref_squeeze %dma_wait3A_1031 : memref<1x256xi32, #tpu.memory_space<vmem>> -> memref<256xi32, #tpu.memory_space<vmem>>
      %dma_wait3A_1033 = tpu.memref_slice %arg3[%add3A_1024] : memref<131072xi32, #tpu.memory_space<hbm>> -> memref<256xi32, #tpu.memory_space<hbm>>
      tpu.wait_dma2 semaphore(%arg14 : memref<!tpu.dma_semaphore, #tpu.memory_space<semaphore_mem>>) src(%dma_wait3A_1033 : memref<256xi32, #tpu.memory_space<hbm>>) dst(%dma_wait3A_1032 : memref<256xi32, #tpu.memory_space<vmem>>)
      %add3A_1034 = arith.constant 61440 : i32
      %add3A_1035 = arith.addi %add3A_1034, %mul3A_2 : i32
      %dma_wait3A_1036 = arith.constant 15 : i32
      %dma_wait3A_1037 = arith.constant 0 : i32
      %dma_wait3A_1038 = tpu.memref_slice %arg5[%dma_wait3A_1036, %dma_wait3A_1037] : memref<32x256xi32, #tpu.memory_space<vmem>> -> memref<1x256xi32, #tpu.memory_space<vmem>>
      %dma_wait3A_1039 = tpu.memref_squeeze %dma_wait3A_1038 : memref<1x256xi32, #tpu.memory_space<vmem>> -> memref<256xi32, #tpu.memory_space<vmem>>
      %dma_wait3A_1040 = tpu.memref_slice %arg2[%add3A_1035] : memref<131072xi32, #tpu.memory_space<hbm>> -> memref<256xi32, #tpu.memory_space<hbm>>
      %dma_wait3A_1041 = arith.constant 0 : i32
      %dma_wait3A_1042 = tpu.memref_slice %arg5[%dma_wait3A_1036, %dma_wait3A_1041] : memref<32x256xi32, #tpu.memory_space<vmem>> -> memref<1x256xi32, #tpu.memory_space<vmem>>
      %dma_wait3A_1043 = tpu.memref_squeeze %dma_wait3A_1042 : memref<1x256xi32, #tpu.memory_space<vmem>> -> memref<256xi32, #tpu.memory_space<vmem>>
      %dma_wait3A_1044 = tpu.memref_slice %arg2[%add3A_1035] : memref<131072xi32, #tpu.memory_space<hbm>> -> memref<256xi32, #tpu.memory_space<hbm>>
      tpu.wait_dma2 semaphore(%arg14 : memref<!tpu.dma_semaphore, #tpu.memory_space<semaphore_mem>>) src(%dma_wait3A_1044 : memref<256xi32, #tpu.memory_space<hbm>>) dst(%dma_wait3A_1043 : memref<256xi32, #tpu.memory_space<vmem>>)
      %add3A_1045 = arith.constant 61440 : i32
      %add3A_1046 = arith.addi %add3A_1045, %mul3A_2 : i32
      %dma_wait3A_1047 = arith.constant 15 : i32
      %dma_wait3A_1048 = arith.constant 0 : i32
      %dma_wait3A_1049 = tpu.memref_slice %arg6[%dma_wait3A_1047, %dma_wait3A_1048] : memref<32x256xi32, #tpu.memory_space<vmem>> -> memref<1x256xi32, #tpu.memory_space<vmem>>
      %dma_wait3A_1050 = tpu.memref_squeeze %dma_wait3A_1049 : memref<1x256xi32, #tpu.memory_space<vmem>> -> memref<256xi32, #tpu.memory_space<vmem>>
      %dma_wait3A_1051 = tpu.memref_slice %arg3[%add3A_1046] : memref<131072xi32, #tpu.memory_space<hbm>> -> memref<256xi32, #tpu.memory_space<hbm>>
      %dma_wait3A_1052 = arith.constant 0 : i32
      %dma_wait3A_1053 = tpu.memref_slice %arg6[%dma_wait3A_1047, %dma_wait3A_1052] : memref<32x256xi32, #tpu.memory_space<vmem>> -> memref<1x256xi32, #tpu.memory_space<vmem>>
      %dma_wait3A_1054 = tpu.memref_squeeze %dma_wait3A_1053 : memref<1x256xi32, #tpu.memory_space<vmem>> -> memref<256xi32, #tpu.memory_space<vmem>>
      %dma_wait3A_1055 = tpu.memref_slice %arg3[%add3A_1046] : memref<131072xi32, #tpu.memory_space<hbm>> -> memref<256xi32, #tpu.memory_space<hbm>>
      tpu.wait_dma2 semaphore(%arg14 : memref<!tpu.dma_semaphore, #tpu.memory_space<semaphore_mem>>) src(%dma_wait3A_1055 : memref<256xi32, #tpu.memory_space<hbm>>) dst(%dma_wait3A_1054 : memref<256xi32, #tpu.memory_space<vmem>>)
      %add3A_1056 = arith.constant 65536 : i32
      %add3A_1057 = arith.addi %add3A_1056, %mul3A_2 : i32
      %dma_wait3A_1058 = arith.constant 16 : i32
      %dma_wait3A_1059 = arith.constant 0 : i32
      %dma_wait3A_1060 = tpu.memref_slice %arg5[%dma_wait3A_1058, %dma_wait3A_1059] : memref<32x256xi32, #tpu.memory_space<vmem>> -> memref<1x256xi32, #tpu.memory_space<vmem>>
      %dma_wait3A_1061 = tpu.memref_squeeze %dma_wait3A_1060 : memref<1x256xi32, #tpu.memory_space<vmem>> -> memref<256xi32, #tpu.memory_space<vmem>>
      %dma_wait3A_1062 = tpu.memref_slice %arg2[%add3A_1057] : memref<131072xi32, #tpu.memory_space<hbm>> -> memref<256xi32, #tpu.memory_space<hbm>>
      %dma_wait3A_1063 = arith.constant 0 : i32
      %dma_wait3A_1064 = tpu.memref_slice %arg5[%dma_wait3A_1058, %dma_wait3A_1063] : memref<32x256xi32, #tpu.memory_space<vmem>> -> memref<1x256xi32, #tpu.memory_space<vmem>>
      %dma_wait3A_1065 = tpu.memref_squeeze %dma_wait3A_1064 : memref<1x256xi32, #tpu.memory_space<vmem>> -> memref<256xi32, #tpu.memory_space<vmem>>
      %dma_wait3A_1066 = tpu.memref_slice %arg2[%add3A_1057] : memref<131072xi32, #tpu.memory_space<hbm>> -> memref<256xi32, #tpu.memory_space<hbm>>
      tpu.wait_dma2 semaphore(%arg14 : memref<!tpu.dma_semaphore, #tpu.memory_space<semaphore_mem>>) src(%dma_wait3A_1066 : memref<256xi32, #tpu.memory_space<hbm>>) dst(%dma_wait3A_1065 : memref<256xi32, #tpu.memory_space<vmem>>)
      %add3A_1067 = arith.constant 65536 : i32
      %add3A_1068 = arith.addi %add3A_1067, %mul3A_2 : i32
      %dma_wait3A_1069 = arith.constant 16 : i32
      %dma_wait3A_1070 = arith.constant 0 : i32
      %dma_wait3A_1071 = tpu.memref_slice %arg6[%dma_wait3A_1069, %dma_wait3A_1070] : memref<32x256xi32, #tpu.memory_space<vmem>> -> memref<1x256xi32, #tpu.memory_space<vmem>>
      %dma_wait3A_1072 = tpu.memref_squeeze %dma_wait3A_1071 : memref<1x256xi32, #tpu.memory_space<vmem>> -> memref<256xi32, #tpu.memory_space<vmem>>
      %dma_wait3A_1073 = tpu.memref_slice %arg3[%add3A_1068] : memref<131072xi32, #tpu.memory_space<hbm>> -> memref<256xi32, #tpu.memory_space<hbm>>
      %dma_wait3A_1074 = arith.constant 0 : i32
      %dma_wait3A_1075 = tpu.memref_slice %arg6[%dma_wait3A_1069, %dma_wait3A_1074] : memref<32x256xi32, #tpu.memory_space<vmem>> -> memref<1x256xi32, #tpu.memory_space<vmem>>
      %dma_wait3A_1076 = tpu.memref_squeeze %dma_wait3A_1075 : memref<1x256xi32, #tpu.memory_space<vmem>> -> memref<256xi32, #tpu.memory_space<vmem>>
      %dma_wait3A_1077 = tpu.memref_slice %arg3[%add3A_1068] : memref<131072xi32, #tpu.memory_space<hbm>> -> memref<256xi32, #tpu.memory_space<hbm>>
      tpu.wait_dma2 semaphore(%arg14 : memref<!tpu.dma_semaphore, #tpu.memory_space<semaphore_mem>>) src(%dma_wait3A_1077 : memref<256xi32, #tpu.memory_space<hbm>>) dst(%dma_wait3A_1076 : memref<256xi32, #tpu.memory_space<vmem>>)
      %add3A_1078 = arith.constant 69632 : i32
      %add3A_1079 = arith.addi %add3A_1078, %mul3A_2 : i32
      %dma_wait3A_1080 = arith.constant 17 : i32
      %dma_wait3A_1081 = arith.constant 0 : i32
      %dma_wait3A_1082 = tpu.memref_slice %arg5[%dma_wait3A_1080, %dma_wait3A_1081] : memref<32x256xi32, #tpu.memory_space<vmem>> -> memref<1x256xi32, #tpu.memory_space<vmem>>
      %dma_wait3A_1083 = tpu.memref_squeeze %dma_wait3A_1082 : memref<1x256xi32, #tpu.memory_space<vmem>> -> memref<256xi32, #tpu.memory_space<vmem>>
      %dma_wait3A_1084 = tpu.memref_slice %arg2[%add3A_1079] : memref<131072xi32, #tpu.memory_space<hbm>> -> memref<256xi32, #tpu.memory_space<hbm>>
      %dma_wait3A_1085 = arith.constant 0 : i32
      %dma_wait3A_1086 = tpu.memref_slice %arg5[%dma_wait3A_1080, %dma_wait3A_1085] : memref<32x256xi32, #tpu.memory_space<vmem>> -> memref<1x256xi32, #tpu.memory_space<vmem>>
      %dma_wait3A_1087 = tpu.memref_squeeze %dma_wait3A_1086 : memref<1x256xi32, #tpu.memory_space<vmem>> -> memref<256xi32, #tpu.memory_space<vmem>>
      %dma_wait3A_1088 = tpu.memref_slice %arg2[%add3A_1079] : memref<131072xi32, #tpu.memory_space<hbm>> -> memref<256xi32, #tpu.memory_space<hbm>>
      tpu.wait_dma2 semaphore(%arg14 : memref<!tpu.dma_semaphore, #tpu.memory_space<semaphore_mem>>) src(%dma_wait3A_1088 : memref<256xi32, #tpu.memory_space<hbm>>) dst(%dma_wait3A_1087 : memref<256xi32, #tpu.memory_space<vmem>>)
      %add3A_1089 = arith.constant 69632 : i32
      %add3A_1090 = arith.addi %add3A_1089, %mul3A_2 : i32
      %dma_wait3A_1091 = arith.constant 17 : i32
      %dma_wait3A_1092 = arith.constant 0 : i32
      %dma_wait3A_1093 = tpu.memref_slice %arg6[%dma_wait3A_1091, %dma_wait3A_1092] : memref<32x256xi32, #tpu.memory_space<vmem>> -> memref<1x256xi32, #tpu.memory_space<vmem>>
      %dma_wait3A_1094 = tpu.memref_squeeze %dma_wait3A_1093 : memref<1x256xi32, #tpu.memory_space<vmem>> -> memref<256xi32, #tpu.memory_space<vmem>>
      %dma_wait3A_1095 = tpu.memref_slice %arg3[%add3A_1090] : memref<131072xi32, #tpu.memory_space<hbm>> -> memref<256xi32, #tpu.memory_space<hbm>>
      %dma_wait3A_1096 = arith.constant 0 : i32
      %dma_wait3A_1097 = tpu.memref_slice %arg6[%dma_wait3A_1091, %dma_wait3A_1096] : memref<32x256xi32, #tpu.memory_space<vmem>> -> memref<1x256xi32, #tpu.memory_space<vmem>>
      %dma_wait3A_1098 = tpu.memref_squeeze %dma_wait3A_1097 : memref<1x256xi32, #tpu.memory_space<vmem>> -> memref<256xi32, #tpu.memory_space<vmem>>
      %dma_wait3A_1099 = tpu.memref_slice %arg3[%add3A_1090] : memref<131072xi32, #tpu.memory_space<hbm>> -> memref<256xi32, #tpu.memory_space<hbm>>
      tpu.wait_dma2 semaphore(%arg14 : memref<!tpu.dma_semaphore, #tpu.memory_space<semaphore_mem>>) src(%dma_wait3A_1099 : memref<256xi32, #tpu.memory_space<hbm>>) dst(%dma_wait3A_1098 : memref<256xi32, #tpu.memory_space<vmem>>)
      %add3A_1100 = arith.constant 73728 : i32
      %add3A_1101 = arith.addi %add3A_1100, %mul3A_2 : i32
      %dma_wait3A_1102 = arith.constant 18 : i32
      %dma_wait3A_1103 = arith.constant 0 : i32
      %dma_wait3A_1104 = tpu.memref_slice %arg5[%dma_wait3A_1102, %dma_wait3A_1103] : memref<32x256xi32, #tpu.memory_space<vmem>> -> memref<1x256xi32, #tpu.memory_space<vmem>>
      %dma_wait3A_1105 = tpu.memref_squeeze %dma_wait3A_1104 : memref<1x256xi32, #tpu.memory_space<vmem>> -> memref<256xi32, #tpu.memory_space<vmem>>
      %dma_wait3A_1106 = tpu.memref_slice %arg2[%add3A_1101] : memref<131072xi32, #tpu.memory_space<hbm>> -> memref<256xi32, #tpu.memory_space<hbm>>
      %dma_wait3A_1107 = arith.constant 0 : i32
      %dma_wait3A_1108 = tpu.memref_slice %arg5[%dma_wait3A_1102, %dma_wait3A_1107] : memref<32x256xi32, #tpu.memory_space<vmem>> -> memref<1x256xi32, #tpu.memory_space<vmem>>
      %dma_wait3A_1109 = tpu.memref_squeeze %dma_wait3A_1108 : memref<1x256xi32, #tpu.memory_space<vmem>> -> memref<256xi32, #tpu.memory_space<vmem>>
      %dma_wait3A_1110 = tpu.memref_slice %arg2[%add3A_1101] : memref<131072xi32, #tpu.memory_space<hbm>> -> memref<256xi32, #tpu.memory_space<hbm>>
      tpu.wait_dma2 semaphore(%arg14 : memref<!tpu.dma_semaphore, #tpu.memory_space<semaphore_mem>>) src(%dma_wait3A_1110 : memref<256xi32, #tpu.memory_space<hbm>>) dst(%dma_wait3A_1109 : memref<256xi32, #tpu.memory_space<vmem>>)
      %add3A_1111 = arith.constant 73728 : i32
      %add3A_1112 = arith.addi %add3A_1111, %mul3A_2 : i32
      %dma_wait3A_1113 = arith.constant 18 : i32
      %dma_wait3A_1114 = arith.constant 0 : i32
      %dma_wait3A_1115 = tpu.memref_slice %arg6[%dma_wait3A_1113, %dma_wait3A_1114] : memref<32x256xi32, #tpu.memory_space<vmem>> -> memref<1x256xi32, #tpu.memory_space<vmem>>
      %dma_wait3A_1116 = tpu.memref_squeeze %dma_wait3A_1115 : memref<1x256xi32, #tpu.memory_space<vmem>> -> memref<256xi32, #tpu.memory_space<vmem>>
      %dma_wait3A_1117 = tpu.memref_slice %arg3[%add3A_1112] : memref<131072xi32, #tpu.memory_space<hbm>> -> memref<256xi32, #tpu.memory_space<hbm>>
      %dma_wait3A_1118 = arith.constant 0 : i32
      %dma_wait3A_1119 = tpu.memref_slice %arg6[%dma_wait3A_1113, %dma_wait3A_1118] : memref<32x256xi32, #tpu.memory_space<vmem>> -> memref<1x256xi32, #tpu.memory_space<vmem>>
      %dma_wait3A_1120 = tpu.memref_squeeze %dma_wait3A_1119 : memref<1x256xi32, #tpu.memory_space<vmem>> -> memref<256xi32, #tpu.memory_space<vmem>>
      %dma_wait3A_1121 = tpu.memref_slice %arg3[%add3A_1112] : memref<131072xi32, #tpu.memory_space<hbm>> -> memref<256xi32, #tpu.memory_space<hbm>>
      tpu.wait_dma2 semaphore(%arg14 : memref<!tpu.dma_semaphore, #tpu.memory_space<semaphore_mem>>) src(%dma_wait3A_1121 : memref<256xi32, #tpu.memory_space<hbm>>) dst(%dma_wait3A_1120 : memref<256xi32, #tpu.memory_space<vmem>>)
      %add3A_1122 = arith.constant 77824 : i32
      %add3A_1123 = arith.addi %add3A_1122, %mul3A_2 : i32
      %dma_wait3A_1124 = arith.constant 19 : i32
      %dma_wait3A_1125 = arith.constant 0 : i32
      %dma_wait3A_1126 = tpu.memref_slice %arg5[%dma_wait3A_1124, %dma_wait3A_1125] : memref<32x256xi32, #tpu.memory_space<vmem>> -> memref<1x256xi32, #tpu.memory_space<vmem>>
      %dma_wait3A_1127 = tpu.memref_squeeze %dma_wait3A_1126 : memref<1x256xi32, #tpu.memory_space<vmem>> -> memref<256xi32, #tpu.memory_space<vmem>>
      %dma_wait3A_1128 = tpu.memref_slice %arg2[%add3A_1123] : memref<131072xi32, #tpu.memory_space<hbm>> -> memref<256xi32, #tpu.memory_space<hbm>>
      %dma_wait3A_1129 = arith.constant 0 : i32
      %dma_wait3A_1130 = tpu.memref_slice %arg5[%dma_wait3A_1124, %dma_wait3A_1129] : memref<32x256xi32, #tpu.memory_space<vmem>> -> memref<1x256xi32, #tpu.memory_space<vmem>>
      %dma_wait3A_1131 = tpu.memref_squeeze %dma_wait3A_1130 : memref<1x256xi32, #tpu.memory_space<vmem>> -> memref<256xi32, #tpu.memory_space<vmem>>
      %dma_wait3A_1132 = tpu.memref_slice %arg2[%add3A_1123] : memref<131072xi32, #tpu.memory_space<hbm>> -> memref<256xi32, #tpu.memory_space<hbm>>
      tpu.wait_dma2 semaphore(%arg14 : memref<!tpu.dma_semaphore, #tpu.memory_space<semaphore_mem>>) src(%dma_wait3A_1132 : memref<256xi32, #tpu.memory_space<hbm>>) dst(%dma_wait3A_1131 : memref<256xi32, #tpu.memory_space<vmem>>)
      %add3A_1133 = arith.constant 77824 : i32
      %add3A_1134 = arith.addi %add3A_1133, %mul3A_2 : i32
      %dma_wait3A_1135 = arith.constant 19 : i32
      %dma_wait3A_1136 = arith.constant 0 : i32
      %dma_wait3A_1137 = tpu.memref_slice %arg6[%dma_wait3A_1135, %dma_wait3A_1136] : memref<32x256xi32, #tpu.memory_space<vmem>> -> memref<1x256xi32, #tpu.memory_space<vmem>>
      %dma_wait3A_1138 = tpu.memref_squeeze %dma_wait3A_1137 : memref<1x256xi32, #tpu.memory_space<vmem>> -> memref<256xi32, #tpu.memory_space<vmem>>
      %dma_wait3A_1139 = tpu.memref_slice %arg3[%add3A_1134] : memref<131072xi32, #tpu.memory_space<hbm>> -> memref<256xi32, #tpu.memory_space<hbm>>
      %dma_wait3A_1140 = arith.constant 0 : i32
      %dma_wait3A_1141 = tpu.memref_slice %arg6[%dma_wait3A_1135, %dma_wait3A_1140] : memref<32x256xi32, #tpu.memory_space<vmem>> -> memref<1x256xi32, #tpu.memory_space<vmem>>
      %dma_wait3A_1142 = tpu.memref_squeeze %dma_wait3A_1141 : memref<1x256xi32, #tpu.memory_space<vmem>> -> memref<256xi32, #tpu.memory_space<vmem>>
      %dma_wait3A_1143 = tpu.memref_slice %arg3[%add3A_1134] : memref<131072xi32, #tpu.memory_space<hbm>> -> memref<256xi32, #tpu.memory_space<hbm>>
      tpu.wait_dma2 semaphore(%arg14 : memref<!tpu.dma_semaphore, #tpu.memory_space<semaphore_mem>>) src(%dma_wait3A_1143 : memref<256xi32, #tpu.memory_space<hbm>>) dst(%dma_wait3A_1142 : memref<256xi32, #tpu.memory_space<vmem>>)
      %add3A_1144 = arith.constant 81920 : i32
      %add3A_1145 = arith.addi %add3A_1144, %mul3A_2 : i32
      %dma_wait3A_1146 = arith.constant 20 : i32
      %dma_wait3A_1147 = arith.constant 0 : i32
      %dma_wait3A_1148 = tpu.memref_slice %arg5[%dma_wait3A_1146, %dma_wait3A_1147] : memref<32x256xi32, #tpu.memory_space<vmem>> -> memref<1x256xi32, #tpu.memory_space<vmem>>
      %dma_wait3A_1149 = tpu.memref_squeeze %dma_wait3A_1148 : memref<1x256xi32, #tpu.memory_space<vmem>> -> memref<256xi32, #tpu.memory_space<vmem>>
      %dma_wait3A_1150 = tpu.memref_slice %arg2[%add3A_1145] : memref<131072xi32, #tpu.memory_space<hbm>> -> memref<256xi32, #tpu.memory_space<hbm>>
      %dma_wait3A_1151 = arith.constant 0 : i32
      %dma_wait3A_1152 = tpu.memref_slice %arg5[%dma_wait3A_1146, %dma_wait3A_1151] : memref<32x256xi32, #tpu.memory_space<vmem>> -> memref<1x256xi32, #tpu.memory_space<vmem>>
      %dma_wait3A_1153 = tpu.memref_squeeze %dma_wait3A_1152 : memref<1x256xi32, #tpu.memory_space<vmem>> -> memref<256xi32, #tpu.memory_space<vmem>>
      %dma_wait3A_1154 = tpu.memref_slice %arg2[%add3A_1145] : memref<131072xi32, #tpu.memory_space<hbm>> -> memref<256xi32, #tpu.memory_space<hbm>>
      tpu.wait_dma2 semaphore(%arg14 : memref<!tpu.dma_semaphore, #tpu.memory_space<semaphore_mem>>) src(%dma_wait3A_1154 : memref<256xi32, #tpu.memory_space<hbm>>) dst(%dma_wait3A_1153 : memref<256xi32, #tpu.memory_space<vmem>>)
      %add3A_1155 = arith.constant 81920 : i32
      %add3A_1156 = arith.addi %add3A_1155, %mul3A_2 : i32
      %dma_wait3A_1157 = arith.constant 20 : i32
      %dma_wait3A_1158 = arith.constant 0 : i32
      %dma_wait3A_1159 = tpu.memref_slice %arg6[%dma_wait3A_1157, %dma_wait3A_1158] : memref<32x256xi32, #tpu.memory_space<vmem>> -> memref<1x256xi32, #tpu.memory_space<vmem>>
      %dma_wait3A_1160 = tpu.memref_squeeze %dma_wait3A_1159 : memref<1x256xi32, #tpu.memory_space<vmem>> -> memref<256xi32, #tpu.memory_space<vmem>>
      %dma_wait3A_1161 = tpu.memref_slice %arg3[%add3A_1156] : memref<131072xi32, #tpu.memory_space<hbm>> -> memref<256xi32, #tpu.memory_space<hbm>>
      %dma_wait3A_1162 = arith.constant 0 : i32
      %dma_wait3A_1163 = tpu.memref_slice %arg6[%dma_wait3A_1157, %dma_wait3A_1162] : memref<32x256xi32, #tpu.memory_space<vmem>> -> memref<1x256xi32, #tpu.memory_space<vmem>>
      %dma_wait3A_1164 = tpu.memref_squeeze %dma_wait3A_1163 : memref<1x256xi32, #tpu.memory_space<vmem>> -> memref<256xi32, #tpu.memory_space<vmem>>
      %dma_wait3A_1165 = tpu.memref_slice %arg3[%add3A_1156] : memref<131072xi32, #tpu.memory_space<hbm>> -> memref<256xi32, #tpu.memory_space<hbm>>
      tpu.wait_dma2 semaphore(%arg14 : memref<!tpu.dma_semaphore, #tpu.memory_space<semaphore_mem>>) src(%dma_wait3A_1165 : memref<256xi32, #tpu.memory_space<hbm>>) dst(%dma_wait3A_1164 : memref<256xi32, #tpu.memory_space<vmem>>)
      %add3A_1166 = arith.constant 86016 : i32
      %add3A_1167 = arith.addi %add3A_1166, %mul3A_2 : i32
      %dma_wait3A_1168 = arith.constant 21 : i32
      %dma_wait3A_1169 = arith.constant 0 : i32
      %dma_wait3A_1170 = tpu.memref_slice %arg5[%dma_wait3A_1168, %dma_wait3A_1169] : memref<32x256xi32, #tpu.memory_space<vmem>> -> memref<1x256xi32, #tpu.memory_space<vmem>>
      %dma_wait3A_1171 = tpu.memref_squeeze %dma_wait3A_1170 : memref<1x256xi32, #tpu.memory_space<vmem>> -> memref<256xi32, #tpu.memory_space<vmem>>
      %dma_wait3A_1172 = tpu.memref_slice %arg2[%add3A_1167] : memref<131072xi32, #tpu.memory_space<hbm>> -> memref<256xi32, #tpu.memory_space<hbm>>
      %dma_wait3A_1173 = arith.constant 0 : i32
      %dma_wait3A_1174 = tpu.memref_slice %arg5[%dma_wait3A_1168, %dma_wait3A_1173] : memref<32x256xi32, #tpu.memory_space<vmem>> -> memref<1x256xi32, #tpu.memory_space<vmem>>
      %dma_wait3A_1175 = tpu.memref_squeeze %dma_wait3A_1174 : memref<1x256xi32, #tpu.memory_space<vmem>> -> memref<256xi32, #tpu.memory_space<vmem>>
      %dma_wait3A_1176 = tpu.memref_slice %arg2[%add3A_1167] : memref<131072xi32, #tpu.memory_space<hbm>> -> memref<256xi32, #tpu.memory_space<hbm>>
      tpu.wait_dma2 semaphore(%arg14 : memref<!tpu.dma_semaphore, #tpu.memory_space<semaphore_mem>>) src(%dma_wait3A_1176 : memref<256xi32, #tpu.memory_space<hbm>>) dst(%dma_wait3A_1175 : memref<256xi32, #tpu.memory_space<vmem>>)
      %add3A_1177 = arith.constant 86016 : i32
      %add3A_1178 = arith.addi %add3A_1177, %mul3A_2 : i32
      %dma_wait3A_1179 = arith.constant 21 : i32
      %dma_wait3A_1180 = arith.constant 0 : i32
      %dma_wait3A_1181 = tpu.memref_slice %arg6[%dma_wait3A_1179, %dma_wait3A_1180] : memref<32x256xi32, #tpu.memory_space<vmem>> -> memref<1x256xi32, #tpu.memory_space<vmem>>
      %dma_wait3A_1182 = tpu.memref_squeeze %dma_wait3A_1181 : memref<1x256xi32, #tpu.memory_space<vmem>> -> memref<256xi32, #tpu.memory_space<vmem>>
      %dma_wait3A_1183 = tpu.memref_slice %arg3[%add3A_1178] : memref<131072xi32, #tpu.memory_space<hbm>> -> memref<256xi32, #tpu.memory_space<hbm>>
      %dma_wait3A_1184 = arith.constant 0 : i32
      %dma_wait3A_1185 = tpu.memref_slice %arg6[%dma_wait3A_1179, %dma_wait3A_1184] : memref<32x256xi32, #tpu.memory_space<vmem>> -> memref<1x256xi32, #tpu.memory_space<vmem>>
      %dma_wait3A_1186 = tpu.memref_squeeze %dma_wait3A_1185 : memref<1x256xi32, #tpu.memory_space<vmem>> -> memref<256xi32, #tpu.memory_space<vmem>>
      %dma_wait3A_1187 = tpu.memref_slice %arg3[%add3A_1178] : memref<131072xi32, #tpu.memory_space<hbm>> -> memref<256xi32, #tpu.memory_space<hbm>>
      tpu.wait_dma2 semaphore(%arg14 : memref<!tpu.dma_semaphore, #tpu.memory_space<semaphore_mem>>) src(%dma_wait3A_1187 : memref<256xi32, #tpu.memory_space<hbm>>) dst(%dma_wait3A_1186 : memref<256xi32, #tpu.memory_space<vmem>>)
      %add3A_1188 = arith.constant 90112 : i32
      %add3A_1189 = arith.addi %add3A_1188, %mul3A_2 : i32
      %dma_wait3A_1190 = arith.constant 22 : i32
      %dma_wait3A_1191 = arith.constant 0 : i32
      %dma_wait3A_1192 = tpu.memref_slice %arg5[%dma_wait3A_1190, %dma_wait3A_1191] : memref<32x256xi32, #tpu.memory_space<vmem>> -> memref<1x256xi32, #tpu.memory_space<vmem>>
      %dma_wait3A_1193 = tpu.memref_squeeze %dma_wait3A_1192 : memref<1x256xi32, #tpu.memory_space<vmem>> -> memref<256xi32, #tpu.memory_space<vmem>>
      %dma_wait3A_1194 = tpu.memref_slice %arg2[%add3A_1189] : memref<131072xi32, #tpu.memory_space<hbm>> -> memref<256xi32, #tpu.memory_space<hbm>>
      %dma_wait3A_1195 = arith.constant 0 : i32
      %dma_wait3A_1196 = tpu.memref_slice %arg5[%dma_wait3A_1190, %dma_wait3A_1195] : memref<32x256xi32, #tpu.memory_space<vmem>> -> memref<1x256xi32, #tpu.memory_space<vmem>>
      %dma_wait3A_1197 = tpu.memref_squeeze %dma_wait3A_1196 : memref<1x256xi32, #tpu.memory_space<vmem>> -> memref<256xi32, #tpu.memory_space<vmem>>
      %dma_wait3A_1198 = tpu.memref_slice %arg2[%add3A_1189] : memref<131072xi32, #tpu.memory_space<hbm>> -> memref<256xi32, #tpu.memory_space<hbm>>
      tpu.wait_dma2 semaphore(%arg14 : memref<!tpu.dma_semaphore, #tpu.memory_space<semaphore_mem>>) src(%dma_wait3A_1198 : memref<256xi32, #tpu.memory_space<hbm>>) dst(%dma_wait3A_1197 : memref<256xi32, #tpu.memory_space<vmem>>)
      %add3A_1199 = arith.constant 90112 : i32
      %add3A_1200 = arith.addi %add3A_1199, %mul3A_2 : i32
      %dma_wait3A_1201 = arith.constant 22 : i32
      %dma_wait3A_1202 = arith.constant 0 : i32
      %dma_wait3A_1203 = tpu.memref_slice %arg6[%dma_wait3A_1201, %dma_wait3A_1202] : memref<32x256xi32, #tpu.memory_space<vmem>> -> memref<1x256xi32, #tpu.memory_space<vmem>>
      %dma_wait3A_1204 = tpu.memref_squeeze %dma_wait3A_1203 : memref<1x256xi32, #tpu.memory_space<vmem>> -> memref<256xi32, #tpu.memory_space<vmem>>
      %dma_wait3A_1205 = tpu.memref_slice %arg3[%add3A_1200] : memref<131072xi32, #tpu.memory_space<hbm>> -> memref<256xi32, #tpu.memory_space<hbm>>
      %dma_wait3A_1206 = arith.constant 0 : i32
      %dma_wait3A_1207 = tpu.memref_slice %arg6[%dma_wait3A_1201, %dma_wait3A_1206] : memref<32x256xi32, #tpu.memory_space<vmem>> -> memref<1x256xi32, #tpu.memory_space<vmem>>
      %dma_wait3A_1208 = tpu.memref_squeeze %dma_wait3A_1207 : memref<1x256xi32, #tpu.memory_space<vmem>> -> memref<256xi32, #tpu.memory_space<vmem>>
      %dma_wait3A_1209 = tpu.memref_slice %arg3[%add3A_1200] : memref<131072xi32, #tpu.memory_space<hbm>> -> memref<256xi32, #tpu.memory_space<hbm>>
      tpu.wait_dma2 semaphore(%arg14 : memref<!tpu.dma_semaphore, #tpu.memory_space<semaphore_mem>>) src(%dma_wait3A_1209 : memref<256xi32, #tpu.memory_space<hbm>>) dst(%dma_wait3A_1208 : memref<256xi32, #tpu.memory_space<vmem>>)
      %add3A_1210 = arith.constant 94208 : i32
      %add3A_1211 = arith.addi %add3A_1210, %mul3A_2 : i32
      %dma_wait3A_1212 = arith.constant 23 : i32
      %dma_wait3A_1213 = arith.constant 0 : i32
      %dma_wait3A_1214 = tpu.memref_slice %arg5[%dma_wait3A_1212, %dma_wait3A_1213] : memref<32x256xi32, #tpu.memory_space<vmem>> -> memref<1x256xi32, #tpu.memory_space<vmem>>
      %dma_wait3A_1215 = tpu.memref_squeeze %dma_wait3A_1214 : memref<1x256xi32, #tpu.memory_space<vmem>> -> memref<256xi32, #tpu.memory_space<vmem>>
      %dma_wait3A_1216 = tpu.memref_slice %arg2[%add3A_1211] : memref<131072xi32, #tpu.memory_space<hbm>> -> memref<256xi32, #tpu.memory_space<hbm>>
      %dma_wait3A_1217 = arith.constant 0 : i32
      %dma_wait3A_1218 = tpu.memref_slice %arg5[%dma_wait3A_1212, %dma_wait3A_1217] : memref<32x256xi32, #tpu.memory_space<vmem>> -> memref<1x256xi32, #tpu.memory_space<vmem>>
      %dma_wait3A_1219 = tpu.memref_squeeze %dma_wait3A_1218 : memref<1x256xi32, #tpu.memory_space<vmem>> -> memref<256xi32, #tpu.memory_space<vmem>>
      %dma_wait3A_1220 = tpu.memref_slice %arg2[%add3A_1211] : memref<131072xi32, #tpu.memory_space<hbm>> -> memref<256xi32, #tpu.memory_space<hbm>>
      tpu.wait_dma2 semaphore(%arg14 : memref<!tpu.dma_semaphore, #tpu.memory_space<semaphore_mem>>) src(%dma_wait3A_1220 : memref<256xi32, #tpu.memory_space<hbm>>) dst(%dma_wait3A_1219 : memref<256xi32, #tpu.memory_space<vmem>>)
      %add3A_1221 = arith.constant 94208 : i32
      %add3A_1222 = arith.addi %add3A_1221, %mul3A_2 : i32
      %dma_wait3A_1223 = arith.constant 23 : i32
      %dma_wait3A_1224 = arith.constant 0 : i32
      %dma_wait3A_1225 = tpu.memref_slice %arg6[%dma_wait3A_1223, %dma_wait3A_1224] : memref<32x256xi32, #tpu.memory_space<vmem>> -> memref<1x256xi32, #tpu.memory_space<vmem>>
      %dma_wait3A_1226 = tpu.memref_squeeze %dma_wait3A_1225 : memref<1x256xi32, #tpu.memory_space<vmem>> -> memref<256xi32, #tpu.memory_space<vmem>>
      %dma_wait3A_1227 = tpu.memref_slice %arg3[%add3A_1222] : memref<131072xi32, #tpu.memory_space<hbm>> -> memref<256xi32, #tpu.memory_space<hbm>>
      %dma_wait3A_1228 = arith.constant 0 : i32
      %dma_wait3A_1229 = tpu.memref_slice %arg6[%dma_wait3A_1223, %dma_wait3A_1228] : memref<32x256xi32, #tpu.memory_space<vmem>> -> memref<1x256xi32, #tpu.memory_space<vmem>>
      %dma_wait3A_1230 = tpu.memref_squeeze %dma_wait3A_1229 : memref<1x256xi32, #tpu.memory_space<vmem>> -> memref<256xi32, #tpu.memory_space<vmem>>
      %dma_wait3A_1231 = tpu.memref_slice %arg3[%add3A_1222] : memref<131072xi32, #tpu.memory_space<hbm>> -> memref<256xi32, #tpu.memory_space<hbm>>
      tpu.wait_dma2 semaphore(%arg14 : memref<!tpu.dma_semaphore, #tpu.memory_space<semaphore_mem>>) src(%dma_wait3A_1231 : memref<256xi32, #tpu.memory_space<hbm>>) dst(%dma_wait3A_1230 : memref<256xi32, #tpu.memory_space<vmem>>)
      %add3A_1232 = arith.constant 98304 : i32
      %add3A_1233 = arith.addi %add3A_1232, %mul3A_2 : i32
      %dma_wait3A_1234 = arith.constant 24 : i32
      %dma_wait3A_1235 = arith.constant 0 : i32
      %dma_wait3A_1236 = tpu.memref_slice %arg5[%dma_wait3A_1234, %dma_wait3A_1235] : memref<32x256xi32, #tpu.memory_space<vmem>> -> memref<1x256xi32, #tpu.memory_space<vmem>>
      %dma_wait3A_1237 = tpu.memref_squeeze %dma_wait3A_1236 : memref<1x256xi32, #tpu.memory_space<vmem>> -> memref<256xi32, #tpu.memory_space<vmem>>
      %dma_wait3A_1238 = tpu.memref_slice %arg2[%add3A_1233] : memref<131072xi32, #tpu.memory_space<hbm>> -> memref<256xi32, #tpu.memory_space<hbm>>
      %dma_wait3A_1239 = arith.constant 0 : i32
      %dma_wait3A_1240 = tpu.memref_slice %arg5[%dma_wait3A_1234, %dma_wait3A_1239] : memref<32x256xi32, #tpu.memory_space<vmem>> -> memref<1x256xi32, #tpu.memory_space<vmem>>
      %dma_wait3A_1241 = tpu.memref_squeeze %dma_wait3A_1240 : memref<1x256xi32, #tpu.memory_space<vmem>> -> memref<256xi32, #tpu.memory_space<vmem>>
      %dma_wait3A_1242 = tpu.memref_slice %arg2[%add3A_1233] : memref<131072xi32, #tpu.memory_space<hbm>> -> memref<256xi32, #tpu.memory_space<hbm>>
      tpu.wait_dma2 semaphore(%arg14 : memref<!tpu.dma_semaphore, #tpu.memory_space<semaphore_mem>>) src(%dma_wait3A_1242 : memref<256xi32, #tpu.memory_space<hbm>>) dst(%dma_wait3A_1241 : memref<256xi32, #tpu.memory_space<vmem>>)
      %add3A_1243 = arith.constant 98304 : i32
      %add3A_1244 = arith.addi %add3A_1243, %mul3A_2 : i32
      %dma_wait3A_1245 = arith.constant 24 : i32
      %dma_wait3A_1246 = arith.constant 0 : i32
      %dma_wait3A_1247 = tpu.memref_slice %arg6[%dma_wait3A_1245, %dma_wait3A_1246] : memref<32x256xi32, #tpu.memory_space<vmem>> -> memref<1x256xi32, #tpu.memory_space<vmem>>
      %dma_wait3A_1248 = tpu.memref_squeeze %dma_wait3A_1247 : memref<1x256xi32, #tpu.memory_space<vmem>> -> memref<256xi32, #tpu.memory_space<vmem>>
      %dma_wait3A_1249 = tpu.memref_slice %arg3[%add3A_1244] : memref<131072xi32, #tpu.memory_space<hbm>> -> memref<256xi32, #tpu.memory_space<hbm>>
      %dma_wait3A_1250 = arith.constant 0 : i32
      %dma_wait3A_1251 = tpu.memref_slice %arg6[%dma_wait3A_1245, %dma_wait3A_1250] : memref<32x256xi32, #tpu.memory_space<vmem>> -> memref<1x256xi32, #tpu.memory_space<vmem>>
      %dma_wait3A_1252 = tpu.memref_squeeze %dma_wait3A_1251 : memref<1x256xi32, #tpu.memory_space<vmem>> -> memref<256xi32, #tpu.memory_space<vmem>>
      %dma_wait3A_1253 = tpu.memref_slice %arg3[%add3A_1244] : memref<131072xi32, #tpu.memory_space<hbm>> -> memref<256xi32, #tpu.memory_space<hbm>>
      tpu.wait_dma2 semaphore(%arg14 : memref<!tpu.dma_semaphore, #tpu.memory_space<semaphore_mem>>) src(%dma_wait3A_1253 : memref<256xi32, #tpu.memory_space<hbm>>) dst(%dma_wait3A_1252 : memref<256xi32, #tpu.memory_space<vmem>>)
      %add3A_1254 = arith.constant 102400 : i32
      %add3A_1255 = arith.addi %add3A_1254, %mul3A_2 : i32
      %dma_wait3A_1256 = arith.constant 25 : i32
      %dma_wait3A_1257 = arith.constant 0 : i32
      %dma_wait3A_1258 = tpu.memref_slice %arg5[%dma_wait3A_1256, %dma_wait3A_1257] : memref<32x256xi32, #tpu.memory_space<vmem>> -> memref<1x256xi32, #tpu.memory_space<vmem>>
      %dma_wait3A_1259 = tpu.memref_squeeze %dma_wait3A_1258 : memref<1x256xi32, #tpu.memory_space<vmem>> -> memref<256xi32, #tpu.memory_space<vmem>>
      %dma_wait3A_1260 = tpu.memref_slice %arg2[%add3A_1255] : memref<131072xi32, #tpu.memory_space<hbm>> -> memref<256xi32, #tpu.memory_space<hbm>>
      %dma_wait3A_1261 = arith.constant 0 : i32
      %dma_wait3A_1262 = tpu.memref_slice %arg5[%dma_wait3A_1256, %dma_wait3A_1261] : memref<32x256xi32, #tpu.memory_space<vmem>> -> memref<1x256xi32, #tpu.memory_space<vmem>>
      %dma_wait3A_1263 = tpu.memref_squeeze %dma_wait3A_1262 : memref<1x256xi32, #tpu.memory_space<vmem>> -> memref<256xi32, #tpu.memory_space<vmem>>
      %dma_wait3A_1264 = tpu.memref_slice %arg2[%add3A_1255] : memref<131072xi32, #tpu.memory_space<hbm>> -> memref<256xi32, #tpu.memory_space<hbm>>
      tpu.wait_dma2 semaphore(%arg14 : memref<!tpu.dma_semaphore, #tpu.memory_space<semaphore_mem>>) src(%dma_wait3A_1264 : memref<256xi32, #tpu.memory_space<hbm>>) dst(%dma_wait3A_1263 : memref<256xi32, #tpu.memory_space<vmem>>)
      %add3A_1265 = arith.constant 102400 : i32
      %add3A_1266 = arith.addi %add3A_1265, %mul3A_2 : i32
      %dma_wait3A_1267 = arith.constant 25 : i32
      %dma_wait3A_1268 = arith.constant 0 : i32
      %dma_wait3A_1269 = tpu.memref_slice %arg6[%dma_wait3A_1267, %dma_wait3A_1268] : memref<32x256xi32, #tpu.memory_space<vmem>> -> memref<1x256xi32, #tpu.memory_space<vmem>>
      %dma_wait3A_1270 = tpu.memref_squeeze %dma_wait3A_1269 : memref<1x256xi32, #tpu.memory_space<vmem>> -> memref<256xi32, #tpu.memory_space<vmem>>
      %dma_wait3A_1271 = tpu.memref_slice %arg3[%add3A_1266] : memref<131072xi32, #tpu.memory_space<hbm>> -> memref<256xi32, #tpu.memory_space<hbm>>
      %dma_wait3A_1272 = arith.constant 0 : i32
      %dma_wait3A_1273 = tpu.memref_slice %arg6[%dma_wait3A_1267, %dma_wait3A_1272] : memref<32x256xi32, #tpu.memory_space<vmem>> -> memref<1x256xi32, #tpu.memory_space<vmem>>
      %dma_wait3A_1274 = tpu.memref_squeeze %dma_wait3A_1273 : memref<1x256xi32, #tpu.memory_space<vmem>> -> memref<256xi32, #tpu.memory_space<vmem>>
      %dma_wait3A_1275 = tpu.memref_slice %arg3[%add3A_1266] : memref<131072xi32, #tpu.memory_space<hbm>> -> memref<256xi32, #tpu.memory_space<hbm>>
      tpu.wait_dma2 semaphore(%arg14 : memref<!tpu.dma_semaphore, #tpu.memory_space<semaphore_mem>>) src(%dma_wait3A_1275 : memref<256xi32, #tpu.memory_space<hbm>>) dst(%dma_wait3A_1274 : memref<256xi32, #tpu.memory_space<vmem>>)
      %add3A_1276 = arith.constant 106496 : i32
      %add3A_1277 = arith.addi %add3A_1276, %mul3A_2 : i32
      %dma_wait3A_1278 = arith.constant 26 : i32
      %dma_wait3A_1279 = arith.constant 0 : i32
      %dma_wait3A_1280 = tpu.memref_slice %arg5[%dma_wait3A_1278, %dma_wait3A_1279] : memref<32x256xi32, #tpu.memory_space<vmem>> -> memref<1x256xi32, #tpu.memory_space<vmem>>
      %dma_wait3A_1281 = tpu.memref_squeeze %dma_wait3A_1280 : memref<1x256xi32, #tpu.memory_space<vmem>> -> memref<256xi32, #tpu.memory_space<vmem>>
      %dma_wait3A_1282 = tpu.memref_slice %arg2[%add3A_1277] : memref<131072xi32, #tpu.memory_space<hbm>> -> memref<256xi32, #tpu.memory_space<hbm>>
      %dma_wait3A_1283 = arith.constant 0 : i32
      %dma_wait3A_1284 = tpu.memref_slice %arg5[%dma_wait3A_1278, %dma_wait3A_1283] : memref<32x256xi32, #tpu.memory_space<vmem>> -> memref<1x256xi32, #tpu.memory_space<vmem>>
      %dma_wait3A_1285 = tpu.memref_squeeze %dma_wait3A_1284 : memref<1x256xi32, #tpu.memory_space<vmem>> -> memref<256xi32, #tpu.memory_space<vmem>>
      %dma_wait3A_1286 = tpu.memref_slice %arg2[%add3A_1277] : memref<131072xi32, #tpu.memory_space<hbm>> -> memref<256xi32, #tpu.memory_space<hbm>>
      tpu.wait_dma2 semaphore(%arg14 : memref<!tpu.dma_semaphore, #tpu.memory_space<semaphore_mem>>) src(%dma_wait3A_1286 : memref<256xi32, #tpu.memory_space<hbm>>) dst(%dma_wait3A_1285 : memref<256xi32, #tpu.memory_space<vmem>>)
      %add3A_1287 = arith.constant 106496 : i32
      %add3A_1288 = arith.addi %add3A_1287, %mul3A_2 : i32
      %dma_wait3A_1289 = arith.constant 26 : i32
      %dma_wait3A_1290 = arith.constant 0 : i32
      %dma_wait3A_1291 = tpu.memref_slice %arg6[%dma_wait3A_1289, %dma_wait3A_1290] : memref<32x256xi32, #tpu.memory_space<vmem>> -> memref<1x256xi32, #tpu.memory_space<vmem>>
      %dma_wait3A_1292 = tpu.memref_squeeze %dma_wait3A_1291 : memref<1x256xi32, #tpu.memory_space<vmem>> -> memref<256xi32, #tpu.memory_space<vmem>>
      %dma_wait3A_1293 = tpu.memref_slice %arg3[%add3A_1288] : memref<131072xi32, #tpu.memory_space<hbm>> -> memref<256xi32, #tpu.memory_space<hbm>>
      %dma_wait3A_1294 = arith.constant 0 : i32
      %dma_wait3A_1295 = tpu.memref_slice %arg6[%dma_wait3A_1289, %dma_wait3A_1294] : memref<32x256xi32, #tpu.memory_space<vmem>> -> memref<1x256xi32, #tpu.memory_space<vmem>>
      %dma_wait3A_1296 = tpu.memref_squeeze %dma_wait3A_1295 : memref<1x256xi32, #tpu.memory_space<vmem>> -> memref<256xi32, #tpu.memory_space<vmem>>
      %dma_wait3A_1297 = tpu.memref_slice %arg3[%add3A_1288] : memref<131072xi32, #tpu.memory_space<hbm>> -> memref<256xi32, #tpu.memory_space<hbm>>
      tpu.wait_dma2 semaphore(%arg14 : memref<!tpu.dma_semaphore, #tpu.memory_space<semaphore_mem>>) src(%dma_wait3A_1297 : memref<256xi32, #tpu.memory_space<hbm>>) dst(%dma_wait3A_1296 : memref<256xi32, #tpu.memory_space<vmem>>)
      %add3A_1298 = arith.constant 110592 : i32
      %add3A_1299 = arith.addi %add3A_1298, %mul3A_2 : i32
      %dma_wait3A_1300 = arith.constant 27 : i32
      %dma_wait3A_1301 = arith.constant 0 : i32
      %dma_wait3A_1302 = tpu.memref_slice %arg5[%dma_wait3A_1300, %dma_wait3A_1301] : memref<32x256xi32, #tpu.memory_space<vmem>> -> memref<1x256xi32, #tpu.memory_space<vmem>>
      %dma_wait3A_1303 = tpu.memref_squeeze %dma_wait3A_1302 : memref<1x256xi32, #tpu.memory_space<vmem>> -> memref<256xi32, #tpu.memory_space<vmem>>
      %dma_wait3A_1304 = tpu.memref_slice %arg2[%add3A_1299] : memref<131072xi32, #tpu.memory_space<hbm>> -> memref<256xi32, #tpu.memory_space<hbm>>
      %dma_wait3A_1305 = arith.constant 0 : i32
      %dma_wait3A_1306 = tpu.memref_slice %arg5[%dma_wait3A_1300, %dma_wait3A_1305] : memref<32x256xi32, #tpu.memory_space<vmem>> -> memref<1x256xi32, #tpu.memory_space<vmem>>
      %dma_wait3A_1307 = tpu.memref_squeeze %dma_wait3A_1306 : memref<1x256xi32, #tpu.memory_space<vmem>> -> memref<256xi32, #tpu.memory_space<vmem>>
      %dma_wait3A_1308 = tpu.memref_slice %arg2[%add3A_1299] : memref<131072xi32, #tpu.memory_space<hbm>> -> memref<256xi32, #tpu.memory_space<hbm>>
      tpu.wait_dma2 semaphore(%arg14 : memref<!tpu.dma_semaphore, #tpu.memory_space<semaphore_mem>>) src(%dma_wait3A_1308 : memref<256xi32, #tpu.memory_space<hbm>>) dst(%dma_wait3A_1307 : memref<256xi32, #tpu.memory_space<vmem>>)
      %add3A_1309 = arith.constant 110592 : i32
      %add3A_1310 = arith.addi %add3A_1309, %mul3A_2 : i32
      %dma_wait3A_1311 = arith.constant 27 : i32
      %dma_wait3A_1312 = arith.constant 0 : i32
      %dma_wait3A_1313 = tpu.memref_slice %arg6[%dma_wait3A_1311, %dma_wait3A_1312] : memref<32x256xi32, #tpu.memory_space<vmem>> -> memref<1x256xi32, #tpu.memory_space<vmem>>
      %dma_wait3A_1314 = tpu.memref_squeeze %dma_wait3A_1313 : memref<1x256xi32, #tpu.memory_space<vmem>> -> memref<256xi32, #tpu.memory_space<vmem>>
      %dma_wait3A_1315 = tpu.memref_slice %arg3[%add3A_1310] : memref<131072xi32, #tpu.memory_space<hbm>> -> memref<256xi32, #tpu.memory_space<hbm>>
      %dma_wait3A_1316 = arith.constant 0 : i32
      %dma_wait3A_1317 = tpu.memref_slice %arg6[%dma_wait3A_1311, %dma_wait3A_1316] : memref<32x256xi32, #tpu.memory_space<vmem>> -> memref<1x256xi32, #tpu.memory_space<vmem>>
      %dma_wait3A_1318 = tpu.memref_squeeze %dma_wait3A_1317 : memref<1x256xi32, #tpu.memory_space<vmem>> -> memref<256xi32, #tpu.memory_space<vmem>>
      %dma_wait3A_1319 = tpu.memref_slice %arg3[%add3A_1310] : memref<131072xi32, #tpu.memory_space<hbm>> -> memref<256xi32, #tpu.memory_space<hbm>>
      tpu.wait_dma2 semaphore(%arg14 : memref<!tpu.dma_semaphore, #tpu.memory_space<semaphore_mem>>) src(%dma_wait3A_1319 : memref<256xi32, #tpu.memory_space<hbm>>) dst(%dma_wait3A_1318 : memref<256xi32, #tpu.memory_space<vmem>>)
      %add3A_1320 = arith.constant 114688 : i32
      %add3A_1321 = arith.addi %add3A_1320, %mul3A_2 : i32
      %dma_wait3A_1322 = arith.constant 28 : i32
      %dma_wait3A_1323 = arith.constant 0 : i32
      %dma_wait3A_1324 = tpu.memref_slice %arg5[%dma_wait3A_1322, %dma_wait3A_1323] : memref<32x256xi32, #tpu.memory_space<vmem>> -> memref<1x256xi32, #tpu.memory_space<vmem>>
      %dma_wait3A_1325 = tpu.memref_squeeze %dma_wait3A_1324 : memref<1x256xi32, #tpu.memory_space<vmem>> -> memref<256xi32, #tpu.memory_space<vmem>>
      %dma_wait3A_1326 = tpu.memref_slice %arg2[%add3A_1321] : memref<131072xi32, #tpu.memory_space<hbm>> -> memref<256xi32, #tpu.memory_space<hbm>>
      %dma_wait3A_1327 = arith.constant 0 : i32
      %dma_wait3A_1328 = tpu.memref_slice %arg5[%dma_wait3A_1322, %dma_wait3A_1327] : memref<32x256xi32, #tpu.memory_space<vmem>> -> memref<1x256xi32, #tpu.memory_space<vmem>>
      %dma_wait3A_1329 = tpu.memref_squeeze %dma_wait3A_1328 : memref<1x256xi32, #tpu.memory_space<vmem>> -> memref<256xi32, #tpu.memory_space<vmem>>
      %dma_wait3A_1330 = tpu.memref_slice %arg2[%add3A_1321] : memref<131072xi32, #tpu.memory_space<hbm>> -> memref<256xi32, #tpu.memory_space<hbm>>
      tpu.wait_dma2 semaphore(%arg14 : memref<!tpu.dma_semaphore, #tpu.memory_space<semaphore_mem>>) src(%dma_wait3A_1330 : memref<256xi32, #tpu.memory_space<hbm>>) dst(%dma_wait3A_1329 : memref<256xi32, #tpu.memory_space<vmem>>)
      %add3A_1331 = arith.constant 114688 : i32
      %add3A_1332 = arith.addi %add3A_1331, %mul3A_2 : i32
      %dma_wait3A_1333 = arith.constant 28 : i32
      %dma_wait3A_1334 = arith.constant 0 : i32
      %dma_wait3A_1335 = tpu.memref_slice %arg6[%dma_wait3A_1333, %dma_wait3A_1334] : memref<32x256xi32, #tpu.memory_space<vmem>> -> memref<1x256xi32, #tpu.memory_space<vmem>>
      %dma_wait3A_1336 = tpu.memref_squeeze %dma_wait3A_1335 : memref<1x256xi32, #tpu.memory_space<vmem>> -> memref<256xi32, #tpu.memory_space<vmem>>
      %dma_wait3A_1337 = tpu.memref_slice %arg3[%add3A_1332] : memref<131072xi32, #tpu.memory_space<hbm>> -> memref<256xi32, #tpu.memory_space<hbm>>
      %dma_wait3A_1338 = arith.constant 0 : i32
      %dma_wait3A_1339 = tpu.memref_slice %arg6[%dma_wait3A_1333, %dma_wait3A_1338] : memref<32x256xi32, #tpu.memory_space<vmem>> -> memref<1x256xi32, #tpu.memory_space<vmem>>
      %dma_wait3A_1340 = tpu.memref_squeeze %dma_wait3A_1339 : memref<1x256xi32, #tpu.memory_space<vmem>> -> memref<256xi32, #tpu.memory_space<vmem>>
      %dma_wait3A_1341 = tpu.memref_slice %arg3[%add3A_1332] : memref<131072xi32, #tpu.memory_space<hbm>> -> memref<256xi32, #tpu.memory_space<hbm>>
      tpu.wait_dma2 semaphore(%arg14 : memref<!tpu.dma_semaphore, #tpu.memory_space<semaphore_mem>>) src(%dma_wait3A_1341 : memref<256xi32, #tpu.memory_space<hbm>>) dst(%dma_wait3A_1340 : memref<256xi32, #tpu.memory_space<vmem>>)
      %add3A_1342 = arith.constant 118784 : i32
      %add3A_1343 = arith.addi %add3A_1342, %mul3A_2 : i32
      %dma_wait3A_1344 = arith.constant 29 : i32
      %dma_wait3A_1345 = arith.constant 0 : i32
      %dma_wait3A_1346 = tpu.memref_slice %arg5[%dma_wait3A_1344, %dma_wait3A_1345] : memref<32x256xi32, #tpu.memory_space<vmem>> -> memref<1x256xi32, #tpu.memory_space<vmem>>
      %dma_wait3A_1347 = tpu.memref_squeeze %dma_wait3A_1346 : memref<1x256xi32, #tpu.memory_space<vmem>> -> memref<256xi32, #tpu.memory_space<vmem>>
      %dma_wait3A_1348 = tpu.memref_slice %arg2[%add3A_1343] : memref<131072xi32, #tpu.memory_space<hbm>> -> memref<256xi32, #tpu.memory_space<hbm>>
      %dma_wait3A_1349 = arith.constant 0 : i32
      %dma_wait3A_1350 = tpu.memref_slice %arg5[%dma_wait3A_1344, %dma_wait3A_1349] : memref<32x256xi32, #tpu.memory_space<vmem>> -> memref<1x256xi32, #tpu.memory_space<vmem>>
      %dma_wait3A_1351 = tpu.memref_squeeze %dma_wait3A_1350 : memref<1x256xi32, #tpu.memory_space<vmem>> -> memref<256xi32, #tpu.memory_space<vmem>>
      %dma_wait3A_1352 = tpu.memref_slice %arg2[%add3A_1343] : memref<131072xi32, #tpu.memory_space<hbm>> -> memref<256xi32, #tpu.memory_space<hbm>>
      tpu.wait_dma2 semaphore(%arg14 : memref<!tpu.dma_semaphore, #tpu.memory_space<semaphore_mem>>) src(%dma_wait3A_1352 : memref<256xi32, #tpu.memory_space<hbm>>) dst(%dma_wait3A_1351 : memref<256xi32, #tpu.memory_space<vmem>>)
      %add3A_1353 = arith.constant 118784 : i32
      %add3A_1354 = arith.addi %add3A_1353, %mul3A_2 : i32
      %dma_wait3A_1355 = arith.constant 29 : i32
      %dma_wait3A_1356 = arith.constant 0 : i32
      %dma_wait3A_1357 = tpu.memref_slice %arg6[%dma_wait3A_1355, %dma_wait3A_1356] : memref<32x256xi32, #tpu.memory_space<vmem>> -> memref<1x256xi32, #tpu.memory_space<vmem>>
      %dma_wait3A_1358 = tpu.memref_squeeze %dma_wait3A_1357 : memref<1x256xi32, #tpu.memory_space<vmem>> -> memref<256xi32, #tpu.memory_space<vmem>>
      %dma_wait3A_1359 = tpu.memref_slice %arg3[%add3A_1354] : memref<131072xi32, #tpu.memory_space<hbm>> -> memref<256xi32, #tpu.memory_space<hbm>>
      %dma_wait3A_1360 = arith.constant 0 : i32
      %dma_wait3A_1361 = tpu.memref_slice %arg6[%dma_wait3A_1355, %dma_wait3A_1360] : memref<32x256xi32, #tpu.memory_space<vmem>> -> memref<1x256xi32, #tpu.memory_space<vmem>>
      %dma_wait3A_1362 = tpu.memref_squeeze %dma_wait3A_1361 : memref<1x256xi32, #tpu.memory_space<vmem>> -> memref<256xi32, #tpu.memory_space<vmem>>
      %dma_wait3A_1363 = tpu.memref_slice %arg3[%add3A_1354] : memref<131072xi32, #tpu.memory_space<hbm>> -> memref<256xi32, #tpu.memory_space<hbm>>
      tpu.wait_dma2 semaphore(%arg14 : memref<!tpu.dma_semaphore, #tpu.memory_space<semaphore_mem>>) src(%dma_wait3A_1363 : memref<256xi32, #tpu.memory_space<hbm>>) dst(%dma_wait3A_1362 : memref<256xi32, #tpu.memory_space<vmem>>)
      %add3A_1364 = arith.constant 122880 : i32
      %add3A_1365 = arith.addi %add3A_1364, %mul3A_2 : i32
      %dma_wait3A_1366 = arith.constant 30 : i32
      %dma_wait3A_1367 = arith.constant 0 : i32
      %dma_wait3A_1368 = tpu.memref_slice %arg5[%dma_wait3A_1366, %dma_wait3A_1367] : memref<32x256xi32, #tpu.memory_space<vmem>> -> memref<1x256xi32, #tpu.memory_space<vmem>>
      %dma_wait3A_1369 = tpu.memref_squeeze %dma_wait3A_1368 : memref<1x256xi32, #tpu.memory_space<vmem>> -> memref<256xi32, #tpu.memory_space<vmem>>
      %dma_wait3A_1370 = tpu.memref_slice %arg2[%add3A_1365] : memref<131072xi32, #tpu.memory_space<hbm>> -> memref<256xi32, #tpu.memory_space<hbm>>
      %dma_wait3A_1371 = arith.constant 0 : i32
      %dma_wait3A_1372 = tpu.memref_slice %arg5[%dma_wait3A_1366, %dma_wait3A_1371] : memref<32x256xi32, #tpu.memory_space<vmem>> -> memref<1x256xi32, #tpu.memory_space<vmem>>
      %dma_wait3A_1373 = tpu.memref_squeeze %dma_wait3A_1372 : memref<1x256xi32, #tpu.memory_space<vmem>> -> memref<256xi32, #tpu.memory_space<vmem>>
      %dma_wait3A_1374 = tpu.memref_slice %arg2[%add3A_1365] : memref<131072xi32, #tpu.memory_space<hbm>> -> memref<256xi32, #tpu.memory_space<hbm>>
      tpu.wait_dma2 semaphore(%arg14 : memref<!tpu.dma_semaphore, #tpu.memory_space<semaphore_mem>>) src(%dma_wait3A_1374 : memref<256xi32, #tpu.memory_space<hbm>>) dst(%dma_wait3A_1373 : memref<256xi32, #tpu.memory_space<vmem>>)
      %add3A_1375 = arith.constant 122880 : i32
      %add3A_1376 = arith.addi %add3A_1375, %mul3A_2 : i32
      %dma_wait3A_1377 = arith.constant 30 : i32
      %dma_wait3A_1378 = arith.constant 0 : i32
      %dma_wait3A_1379 = tpu.memref_slice %arg6[%dma_wait3A_1377, %dma_wait3A_1378] : memref<32x256xi32, #tpu.memory_space<vmem>> -> memref<1x256xi32, #tpu.memory_space<vmem>>
      %dma_wait3A_1380 = tpu.memref_squeeze %dma_wait3A_1379 : memref<1x256xi32, #tpu.memory_space<vmem>> -> memref<256xi32, #tpu.memory_space<vmem>>
      %dma_wait3A_1381 = tpu.memref_slice %arg3[%add3A_1376] : memref<131072xi32, #tpu.memory_space<hbm>> -> memref<256xi32, #tpu.memory_space<hbm>>
      %dma_wait3A_1382 = arith.constant 0 : i32
      %dma_wait3A_1383 = tpu.memref_slice %arg6[%dma_wait3A_1377, %dma_wait3A_1382] : memref<32x256xi32, #tpu.memory_space<vmem>> -> memref<1x256xi32, #tpu.memory_space<vmem>>
      %dma_wait3A_1384 = tpu.memref_squeeze %dma_wait3A_1383 : memref<1x256xi32, #tpu.memory_space<vmem>> -> memref<256xi32, #tpu.memory_space<vmem>>
      %dma_wait3A_1385 = tpu.memref_slice %arg3[%add3A_1376] : memref<131072xi32, #tpu.memory_space<hbm>> -> memref<256xi32, #tpu.memory_space<hbm>>
      tpu.wait_dma2 semaphore(%arg14 : memref<!tpu.dma_semaphore, #tpu.memory_space<semaphore_mem>>) src(%dma_wait3A_1385 : memref<256xi32, #tpu.memory_space<hbm>>) dst(%dma_wait3A_1384 : memref<256xi32, #tpu.memory_space<vmem>>)
      %add3A_1386 = arith.constant 126976 : i32
      %add3A_1387 = arith.addi %add3A_1386, %mul3A_2 : i32
      %dma_wait3A_1388 = arith.constant 31 : i32
      %dma_wait3A_1389 = arith.constant 0 : i32
      %dma_wait3A_1390 = tpu.memref_slice %arg5[%dma_wait3A_1388, %dma_wait3A_1389] : memref<32x256xi32, #tpu.memory_space<vmem>> -> memref<1x256xi32, #tpu.memory_space<vmem>>
      %dma_wait3A_1391 = tpu.memref_squeeze %dma_wait3A_1390 : memref<1x256xi32, #tpu.memory_space<vmem>> -> memref<256xi32, #tpu.memory_space<vmem>>
      %dma_wait3A_1392 = tpu.memref_slice %arg2[%add3A_1387] : memref<131072xi32, #tpu.memory_space<hbm>> -> memref<256xi32, #tpu.memory_space<hbm>>
      %dma_wait3A_1393 = arith.constant 0 : i32
      %dma_wait3A_1394 = tpu.memref_slice %arg5[%dma_wait3A_1388, %dma_wait3A_1393] : memref<32x256xi32, #tpu.memory_space<vmem>> -> memref<1x256xi32, #tpu.memory_space<vmem>>
      %dma_wait3A_1395 = tpu.memref_squeeze %dma_wait3A_1394 : memref<1x256xi32, #tpu.memory_space<vmem>> -> memref<256xi32, #tpu.memory_space<vmem>>
      %dma_wait3A_1396 = tpu.memref_slice %arg2[%add3A_1387] : memref<131072xi32, #tpu.memory_space<hbm>> -> memref<256xi32, #tpu.memory_space<hbm>>
      tpu.wait_dma2 semaphore(%arg14 : memref<!tpu.dma_semaphore, #tpu.memory_space<semaphore_mem>>) src(%dma_wait3A_1396 : memref<256xi32, #tpu.memory_space<hbm>>) dst(%dma_wait3A_1395 : memref<256xi32, #tpu.memory_space<vmem>>)
      %add3A_1397 = arith.constant 126976 : i32
      %add3A_1398 = arith.addi %add3A_1397, %mul3A_2 : i32
      %dma_wait3A_1399 = arith.constant 31 : i32
      %dma_wait3A_1400 = arith.constant 0 : i32
      %dma_wait3A_1401 = tpu.memref_slice %arg6[%dma_wait3A_1399, %dma_wait3A_1400] : memref<32x256xi32, #tpu.memory_space<vmem>> -> memref<1x256xi32, #tpu.memory_space<vmem>>
      %dma_wait3A_1402 = tpu.memref_squeeze %dma_wait3A_1401 : memref<1x256xi32, #tpu.memory_space<vmem>> -> memref<256xi32, #tpu.memory_space<vmem>>
      %dma_wait3A_1403 = tpu.memref_slice %arg3[%add3A_1398] : memref<131072xi32, #tpu.memory_space<hbm>> -> memref<256xi32, #tpu.memory_space<hbm>>
      %dma_wait3A_1404 = arith.constant 0 : i32
      %dma_wait3A_1405 = tpu.memref_slice %arg6[%dma_wait3A_1399, %dma_wait3A_1404] : memref<32x256xi32, #tpu.memory_space<vmem>> -> memref<1x256xi32, #tpu.memory_space<vmem>>
      %dma_wait3A_1406 = tpu.memref_squeeze %dma_wait3A_1405 : memref<1x256xi32, #tpu.memory_space<vmem>> -> memref<256xi32, #tpu.memory_space<vmem>>
      %dma_wait3A_1407 = tpu.memref_slice %arg3[%add3A_1398] : memref<131072xi32, #tpu.memory_space<hbm>> -> memref<256xi32, #tpu.memory_space<hbm>>
      tpu.wait_dma2 semaphore(%arg14 : memref<!tpu.dma_semaphore, #tpu.memory_space<semaphore_mem>>) src(%dma_wait3A_1407 : memref<256xi32, #tpu.memory_space<hbm>>) dst(%dma_wait3A_1406 : memref<256xi32, #tpu.memory_space<vmem>>)
      %parallel_loop3A = arith.constant 0 : i32
      %parallel_loop3A_1408 = arith.constant 16 : i32
      %parallel_loop3A_1409 = arith.constant 1 : i32
      scf.for %parallel_loop3A_1415 = %parallel_loop3A to %parallel_loop3A_1408 step %parallel_loop3A_1409  : i32 {
        %parallel_loop3A_1416 = arith.constant 16 : i32
        %parallel_loop3A_1417 = arith.muli %parallel_loop3A_1415, %parallel_loop3A_1416 : i32
        %parallel_loop3A_1418 = arith.constant 0 : i32
        %parallel_loop3A_1419 = vector.broadcast %parallel_loop3A_1418 : i32 to vector<16xi32>
        %parallel_loop3A_1420 = arith.constant 0 : i32
        %parallel_loop3A_1421 = vector.broadcast %parallel_loop3A_1420 : i32 to vector<16xi32>
        %parallel_loop3A_1422 = arith.constant 0 : i32
        %parallel_loop3A_1423 = arith.index_cast %parallel_loop3A_1422 : i32 to index
        %parallel_loop3A_1424 = arith.index_cast %parallel_loop3A_1417 : i32 to index
        %parallel_loop3A_1425 = tpu.vector_load %arg5[%parallel_loop3A_1423, %parallel_loop3A_1424] {strides = array<i32>} : memref<32x256xi32, #tpu.memory_space<vmem>>, vector<16xi32>,
        %parallel_loop3A_1426 = arith.addi %parallel_loop3A_1419, %parallel_loop3A_1425 : vector<16xi32>
        %parallel_loop3A_1427 = arith.constant 0 : i32
        %parallel_loop3A_1428 = arith.index_cast %parallel_loop3A_1427 : i32 to index
        %parallel_loop3A_1429 = arith.index_cast %parallel_loop3A_1417 : i32 to index
        %parallel_loop3A_1430 = tpu.vector_load %arg6[%parallel_loop3A_1428, %parallel_loop3A_1429] {strides = array<i32>} : memref<32x256xi32, #tpu.memory_space<vmem>>, vector<16xi32>,
        %parallel_loop3A_1431 = arith.addi %parallel_loop3A_1421, %parallel_loop3A_1430 : vector<16xi32>
        %parallel_loop3A_1432 = arith.constant 1 : i32
        %parallel_loop3A_1433 = arith.index_cast %parallel_loop3A_1432 : i32 to index
        %parallel_loop3A_1434 = arith.index_cast %parallel_loop3A_1417 : i32 to index
        %parallel_loop3A_1435 = tpu.vector_load %arg5[%parallel_loop3A_1433, %parallel_loop3A_1434] {strides = array<i32>} : memref<32x256xi32, #tpu.memory_space<vmem>>, vector<16xi32>,
        %parallel_loop3A_1436 = arith.addi %parallel_loop3A_1426, %parallel_loop3A_1435 : vector<16xi32>
        %parallel_loop3A_1437 = arith.constant 1 : i32
        %parallel_loop3A_1438 = arith.index_cast %parallel_loop3A_1437 : i32 to index
        %parallel_loop3A_1439 = arith.index_cast %parallel_loop3A_1417 : i32 to index
        %parallel_loop3A_1440 = tpu.vector_load %arg6[%parallel_loop3A_1438, %parallel_loop3A_1439] {strides = array<i32>} : memref<32x256xi32, #tpu.memory_space<vmem>>, vector<16xi32>,
        %parallel_loop3A_1441 = arith.addi %parallel_loop3A_1431, %parallel_loop3A_1440 : vector<16xi32>
        %parallel_loop3A_1442 = arith.constant 2 : i32
        %parallel_loop3A_1443 = arith.index_cast %parallel_loop3A_1442 : i32 to index
        %parallel_loop3A_1444 = arith.index_cast %parallel_loop3A_1417 : i32 to index
        %parallel_loop3A_1445 = tpu.vector_load %arg5[%parallel_loop3A_1443, %parallel_loop3A_1444] {strides = array<i32>} : memref<32x256xi32, #tpu.memory_space<vmem>>, vector<16xi32>,
        %parallel_loop3A_1446 = arith.addi %parallel_loop3A_1436, %parallel_loop3A_1445 : vector<16xi32>
        %parallel_loop3A_1447 = arith.constant 2 : i32
        %parallel_loop3A_1448 = arith.index_cast %parallel_loop3A_1447 : i32 to index
        %parallel_loop3A_1449 = arith.index_cast %parallel_loop3A_1417 : i32 to index
        %parallel_loop3A_1450 = tpu.vector_load %arg6[%parallel_loop3A_1448, %parallel_loop3A_1449] {strides = array<i32>} : memref<32x256xi32, #tpu.memory_space<vmem>>, vector<16xi32>,
        %parallel_loop3A_1451 = arith.addi %parallel_loop3A_1441, %parallel_loop3A_1450 : vector<16xi32>
        %parallel_loop3A_1452 = arith.constant 3 : i32
        %parallel_loop3A_1453 = arith.index_cast %parallel_loop3A_1452 : i32 to index
        %parallel_loop3A_1454 = arith.index_cast %parallel_loop3A_1417 : i32 to index
        %parallel_loop3A_1455 = tpu.vector_load %arg5[%parallel_loop3A_1453, %parallel_loop3A_1454] {strides = array<i32>} : memref<32x256xi32, #tpu.memory_space<vmem>>, vector<16xi32>,
        %parallel_loop3A_1456 = arith.addi %parallel_loop3A_1446, %parallel_loop3A_1455 : vector<16xi32>
        %parallel_loop3A_1457 = arith.constant 3 : i32
        %parallel_loop3A_1458 = arith.index_cast %parallel_loop3A_1457 : i32 to index
        %parallel_loop3A_1459 = arith.index_cast %parallel_loop3A_1417 : i32 to index
        %parallel_loop3A_1460 = tpu.vector_load %arg6[%parallel_loop3A_1458, %parallel_loop3A_1459] {strides = array<i32>} : memref<32x256xi32, #tpu.memory_space<vmem>>, vector<16xi32>,
        %parallel_loop3A_1461 = arith.addi %parallel_loop3A_1451, %parallel_loop3A_1460 : vector<16xi32>
        %parallel_loop3A_1462 = arith.constant 4 : i32
        %parallel_loop3A_1463 = arith.index_cast %parallel_loop3A_1462 : i32 to index
        %parallel_loop3A_1464 = arith.index_cast %parallel_loop3A_1417 : i32 to index
        %parallel_loop3A_1465 = tpu.vector_load %arg5[%parallel_loop3A_1463, %parallel_loop3A_1464] {strides = array<i32>} : memref<32x256xi32, #tpu.memory_space<vmem>>, vector<16xi32>,
        %parallel_loop3A_1466 = arith.addi %parallel_loop3A_1456, %parallel_loop3A_1465 : vector<16xi32>
        %parallel_loop3A_1467 = arith.constant 4 : i32
        %parallel_loop3A_1468 = arith.index_cast %parallel_loop3A_1467 : i32 to index
        %parallel_loop3A_1469 = arith.index_cast %parallel_loop3A_1417 : i32 to index
        %parallel_loop3A_1470 = tpu.vector_load %arg6[%parallel_loop3A_1468, %parallel_loop3A_1469] {strides = array<i32>} : memref<32x256xi32, #tpu.memory_space<vmem>>, vector<16xi32>,
        %parallel_loop3A_1471 = arith.addi %parallel_loop3A_1461, %parallel_loop3A_1470 : vector<16xi32>
        %parallel_loop3A_1472 = arith.constant 5 : i32
        %parallel_loop3A_1473 = arith.index_cast %parallel_loop3A_1472 : i32 to index
        %parallel_loop3A_1474 = arith.index_cast %parallel_loop3A_1417 : i32 to index
        %parallel_loop3A_1475 = tpu.vector_load %arg5[%parallel_loop3A_1473, %parallel_loop3A_1474] {strides = array<i32>} : memref<32x256xi32, #tpu.memory_space<vmem>>, vector<16xi32>,
        %parallel_loop3A_1476 = arith.addi %parallel_loop3A_1466, %parallel_loop3A_1475 : vector<16xi32>
        %parallel_loop3A_1477 = arith.constant 5 : i32
        %parallel_loop3A_1478 = arith.index_cast %parallel_loop3A_1477 : i32 to index
        %parallel_loop3A_1479 = arith.index_cast %parallel_loop3A_1417 : i32 to index
        %parallel_loop3A_1480 = tpu.vector_load %arg6[%parallel_loop3A_1478, %parallel_loop3A_1479] {strides = array<i32>} : memref<32x256xi32, #tpu.memory_space<vmem>>, vector<16xi32>,
        %parallel_loop3A_1481 = arith.addi %parallel_loop3A_1471, %parallel_loop3A_1480 : vector<16xi32>
        %parallel_loop3A_1482 = arith.constant 6 : i32
        %parallel_loop3A_1483 = arith.index_cast %parallel_loop3A_1482 : i32 to index
        %parallel_loop3A_1484 = arith.index_cast %parallel_loop3A_1417 : i32 to index
        %parallel_loop3A_1485 = tpu.vector_load %arg5[%parallel_loop3A_1483, %parallel_loop3A_1484] {strides = array<i32>} : memref<32x256xi32, #tpu.memory_space<vmem>>, vector<16xi32>,
        %parallel_loop3A_1486 = arith.addi %parallel_loop3A_1476, %parallel_loop3A_1485 : vector<16xi32>
        %parallel_loop3A_1487 = arith.constant 6 : i32
        %parallel_loop3A_1488 = arith.index_cast %parallel_loop3A_1487 : i32 to index
        %parallel_loop3A_1489 = arith.index_cast %parallel_loop3A_1417 : i32 to index
        %parallel_loop3A_1490 = tpu.vector_load %arg6[%parallel_loop3A_1488, %parallel_loop3A_1489] {strides = array<i32>} : memref<32x256xi32, #tpu.memory_space<vmem>>, vector<16xi32>,
        %parallel_loop3A_1491 = arith.addi %parallel_loop3A_1481, %parallel_loop3A_1490 : vector<16xi32>
        %parallel_loop3A_1492 = arith.constant 7 : i32
        %parallel_loop3A_1493 = arith.index_cast %parallel_loop3A_1492 : i32 to index
        %parallel_loop3A_1494 = arith.index_cast %parallel_loop3A_1417 : i32 to index
        %parallel_loop3A_1495 = tpu.vector_load %arg5[%parallel_loop3A_1493, %parallel_loop3A_1494] {strides = array<i32>} : memref<32x256xi32, #tpu.memory_space<vmem>>, vector<16xi32>,
        %parallel_loop3A_1496 = arith.addi %parallel_loop3A_1486, %parallel_loop3A_1495 : vector<16xi32>
        %parallel_loop3A_1497 = arith.constant 7 : i32
        %parallel_loop3A_1498 = arith.index_cast %parallel_loop3A_1497 : i32 to index
        %parallel_loop3A_1499 = arith.index_cast %parallel_loop3A_1417 : i32 to index
        %parallel_loop3A_1500 = tpu.vector_load %arg6[%parallel_loop3A_1498, %parallel_loop3A_1499] {strides = array<i32>} : memref<32x256xi32, #tpu.memory_space<vmem>>, vector<16xi32>,
        %parallel_loop3A_1501 = arith.addi %parallel_loop3A_1491, %parallel_loop3A_1500 : vector<16xi32>
        %parallel_loop3A_1502 = arith.constant 8 : i32
        %parallel_loop3A_1503 = arith.index_cast %parallel_loop3A_1502 : i32 to index
        %parallel_loop3A_1504 = arith.index_cast %parallel_loop3A_1417 : i32 to index
        %parallel_loop3A_1505 = tpu.vector_load %arg5[%parallel_loop3A_1503, %parallel_loop3A_1504] {strides = array<i32>} : memref<32x256xi32, #tpu.memory_space<vmem>>, vector<16xi32>,
        %parallel_loop3A_1506 = arith.addi %parallel_loop3A_1496, %parallel_loop3A_1505 : vector<16xi32>
        %parallel_loop3A_1507 = arith.constant 8 : i32
        %parallel_loop3A_1508 = arith.index_cast %parallel_loop3A_1507 : i32 to index
        %parallel_loop3A_1509 = arith.index_cast %parallel_loop3A_1417 : i32 to index
        %parallel_loop3A_1510 = tpu.vector_load %arg6[%parallel_loop3A_1508, %parallel_loop3A_1509] {strides = array<i32>} : memref<32x256xi32, #tpu.memory_space<vmem>>, vector<16xi32>,
        %parallel_loop3A_1511 = arith.addi %parallel_loop3A_1501, %parallel_loop3A_1510 : vector<16xi32>
        %parallel_loop3A_1512 = arith.constant 9 : i32
        %parallel_loop3A_1513 = arith.index_cast %parallel_loop3A_1512 : i32 to index
        %parallel_loop3A_1514 = arith.index_cast %parallel_loop3A_1417 : i32 to index
        %parallel_loop3A_1515 = tpu.vector_load %arg5[%parallel_loop3A_1513, %parallel_loop3A_1514] {strides = array<i32>} : memref<32x256xi32, #tpu.memory_space<vmem>>, vector<16xi32>,
        %parallel_loop3A_1516 = arith.addi %parallel_loop3A_1506, %parallel_loop3A_1515 : vector<16xi32>
        %parallel_loop3A_1517 = arith.constant 9 : i32
        %parallel_loop3A_1518 = arith.index_cast %parallel_loop3A_1517 : i32 to index
        %parallel_loop3A_1519 = arith.index_cast %parallel_loop3A_1417 : i32 to index
        %parallel_loop3A_1520 = tpu.vector_load %arg6[%parallel_loop3A_1518, %parallel_loop3A_1519] {strides = array<i32>} : memref<32x256xi32, #tpu.memory_space<vmem>>, vector<16xi32>,
        %parallel_loop3A_1521 = arith.addi %parallel_loop3A_1511, %parallel_loop3A_1520 : vector<16xi32>
        %parallel_loop3A_1522 = arith.constant 10 : i32
        %parallel_loop3A_1523 = arith.index_cast %parallel_loop3A_1522 : i32 to index
        %parallel_loop3A_1524 = arith.index_cast %parallel_loop3A_1417 : i32 to index
        %parallel_loop3A_1525 = tpu.vector_load %arg5[%parallel_loop3A_1523, %parallel_loop3A_1524] {strides = array<i32>} : memref<32x256xi32, #tpu.memory_space<vmem>>, vector<16xi32>,
        %parallel_loop3A_1526 = arith.addi %parallel_loop3A_1516, %parallel_loop3A_1525 : vector<16xi32>
        %parallel_loop3A_1527 = arith.constant 10 : i32
        %parallel_loop3A_1528 = arith.index_cast %parallel_loop3A_1527 : i32 to index
        %parallel_loop3A_1529 = arith.index_cast %parallel_loop3A_1417 : i32 to index
        %parallel_loop3A_1530 = tpu.vector_load %arg6[%parallel_loop3A_1528, %parallel_loop3A_1529] {strides = array<i32>} : memref<32x256xi32, #tpu.memory_space<vmem>>, vector<16xi32>,
        %parallel_loop3A_1531 = arith.addi %parallel_loop3A_1521, %parallel_loop3A_1530 : vector<16xi32>
        %parallel_loop3A_1532 = arith.constant 11 : i32
        %parallel_loop3A_1533 = arith.index_cast %parallel_loop3A_1532 : i32 to index
        %parallel_loop3A_1534 = arith.index_cast %parallel_loop3A_1417 : i32 to index
        %parallel_loop3A_1535 = tpu.vector_load %arg5[%parallel_loop3A_1533, %parallel_loop3A_1534] {strides = array<i32>} : memref<32x256xi32, #tpu.memory_space<vmem>>, vector<16xi32>,
        %parallel_loop3A_1536 = arith.addi %parallel_loop3A_1526, %parallel_loop3A_1535 : vector<16xi32>
        %parallel_loop3A_1537 = arith.constant 11 : i32
        %parallel_loop3A_1538 = arith.index_cast %parallel_loop3A_1537 : i32 to index
        %parallel_loop3A_1539 = arith.index_cast %parallel_loop3A_1417 : i32 to index
        %parallel_loop3A_1540 = tpu.vector_load %arg6[%parallel_loop3A_1538, %parallel_loop3A_1539] {strides = array<i32>} : memref<32x256xi32, #tpu.memory_space<vmem>>, vector<16xi32>,
        %parallel_loop3A_1541 = arith.addi %parallel_loop3A_1531, %parallel_loop3A_1540 : vector<16xi32>
        %parallel_loop3A_1542 = arith.constant 12 : i32
        %parallel_loop3A_1543 = arith.index_cast %parallel_loop3A_1542 : i32 to index
        %parallel_loop3A_1544 = arith.index_cast %parallel_loop3A_1417 : i32 to index
        %parallel_loop3A_1545 = tpu.vector_load %arg5[%parallel_loop3A_1543, %parallel_loop3A_1544] {strides = array<i32>} : memref<32x256xi32, #tpu.memory_space<vmem>>, vector<16xi32>,
        %parallel_loop3A_1546 = arith.addi %parallel_loop3A_1536, %parallel_loop3A_1545 : vector<16xi32>
        %parallel_loop3A_1547 = arith.constant 12 : i32
        %parallel_loop3A_1548 = arith.index_cast %parallel_loop3A_1547 : i32 to index
        %parallel_loop3A_1549 = arith.index_cast %parallel_loop3A_1417 : i32 to index
        %parallel_loop3A_1550 = tpu.vector_load %arg6[%parallel_loop3A_1548, %parallel_loop3A_1549] {strides = array<i32>} : memref<32x256xi32, #tpu.memory_space<vmem>>, vector<16xi32>,
        %parallel_loop3A_1551 = arith.addi %parallel_loop3A_1541, %parallel_loop3A_1550 : vector<16xi32>
        %parallel_loop3A_1552 = arith.constant 13 : i32
        %parallel_loop3A_1553 = arith.index_cast %parallel_loop3A_1552 : i32 to index
        %parallel_loop3A_1554 = arith.index_cast %parallel_loop3A_1417 : i32 to index
        %parallel_loop3A_1555 = tpu.vector_load %arg5[%parallel_loop3A_1553, %parallel_loop3A_1554] {strides = array<i32>} : memref<32x256xi32, #tpu.memory_space<vmem>>, vector<16xi32>,
        %parallel_loop3A_1556 = arith.addi %parallel_loop3A_1546, %parallel_loop3A_1555 : vector<16xi32>
        %parallel_loop3A_1557 = arith.constant 13 : i32
        %parallel_loop3A_1558 = arith.index_cast %parallel_loop3A_1557 : i32 to index
        %parallel_loop3A_1559 = arith.index_cast %parallel_loop3A_1417 : i32 to index
        %parallel_loop3A_1560 = tpu.vector_load %arg6[%parallel_loop3A_1558, %parallel_loop3A_1559] {strides = array<i32>} : memref<32x256xi32, #tpu.memory_space<vmem>>, vector<16xi32>,
        %parallel_loop3A_1561 = arith.addi %parallel_loop3A_1551, %parallel_loop3A_1560 : vector<16xi32>
        %parallel_loop3A_1562 = arith.constant 14 : i32
        %parallel_loop3A_1563 = arith.index_cast %parallel_loop3A_1562 : i32 to index
        %parallel_loop3A_1564 = arith.index_cast %parallel_loop3A_1417 : i32 to index
        %parallel_loop3A_1565 = tpu.vector_load %arg5[%parallel_loop3A_1563, %parallel_loop3A_1564] {strides = array<i32>} : memref<32x256xi32, #tpu.memory_space<vmem>>, vector<16xi32>,
        %parallel_loop3A_1566 = arith.addi %parallel_loop3A_1556, %parallel_loop3A_1565 : vector<16xi32>
        %parallel_loop3A_1567 = arith.constant 14 : i32
        %parallel_loop3A_1568 = arith.index_cast %parallel_loop3A_1567 : i32 to index
        %parallel_loop3A_1569 = arith.index_cast %parallel_loop3A_1417 : i32 to index
        %parallel_loop3A_1570 = tpu.vector_load %arg6[%parallel_loop3A_1568, %parallel_loop3A_1569] {strides = array<i32>} : memref<32x256xi32, #tpu.memory_space<vmem>>, vector<16xi32>,
        %parallel_loop3A_1571 = arith.addi %parallel_loop3A_1561, %parallel_loop3A_1570 : vector<16xi32>
        %parallel_loop3A_1572 = arith.constant 15 : i32
        %parallel_loop3A_1573 = arith.index_cast %parallel_loop3A_1572 : i32 to index
        %parallel_loop3A_1574 = arith.index_cast %parallel_loop3A_1417 : i32 to index
        %parallel_loop3A_1575 = tpu.vector_load %arg5[%parallel_loop3A_1573, %parallel_loop3A_1574] {strides = array<i32>} : memref<32x256xi32, #tpu.memory_space<vmem>>, vector<16xi32>,
        %parallel_loop3A_1576 = arith.addi %parallel_loop3A_1566, %parallel_loop3A_1575 : vector<16xi32>
        %parallel_loop3A_1577 = arith.constant 15 : i32
        %parallel_loop3A_1578 = arith.index_cast %parallel_loop3A_1577 : i32 to index
        %parallel_loop3A_1579 = arith.index_cast %parallel_loop3A_1417 : i32 to index
        %parallel_loop3A_1580 = tpu.vector_load %arg6[%parallel_loop3A_1578, %parallel_loop3A_1579] {strides = array<i32>} : memref<32x256xi32, #tpu.memory_space<vmem>>, vector<16xi32>,
        %parallel_loop3A_1581 = arith.addi %parallel_loop3A_1571, %parallel_loop3A_1580 : vector<16xi32>
        %parallel_loop3A_1582 = arith.constant 16 : i32
        %parallel_loop3A_1583 = arith.index_cast %parallel_loop3A_1582 : i32 to index
        %parallel_loop3A_1584 = arith.index_cast %parallel_loop3A_1417 : i32 to index
        %parallel_loop3A_1585 = tpu.vector_load %arg5[%parallel_loop3A_1583, %parallel_loop3A_1584] {strides = array<i32>} : memref<32x256xi32, #tpu.memory_space<vmem>>, vector<16xi32>,
        %parallel_loop3A_1586 = arith.addi %parallel_loop3A_1576, %parallel_loop3A_1585 : vector<16xi32>
        %parallel_loop3A_1587 = arith.constant 16 : i32
        %parallel_loop3A_1588 = arith.index_cast %parallel_loop3A_1587 : i32 to index
        %parallel_loop3A_1589 = arith.index_cast %parallel_loop3A_1417 : i32 to index
        %parallel_loop3A_1590 = tpu.vector_load %arg6[%parallel_loop3A_1588, %parallel_loop3A_1589] {strides = array<i32>} : memref<32x256xi32, #tpu.memory_space<vmem>>, vector<16xi32>,
        %parallel_loop3A_1591 = arith.addi %parallel_loop3A_1581, %parallel_loop3A_1590 : vector<16xi32>
        %parallel_loop3A_1592 = arith.constant 17 : i32
        %parallel_loop3A_1593 = arith.index_cast %parallel_loop3A_1592 : i32 to index
        %parallel_loop3A_1594 = arith.index_cast %parallel_loop3A_1417 : i32 to index
        %parallel_loop3A_1595 = tpu.vector_load %arg5[%parallel_loop3A_1593, %parallel_loop3A_1594] {strides = array<i32>} : memref<32x256xi32, #tpu.memory_space<vmem>>, vector<16xi32>,
        %parallel_loop3A_1596 = arith.addi %parallel_loop3A_1586, %parallel_loop3A_1595 : vector<16xi32>
        %parallel_loop3A_1597 = arith.constant 17 : i32
        %parallel_loop3A_1598 = arith.index_cast %parallel_loop3A_1597 : i32 to index
        %parallel_loop3A_1599 = arith.index_cast %parallel_loop3A_1417 : i32 to index
        %parallel_loop3A_1600 = tpu.vector_load %arg6[%parallel_loop3A_1598, %parallel_loop3A_1599] {strides = array<i32>} : memref<32x256xi32, #tpu.memory_space<vmem>>, vector<16xi32>,
        %parallel_loop3A_1601 = arith.addi %parallel_loop3A_1591, %parallel_loop3A_1600 : vector<16xi32>
        %parallel_loop3A_1602 = arith.constant 18 : i32
        %parallel_loop3A_1603 = arith.index_cast %parallel_loop3A_1602 : i32 to index
        %parallel_loop3A_1604 = arith.index_cast %parallel_loop3A_1417 : i32 to index
        %parallel_loop3A_1605 = tpu.vector_load %arg5[%parallel_loop3A_1603, %parallel_loop3A_1604] {strides = array<i32>} : memref<32x256xi32, #tpu.memory_space<vmem>>, vector<16xi32>,
        %parallel_loop3A_1606 = arith.addi %parallel_loop3A_1596, %parallel_loop3A_1605 : vector<16xi32>
        %parallel_loop3A_1607 = arith.constant 18 : i32
        %parallel_loop3A_1608 = arith.index_cast %parallel_loop3A_1607 : i32 to index
        %parallel_loop3A_1609 = arith.index_cast %parallel_loop3A_1417 : i32 to index
        %parallel_loop3A_1610 = tpu.vector_load %arg6[%parallel_loop3A_1608, %parallel_loop3A_1609] {strides = array<i32>} : memref<32x256xi32, #tpu.memory_space<vmem>>, vector<16xi32>,
        %parallel_loop3A_1611 = arith.addi %parallel_loop3A_1601, %parallel_loop3A_1610 : vector<16xi32>
        %parallel_loop3A_1612 = arith.constant 19 : i32
        %parallel_loop3A_1613 = arith.index_cast %parallel_loop3A_1612 : i32 to index
        %parallel_loop3A_1614 = arith.index_cast %parallel_loop3A_1417 : i32 to index
        %parallel_loop3A_1615 = tpu.vector_load %arg5[%parallel_loop3A_1613, %parallel_loop3A_1614] {strides = array<i32>} : memref<32x256xi32, #tpu.memory_space<vmem>>, vector<16xi32>,
        %parallel_loop3A_1616 = arith.addi %parallel_loop3A_1606, %parallel_loop3A_1615 : vector<16xi32>
        %parallel_loop3A_1617 = arith.constant 19 : i32
        %parallel_loop3A_1618 = arith.index_cast %parallel_loop3A_1617 : i32 to index
        %parallel_loop3A_1619 = arith.index_cast %parallel_loop3A_1417 : i32 to index
        %parallel_loop3A_1620 = tpu.vector_load %arg6[%parallel_loop3A_1618, %parallel_loop3A_1619] {strides = array<i32>} : memref<32x256xi32, #tpu.memory_space<vmem>>, vector<16xi32>,
        %parallel_loop3A_1621 = arith.addi %parallel_loop3A_1611, %parallel_loop3A_1620 : vector<16xi32>
        %parallel_loop3A_1622 = arith.constant 20 : i32
        %parallel_loop3A_1623 = arith.index_cast %parallel_loop3A_1622 : i32 to index
        %parallel_loop3A_1624 = arith.index_cast %parallel_loop3A_1417 : i32 to index
        %parallel_loop3A_1625 = tpu.vector_load %arg5[%parallel_loop3A_1623, %parallel_loop3A_1624] {strides = array<i32>} : memref<32x256xi32, #tpu.memory_space<vmem>>, vector<16xi32>,
        %parallel_loop3A_1626 = arith.addi %parallel_loop3A_1616, %parallel_loop3A_1625 : vector<16xi32>
        %parallel_loop3A_1627 = arith.constant 20 : i32
        %parallel_loop3A_1628 = arith.index_cast %parallel_loop3A_1627 : i32 to index
        %parallel_loop3A_1629 = arith.index_cast %parallel_loop3A_1417 : i32 to index
        %parallel_loop3A_1630 = tpu.vector_load %arg6[%parallel_loop3A_1628, %parallel_loop3A_1629] {strides = array<i32>} : memref<32x256xi32, #tpu.memory_space<vmem>>, vector<16xi32>,
        %parallel_loop3A_1631 = arith.addi %parallel_loop3A_1621, %parallel_loop3A_1630 : vector<16xi32>
        %parallel_loop3A_1632 = arith.constant 21 : i32
        %parallel_loop3A_1633 = arith.index_cast %parallel_loop3A_1632 : i32 to index
        %parallel_loop3A_1634 = arith.index_cast %parallel_loop3A_1417 : i32 to index
        %parallel_loop3A_1635 = tpu.vector_load %arg5[%parallel_loop3A_1633, %parallel_loop3A_1634] {strides = array<i32>} : memref<32x256xi32, #tpu.memory_space<vmem>>, vector<16xi32>,
        %parallel_loop3A_1636 = arith.addi %parallel_loop3A_1626, %parallel_loop3A_1635 : vector<16xi32>
        %parallel_loop3A_1637 = arith.constant 21 : i32
        %parallel_loop3A_1638 = arith.index_cast %parallel_loop3A_1637 : i32 to index
        %parallel_loop3A_1639 = arith.index_cast %parallel_loop3A_1417 : i32 to index
        %parallel_loop3A_1640 = tpu.vector_load %arg6[%parallel_loop3A_1638, %parallel_loop3A_1639] {strides = array<i32>} : memref<32x256xi32, #tpu.memory_space<vmem>>, vector<16xi32>,
        %parallel_loop3A_1641 = arith.addi %parallel_loop3A_1631, %parallel_loop3A_1640 : vector<16xi32>
        %parallel_loop3A_1642 = arith.constant 22 : i32
        %parallel_loop3A_1643 = arith.index_cast %parallel_loop3A_1642 : i32 to index
        %parallel_loop3A_1644 = arith.index_cast %parallel_loop3A_1417 : i32 to index
        %parallel_loop3A_1645 = tpu.vector_load %arg5[%parallel_loop3A_1643, %parallel_loop3A_1644] {strides = array<i32>} : memref<32x256xi32, #tpu.memory_space<vmem>>, vector<16xi32>,
        %parallel_loop3A_1646 = arith.addi %parallel_loop3A_1636, %parallel_loop3A_1645 : vector<16xi32>
        %parallel_loop3A_1647 = arith.constant 22 : i32
        %parallel_loop3A_1648 = arith.index_cast %parallel_loop3A_1647 : i32 to index
        %parallel_loop3A_1649 = arith.index_cast %parallel_loop3A_1417 : i32 to index
        %parallel_loop3A_1650 = tpu.vector_load %arg6[%parallel_loop3A_1648, %parallel_loop3A_1649] {strides = array<i32>} : memref<32x256xi32, #tpu.memory_space<vmem>>, vector<16xi32>,
        %parallel_loop3A_1651 = arith.addi %parallel_loop3A_1641, %parallel_loop3A_1650 : vector<16xi32>
        %parallel_loop3A_1652 = arith.constant 23 : i32
        %parallel_loop3A_1653 = arith.index_cast %parallel_loop3A_1652 : i32 to index
        %parallel_loop3A_1654 = arith.index_cast %parallel_loop3A_1417 : i32 to index
        %parallel_loop3A_1655 = tpu.vector_load %arg5[%parallel_loop3A_1653, %parallel_loop3A_1654] {strides = array<i32>} : memref<32x256xi32, #tpu.memory_space<vmem>>, vector<16xi32>,
        %parallel_loop3A_1656 = arith.addi %parallel_loop3A_1646, %parallel_loop3A_1655 : vector<16xi32>
        %parallel_loop3A_1657 = arith.constant 23 : i32
        %parallel_loop3A_1658 = arith.index_cast %parallel_loop3A_1657 : i32 to index
        %parallel_loop3A_1659 = arith.index_cast %parallel_loop3A_1417 : i32 to index
        %parallel_loop3A_1660 = tpu.vector_load %arg6[%parallel_loop3A_1658, %parallel_loop3A_1659] {strides = array<i32>} : memref<32x256xi32, #tpu.memory_space<vmem>>, vector<16xi32>,
        %parallel_loop3A_1661 = arith.addi %parallel_loop3A_1651, %parallel_loop3A_1660 : vector<16xi32>
        %parallel_loop3A_1662 = arith.constant 24 : i32
        %parallel_loop3A_1663 = arith.index_cast %parallel_loop3A_1662 : i32 to index
        %parallel_loop3A_1664 = arith.index_cast %parallel_loop3A_1417 : i32 to index
        %parallel_loop3A_1665 = tpu.vector_load %arg5[%parallel_loop3A_1663, %parallel_loop3A_1664] {strides = array<i32>} : memref<32x256xi32, #tpu.memory_space<vmem>>, vector<16xi32>,
        %parallel_loop3A_1666 = arith.addi %parallel_loop3A_1656, %parallel_loop3A_1665 : vector<16xi32>
        %parallel_loop3A_1667 = arith.constant 24 : i32
        %parallel_loop3A_1668 = arith.index_cast %parallel_loop3A_1667 : i32 to index
        %parallel_loop3A_1669 = arith.index_cast %parallel_loop3A_1417 : i32 to index
        %parallel_loop3A_1670 = tpu.vector_load %arg6[%parallel_loop3A_1668, %parallel_loop3A_1669] {strides = array<i32>} : memref<32x256xi32, #tpu.memory_space<vmem>>, vector<16xi32>,
        %parallel_loop3A_1671 = arith.addi %parallel_loop3A_1661, %parallel_loop3A_1670 : vector<16xi32>
        %parallel_loop3A_1672 = arith.constant 25 : i32
        %parallel_loop3A_1673 = arith.index_cast %parallel_loop3A_1672 : i32 to index
        %parallel_loop3A_1674 = arith.index_cast %parallel_loop3A_1417 : i32 to index
        %parallel_loop3A_1675 = tpu.vector_load %arg5[%parallel_loop3A_1673, %parallel_loop3A_1674] {strides = array<i32>} : memref<32x256xi32, #tpu.memory_space<vmem>>, vector<16xi32>,
        %parallel_loop3A_1676 = arith.addi %parallel_loop3A_1666, %parallel_loop3A_1675 : vector<16xi32>
        %parallel_loop3A_1677 = arith.constant 25 : i32
        %parallel_loop3A_1678 = arith.index_cast %parallel_loop3A_1677 : i32 to index
        %parallel_loop3A_1679 = arith.index_cast %parallel_loop3A_1417 : i32 to index
        %parallel_loop3A_1680 = tpu.vector_load %arg6[%parallel_loop3A_1678, %parallel_loop3A_1679] {strides = array<i32>} : memref<32x256xi32, #tpu.memory_space<vmem>>, vector<16xi32>,
        %parallel_loop3A_1681 = arith.addi %parallel_loop3A_1671, %parallel_loop3A_1680 : vector<16xi32>
        %parallel_loop3A_1682 = arith.constant 26 : i32
        %parallel_loop3A_1683 = arith.index_cast %parallel_loop3A_1682 : i32 to index
        %parallel_loop3A_1684 = arith.index_cast %parallel_loop3A_1417 : i32 to index
        %parallel_loop3A_1685 = tpu.vector_load %arg5[%parallel_loop3A_1683, %parallel_loop3A_1684] {strides = array<i32>} : memref<32x256xi32, #tpu.memory_space<vmem>>, vector<16xi32>,
        %parallel_loop3A_1686 = arith.addi %parallel_loop3A_1676, %parallel_loop3A_1685 : vector<16xi32>
        %parallel_loop3A_1687 = arith.constant 26 : i32
        %parallel_loop3A_1688 = arith.index_cast %parallel_loop3A_1687 : i32 to index
        %parallel_loop3A_1689 = arith.index_cast %parallel_loop3A_1417 : i32 to index
        %parallel_loop3A_1690 = tpu.vector_load %arg6[%parallel_loop3A_1688, %parallel_loop3A_1689] {strides = array<i32>} : memref<32x256xi32, #tpu.memory_space<vmem>>, vector<16xi32>,
        %parallel_loop3A_1691 = arith.addi %parallel_loop3A_1681, %parallel_loop3A_1690 : vector<16xi32>
        %parallel_loop3A_1692 = arith.constant 27 : i32
        %parallel_loop3A_1693 = arith.index_cast %parallel_loop3A_1692 : i32 to index
        %parallel_loop3A_1694 = arith.index_cast %parallel_loop3A_1417 : i32 to index
        %parallel_loop3A_1695 = tpu.vector_load %arg5[%parallel_loop3A_1693, %parallel_loop3A_1694] {strides = array<i32>} : memref<32x256xi32, #tpu.memory_space<vmem>>, vector<16xi32>,
        %parallel_loop3A_1696 = arith.addi %parallel_loop3A_1686, %parallel_loop3A_1695 : vector<16xi32>
        %parallel_loop3A_1697 = arith.constant 27 : i32
        %parallel_loop3A_1698 = arith.index_cast %parallel_loop3A_1697 : i32 to index
        %parallel_loop3A_1699 = arith.index_cast %parallel_loop3A_1417 : i32 to index
        %parallel_loop3A_1700 = tpu.vector_load %arg6[%parallel_loop3A_1698, %parallel_loop3A_1699] {strides = array<i32>} : memref<32x256xi32, #tpu.memory_space<vmem>>, vector<16xi32>,
        %parallel_loop3A_1701 = arith.addi %parallel_loop3A_1691, %parallel_loop3A_1700 : vector<16xi32>
        %parallel_loop3A_1702 = arith.constant 28 : i32
        %parallel_loop3A_1703 = arith.index_cast %parallel_loop3A_1702 : i32 to index
        %parallel_loop3A_1704 = arith.index_cast %parallel_loop3A_1417 : i32 to index
        %parallel_loop3A_1705 = tpu.vector_load %arg5[%parallel_loop3A_1703, %parallel_loop3A_1704] {strides = array<i32>} : memref<32x256xi32, #tpu.memory_space<vmem>>, vector<16xi32>,
        %parallel_loop3A_1706 = arith.addi %parallel_loop3A_1696, %parallel_loop3A_1705 : vector<16xi32>
        %parallel_loop3A_1707 = arith.constant 28 : i32
        %parallel_loop3A_1708 = arith.index_cast %parallel_loop3A_1707 : i32 to index
        %parallel_loop3A_1709 = arith.index_cast %parallel_loop3A_1417 : i32 to index
        %parallel_loop3A_1710 = tpu.vector_load %arg6[%parallel_loop3A_1708, %parallel_loop3A_1709] {strides = array<i32>} : memref<32x256xi32, #tpu.memory_space<vmem>>, vector<16xi32>,
        %parallel_loop3A_1711 = arith.addi %parallel_loop3A_1701, %parallel_loop3A_1710 : vector<16xi32>
        %parallel_loop3A_1712 = arith.constant 29 : i32
        %parallel_loop3A_1713 = arith.index_cast %parallel_loop3A_1712 : i32 to index
        %parallel_loop3A_1714 = arith.index_cast %parallel_loop3A_1417 : i32 to index
        %parallel_loop3A_1715 = tpu.vector_load %arg5[%parallel_loop3A_1713, %parallel_loop3A_1714] {strides = array<i32>} : memref<32x256xi32, #tpu.memory_space<vmem>>, vector<16xi32>,
        %parallel_loop3A_1716 = arith.addi %parallel_loop3A_1706, %parallel_loop3A_1715 : vector<16xi32>
        %parallel_loop3A_1717 = arith.constant 29 : i32
        %parallel_loop3A_1718 = arith.index_cast %parallel_loop3A_1717 : i32 to index
        %parallel_loop3A_1719 = arith.index_cast %parallel_loop3A_1417 : i32 to index
        %parallel_loop3A_1720 = tpu.vector_load %arg6[%parallel_loop3A_1718, %parallel_loop3A_1719] {strides = array<i32>} : memref<32x256xi32, #tpu.memory_space<vmem>>, vector<16xi32>,
        %parallel_loop3A_1721 = arith.addi %parallel_loop3A_1711, %parallel_loop3A_1720 : vector<16xi32>
        %parallel_loop3A_1722 = arith.constant 30 : i32
        %parallel_loop3A_1723 = arith.index_cast %parallel_loop3A_1722 : i32 to index
        %parallel_loop3A_1724 = arith.index_cast %parallel_loop3A_1417 : i32 to index
        %parallel_loop3A_1725 = tpu.vector_load %arg5[%parallel_loop3A_1723, %parallel_loop3A_1724] {strides = array<i32>} : memref<32x256xi32, #tpu.memory_space<vmem>>, vector<16xi32>,
        %parallel_loop3A_1726 = arith.addi %parallel_loop3A_1716, %parallel_loop3A_1725 : vector<16xi32>
        %parallel_loop3A_1727 = arith.constant 30 : i32
        %parallel_loop3A_1728 = arith.index_cast %parallel_loop3A_1727 : i32 to index
        %parallel_loop3A_1729 = arith.index_cast %parallel_loop3A_1417 : i32 to index
        %parallel_loop3A_1730 = tpu.vector_load %arg6[%parallel_loop3A_1728, %parallel_loop3A_1729] {strides = array<i32>} : memref<32x256xi32, #tpu.memory_space<vmem>>, vector<16xi32>,
        %parallel_loop3A_1731 = arith.addi %parallel_loop3A_1721, %parallel_loop3A_1730 : vector<16xi32>
        %parallel_loop3A_1732 = arith.constant 31 : i32
        %parallel_loop3A_1733 = arith.index_cast %parallel_loop3A_1732 : i32 to index
        %parallel_loop3A_1734 = arith.index_cast %parallel_loop3A_1417 : i32 to index
        %parallel_loop3A_1735 = tpu.vector_load %arg5[%parallel_loop3A_1733, %parallel_loop3A_1734] {strides = array<i32>} : memref<32x256xi32, #tpu.memory_space<vmem>>, vector<16xi32>,
        %parallel_loop3A_1736 = arith.addi %parallel_loop3A_1726, %parallel_loop3A_1735 : vector<16xi32>
        %parallel_loop3A_1737 = arith.constant 31 : i32
        %parallel_loop3A_1738 = arith.index_cast %parallel_loop3A_1737 : i32 to index
        %parallel_loop3A_1739 = arith.index_cast %parallel_loop3A_1417 : i32 to index
        %parallel_loop3A_1740 = tpu.vector_load %arg6[%parallel_loop3A_1738, %parallel_loop3A_1739] {strides = array<i32>} : memref<32x256xi32, #tpu.memory_space<vmem>>, vector<16xi32>,
        %parallel_loop3A_1741 = arith.addi %parallel_loop3A_1731, %parallel_loop3A_1740 : vector<16xi32>
        %parallel_loop3A_1742 = arith.index_cast %parallel_loop3A_1417 : i32 to index
        %parallel_loop3A_1743 = tpu.vector_load %arg7[%parallel_loop3A_1742] {strides = array<i32>} : memref<256xi32, #tpu.memory_space<vmem>>, vector<16xi32>,
        tpu.vector_store %arg7[%parallel_loop3A_1742], %parallel_loop3A_1736 {strides = array<i32>} : memref<256xi32, #tpu.memory_space<vmem>>, vector<16xi32>,
        %parallel_loop3A_1744 = arith.index_cast %parallel_loop3A_1417 : i32 to index
        %parallel_loop3A_1745 = tpu.vector_load %arg8[%parallel_loop3A_1744] {strides = array<i32>} : memref<256xi32, #tpu.memory_space<vmem>>, vector<16xi32>,
        tpu.vector_store %arg8[%parallel_loop3A_1744], %parallel_loop3A_1741 {strides = array<i32>} : memref<256xi32, #tpu.memory_space<vmem>>, vector<16xi32>,
      } {sc.loop_unroll_factor = 2 : i64, sc.parallel_access}
      "tpu.region"() ({
        %run_scoped3A = tpu.sem_alloc : memref<!tpu.dma_semaphore, #tpu.memory_space<semaphore_mem>>
        %dma_start3A_1415 = tpu.memref_slice %arg12[%mul3A_2] : memref<4096xi32, #tpu.memory_space<vmem_shared>> -> memref<256xi32, #tpu.memory_space<vmem_shared>>
        %dma_start3A_1416 = tpu.memref_slice %arg12[%mul3A_2] : memref<4096xi32, #tpu.memory_space<vmem_shared>> -> memref<256xi32, #tpu.memory_space<vmem_shared>>
        tpu.enqueue_dma source(%arg7 : memref<256xi32, #tpu.memory_space<vmem>>) target(%dma_start3A_1416 : memref<256xi32, #tpu.memory_space<vmem_shared>>) target_semaphore(%run_scoped3A : memref<!tpu.dma_semaphore, #tpu.memory_space<semaphore_mem>>)
        %dma_wait3A_1417 = tpu.memref_slice %arg12[%mul3A_2] : memref<4096xi32, #tpu.memory_space<vmem_shared>> -> memref<256xi32, #tpu.memory_space<vmem_shared>>
        %dma_wait3A_1418 = tpu.memref_slice %arg12[%mul3A_2] : memref<4096xi32, #tpu.memory_space<vmem_shared>> -> memref<256xi32, #tpu.memory_space<vmem_shared>>
        tpu.wait_dma2 semaphore(%run_scoped3A : memref<!tpu.dma_semaphore, #tpu.memory_space<semaphore_mem>>) src(%arg7 : memref<256xi32, #tpu.memory_space<vmem>>) dst(%dma_wait3A_1418 : memref<256xi32, #tpu.memory_space<vmem_shared>>)
        tpu.yield
      }) : () -> ()
      "tpu.region"() ({
        %run_scoped3A = tpu.sem_alloc : memref<!tpu.dma_semaphore, #tpu.memory_space<semaphore_mem>>
        %dma_start3A_1415 = tpu.memref_slice %arg13[%mul3A_2] : memref<4096xi32, #tpu.memory_space<vmem_shared>> -> memref<256xi32, #tpu.memory_space<vmem_shared>>
        %dma_start3A_1416 = tpu.memref_slice %arg13[%mul3A_2] : memref<4096xi32, #tpu.memory_space<vmem_shared>> -> memref<256xi32, #tpu.memory_space<vmem_shared>>
        tpu.enqueue_dma source(%arg8 : memref<256xi32, #tpu.memory_space<vmem>>) target(%dma_start3A_1416 : memref<256xi32, #tpu.memory_space<vmem_shared>>) target_semaphore(%run_scoped3A : memref<!tpu.dma_semaphore, #tpu.memory_space<semaphore_mem>>)
        %dma_wait3A_1417 = tpu.memref_slice %arg13[%mul3A_2] : memref<4096xi32, #tpu.memory_space<vmem_shared>> -> memref<256xi32, #tpu.memory_space<vmem_shared>>
        %dma_wait3A_1418 = tpu.memref_slice %arg13[%mul3A_2] : memref<4096xi32, #tpu.memory_space<vmem_shared>> -> memref<256xi32, #tpu.memory_space<vmem_shared>>
        tpu.wait_dma2 semaphore(%run_scoped3A : memref<!tpu.dma_semaphore, #tpu.memory_space<semaphore_mem>>) src(%arg8 : memref<256xi32, #tpu.memory_space<vmem>>) dst(%dma_wait3A_1418 : memref<256xi32, #tpu.memory_space<vmem_shared>>)
        tpu.yield
      }) : () -> ()
      %barrier3A = arith.constant 0 : index
      tpu.barrier barrier_id(%barrier3A)
      %eq3A_1410 = arith.constant 0 : i32
      %eq3A_1411 = arith.cmpi eq, %arg1, %eq3A_1410 : i32
      %convert_element_type3A_1412 = arith.extui %eq3A_1411 : i1 to i32
      %cond3A_1413 = arith.constant 0 : i32
      %cond3A_1414 = arith.cmpi ne, %convert_element_type3A_1412, %cond3A_1413 : i32
      scf.if %cond3A_1414 {
        "tpu.region"() ({
          %run_scoped3A = tpu.sem_alloc : memref<!tpu.dma_semaphore, #tpu.memory_space<semaphore_mem>>
          tpu.enqueue_dma source(%arg12 : memref<4096xi32, #tpu.memory_space<vmem_shared>>) target(%arg9 : memref<4096xi32, #tpu.memory_space<vmem>>) target_semaphore(%run_scoped3A : memref<!tpu.dma_semaphore, #tpu.memory_space<semaphore_mem>>)
          tpu.wait_dma2 semaphore(%run_scoped3A : memref<!tpu.dma_semaphore, #tpu.memory_space<semaphore_mem>>) src(%arg12 : memref<4096xi32, #tpu.memory_space<vmem_shared>>) dst(%arg9 : memref<4096xi32, #tpu.memory_space<vmem>>)
          tpu.yield
        }) : () -> ()
        "tpu.region"() ({
          %run_scoped3A = tpu.sem_alloc : memref<!tpu.dma_semaphore, #tpu.memory_space<semaphore_mem>>
          tpu.enqueue_dma source(%arg13 : memref<4096xi32, #tpu.memory_space<vmem_shared>>) target(%arg10 : memref<4096xi32, #tpu.memory_space<vmem>>) target_semaphore(%run_scoped3A : memref<!tpu.dma_semaphore, #tpu.memory_space<semaphore_mem>>)
          tpu.wait_dma2 semaphore(%run_scoped3A : memref<!tpu.dma_semaphore, #tpu.memory_space<semaphore_mem>>) src(%arg13 : memref<4096xi32, #tpu.memory_space<vmem_shared>>) dst(%arg10 : memref<4096xi32, #tpu.memory_space<vmem>>)
          tpu.yield
        }) : () -> ()
        %broadcast_in_dim3A = arith.constant 0 : i32
        %broadcast_in_dim3A_1415 = vector.broadcast %broadcast_in_dim3A : i32 to vector<16xi32>
        %parallel_loop3A_1416 = arith.constant 0 : i32
        %parallel_loop3A_1417 = arith.constant 256 : i32
        %parallel_loop3A_1418 = arith.constant 1 : i32
        %parallel_loop3A_1419 = scf.for %parallel_loop3A_1439 = %parallel_loop3A_1416 to %parallel_loop3A_1417 step %parallel_loop3A_1418 iter_args(%parallel_loop3A_1440 = %broadcast_in_dim3A_1415) -> (vector<16xi32>)  : i32 {
          %parallel_loop3A_1441 = arith.constant 16 : i32
          %parallel_loop3A_1442 = arith.muli %parallel_loop3A_1439, %parallel_loop3A_1441 : i32
          %parallel_loop3A_1443 = arith.index_cast %parallel_loop3A_1442 : i32 to index
          %parallel_loop3A_1444 = tpu.vector_load %arg10[%parallel_loop3A_1443] {strides = array<i32>} : memref<4096xi32, #tpu.memory_space<vmem>>, vector<16xi32>,
          %parallel_loop3A_1445 = arith.addi %parallel_loop3A_1440, %parallel_loop3A_1444 : vector<16xi32>
          scf.yield %parallel_loop3A_1445 : vector<16xi32>
        } {sc.loop_unroll_factor = 4 : i64, sc.parallel_access}
        %reduce_sum3A = arith.constant true
        %reduce_sum3A_1420 = vector.broadcast %reduce_sum3A : i1 to vector<16xi1>
        %reduce_sum3A_1421 = tpu.scan <sum>, %parallel_loop3A_1419 masked %reduce_sum3A_1420 : vector<16xi32>, vector<16xi1> -> vector<16xi32>
        %reduce_sum3A_1422 = vector.extract %reduce_sum3A_1421[15] : i32 from vector<16xi32>
        %convert_element_type3A_1423 = arith.sitofp %reduce_sum3A_1422 : i32 to f32
        %broadcast_in_dim3A_1424 = arith.constant 0.000000e+00 : f32
        %broadcast_in_dim3A_1425 = vector.broadcast %broadcast_in_dim3A_1424 : f32 to vector<16xf32>
        %scan3A = arith.constant 0 : i32
        %scan3A_1426 = arith.constant 0 : i32
        %scan3A_1427 = arith.constant 0 : i32
        %scan3A_1428 = arith.constant 256 : i32
        %scan3A_1429 = arith.addi %scan3A_1427, %scan3A_1428 : i32
        %scan3A_1430 = arith.constant 1 : i32
        %scan3A_1431:3 = scf.for %scan3A_1439 = %scan3A_1427 to %scan3A_1429 step %scan3A_1430 iter_args(%scan3A_1440 = %scan3A, %scan3A_1441 = %scan3A_1426, %scan3A_1442 = %broadcast_in_dim3A_1425) -> (i32, i32, vector<16xf32>)  : i32 {
          %mul3A_1443 = arith.constant 16 : i32
          %mul3A_1444 = arith.muli %scan3A_1439, %mul3A_1443 : i32
          %get3A = arith.index_cast %mul3A_1444 : i32 to index
          %get3A_1445 = tpu.vector_load %arg9[%get3A] {strides = array<i32>} : memref<4096xi32, #tpu.memory_space<vmem>>, vector<16xi32>,
          %get3A_1446 = arith.index_cast %mul3A_1444 : i32 to index
          %get3A_1447 = tpu.vector_load %arg10[%get3A_1446] {strides = array<i32>} : memref<4096xi32, #tpu.memory_space<vmem>>, vector<16xi32>,
          %broadcast_in_dim3A_1448 = arith.constant true
          %broadcast_in_dim3A_1449 = vector.broadcast %broadcast_in_dim3A_1448 : i1 to vector<16xi1>
          %masked_cumsum3A = tpu.scan <sum>, %get3A_1445 masked %broadcast_in_dim3A_1449 : vector<16xi32>, vector<16xi1> -> vector<16xi32>
          %broadcast_in_dim3A_1450 = arith.constant true
          %broadcast_in_dim3A_1451 = vector.broadcast %broadcast_in_dim3A_1450 : i1 to vector<16xi1>
          %masked_cumsum3A_1452 = tpu.scan <sum>, %get3A_1447 masked %broadcast_in_dim3A_1451 : vector<16xi32>, vector<16xi1> -> vector<16xi32>
          %add3A_1453 = vector.broadcast %scan3A_1440 : i32 to vector<16xi32>
          %add3A_1454 = arith.addi %add3A_1453, %masked_cumsum3A : vector<16xi32>
          %sub3A = arith.subi %add3A_1454, %get3A_1445 : vector<16xi32>
          %convert_element_type3A_1455 = arith.sitofp %sub3A : vector<16xi32> to vector<16xf32>
          %add3A_1456 = vector.broadcast %scan3A_1441 : i32 to vector<16xi32>
          %add3A_1457 = arith.addi %add3A_1456, %masked_cumsum3A_1452 : vector<16xi32>
          %sub3A_1458 = arith.subi %add3A_1457, %get3A_1447 : vector<16xi32>
          %convert_element_type3A_1459 = arith.sitofp %sub3A_1458 : vector<16xi32> to vector<16xf32>
          %convert_element_type3A_1460 = arith.sitofp %get3A_1445 : vector<16xi32> to vector<16xf32>
          %convert_element_type3A_1461 = arith.sitofp %get3A_1447 : vector<16xi32> to vector<16xf32>
          %sub3A_1462 = vector.broadcast %convert_element_type3A_1423 : f32 to vector<16xf32>
          %sub3A_1463 = arith.subf %sub3A_1462, %convert_element_type3A_1459 : vector<16xf32>
          %add3A_1464 = vector.broadcast %convert_element_type3A_1423 : f32 to vector<16xf32>
          %add3A_1465 = arith.addf %add3A_1464, %convert_element_type3A_1455 : vector<16xf32>
          %sub3A_1466 = arith.subf %add3A_1465, %convert_element_type3A_1459 : vector<16xf32>
          %add3A_1467 = arith.addf %sub3A_1466, %convert_element_type3A_1460 : vector<16xf32>
          %sub3A_1468 = arith.subf %add3A_1467, %convert_element_type3A_1461 : vector<16xf32>
          %sub3A_1469 = arith.subf %convert_element_type3A_1460, %convert_element_type3A_1461 : vector<16xf32>
          %mul3A_1470 = arith.mulf %sub3A_1463, %sub3A_1469 : vector<16xf32>
          %mul3A_1471 = arith.mulf %convert_element_type3A_1461, %sub3A_1466 : vector<16xf32>
          %add3A_1472 = arith.addf %mul3A_1470, %mul3A_1471 : vector<16xf32>
          %mul3A_1473 = arith.mulf %sub3A_1466, %sub3A_1468 : vector<16xf32>
          %max3A = arith.constant 1.000000e+00 : f32
          %max3A_1474 = vector.broadcast %max3A : f32 to vector<16xf32>
          %max3A_1475 = arith.maximumf %mul3A_1473, %max3A_1474 : vector<16xf32>
          %div3A = arith.divf %add3A_1472, %max3A_1475 : vector<16xf32>
          %add3A_1476 = vector.broadcast %mul3A_1444 : i32 to vector<16xi32>
          %add3A_1477 = arith.addi %add3A_1476, %iota3A : vector<16xi32>
          %sub3A_1478 = arith.constant 4.095000e+03 : f32
          %sub3A_1479 = arith.constant 5.000000e-01 : f32
          %sub3A_1480 = arith.subf %sub3A_1478, %sub3A_1479 : f32
          %convert_element_type3A_1481 = arith.sitofp %add3A_1477 : vector<16xi32> to vector<16xf32>
          %sub3A_1482 = vector.broadcast %sub3A_1480 : f32 to vector<16xf32>
          %sub3A_1483 = arith.subf %sub3A_1482, %convert_element_type3A_1481 : vector<16xf32>
          %mul3A_1484 = arith.constant 0.00244200253 : f32
          %mul3A_1485 = vector.broadcast %mul3A_1484 : f32 to vector<16xf32>
          %mul3A_1486 = arith.mulf %sub3A_1483, %mul3A_1485 : vector<16xf32>
          %eq3A_1487 = arith.constant 4095 : i32
          %eq3A_1488 = vector.broadcast %eq3A_1487 : i32 to vector<16xi32>
          %eq3A_1489 = arith.cmpi eq, %add3A_1477, %eq3A_1488 : vector<16xi32>
          %jit3A = arith.constant 0.000000e+00 : f32
          %broadcast_in_dim3A_1490 = vector.broadcast %jit3A : f32 to vector<16xf32>
          %select_n3A = arith.select %eq3A_1489, %broadcast_in_dim3A_1490, %mul3A_1486 : vector<16xi1>, vector<16xf32>
          %reduce_sum3A_1491 = arith.constant true
          %reduce_sum3A_1492 = vector.broadcast %reduce_sum3A_1491 : i1 to vector<16xi1>
          %reduce_sum3A_1493 = tpu.scan <sum>, %get3A_1445 masked %reduce_sum3A_1492 : vector<16xi32>, vector<16xi1> -> vector<16xi32>
          %reduce_sum3A_1494 = vector.extract %reduce_sum3A_1493[15] : i32 from vector<16xi32>
          %add3A_1495 = arith.addi %scan3A_1440, %reduce_sum3A_1494 : i32
          %reduce_sum3A_1496 = arith.constant true
          %reduce_sum3A_1497 = vector.broadcast %reduce_sum3A_1496 : i1 to vector<16xi1>
          %reduce_sum3A_1498 = tpu.scan <sum>, %get3A_1447 masked %reduce_sum3A_1497 : vector<16xi32>, vector<16xi1> -> vector<16xi32>
          %reduce_sum3A_1499 = vector.extract %reduce_sum3A_1498[15] : i32 from vector<16xi32>
          %add3A_1500 = arith.addi %scan3A_1441, %reduce_sum3A_1499 : i32
          %mul3A_1501 = arith.mulf %select_n3A, %div3A : vector<16xf32>
          %add3A_1502 = arith.addf %scan3A_1442, %mul3A_1501 : vector<16xf32>
          scf.yield %add3A_1495, %add3A_1500, %add3A_1502 : i32, i32, vector<16xf32>
        }
        %scan3A_1432 = arith.constant 256 : i32
        %reduce_sum3A_1433 = arith.constant true
        %reduce_sum3A_1434 = vector.broadcast %reduce_sum3A_1433 : i1 to vector<16xi1>
        %reduce_sum3A_1435 = tpu.scan <sum>, %scan3A_1431#2 masked %reduce_sum3A_1434 : vector<16xf32>, vector<16xi1> -> vector<16xf32>
        %reduce_sum3A_1436 = vector.extract %reduce_sum3A_1435[15] : f32 from vector<16xf32>
        %broadcast_in_dim3A_1437 = vector.broadcast %reduce_sum3A_1436 : f32 to vector<16xf32>
        %swap3A = arith.constant 0 : index
        %swap3A_1438 = tpu.vector_load %arg11[%swap3A] {strides = array<i32>} : memref<16xf32, #tpu.memory_space<vmem>>, vector<16xf32>,
        tpu.vector_store %arg11[%swap3A], %broadcast_in_dim3A_1437 {strides = array<i32>} : memref<16xf32, #tpu.memory_space<vmem>>, vector<16xf32>,
        "tpu.region"() ({
          %run_scoped3A = tpu.sem_alloc : memref<!tpu.dma_semaphore, #tpu.memory_space<semaphore_mem>>
          tpu.enqueue_dma source(%arg11 : memref<16xf32, #tpu.memory_space<vmem>>) target(%arg4 : memref<16xf32, #tpu.memory_space<hbm>>) target_semaphore(%run_scoped3A : memref<!tpu.dma_semaphore, #tpu.memory_space<semaphore_mem>>)
          tpu.wait_dma2 semaphore(%run_scoped3A : memref<!tpu.dma_semaphore, #tpu.memory_space<semaphore_mem>>) src(%arg11 : memref<16xf32, #tpu.memory_space<vmem>>) dst(%arg4 : memref<16xf32, #tpu.memory_space<hbm>>)
          tpu.yield
        }) : () -> ()
      } else {
      }
    } else {
    }
    return
  }
}

</mosaic_0001>

<sc_bundles>
// kernel: kernel.4.cloned.1.call-start
scs
__scs_entry_jumppad:
0x0: {  	(pc) =	sbr.rel $0x88, $3  }
0x1: {  	(tag) =	ssettag $0x0;
	lr =	simm.s32 $0x1  }
0x2: {  	[smem:$0x3F9F] =	sst lr;
	_ =	strace $0xD0000000  }
0x3: {  	_ = 	snop  }
0x4: {  	_ = 	snop  }
0x5: {  	_ = 	snop  }
0x6: {  	_ = 	snop  }
0x7: {  	_ = 	snop  }
__scs_overlays_trampoline_lowered:
0x8: {  	[smem:$0x3FAE] =	sst s0  }
0x9: {  	[smem:$0x3FAF] =	sst s1  }
0xa: {  	[smem:$0x3FB0] =	sst s2  }
0xb: {  	[smem:$0x3FB1] =	sst s3  }
0xc: {  	[smem:$0x3FB2] =	sst s4  }
0xd: {  	[smem:$0x3FB3] =	sst s5  }
0xe: {  	[smem:$0x3FB4] =	sst s6  }
0xf: {  	[smem:$0x3FB5] =	sst s7  }
0x10: {  	[smem:$0x3FB6] =	sst s8  }
0x11: {  	[smem:$0x3FB7] =	sst s9;
	s0 =	simm.s32 @!p0 $0x0  }
0x12: {  	s1 =	sld [smem:$0x3F9D];
	s0 =	simm.s32 @p0 $0x1  }
0x13: {  	[smem:$0x3FB8] =	sst s0;
	s0 =	simm.s32 @!p1 $0x0  }
0x14: {  	s2 =	sld [smem:$0x3F9C];
	s0 =	simm.s32 @p1 $0x1  }
0x15: {  	[smem:$0x3FB9] =	sst s0;
	s0 =	simm.s32 @!p2 $0x0  }
0x16: {  	s3 =	sld [smem:$0x3FDB];
	s0 =	simm.s32 @p2 $0x1  }
0x17: {  	s4 =	simm.s32 $0x1BF5;
	[smem:$0x3FBB] =	sst s0  }
0x18: {  	s0 =	sld [smem:$0x3F9E];
	_ =	swait.ge [sflag:s4], $0x0  }
0x19: {  	s7 =	sld [smem:$0x3F9F]  }
0x1a: {  	s8 =	sadd.s32 $0xFFFFE003, lr  }
0x1b: {  	s9 =	sadd.s32 $0xFFFFFEF7, lr;
	s5 =	simm.s32 $0xFFFFFFFF;
	p2 =	slt.u32 s8, $0xFFFFF086  }
0x1c: {  	p1 =	slt.u32 s9, $0xF7A;
	s5 =	simm.s32 @!p2 $0x0  }
0x1d: {  	s5 =	simm.s32 @p1 $0x1;
	p0 =	seq.s32 s7, s2  }
0x1e: {  	s7 =	smul.u32 @!p0 $0xF7A, s2;
	p2 =	seq.s32 @!p0 s5, $0x0  }
0x1f: {  	s9 =	smul.u32 $0xF7A, s1;
	s8 =	simm.s32 @!p0 $0x1BF5;
	p2 =	por !p2, p0  }
0x20: {  	[sflag:s8] =	ssyncset.s32 @!p0 $0xFFFFF086;
	s6 =	sadd.s32 @!p0 s3, s7;
	s7 =	simm.s32 @!p0 $0x108  }
0x21: {  	s3 =	sadd.s32 s3, s9;
	s6 =	sadd.s32 @!p0 $0x88, s6;
	s7 =	simm.s32 @p2 $0x1082  }
0x22: {  	[simem:s7], [sflag:s8] =	dma.local @!p0 [hbm:s6], $0xF7A  }
0x23: {  	s9 =	sor.u32 $0xD0000000, s2;
	s6 =	simm.s32 $0x108;
	_ =	swait.ge @!p0 [sflag:s8], $0x0  }
0x24: {  	s3 =	sadd.s32 $0x88, s3;
	s6 =	simm.s32 @!p1 $0x1082;
	[sflag:s4] =	ssyncset.s32 $0xFFFFF086  }
0x25: {  	[simem:s6], [sflag:s4] =	dma.local [hbm:s3], $0xF7A  }
0x26: {  	[smem:$0x3F9F] =	sst s1;
	(tag) =	ssettag s2;
	_ =	strace s9  }
0x27: {  	s1 =	sld [smem:$0x3FAF]  }
0x28: {  	s2 =	sld [smem:$0x3FB0]  }
0x29: {  	s4 =	sld [smem:$0x3FB2]  }
0x2a: {  	p0 =	seq.s32 s5, $0x0;
	s5 =	sld [smem:$0x3FB3]  }
0x2b: {  	s6 =	sld [smem:$0x3FB4]  }
0x2c: {  	s7 =	sld [smem:$0x3FB5]  }
0x2d: {  	s3 =	simm.s32 $0x108;
	s8 =	sld [smem:$0x3FB6]  }
0x2e: {  	s3 =	simm.s32 @!p0 $0x1082;
	s9 =	sld [smem:$0x3FB7]  }
0x2f: {  	lr =	sadd.s32 s0, s3;
	s0 =	sld [smem:$0x3FAE]  }
0x30: {  	s3 =	sld [smem:$0x3FB1]  }
0x31: {  	[smem:$0x3FBA] =	sst s10  }
0x32: {  	s10 =	sld [smem:$0x3FB8];
	_ =	sdelay $0x3  }
0x33: {  	p0 =	seq.s32 s10, $0x1;
	s10 =	sld [smem:$0x3FBA];
	_ =	sdelay $0x3  }
0x34: {  	[smem:$0x3FBA] =	sst s10  }
0x35: {  	s10 =	sld [smem:$0x3FB9];
	_ =	sdelay $0x3  }
0x36: {  	p1 =	seq.s32 s10, $0x1;
	s10 =	sld [smem:$0x3FBA];
	_ =	sdelay $0x3  }
0x37: {  	[smem:$0x3FBA] =	sst s10  }
0x38: {  	s10 =	sld [smem:$0x3FBB]  }
0x39: {  	_ = 	snop;
	(pc) =	sbr.ind lr, $3  }
0x3a: {  	_ = 	snop  }
0x3b: {  	_ = 	snop  }
0x3c: {  	p2 =	seq.s32 s10, $0x1;
	s10 =	sld [smem:$0x3FBA]  }
0x3d: {  	_ =	shalt  }
0x3e: {  	_ =	shalt  }
0x3f: {  	_ =	shalt  }
0x40: {  	_ =	shalt  }
0x41: {  	_ =	shalt  }
0x42: {  	_ =	shalt  }
0x43: {  	_ =	shalt  }
0x44: {  	_ =	shalt  }
0x45: {  	_ =	shalt  }
0x46: {  	_ =	shalt  }
0x47: {  	_ =	shalt  }
0x48: {  	_ =	shalt  }
0x49: {  	_ =	shalt  }
0x4a: {  	_ =	shalt  }
0x4b: {  	_ =	shalt  }
0x4c: {  	_ =	shalt  }
0x4d: {  	_ =	shalt  }
0x4e: {  	_ =	shalt  }
0x4f: {  	_ =	shalt  }
0x50: {  	_ =	shalt  }
0x51: {  	_ =	shalt  }
0x52: {  	_ =	shalt  }
0x53: {  	_ =	shalt  }
0x54: {  	_ =	shalt  }
0x55: {  	_ =	shalt  }
0x56: {  	_ =	shalt  }
0x57: {  	_ =	shalt  }
0x58: {  	_ =	shalt  }
0x59: {  	_ =	shalt  }
0x5a: {  	_ =	shalt  }
0x5b: {  	_ =	shalt  }
0x5c: {  	_ =	shalt  }
0x5d: {  	_ =	shalt  }
0x5e: {  	_ =	shalt  }
0x5f: {  	_ =	shalt  }
0x60: {  	_ =	shalt  }
0x61: {  	_ =	shalt  }
0x62: {  	_ =	shalt  }
0x63: {  	_ =	shalt  }
0x64: {  	_ =	shalt  }
0x65: {  	_ =	shalt  }
0x66: {  	_ =	shalt  }
0x67: {  	_ =	shalt  }
0x68: {  	_ =	shalt  }
0x69: {  	_ =	shalt  }
0x6a: {  	_ =	shalt  }
0x6b: {  	_ =	shalt  }
0x6c: {  	_ =	shalt  }
0x6d: {  	_ =	shalt  }
0x6e: {  	_ =	shalt  }
0x6f: {  	_ =	shalt  }
0x70: {  	_ =	shalt  }
0x71: {  	_ =	shalt  }
0x72: {  	_ =	shalt  }
0x73: {  	_ =	shalt  }
0x74: {  	_ =	shalt  }
0x75: {  	_ =	shalt  }
0x76: {  	_ =	shalt  }
0x77: {  	_ =	shalt  }
0x78: {  	_ =	shalt  }
0x79: {  	_ =	shalt  }
0x7a: {  	_ =	shalt  }
0x7b: {  	_ =	shalt  }
0x7c: {  	_ =	shalt  }
0x7d: {  	_ =	shalt  }
0x7e: {  	_ =	shalt  }
0x7f: {  	_ =	shalt  }
0x80: {  	_ =	shalt  }
0x81: {  	_ =	shalt  }
0x82: {  	_ =	shalt  }
0x83: {  	_ =	shalt  }
0x84: {  	_ =	shalt  }
0x85: {  	_ =	shalt  }
0x86: {  	_ =	shalt  }
0x87: {  	_ =	shalt  }
.Lfunc_end0:
.L_simem_size_0:
called_computation_lowered:
.L_overlay_start_0:
0x88: {  	s2 =	sld [smem:$0x3FD9]  }
0x89: {  	s3 =	sld [smem:$0x3FFE];
	_ =	sdelay $0x1  }
0x8a: {  	s1 =	srdreg.scid  }
0x8b: {  	s0 =	sand.u32 $0x1, s1  }
0x8c: {  	s17 =	sshll.u32 s0, $0xA;
	s2 =	sadd.s32 s3, s2  }
0x8d: {  	s2 =	sadd.s32 s2, s17  }
0x8e: {  	[smem:$0x3FC6] =	sst s2  }
0x8f: {  	_ = 	snop  }
0x90: {  	s2 =	sld [smem:$0x3FC9]  }
0x91: {  	s18 =	sld [smem:$0x3FC8];
	(tm) =	ssettm $0x1  }
0x92: {  	s4 =	sld [smem:$0x3FFB];
	_ =	sdelay $0x3  }
0x93: {  	_ =	strace s4  }
0x94: {  	s4 =	sld [smem:$0x3FFC];
	_ =	sdelay $0x3  }
0x95: {  	_ =	strace s4  }
0x96: {  	s4 =	sld [smem:$0x3FFD];
	_ =	sdelay $0x3  }
0x97: {  	_ =	strace s4  }
0x98: {  	_ =	strace $0x8FFFFFFF  }
0x99: {  	s19 =	sld [smem:$0x3FDB];
	_ =	sdelay $0x1  }
0x9a: {  	s5 =	simm.s32 $_scs_section_size  }
0x9b: {  	s6 =	simm.s32 $_size__tile_overlayer_lowered;
	s7 =	simm.s32 $_tile_overlayer_lowered  }
0x9c: {  	s22 =	simm.s32 $0x1BFF;
	s21 =	sshll.u32 s7, $0x1;
	s4 =	sadd.s32 s5, s19  }
0x9d: {  	s8 =	simm.s32 $0x0;
	s20 =	sshll.u32 s6, $0x1;
	s6 =	sadd.s32 s21, s4  }
0x9e: {  	[timem:s8], [sflag:s22] =	dma.local [hbm:s6], s20  }
0x9f: {  	_ =	swait.ge [sflag:s22], s20  }
0xa0: {  	s5 =	ssub.s32 $0x0, s20;
	[sflag:s22] =	ssyncset.done $0x0  }
0xa1: {  	[sflag:s22] =	ssyncadd.s32 s5;
	_ =	sdelay $0x1  }
0xa2: {  	s23 =	simm.s32 $0x1B8B  }
0xa3: {  	_ =	swait.ge [sflag:s23], $0x1  }
0xa4: {  	[sflag:s23] =	ssyncset.done $0x0  }
0xa5: {  	s25 =	simm.s32 $0x1B8E;
	s24 =	sld [smem:$0x3FFE];
	[sflag:s23] =	ssyncadd.s32 $0xFFFFFFFF  }
0xa6: {  	s26 =	simm.s32 $execute0_lowered;
	[smem:$0x3FD2] =	sst s25  }
0xa7: {  	s6 =	sshll.u32 s26, $0x1;
	_ =	strace $0x80000046;
	[dreg:$0x1] =	wrdreg $0xFFFFFFFF  }
0xa8: {  	s28 =	simm.s32 $_size_execute0_lowered;
	s4 =	sadd.s32 s4, s6;
	[dreg:$0x0] =	wrdreg $0x0  }
0xa9: {  	s6 =	sshll.u32 s28, $0x1;
	[dreg:$0x2] =	wrdreg s4  }
0xaa: {  	[dreg:$0x3] =	wrdreg s6  }
0xab: {  	[dreg:$0x4] =	wrdreg $0xC0  }
0xac: {  	_ =	task [dreg:s8], $0x5FFFF  }
0xad: {  	[dreg:$0x1] =	wrdreg $0xFFFFFFFF  }
0xae: {  	[dreg:$0x0] =	wrdreg $0x60  }
0xaf: {  	[dreg:$0x2] =	wrdreg s2  }
0xb0: {  	[dreg:$0x3] =	wrdreg s18  }
0xb1: {  	[dreg:$0x4] =	wrdreg s24  }
0xb2: {  	[dreg:$0x5] =	wrdreg $0x9  }
0xb3: {  	_ =	task.clear_ibuf [dreg:s8], $0x6FFFF;
	_ =	strace $0x90000046  }
0xb4: {  	s29 =	simm.s32 $0x9;
	_ =	strace $0x80000048  }
0xb5: {  	_ =	swait.ge [sflag:s29], $0x1  }
0xb6: {  	[sflag:s29] =	ssyncadd.s32 $0xFFFFFFFF  }
0xb7: {  	_ =	strace $0x90000048  }
0xb8: {  	_ =	sfence  }
0xb9: {  	s30 =	sld [smem:$0x0];
	_ =	sdelay $0x2  }
0xba: {  	s31 =	sshll.u32 s1, $0xD;
	s1 =	sshrl.u32 s1, $0x2  }
0xbb: {  	s3 =	sand.u32 $0x4000, s31;
	s1 =	sadd.s32 s1, s30  }
0xbc: {  	s0 =	sor.u32 s3, s0;
	s1 =	sshll.u32 s1, $0x11  }
0xbd: {  	s0 =	sor.u32 s1, s0  }
0xbe: {  	s0 =	sadd.s32 $0x8F2B, s0  }
0xbf: {  	[sflag:s0] =	ssyncadd.remote.s32 $0x1  }
0xc0: {  	_ =	sfence.sel $0xFFFF  }
0xc1: {  	[dreg:$0x0] =	wrdreg $0xFFFFFFFF;
	(pc) =	sbr.abs _section_cstart, $3  }
0xc2: {  	[dreg:$0x1] =	wrdreg $0xFFFFFFFF  }
0xc3: {  	_ =	task.clear_ibuf [dreg:s8], $0x2FFFF;
	_ =	strace $0x9FFFFFFF  }
0xc4: {  	(tm) =	ssettm $0x7FFFFFFF  }
0xc5: {  	_ =	shalt  }
tec
execute0_lowered:
.L_overlay_start_1:
0x0: {  	(tag) =	ssettag $0x1  }
0x1: {  	s1 =	rddreg [dreg:$0x0]  }
0x2: {  	s3 =	rddreg [dreg:$0x1]  }
0x3: {  	s5 =	rddreg [dreg:$0x2];
	s6 =	srdreg.scid  }
0x4: {  	s2 =	stileid.u32;
	s4 =	simm.s32 $0x0;
	s14 =	simm.s32 $0x10000  }
0x5: {  	s15 =	simm.s32 $0x14000;
	s16 =	simm.s32 $0x12000;
	s17 =	simm.s32 $0x16000  }
0x6: {  	s18 =	simm.s32 $0x1;
	s19 =	simm.s32 $0x3;
	s20 =	simm.s32 $0x2  }
0x7: {  	s21 =	simm.s32 $0x4;
	s22 =	simm.s32 $0x18000;
	s23 =	simm.s32 $0x5  }
0x8: {  	s24 =	simm.s32 $0x19000;
	s6 =	sand.u32 $0x1, s6;
	s7 =	sshll.u32 s2, $0x1  }
0x9: {  	s25 =	simm.s32 $0x0;
	[smem:$0x7FF] =	sst s4;
	s7 =	sor.u32 s6, s7  }
0xa: {  	_ =	strace $0x80000047;
	s6 =	ssub.s32 $0x2, s6;
	s8 =	sshll.u32 s7, $0x9  }
0xb: {  	s30 =	sshrl.u32 s6, $0x1;
	s31 =	sshll.u32 s7, $0xE;
	s10 =	sshll.u32 s7, $0x11  }
0xc: {  	s12 =	sadd.s32 s8, s5;
	s13 =	ssub.s32 s6, s30;
	s9 =	sor.u32 $0x400, s31  }
0xd: {  	s5 =	sadd.s32 s1, s31;
	s6 =	sadd.s32 s3, s31;
	s7 =	sadd.s32 s1, s9  }
0xe: {  	v2 =	vlaneseq.u32;
	s8 =	sadd.s32 s3, s9;
	s9 =	sor.u32 $0x4000, s10;
	s10 =	sor.u32 $0x6000, s10  }
0xf: {  	v0 =	vimm.s32 $0x0;
	v1 =	vimm.s32 $0x4000;
	v2 =	vmul.u32 $0x1000, v2;
	s11 =	sadd.s32 $0xC00, s12;
	s12 =	sadd.s32 $0x4C00, s12;
	s13 =	smax.u32 s13, $0x1  }
.LBB2_1:
0x10: {  	s26 =	simm.s32 $0x40  }
0x11: {  	[tilespmem:s26+$0xFFFFFFC0] =	vst v0  }
0x12: {  	[tilespmem:s26+$0x30] =	vst v0  }
0x13: {  	[tilespmem:s26+$0x20] =	vst v0  }
0x14: {  	[tilespmem:s26+$0x10] =	vst v0  }
0x15: {  	[tilespmem:s26+$0x0] =	vst v0  }
0x16: {  	[tilespmem:s26+$0xFFFFFFF0] =	vst v0  }
0x17: {  	s28 =	simm.s32 $0x0;
	[tilespmem:s26+$0xFFFFFFE0] =	vst v0  }
.LBB2_2:
0x18: {  	s28 =	sadd.s32 $0x8, s28;
	[tilespmem:s26+$0xFFFFFFD0] =	vst v0;
	s26 =	sadd.s32 $0x80, s26  }
0x19: {  	[tilespmem:s26+$0xFFFFFFC0] =	vst v0;
	p0 =	slt.u32 s28, $0xFF8  }
0x1a: {  	[tilespmem:s26+$0x30] =	vst v0  }
.Ltmp0:
0x1b: {  	[tilespmem:s26+$0x20] =	vst v0;
	(pc) =	sbr.rel @p0 .LBB2_2-.Ltmp0, $4  }
0x1c: {  	[tilespmem:s26+$0x10] =	vst v0  }
0x1d: {  	[tilespmem:s26+$0x0] =	vst v0  }
0x1e: {  	[tilespmem:s26+$0xFFFFFFF0] =	vst v0  }
0x1f: {  	[tilespmem:s26+$0xFFFFFFE0] =	vst v0  }
0x20: {  	[tilespmem:s26+$0xFFFFFFD0] =	vst v0;
	s26 =	simm.s32 $0x0  }
0x21: {  	[tilespmem:s14], [sflag:$0x1] =	stream.linear.gather [hbm4b:s5+s26], $0x2000, $0x38;
	[tilespmem:$0x1A000] =	vst v63  }
0x22: {  	_ = 	snop  }
0x23: {  	[tilespmem:s15], [sflag:$0x3] =	stream.linear.gather [hbm4b:s6+s26], $0x2000, $0x38;
	[tilespmem:$0x1A000] =	vst v63  }
0x24: {  	_ = 	snop  }
0x25: {  	[tilespmem:s16], [sflag:$0x2] =	stream.linear.gather [hbm4b:s7+s26], $0x2000, $0x38;
	[tilespmem:$0x1A000] =	vst v63  }
0x26: {  	_ = 	snop  }
0x27: {  	[tilespmem:s17], [sflag:$0x4] =	stream.linear.gather [hbm4b:s8+s26], $0x2000, $0x38;
	[tilespmem:$0x1A000] =	vst v63  }
.LBB2_4:
0x28: {  	_ =	swait.ge [sflag:s18], $0x2000  }
0x29: {  	[sflag:s18] =	ssyncset.done $0x0  }
0x2a: {  	[sflag:s18] =	ssyncadd.s32 $0xFFFFE000  }
0x2b: {  	_ =	swait.ge [sflag:s19], $0x2000  }
0x2c: {  	[sflag:s19] =	ssyncset.done $0x0  }
0x2d: {  	s29 =	simm.s32 $0x14040;
	[sflag:s19] =	ssyncadd.s32 $0xFFFFE000  }
0x2e: {  	v4 =	vld [tilespmem:s29+$0x30]  }
0x2f: {  	v3 =	vld [tilespmem:s29+$0xFFFFFFC0]  }
0x30: {  	v5 =	vld [tilespmem:s29+$0xFFFFFFD0]  }
0x31: {  	v6 =	vld [tilespmem:s29+$0xFFFFFFE0]  }
0x32: {  	v8 =	vld [tilespmem:s29+$0xFFFFFFF0]  }
0x33: {  	s28 =	simm.s32 $0x10040;
	v11 =	vld [tilespmem:s29+$0x0]  }
0x34: {  	v7 =	vld [tilespmem:s28+$0x30]  }
0x35: {  	v14 =	vld [tilespmem:s28+$0xFFFFFFD0]  }
0x36: {  	v19 =	vld [tilespmem:s28+$0xFFFFFFC0];
	v9 =	vmul.f32 $8.190000000e+02, v4;
	v10 =	vmul.f32 $8.190000000e+02, v3;
	vm1 =	vgt.f32 v3, $5.000000000e-01  }
0x37: {  	v12 =	vmul.f32 $8.190000000e+02, v5;
	vm5 =	vgt.f32 v5, $5.000000000e-01;
	v5 =	vld [tilespmem:s29+$0x10];
	v13 =	vmul.f32 $8.190000000e+02, v6  }
0x38: {  	vm0 =	vgt.f32 v6, $5.000000000e-01;
	v6 =	vld [tilespmem:s29+$0x20];
	v15 =	vmul.f32 $8.190000000e+02, v8;
	v16 =	vmul.f32 $8.190000000e+02, v11  }
0x39: {  	v55 =	vld [tilespmem:s28+$0x0];
	vm2 =	vgt.f32 v11, $5.000000000e-01;
	v9 =	vadd.f32 $-4.095000000e+02, v9;
	v12 =	vadd.f32 $-4.095000000e+02, v12  }
0x3a: {  	v3 =	vsel vm1, $0x4001, v1;
	vm1 =	vgt.f32 v8, $5.000000000e-01;
	v8 =	vld [tilespmem:s28+$0xFFFFFFF0];
	v10 =	vadd.f32 $-4.095000000e+02, v10  }
0x3b: {  	v56 =	vld [tilespmem:s28+$0x10];
	v13 =	vadd.f32 $-4.095000000e+02, v13;
	v7 =	vmul.f32 v9, v7;
	v12 =	vmul.f32 v12, v14  }
0x3c: {  	v11 =	vadd.f32 $-4.095000000e+02, v15;
	v9 =	vld [tilespmem:s28+$0xFFFFFFE0];
	v10 =	vmul.f32 v10, v19;
	v17 =	vmul.f32 $8.190000000e+02, v5  }
0x3d: {  	v58 =	vld [tilespmem:s28+$0x20];
	vm3 =	vgt.f32 v5, $5.000000000e-01;
	v5 =	vadd.f32 $-4.095000000e+02, v16;
	v18 =	vmul.f32 $8.190000000e+02, v6  }
0x3e: {  	vm4 =	vgt.f32 v6, $5.000000000e-01;
	v7 =	vsub.f32 $4.095000000e+02, v7;
	v6 =	vsub.f32 $4.095000000e+02, v12  }
0x3f: {  	v8 =	vmul.f32 v11, v8;
	v57 =	vadd.f32 $-4.095000000e+02, v17;
	v5 =	vmul.f32 v5, v55  }
0x40: {  	v59 =	vadd.f32 $-4.095000000e+02, v18;
	v7 =	vtrunc.f32 v7;
	v6 =	vtrunc.f32 v6  }
0x41: {  	v8 =	vsub.f32 $4.095000000e+02, v8;
	v7 =	vcvt.f32.s32 v7;
	v9 =	vmul.f32 v13, v9  }
0x42: {  	v10 =	vsub.f32 $4.095000000e+02, v10;
	v11 =	vmul.f32 v57, v56;
	v60 =	vmul.f32 v59, v58  }
0x43: {  	v5 =	vsub.f32 $4.095000000e+02, v5;
	v6 =	vcvt.f32.s32 v6;
	v8 =	vtrunc.f32 v8  }
0x44: {  	v7 =	vsub.s32 $0xFFE, v7;
	v9 =	vsub.f32 $4.095000000e+02, v9;
	v11 =	vsub.f32 $4.095000000e+02, v11  }
0x45: {  	v5 =	vtrunc.f32 v5;
	v6 =	vsub.s32 $0xFFE, v6;
	vm6 =	vgt.s32 v7, $0x0  }
0x46: {  	v8 =	vcvt.f32.s32 v8;
	v5 =	vcvt.f32.s32 v5;
	v7 =	vnsel vm6, $0x0, v7  }
0x47: {  	v11 =	vtrunc.f32 v11;
	vm6 =	vgt.f32 v4, $5.000000000e-01;
	v4 =	vtrunc.f32 v10  }
0x48: {  	v8 =	vsub.s32 $0xFFE, v8;
	v7 =	vmin.u32 v7, $0xFFF;
	v10 =	vsel vm6, $0x4001, v1  }
0x49: {  	v62 =	vcvt.f32.s32 v4;
	v4 =	vsel vm5, $0x4001, v1;
	v11 =	vcvt.f32.s32 v11  }
0x4a: {  	v5 =	vsub.s32 $0xFFE, v5;
	vm6 =	vgt.s32 v6, $0x0;
	vm8 =	vgt.s32 v8, $0x0  }
0x4b: {  	v61 =	vor.u32 v2, v7;
	v7 =	vtrunc.f32 v9;
	v9 =	vsub.f32 $4.095000000e+02, v60  }
0x4c: {  	vm9 =	vgt.s32 v5, $0x0;
	v63 =	vnsel vm6, $0x0, v6;
	v8 =	vnsel vm8, $0x0, v8  }
0x4d: {  	v7 =	vcvt.f32.s32 v7;
	v12 =	vsub.s32 $0xFFE, v62;
	v9 =	vtrunc.f32 v9  }
0x4e: {  	v11 =	vsub.s32 $0xFFE, v11;
	v6 =	vnsel vm9, $0x0, v5;
	v9 =	vcvt.f32.s32 v9  }
0x4f: {  	vm5 =	vgt.s32 v12, $0x0;
	vm10 =	vgt.s32 v11, $0x0;
	v7 =	vsub.s32 $0xFFE, v7  }
0x50: {  	v12 =	vnsel vm5, $0x0, v12;
	v5 =	vnsel vm10, $0x0, v11;
	v9 =	vsub.s32 $0xFFE, v9  }
0x51: {  	vm7 =	vgt.s32 v7, $0x0;
	v11 =	vmin.u32 v12, $0xFFF;
	vm5 =	vgt.s32 v9, $0x0  }
0x52: {  	s30 =	simm.s32 $0x140C0;
	s29 =	simm.s32 $0x0;
	v7 =	vnsel vm7, $0x0, v7;
	[tilespmem:v61+s4+$0x0] =	vst.idx.add.s32.msk $0xffff, v10;
	v10 =	vmin.u32 v63, $0xFFF;
	v9 =	vnsel vm5, $0x0, v9  }
.LBB2_5:
0x53: {  	v12 =	vld [tilespmem:s30+$0x30];
	s29 =	sadd.s32 $0x8, s29;
	v7 =	vmin.u32 v7, $0xFFF;
	v8 =	vmin.u32 v8, $0xFFF;
	v6 =	vmin.u32 v6, $0xFFF  }
0x54: {  	v11 =	vor.u32 v2, v11;
	v5 =	vmin.u32 v5, $0xFFF;
	v9 =	vmin.u32 v9, $0xFFF;
	v13 =	vld [tilespmem:s30+$0xFFFFFFC0];
	p0 =	slt.u32 s29, $0x1F8  }
0x55: {  	v10 =	vor.u32 v2, v10;
	v7 =	vor.u32 v2, v7;
	v8 =	vor.u32 v2, v8;
	v14 =	vld [tilespmem:s30+$0xFFFFFFD0]  }
0x56: {  	s28 =	sadd.s32 $0x80, s28;
	v6 =	vor.u32 v2, v6;
	v5 =	vor.u32 v2, v5;
	v9 =	vor.u32 v2, v9;
	v15 =	vld [tilespmem:s30+$0xFFFFFFE0]  }
0x57: {  	v17 =	vsel vm0, $0x4001, v1;
	v18 =	vsel vm1, $0x4001, v1;
	v19 =	vsel vm2, $0x4001, v1;
	v16 =	vld [tilespmem:s28+$0x30]  }
0x58: {  	v22 =	vsel vm3, $0x4001, v1;
	v23 =	vsel vm4, $0x4001, v1;
	v20 =	vld [tilespmem:s30+$0xFFFFFFF0];
	v21 =	vmul.f32 $8.190000000e+02, v12  }
0x59: {  	v24 =	vmul.f32 $8.190000000e+02, v13;
	vm1 =	vgt.f32 v13, $5.000000000e-01;
	v13 =	vld [tilespmem:s30+$0x0]  }
0x5a: {  	v25 =	vmul.f32 $8.190000000e+02, v14;
	vm5 =	vgt.f32 v14, $5.000000000e-01;
	v14 =	vld [tilespmem:s30+$0x10];
	v21 =	vadd.f32 $-4.095000000e+02, v21  }
0x5b: {  	v24 =	vadd.f32 $-4.095000000e+02, v24;
	v26 =	vmul.f32 $8.190000000e+02, v15;
	vm0 =	vgt.f32 v15, $5.000000000e-01;
	v15 =	vld [tilespmem:s30+$0x20]  }
0x5c: {  	v27 =	vsel vm1, $0x4001, v1;
	v28 =	vld [tilespmem:s28+$0xFFFFFFD0];
	v25 =	vadd.f32 $-4.095000000e+02, v25;
	v16 =	vmul.f32 v21, v16  }
0x5d: {  	v21 =	vld [tilespmem:s28+$0xFFFFFFE0];
	v26 =	vadd.f32 $-4.095000000e+02, v26;
	v29 =	vmul.f32 $8.190000000e+02, v20;
	vm1 =	vgt.f32 v20, $5.000000000e-01  }
0x5e: {  	v20 =	vld [tilespmem:s28+$0xFFFFFFF0];
	v30 =	vmul.f32 $8.190000000e+02, v13;
	vm2 =	vgt.f32 v13, $5.000000000e-01;
	v13 =	vsub.f32 $4.095000000e+02, v16  }
0x5f: {  	v16 =	vadd.f32 $-4.095000000e+02, v29;
	v29 =	vld [tilespmem:s28+$0x0];
	v31 =	vmul.f32 $8.190000000e+02, v14;
	vm3 =	vgt.f32 v14, $5.000000000e-01  }
0x60: {  	v14 =	vadd.f32 $-4.095000000e+02, v30;
	v30 =	vld [tilespmem:s28+$0x10];
	v32 =	vmul.f32 $8.190000000e+02, v15;
	v13 =	vtrunc.f32 v13  }
0x61: {  	v25 =	vmul.f32 v25, v28;
	v28 =	vadd.f32 $-4.095000000e+02, v31;
	v31 =	vld [tilespmem:s28+$0x20];
	v13 =	vcvt.f32.s32 v13  }
0x62: {  	vm4 =	vgt.f32 v15, $5.000000000e-01;
	v33 =	vld [tilespmem:s28+$0xFFFFFFC0];
	v21 =	vmul.f32 v26, v21;
	v26 =	vadd.f32 $-4.095000000e+02, v32  }
0x63: {  	v15 =	vsub.f32 $4.095000000e+02, v25;
	v16 =	vmul.f32 v16, v20;
	v13 =	vsub.s32 $0xFFE, v13;
	[tilespmem:v11+s4+$0x0] =	vst.idx.add.s32.msk $0xffff, v3;
	v3 =	vmovc v27  }
0x64: {  	v11 =	vsub.f32 $4.095000000e+02, v21;
	v14 =	vmul.f32 v14, v29;
	vm6 =	vgt.s32 v13, $0x0;
	[tilespmem:v10+s4+$0x0] =	vst.idx.add.s32.msk $0xffff, v4  }
0x65: {  	v4 =	vsub.f32 $4.095000000e+02, v16;
	v10 =	vmul.f32 v28, v30;
	v13 =	vnsel vm6, $0x0, v13;
	[tilespmem:v7+s4+$0x0] =	vst.idx.add.s32.msk $0xffff, v17  }
0x66: {  	v7 =	vsub.f32 $4.095000000e+02, v14;
	v14 =	vmul.f32 v26, v31;
	v13 =	vmin.u32 v13, $0xFFF;
	[tilespmem:v8+s4+$0x0] =	vst.idx.add.s32.msk $0xffff, v18  }
0x67: {  	v8 =	vmul.f32 v24, v33;
	v10 =	vsub.f32 $4.095000000e+02, v10;
	v13 =	vor.u32 v2, v13;
	[tilespmem:v6+s4+$0x0] =	vst.idx.add.s32.msk $0xffff, v19  }
0x68: {  	v11 =	vtrunc.f32 v11;
	v6 =	vtrunc.f32 v15;
	v14 =	vsub.f32 $4.095000000e+02, v14;
	[tilespmem:v5+s4+$0x0] =	vst.idx.add.s32.msk $0xffff, v22  }
0x69: {  	v7 =	vtrunc.f32 v7;
	v5 =	vsub.f32 $4.095000000e+02, v8;
	v8 =	vtrunc.f32 v4;
	[tilespmem:v9+s4+$0x0] =	vst.idx.add.s32.msk $0xffff, v23  }
0x6a: {  	vm6 =	vgt.f32 v12, $5.000000000e-01;
	v9 =	vtrunc.f32 v10;
	v10 =	vtrunc.f32 v14  }
0x6b: {  	v4 =	vtrunc.f32 v5;
	v5 =	vcvt.f32.s32 v6;
	v6 =	vsel vm6, $0x4001, v1  }
0x6c: {  	v11 =	vcvt.f32.s32 v11;
	v12 =	vcvt.f32.s32 v4;
	v4 =	vsel vm5, $0x4001, v1;
	[tilespmem:v13+s4+$0x0] =	vst.idx.add.s32.msk $0xffff, v6  }
0x6d: {  	v7 =	vcvt.f32.s32 v7;
	v6 =	vcvt.f32.s32 v8;
	v5 =	vsub.s32 $0xFFE, v5  }
0x6e: {  	v9 =	vcvt.f32.s32 v9;
	v10 =	vcvt.f32.s32 v10;
	v8 =	vsub.s32 $0xFFE, v12  }
0x6f: {  	v11 =	vsub.s32 $0xFFE, v11;
	v6 =	vsub.s32 $0xFFE, v6;
	v12 =	vsub.s32 $0xFFE, v7  }
0x70: {  	v9 =	vsub.s32 $0xFFE, v9;
	v13 =	vsub.s32 $0xFFE, v10;
	vm5 =	vgt.s32 v8, $0x0  }
.Ltmp1:
0x71: {  	vm7 =	vgt.s32 v11, $0x0;
	vm6 =	vgt.s32 v5, $0x0;
	vm8 =	vgt.s32 v6, $0x0;
	(pc) =	sbr.rel @p0 .LBB2_5-.Ltmp1, $4  }
0x72: {  	vm10 =	vgt.s32 v9, $0x0;
	vm11 =	vgt.s32 v13, $0x0;
	vm9 =	vgt.s32 v12, $0x0  }
0x73: {  	v7 =	vnsel vm7, $0x0, v11;
	v14 =	vnsel vm6, $0x0, v5;
	v10 =	vnsel vm5, $0x0, v8  }
0x74: {  	v5 =	vnsel vm10, $0x0, v9;
	v8 =	vnsel vm8, $0x0, v6;
	v6 =	vnsel vm9, $0x0, v12  }
0x75: {  	s30 =	sadd.s32 $0x80, s30;
	v9 =	vnsel vm11, $0x0, v13;
	v11 =	vmin.u32 v10, $0xFFF;
	v10 =	vmin.u32 v14, $0xFFF  }
0x76: {  	v11 =	vor.u32 v2, v11  }
0x77: {  	v7 =	vmin.u32 v7, $0xFFF;
	v10 =	vor.u32 v2, v10  }
0x78: {  	v8 =	vmin.u32 v8, $0xFFF;
	v7 =	vor.u32 v2, v7  }
0x79: {  	v6 =	vmin.u32 v6, $0xFFF;
	v8 =	vor.u32 v2, v8  }
0x7a: {  	v5 =	vmin.u32 v5, $0xFFF;
	v6 =	vor.u32 v2, v6  }
0x7b: {  	v9 =	vmin.u32 v9, $0xFFF;
	v5 =	vor.u32 v2, v5;
	[tilespmem:v11+s4+$0x0] =	vst.idx.add.s32.msk $0xffff, v3  }
0x7c: {  	v3 =	vor.u32 v2, v9;
	v9 =	vsel vm0, $0x4001, v1;
	[tilespmem:v10+s4+$0x0] =	vst.idx.add.s32.msk $0xffff, v4  }
0x7d: {  	v4 =	vsel vm1, $0x4001, v1;
	[tilespmem:v7+s4+$0x0] =	vst.idx.add.s32.msk $0xffff, v9  }
0x7e: {  	s28 =	sshll.u32 s26, $0xE;
	p0 =	seq.s32 s26, $0x7;
	v7 =	vsel vm2, $0x4001, v1;
	[tilespmem:v8+s4+$0x0] =	vst.idx.add.s32.msk $0xffff, v4  }
0x7f: {  	s29 =	sadd.s32 @!p0 s28, s9;
	v4 =	vsel vm3, $0x4001, v1;
	[tilespmem:v6+s4+$0x0] =	vst.idx.add.s32.msk $0xffff, v7  }
0x80: {  	s29 =	sshrl.u32 @!p0 s29, $0x3;
	v6 =	vsel vm4, $0x4001, v1;
	[tilespmem:v5+s4+$0x0] =	vst.idx.add.s32.msk $0xffff, v4  }
0x81: {  	s31 =	simm.s32 @!p0 $0x0;
	s0 =	simm.s32 @!p0 $0x10000;
	s30 =	sadd.s32 @!p0 s1, s29;
	[tilespmem:v3+s4+$0x0] =	vst.idx.add.s32.msk $0xffff, v6  }
0x82: {  	[tilespmem:s0], [sflag:$0x1] =	stream.linear.gather @!p0 [hbm4b:s30+s31], $0x2000, $0x38;
	[tilespmem:$0x1A000] =	vst v63  }
0x83: {  	s0 =	sadd.s32 @!p0 s3, s29;
	s29 =	simm.s32 @!p0 $0x14000  }
0x84: {  	[tilespmem:s29], [sflag:$0x3] =	stream.linear.gather @!p0 [hbm4b:s0+s31], $0x2000, $0x38;
	[tilespmem:$0x1A000] =	vst v63  }
0x85: {  	_ =	swait.ge [sflag:s20], $0x2000  }
0x86: {  	[sflag:s20] =	ssyncset.done $0x0  }
0x87: {  	[sflag:s20] =	ssyncadd.s32 $0xFFFFE000  }
0x88: {  	_ =	swait.ge [sflag:s21], $0x2000  }
0x89: {  	[sflag:s21] =	ssyncset.done $0x0  }
0x8a: {  	s0 =	simm.s32 $0x16040;
	[sflag:s21] =	ssyncadd.s32 $0xFFFFE000  }
0x8b: {  	v4 =	vld [tilespmem:s0+$0x30]  }
0x8c: {  	v3 =	vld [tilespmem:s0+$0xFFFFFFC0]  }
0x8d: {  	v5 =	vld [tilespmem:s0+$0xFFFFFFD0]  }
0x8e: {  	v6 =	vld [tilespmem:s0+$0xFFFFFFE0]  }
0x8f: {  	v8 =	vld [tilespmem:s0+$0xFFFFFFF0]  }
0x90: {  	s29 =	simm.s32 $0x12040;
	v11 =	vld [tilespmem:s0+$0x0]  }
0x91: {  	v7 =	vld [tilespmem:s29+$0x30]  }
0x92: {  	v14 =	vld [tilespmem:s29+$0xFFFFFFD0]  }
0x93: {  	v19 =	vld [tilespmem:s29+$0xFFFFFFC0];
	v9 =	vmul.f32 $8.190000000e+02, v4;
	v10 =	vmul.f32 $8.190000000e+02, v3;
	vm1 =	vgt.f32 v3, $5.000000000e-01  }
0x94: {  	v12 =	vmul.f32 $8.190000000e+02, v5;
	vm5 =	vgt.f32 v5, $5.000000000e-01;
	v5 =	vld [tilespmem:s0+$0x10];
	v13 =	vmul.f32 $8.190000000e+02, v6  }
0x95: {  	vm0 =	vgt.f32 v6, $5.000000000e-01;
	v6 =	vld [tilespmem:s0+$0x20];
	v15 =	vmul.f32 $8.190000000e+02, v8;
	v16 =	vmul.f32 $8.190000000e+02, v11  }
0x96: {  	v55 =	vld [tilespmem:s29+$0x0];
	vm2 =	vgt.f32 v11, $5.000000000e-01;
	v9 =	vadd.f32 $-4.095000000e+02, v9;
	v12 =	vadd.f32 $-4.095000000e+02, v12  }
0x97: {  	v3 =	vsel vm1, $0x4001, v1;
	vm1 =	vgt.f32 v8, $5.000000000e-01;
	v8 =	vld [tilespmem:s29+$0xFFFFFFF0];
	v10 =	vadd.f32 $-4.095000000e+02, v10  }
0x98: {  	v56 =	vld [tilespmem:s29+$0x10];
	v13 =	vadd.f32 $-4.095000000e+02, v13;
	v7 =	vmul.f32 v9, v7;
	v12 =	vmul.f32 v12, v14  }
0x99: {  	v11 =	vadd.f32 $-4.095000000e+02, v15;
	v9 =	vld [tilespmem:s29+$0xFFFFFFE0];
	v10 =	vmul.f32 v10, v19;
	v17 =	vmul.f32 $8.190000000e+02, v5  }
0x9a: {  	v58 =	vld [tilespmem:s29+$0x20];
	vm3 =	vgt.f32 v5, $5.000000000e-01;
	v5 =	vadd.f32 $-4.095000000e+02, v16;
	v18 =	vmul.f32 $8.190000000e+02, v6  }
0x9b: {  	vm4 =	vgt.f32 v6, $5.000000000e-01;
	v7 =	vsub.f32 $4.095000000e+02, v7;
	v6 =	vsub.f32 $4.095000000e+02, v12  }
0x9c: {  	v8 =	vmul.f32 v11, v8;
	v57 =	vadd.f32 $-4.095000000e+02, v17;
	v5 =	vmul.f32 v5, v55  }
0x9d: {  	v59 =	vadd.f32 $-4.095000000e+02, v18;
	v7 =	vtrunc.f32 v7;
	v6 =	vtrunc.f32 v6  }
0x9e: {  	v8 =	vsub.f32 $4.095000000e+02, v8;
	v7 =	vcvt.f32.s32 v7;
	v9 =	vmul.f32 v13, v9  }
0x9f: {  	v10 =	vsub.f32 $4.095000000e+02, v10;
	v11 =	vmul.f32 v57, v56;
	v60 =	vmul.f32 v59, v58  }
0xa0: {  	v5 =	vsub.f32 $4.095000000e+02, v5;
	v6 =	vcvt.f32.s32 v6;
	v8 =	vtrunc.f32 v8  }
0xa1: {  	v7 =	vsub.s32 $0xFFE, v7;
	v9 =	vsub.f32 $4.095000000e+02, v9;
	v11 =	vsub.f32 $4.095000000e+02, v11  }
0xa2: {  	v5 =	vtrunc.f32 v5;
	v6 =	vsub.s32 $0xFFE, v6;
	vm6 =	vgt.s32 v7, $0x0  }
0xa3: {  	v8 =	vcvt.f32.s32 v8;
	v5 =	vcvt.f32.s32 v5;
	v7 =	vnsel vm6, $0x0, v7  }
0xa4: {  	v11 =	vtrunc.f32 v11;
	vm6 =	vgt.f32 v4, $5.000000000e-01;
	v4 =	vtrunc.f32 v10  }
0xa5: {  	v8 =	vsub.s32 $0xFFE, v8;
	v7 =	vmin.u32 v7, $0xFFF;
	v10 =	vsel vm6, $0x4001, v1  }
0xa6: {  	v62 =	vcvt.f32.s32 v4;
	v4 =	vsel vm5, $0x4001, v1;
	v11 =	vcvt.f32.s32 v11  }
0xa7: {  	v5 =	vsub.s32 $0xFFE, v5;
	vm6 =	vgt.s32 v6, $0x0;
	vm8 =	vgt.s32 v8, $0x0  }
0xa8: {  	v61 =	vor.u32 v2, v7;
	v7 =	vtrunc.f32 v9;
	v9 =	vsub.f32 $4.095000000e+02, v60  }
0xa9: {  	vm9 =	vgt.s32 v5, $0x0;
	v63 =	vnsel vm6, $0x0, v6;
	v8 =	vnsel vm8, $0x0, v8  }
0xaa: {  	v7 =	vcvt.f32.s32 v7;
	v12 =	vsub.s32 $0xFFE, v62;
	v9 =	vtrunc.f32 v9  }
0xab: {  	v11 =	vsub.s32 $0xFFE, v11;
	v6 =	vnsel vm9, $0x0, v5;
	v9 =	vcvt.f32.s32 v9  }
0xac: {  	vm5 =	vgt.s32 v12, $0x0;
	vm10 =	vgt.s32 v11, $0x0;
	v7 =	vsub.s32 $0xFFE, v7  }
0xad: {  	v12 =	vnsel vm5, $0x0, v12;
	v5 =	vnsel vm10, $0x0, v11;
	v9 =	vsub.s32 $0xFFE, v9  }
0xae: {  	vm7 =	vgt.s32 v7, $0x0;
	v11 =	vmin.u32 v12, $0xFFF;
	vm5 =	vgt.s32 v9, $0x0  }
0xaf: {  	s30 =	simm.s32 $0x0;
	s31 =	simm.s32 $0x160C0;
	v7 =	vnsel vm7, $0x0, v7;
	[tilespmem:v61+s4+$0x0] =	vst.idx.add.s32.msk $0xffff, v10;
	v10 =	vmin.u32 v63, $0xFFF;
	v9 =	vnsel vm5, $0x0, v9  }
.LBB2_7:
0xb0: {  	v12 =	vld [tilespmem:s31+$0x30];
	s30 =	sadd.s32 $0x8, s30;
	v7 =	vmin.u32 v7, $0xFFF;
	v8 =	vmin.u32 v8, $0xFFF;
	v6 =	vmin.u32 v6, $0xFFF  }
0xb1: {  	v11 =	vor.u32 v2, v11;
	v5 =	vmin.u32 v5, $0xFFF;
	v9 =	vmin.u32 v9, $0xFFF;
	v13 =	vld [tilespmem:s31+$0xFFFFFFC0];
	p1 =	slt.u32 s30, $0x1F8  }
0xb2: {  	v10 =	vor.u32 v2, v10;
	v7 =	vor.u32 v2, v7;
	v8 =	vor.u32 v2, v8;
	v14 =	vld [tilespmem:s31+$0xFFFFFFD0]  }
0xb3: {  	s29 =	sadd.s32 $0x80, s29;
	v6 =	vor.u32 v2, v6;
	v5 =	vor.u32 v2, v5;
	v9 =	vor.u32 v2, v9;
	v15 =	vld [tilespmem:s31+$0xFFFFFFE0]  }
0xb4: {  	v17 =	vsel vm0, $0x4001, v1;
	v18 =	vsel vm1, $0x4001, v1;
	v19 =	vsel vm2, $0x4001, v1;
	v16 =	vld [tilespmem:s29+$0x30]  }
0xb5: {  	v22 =	vsel vm3, $0x4001, v1;
	v23 =	vsel vm4, $0x4001, v1;
	v20 =	vld [tilespmem:s31+$0xFFFFFFF0];
	v21 =	vmul.f32 $8.190000000e+02, v12  }
0xb6: {  	v24 =	vmul.f32 $8.190000000e+02, v13;
	vm1 =	vgt.f32 v13, $5.000000000e-01;
	v13 =	vld [tilespmem:s31+$0x0]  }
0xb7: {  	v25 =	vmul.f32 $8.190000000e+02, v14;
	vm5 =	vgt.f32 v14, $5.000000000e-01;
	v14 =	vld [tilespmem:s31+$0x10];
	v21 =	vadd.f32 $-4.095000000e+02, v21  }
0xb8: {  	v24 =	vadd.f32 $-4.095000000e+02, v24;
	v26 =	vmul.f32 $8.190000000e+02, v15;
	vm0 =	vgt.f32 v15, $5.000000000e-01;
	v15 =	vld [tilespmem:s31+$0x20]  }
0xb9: {  	v27 =	vsel vm1, $0x4001, v1;
	v28 =	vld [tilespmem:s29+$0xFFFFFFD0];
	v25 =	vadd.f32 $-4.095000000e+02, v25;
	v16 =	vmul.f32 v21, v16  }
0xba: {  	v21 =	vld [tilespmem:s29+$0xFFFFFFE0];
	v26 =	vadd.f32 $-4.095000000e+02, v26;
	v29 =	vmul.f32 $8.190000000e+02, v20;
	vm1 =	vgt.f32 v20, $5.000000000e-01  }
0xbb: {  	v20 =	vld [tilespmem:s29+$0xFFFFFFF0];
	v30 =	vmul.f32 $8.190000000e+02, v13;
	vm2 =	vgt.f32 v13, $5.000000000e-01;
	v13 =	vsub.f32 $4.095000000e+02, v16  }
0xbc: {  	v16 =	vadd.f32 $-4.095000000e+02, v29;
	v29 =	vld [tilespmem:s29+$0x0];
	v31 =	vmul.f32 $8.190000000e+02, v14;
	vm3 =	vgt.f32 v14, $5.000000000e-01  }
0xbd: {  	v14 =	vadd.f32 $-4.095000000e+02, v30;
	v30 =	vld [tilespmem:s29+$0x10];
	v32 =	vmul.f32 $8.190000000e+02, v15;
	v13 =	vtrunc.f32 v13  }
0xbe: {  	v25 =	vmul.f32 v25, v28;
	v28 =	vadd.f32 $-4.095000000e+02, v31;
	v31 =	vld [tilespmem:s29+$0x20];
	v13 =	vcvt.f32.s32 v13  }
0xbf: {  	vm4 =	vgt.f32 v15, $5.000000000e-01;
	v33 =	vld [tilespmem:s29+$0xFFFFFFC0];
	v21 =	vmul.f32 v26, v21;
	v26 =	vadd.f32 $-4.095000000e+02, v32  }
0xc0: {  	v15 =	vsub.f32 $4.095000000e+02, v25;
	v16 =	vmul.f32 v16, v20;
	v13 =	vsub.s32 $0xFFE, v13;
	[tilespmem:v11+s4+$0x0] =	vst.idx.add.s32.msk $0xffff, v3;
	v3 =	vmovc v27  }
0xc1: {  	v11 =	vsub.f32 $4.095000000e+02, v21;
	v14 =	vmul.f32 v14, v29;
	vm6 =	vgt.s32 v13, $0x0;
	[tilespmem:v10+s4+$0x0] =	vst.idx.add.s32.msk $0xffff, v4  }
0xc2: {  	v4 =	vsub.f32 $4.095000000e+02, v16;
	v10 =	vmul.f32 v28, v30;
	v13 =	vnsel vm6, $0x0, v13;
	[tilespmem:v7+s4+$0x0] =	vst.idx.add.s32.msk $0xffff, v17  }
0xc3: {  	v7 =	vsub.f32 $4.095000000e+02, v14;
	v14 =	vmul.f32 v26, v31;
	v13 =	vmin.u32 v13, $0xFFF;
	[tilespmem:v8+s4+$0x0] =	vst.idx.add.s32.msk $0xffff, v18  }
0xc4: {  	v8 =	vmul.f32 v24, v33;
	v10 =	vsub.f32 $4.095000000e+02, v10;
	v13 =	vor.u32 v2, v13;
	[tilespmem:v6+s4+$0x0] =	vst.idx.add.s32.msk $0xffff, v19  }
0xc5: {  	v11 =	vtrunc.f32 v11;
	v6 =	vtrunc.f32 v15;
	v14 =	vsub.f32 $4.095000000e+02, v14;
	[tilespmem:v5+s4+$0x0] =	vst.idx.add.s32.msk $0xffff, v22  }
0xc6: {  	v7 =	vtrunc.f32 v7;
	v5 =	vsub.f32 $4.095000000e+02, v8;
	v8 =	vtrunc.f32 v4;
	[tilespmem:v9+s4+$0x0] =	vst.idx.add.s32.msk $0xffff, v23  }
0xc7: {  	vm6 =	vgt.f32 v12, $5.000000000e-01;
	v9 =	vtrunc.f32 v10;
	v10 =	vtrunc.f32 v14  }
0xc8: {  	v4 =	vtrunc.f32 v5;
	v5 =	vcvt.f32.s32 v6;
	v6 =	vsel vm6, $0x4001, v1  }
0xc9: {  	v11 =	vcvt.f32.s32 v11;
	v12 =	vcvt.f32.s32 v4;
	v4 =	vsel vm5, $0x4001, v1;
	[tilespmem:v13+s4+$0x0] =	vst.idx.add.s32.msk $0xffff, v6  }
0xca: {  	v7 =	vcvt.f32.s32 v7;
	v6 =	vcvt.f32.s32 v8;
	v5 =	vsub.s32 $0xFFE, v5  }
0xcb: {  	v9 =	vcvt.f32.s32 v9;
	v10 =	vcvt.f32.s32 v10;
	v8 =	vsub.s32 $0xFFE, v12  }
0xcc: {  	v11 =	vsub.s32 $0xFFE, v11;
	v6 =	vsub.s32 $0xFFE, v6;
	v12 =	vsub.s32 $0xFFE, v7  }
0xcd: {  	v9 =	vsub.s32 $0xFFE, v9;
	v13 =	vsub.s32 $0xFFE, v10;
	vm5 =	vgt.s32 v8, $0x0  }
.Ltmp2:
0xce: {  	vm7 =	vgt.s32 v11, $0x0;
	vm6 =	vgt.s32 v5, $0x0;
	vm8 =	vgt.s32 v6, $0x0;
	(pc) =	sbr.rel @p1 .LBB2_7-.Ltmp2, $4  }
0xcf: {  	vm10 =	vgt.s32 v9, $0x0;
	vm11 =	vgt.s32 v13, $0x0;
	vm9 =	vgt.s32 v12, $0x0  }
0xd0: {  	v7 =	vnsel vm7, $0x0, v11;
	v14 =	vnsel vm6, $0x0, v5;
	v10 =	vnsel vm5, $0x0, v8  }
0xd1: {  	v5 =	vnsel vm10, $0x0, v9;
	v8 =	vnsel vm8, $0x0, v6;
	v6 =	vnsel vm9, $0x0, v12  }
0xd2: {  	s31 =	sadd.s32 $0x80, s31;
	v9 =	vnsel vm11, $0x0, v13;
	v11 =	vmin.u32 v10, $0xFFF;
	v10 =	vmin.u32 v14, $0xFFF  }
0xd3: {  	v11 =	vor.u32 v2, v11  }
0xd4: {  	v7 =	vmin.u32 v7, $0xFFF;
	v10 =	vor.u32 v2, v10  }
0xd5: {  	v8 =	vmin.u32 v8, $0xFFF;
	v7 =	vor.u32 v2, v7  }
0xd6: {  	v6 =	vmin.u32 v6, $0xFFF;
	v8 =	vor.u32 v2, v8  }
0xd7: {  	v5 =	vmin.u32 v5, $0xFFF;
	v6 =	vor.u32 v2, v6  }
0xd8: {  	v9 =	vmin.u32 v9, $0xFFF;
	v5 =	vor.u32 v2, v5;
	[tilespmem:v11+s4+$0x0] =	vst.idx.add.s32.msk $0xffff, v3  }
0xd9: {  	v59 =	vsel vm0, $0x4001, v1;
	v3 =	vor.u32 v2, v9;
	[tilespmem:v10+s4+$0x0] =	vst.idx.add.s32.msk $0xffff, v4  }
.Ltmp3:
0xda: {  	v60 =	vsel vm1, $0x4001, v1;
	[tilespmem:v7+s4+$0x0] =	vst.idx.add.s32.msk $0xffff, v59;
	(pc) =	sbr.rel @p0 .LBB2_9-.Ltmp3, $4  }
0xdb: {  	v61 =	vsel vm2, $0x4001, v1;
	[tilespmem:v8+s4+$0x0] =	vst.idx.add.s32.msk $0xffff, v60  }
0xdc: {  	v62 =	vsel vm3, $0x4001, v1;
	[tilespmem:v6+s4+$0x0] =	vst.idx.add.s32.msk $0xffff, v61  }
0xdd: {  	v63 =	vsel vm4, $0x4001, v1;
	[tilespmem:v5+s4+$0x0] =	vst.idx.add.s32.msk $0xffff, v62  }
0xde: {  	[tilespmem:v3+s4+$0x0] =	vst.idx.add.s32.msk $0xffff, v63  }
0xdf: {  	s0 =	sadd.s32 s28, s10  }
.Ltmp4:
0xe0: {  	s0 =	sshrl.u32 s0, $0x3;
	(pc) =	sbr.rel .LBB2_4-.Ltmp4, $4  }
0xe1: {  	s31 =	sadd.s32 s1, s0  }
0xe2: {  	[tilespmem:s16], [sflag:$0x2] =	stream.linear.gather [hbm4b:s31+s4], $0x2000, $0x38;
	[tilespmem:$0x1A000] =	vst v63  }
0xe3: {  	s26 =	sadd.s32 $0x1, s26;
	s0 =	sadd.s32 s3, s0  }
0xe4: {  	[tilespmem:s17], [sflag:$0x4] =	stream.linear.gather [hbm4b:s0+s4], $0x2000, $0x38;
	[tilespmem:$0x1A000] =	vst v63  }
.LBB2_9:
0xe5: {  	s26 =	simm.s32 $0x0  }
0xe6: {  	v29 =	vld [tilespmem:s26+$0x10]  }
0xe7: {  	v42 =	vld [tilespmem:s26+$0x8010]  }
0xe8: {  	s28 =	simm.s32 $0x0;
	v43 =	vld [tilespmem:s26+$0xA010]  }
0xe9: {  	s0 =	sand.u32 $0xFE0, s28;
	v46 =	vld [tilespmem:s26+$0x0]  }
0xea: {  	v4 =	vld [tilespmem:s0+$0xF000]  }
0xeb: {  	v5 =	vld [tilespmem:s0+$0xE000]  }
0xec: {  	v7 =	vld [tilespmem:s0+$0xD000]  }
0xed: {  	v10 =	vld [tilespmem:s0+$0xC000]  }
0xee: {  	v11 =	vld [tilespmem:s0+$0xB000]  }
0xef: {  	v13 =	vld [tilespmem:s0+$0xA000]  }
0xf0: {  	v16 =	vld [tilespmem:s0+$0x9000]  }
0xf1: {  	v17 =	vld [tilespmem:s0+$0x8000]  }
0xf2: {  	v19 =	vld [tilespmem:s0+$0x7000];
	v52 =	vand.u32 $0x3FFF, v42  }
0xf3: {  	v22 =	vld [tilespmem:s0+$0x6000];
	v53 =	vand.u32 $0x3FFF, v43;
	v42 =	vshra.s32 v42, $0xE;
	v61 =	vshra.s32 v46, $0xE  }
0xf4: {  	v24 =	vld [tilespmem:s0+$0x5000];
	v62 =	vand.u32 $0x3FFF, v46;
	v3 =	vshra.s32 v4, $0xE;
	v6 =	vshra.s32 v5, $0xE  }
0xf5: {  	v25 =	vld [tilespmem:s0+$0x4000];
	v5 =	vand.u32 $0x3FFF, v5;
	v4 =	vand.u32 $0x3FFF, v4;
	v9 =	vshra.s32 v10, $0xE  }
0xf6: {  	v26 =	vld [tilespmem:s0+$0x3000];
	v8 =	vshra.s32 v7, $0xE;
	v7 =	vand.u32 $0x3FFF, v7;
	v12 =	vshra.s32 v11, $0xE  }
0xf7: {  	v27 =	vld [tilespmem:s0+$0x2000];
	v11 =	vand.u32 $0x3FFF, v11;
	v10 =	vand.u32 $0x3FFF, v10;
	v15 =	vshra.s32 v16, $0xE  }
0xf8: {  	v28 =	vld [tilespmem:s0+$0x1000];
	v14 =	vshra.s32 v13, $0xE;
	v13 =	vand.u32 $0x3FFF, v13;
	v18 =	vshra.s32 v17, $0xE  }
0xf9: {  	v30 =	vld [tilespmem:s26+$0x1010];
	v17 =	vand.u32 $0x3FFF, v17;
	v16 =	vand.u32 $0x3FFF, v16;
	v21 =	vshra.s32 v22, $0xE  }
0xfa: {  	v20 =	vshra.s32 v19, $0xE;
	v19 =	vand.u32 $0x3FFF, v19;
	v23 =	vshra.s32 v24, $0xE  }
0xfb: {  	v31 =	vld [tilespmem:s26+$0x2010];
	v24 =	vand.u32 $0x3FFF, v24;
	v32 =	vshra.s32 v26, $0xE;
	v33 =	vshra.s32 v25, $0xE  }
0xfc: {  	v34 =	vand.u32 $0x3FFF, v25;
	v35 =	vshra.s32 v27, $0xE;
	v36 =	vand.u32 $0x3FFF, v27  }
0xfd: {  	v25 =	vld [tilespmem:s26+$0x3010];
	v37 =	vand.u32 $0x3FFF, v26;
	v38 =	vshra.s32 v28, $0xE;
	v39 =	vand.u32 $0x3FFF, v28  }
0xfe: {  	v26 =	vld [tilespmem:s26+$0x4010];
	v27 =	vshra.s32 v29, $0xE;
	v28 =	vand.u32 $0x3FFF, v29;
	v29 =	vshra.s32 v30, $0xE  }
0xff: {  	v40 =	vld [tilespmem:s26+$0x5010];
	v22 =	vand.u32 $0x3FFF, v22;
	v30 =	vand.u32 $0x3FFF, v30;
	v27 =	vadd.s32 v27, v29  }
0x100: {  	v41 =	vld [tilespmem:s26+$0x6010];
	v28 =	vadd.s32 v28, v30;
	v29 =	vand.u32 $0x3FFF, v31;
	v31 =	vshra.s32 v31, $0xE  }
0x101: {  	v30 =	vld [tilespmem:s26+$0x7010];
	v38 =	vadd.s32 v61, v38;
	v39 =	vadd.s32 v62, v39;
	v28 =	vadd.s32 v29, v28  }
0x102: {  	v27 =	vadd.s32 v31, v27;
	v35 =	vadd.s32 v35, v38;
	v29 =	vand.u32 $0x3FFF, v25  }
0x103: {  	v31 =	vld [tilespmem:s26+$0x9010];
	v36 =	vadd.s32 v36, v39;
	v28 =	vadd.s32 v29, v28;
	v29 =	vand.u32 $0x3FFF, v26  }
0x104: {  	v25 =	vshra.s32 v25, $0xE;
	v28 =	vadd.s32 v29, v28;
	v29 =	vand.u32 $0x3FFF, v40  }
0x105: {  	v25 =	vadd.s32 v25, v27;
	v27 =	vadd.s32 v29, v28;
	v28 =	vand.u32 $0x3FFF, v41;
	v29 =	vld [tilespmem:s26+$0xB010]  }
0x106: {  	v26 =	vshra.s32 v26, $0xE;
	v44 =	vand.u32 $0x3FFF, v30;
	v27 =	vadd.s32 v28, v27;
	v28 =	vld [tilespmem:s26+$0xC010]  }
0x107: {  	v32 =	vadd.s32 v32, v35;
	v25 =	vadd.s32 v26, v25;
	v26 =	vadd.s32 v44, v27;
	v27 =	vld [tilespmem:s26+$0xD010]  }
0x108: {  	v40 =	vshra.s32 v40, $0xE;
	v45 =	vand.u32 $0x3FFF, v31;
	v44 =	vadd.s32 v52, v26;
	v26 =	vld [tilespmem:s26+$0xE010]  }
0x109: {  	v63 =	vadd.s32 v37, v36;
	v40 =	vadd.s32 v40, v25;
	v25 =	vld [tilespmem:s26+$0xF010];
	v44 =	vadd.s32 v45, v44  }
0x10a: {  	v32 =	vadd.s32 v33, v32;
	v44 =	vadd.s32 v53, v44;
	v54 =	vand.u32 $0x3FFF, v29  }
0x10b: {  	v41 =	vshra.s32 v41, $0xE;
	v55 =	vadd.s32 v54, v44;
	v56 =	vand.u32 $0x3FFF, v28  }
0x10c: {  	v40 =	vadd.s32 v41, v40;
	v41 =	vadd.s32 v56, v55;
	v57 =	vand.u32 $0x3FFF, v27  }
0x10d: {  	v30 =	vshra.s32 v30, $0xE;
	v58 =	vadd.s32 v57, v41;
	v59 =	vand.u32 $0x3FFF, v26  }
0x10e: {  	v30 =	vadd.s32 v30, v40;
	v60 =	vand.u32 $0x3FFF, v25;
	v40 =	vadd.s32 v59, v58  }
0x10f: {  	v31 =	vshra.s32 v31, $0xE;
	v30 =	vadd.s32 v42, v30;
	v40 =	vadd.s32 v60, v40  }
0x110: {  	s29 =	simm.s32 $0x0;
	s30 =	simm.s32 $0x20;
	v33 =	vadd.s32 v34, v63;
	v30 =	vadd.s32 v31, v30;
	v31 =	vshra.s32 v43, $0xE;
	[tilespmem:s26+$0x19010] =	vst v40  }
.LBB2_10:
0x111: {  	s31 =	sand.u32 $0xFE0, s30;
	v23 =	vadd.s32 v23, v32;
	v24 =	vadd.s32 v24, v33;
	v30 =	vadd.s32 v31, v30  }
0x112: {  	v31 =	vld [tilespmem:s31+$0xF000];
	v21 =	vadd.s32 v21, v23;
	v22 =	vadd.s32 v22, v24;
	v23 =	vshra.s32 v29, $0xE  }
0x113: {  	v24 =	vld [tilespmem:s31+$0xE000];
	v20 =	vadd.s32 v20, v21;
	v19 =	vadd.s32 v19, v22;
	v21 =	vadd.s32 v23, v30  }
0x114: {  	v22 =	vld [tilespmem:s31+$0xD000];
	v18 =	vadd.s32 v18, v20;
	v17 =	vadd.s32 v17, v19;
	v19 =	vshra.s32 v28, $0xE  }
0x115: {  	v20 =	vld [tilespmem:s31+$0xC000];
	v15 =	vadd.s32 v15, v18;
	v16 =	vadd.s32 v16, v17;
	v17 =	vadd.s32 v19, v21  }
0x116: {  	v18 =	vld [tilespmem:s31+$0xB000];
	v14 =	vadd.s32 v14, v15;
	v13 =	vadd.s32 v13, v16;
	v15 =	vshra.s32 v27, $0xE  }
0x117: {  	v16 =	vld [tilespmem:s31+$0xA000];
	v12 =	vadd.s32 v12, v14;
	v11 =	vadd.s32 v11, v13;
	v13 =	vadd.s32 v15, v17  }
0x118: {  	v19 =	vld [tilespmem:s31+$0x9000];
	v9 =	vadd.s32 v9, v12;
	v10 =	vadd.s32 v10, v11;
	v11 =	vshra.s32 v26, $0xE  }
0x119: {  	v17 =	vld [tilespmem:s31+$0x8000];
	v8 =	vadd.s32 v8, v9;
	v7 =	vadd.s32 v7, v10;
	v9 =	vadd.s32 v11, v13  }
0x11a: {  	v23 =	vld [tilespmem:s31+$0x7000];
	v6 =	vadd.s32 v6, v8;
	v5 =	vadd.s32 v5, v7;
	v7 =	vshra.s32 v25, $0xE  }
0x11b: {  	v25 =	vld [tilespmem:s31+$0x6000];
	v6 =	vadd.s32 v3, v6;
	v8 =	vadd.s32 v4, v5;
	v10 =	vadd.s32 v7, v9  }
0x11c: {  	v3 =	vshra.s32 v31, $0xE;
	v26 =	vld [tilespmem:s31+$0x5000];
	[tilespmem:s26+$0x18000] =	vst v6  }
0x11d: {  	v5 =	vand.u32 $0x3FFF, v24;
	v4 =	vand.u32 $0x3FFF, v31;
	v6 =	vshra.s32 v24, $0xE;
	v27 =	vld [tilespmem:s31+$0x4000];
	[tilespmem:s26+$0x19000] =	vst v8  }
0x11e: {  	v9 =	vshra.s32 v20, $0xE;
	v7 =	vand.u32 $0x3FFF, v22;
	v8 =	vshra.s32 v22, $0xE;
	v28 =	vld [tilespmem:s31+$0x3000];
	[tilespmem:s26+$0x18010] =	vst v10  }
0x11f: {  	s28 =	sadd.s32 $0x80, s28;
	v12 =	vshra.s32 v18, $0xE;
	v11 =	vand.u32 $0x3FFF, v18;
	v10 =	vand.u32 $0x3FFF, v20;
	v29 =	vld [tilespmem:s31+$0x2000]  }
0x120: {  	v14 =	vshra.s32 v16, $0xE;
	v13 =	vand.u32 $0x3FFF, v16;
	v15 =	vshra.s32 v19, $0xE;
	s26 =	sshra.s32 s28, $0x2;
	v30 =	vld [tilespmem:s31+$0x1000]  }
0x121: {  	s29 =	sadd.s32 $0x2, s29;
	v16 =	vand.u32 $0x3FFF, v19;
	v18 =	vshra.s32 v17, $0xE;
	v17 =	vand.u32 $0x3FFF, v17;
	v31 =	vld [tilespmem:s26+$0x10]  }
0x122: {  	p0 =	slt.u32 s29, $0xFE;
	v20 =	vshra.s32 v23, $0xE;
	v19 =	vand.u32 $0x3FFF, v23;
	v21 =	vshra.s32 v25, $0xE;
	v32 =	vld [tilespmem:s26+$0x1010]  }
0x123: {  	v22 =	vand.u32 $0x3FFF, v25;
	v23 =	vshra.s32 v26, $0xE;
	v24 =	vand.u32 $0x3FFF, v26;
	v25 =	vld [tilespmem:s26+$0x2010]  }
0x124: {  	v34 =	vshra.s32 v27, $0xE;
	v35 =	vand.u32 $0x3FFF, v27;
	v33 =	vshra.s32 v28, $0xE;
	v26 =	vld [tilespmem:s26+$0x3010]  }
0x125: {  	v38 =	vand.u32 $0x3FFF, v28;
	v36 =	vshra.s32 v29, $0xE;
	v37 =	vand.u32 $0x3FFF, v29;
	v27 =	vld [tilespmem:s26+$0x4010]  }
0x126: {  	v39 =	vshra.s32 v30, $0xE;
	v30 =	vand.u32 $0x3FFF, v30;
	v28 =	vshra.s32 v31, $0xE;
	v40 =	vld [tilespmem:s26+$0x5010]  }
0x127: {  	v29 =	vand.u32 $0x3FFF, v31;
	v31 =	vshra.s32 v32, $0xE;
	v32 =	vand.u32 $0x3FFF, v32;
	v41 =	vld [tilespmem:s26+$0x6010]  }
0x128: {  	v28 =	vadd.s32 v28, v31;
	v29 =	vadd.s32 v29, v32;
	v31 =	vand.u32 $0x3FFF, v25;
	v32 =	vld [tilespmem:s26+$0x7010]  }
0x129: {  	v25 =	vshra.s32 v25, $0xE;
	v29 =	vadd.s32 v31, v29;
	v31 =	vand.u32 $0x3FFF, v26;
	v42 =	vld [tilespmem:s26+$0x8010]  }
0x12a: {  	v25 =	vadd.s32 v25, v28;
	v28 =	vadd.s32 v31, v29;
	v29 =	vand.u32 $0x3FFF, v27;
	v31 =	vld [tilespmem:s26+$0x9010]  }
0x12b: {  	v26 =	vshra.s32 v26, $0xE;
	v28 =	vadd.s32 v29, v28;
	v29 =	vand.u32 $0x3FFF, v40;
	v43 =	vld [tilespmem:s26+$0xA010]  }
0x12c: {  	v25 =	vadd.s32 v26, v25;
	v26 =	vadd.s32 v29, v28;
	v28 =	vand.u32 $0x3FFF, v41;
	v29 =	vld [tilespmem:s26+$0xB010]  }
0x12d: {  	v27 =	vshra.s32 v27, $0xE;
	v26 =	vadd.s32 v28, v26;
	v44 =	vand.u32 $0x3FFF, v32;
	v28 =	vld [tilespmem:s26+$0xC010]  }
0x12e: {  	v25 =	vadd.s32 v27, v25;
	v26 =	vadd.s32 v44, v26;
	v44 =	vand.u32 $0x3FFF, v42;
	v27 =	vld [tilespmem:s26+$0xD010]  }
0x12f: {  	v40 =	vshra.s32 v40, $0xE;
	v44 =	vadd.s32 v44, v26;
	v45 =	vand.u32 $0x3FFF, v31;
	v26 =	vld [tilespmem:s26+$0xE010]  }
0x130: {  	v40 =	vadd.s32 v40, v25;
	v44 =	vadd.s32 v45, v44;
	v45 =	vand.u32 $0x3FFF, v43;
	v25 =	vld [tilespmem:s26+$0xF010]  }
0x131: {  	v41 =	vshra.s32 v41, $0xE;
	v46 =	vld [tilespmem:s26+$0x0];
	v44 =	vadd.s32 v45, v44;
	v45 =	vand.u32 $0x3FFF, v29  }
0x132: {  	v40 =	vadd.s32 v41, v40;
	v41 =	vadd.s32 v45, v44;
	v44 =	vand.u32 $0x3FFF, v28  }
0x133: {  	v32 =	vshra.s32 v32, $0xE;
	v41 =	vadd.s32 v44, v41;
	v44 =	vand.u32 $0x3FFF, v27  }
0x134: {  	v32 =	vadd.s32 v32, v40;
	v40 =	vadd.s32 v44, v41;
	v41 =	vand.u32 $0x3FFF, v26  }
0x135: {  	v42 =	vshra.s32 v42, $0xE;
	v40 =	vadd.s32 v41, v40;
	v41 =	vand.u32 $0x3FFF, v25  }
.Ltmp5:
0x136: {  	v44 =	vshra.s32 v46, $0xE;
	v45 =	vand.u32 $0x3FFF, v46;
	v40 =	vadd.s32 v41, v40;
	(pc) =	sbr.rel @p0 .LBB2_10-.Ltmp5, $4  }
0x137: {  	v32 =	vadd.s32 v42, v32;
	v39 =	vadd.s32 v44, v39;
	v30 =	vadd.s32 v45, v30;
	[tilespmem:s26+$0x19010] =	vst v40  }
0x138: {  	v31 =	vshra.s32 v31, $0xE;
	v36 =	vadd.s32 v36, v39;
	v30 =	vadd.s32 v37, v30  }
0x139: {  	v33 =	vadd.s32 v33, v36;
	v36 =	vadd.s32 v38, v30;
	v30 =	vadd.s32 v31, v32  }
0x13a: {  	s30 =	sadd.s32 $0x20, s30;
	v31 =	vshra.s32 v43, $0xE;
	v32 =	vadd.s32 v34, v33;
	v33 =	vadd.s32 v35, v36  }
0x13b: {  	v23 =	vadd.s32 v23, v32  }
0x13c: {  	v24 =	vadd.s32 v24, v33;
	v21 =	vadd.s32 v21, v23  }
0x13d: {  	v22 =	vadd.s32 v22, v24;
	v20 =	vadd.s32 v20, v21  }
0x13e: {  	v54 =	vadd.s32 v31, v30;
	v19 =	vadd.s32 v19, v22;
	v18 =	vadd.s32 v18, v20  }
0x13f: {  	v55 =	vshra.s32 v29, $0xE;
	v17 =	vadd.s32 v17, v19;
	v15 =	vadd.s32 v15, v18  }
0x140: {  	v57 =	vshra.s32 v28, $0xE;
	v16 =	vadd.s32 v16, v17;
	v14 =	vadd.s32 v14, v15  }
0x141: {  	v59 =	vshra.s32 v27, $0xE;
	v13 =	vadd.s32 v13, v16;
	v12 =	vadd.s32 v12, v14  }
0x142: {  	v61 =	vshra.s32 v26, $0xE;
	v11 =	vadd.s32 v11, v13;
	v9 =	vadd.s32 v9, v12  }
0x143: {  	v56 =	vadd.s32 v55, v54;
	v10 =	vadd.s32 v10, v11;
	v8 =	vadd.s32 v8, v9  }
0x144: {  	v58 =	vadd.s32 v57, v56;
	v7 =	vadd.s32 v7, v10;
	v6 =	vadd.s32 v6, v8  }
0x145: {  	v60 =	vadd.s32 v59, v58;
	v5 =	vadd.s32 v5, v7;
	v3 =	vadd.s32 v3, v6  }
0x146: {  	v63 =	vshra.s32 v25, $0xE;
	v62 =	vadd.s32 v61, v60;
	v4 =	vadd.s32 v4, v5;
	[tilespmem:s26+$0x18000] =	vst v3  }
0x147: {  	v3 =	vadd.s32 v63, v62;
	[tilespmem:s26+$0x19000] =	vst v4  }
0x148: {  	[tilespmem:s26+$0x18010] =	vst v3  }
0x149: {  	[hbm4b:s11+s4] =	stream.linear.scatter [tilespmem:s22], [sflag:$0x5], $0x1000, $0x38;
	[tilespmem:$0x1A000] =	vst v63  }
0x14a: {  	s25 =	sadd.s32 $0x1, s25;
	_ =	swait.ge [sflag:s23], $0x1000  }
0x14b: {  	p0 =	sne.s32 s25, s13;
	[sflag:s23] =	ssyncset.done $0x0  }
.Ltmp6:
0x14c: {  	[sflag:s23] =	ssyncadd.s32 $0xFFFFF000;
	(pc) =	sbr.rel @p0 .LBB2_1-.Ltmp6, $4  }
0x14d: {  	[hbm4b:s12+s4] =	stream.linear.scatter [tilespmem:s24], [sflag:$0x5], $0x1000, $0x38;
	[tilespmem:$0x1A000] =	vst v63  }
0x14e: {  	_ =	swait.ge [sflag:s23], $0x1000  }
0x14f: {  	[sflag:s23] =	ssyncset.done $0x0  }
0x150: {  	[sflag:s23] =	ssyncadd.s32 $0xFFFFF000  }
0x151: {  	_ =	sfence.sel $0x180000  }
0x152: {  	[bflag:$0x0] =	sbarrier.arrive $0xFFFF  }
0x153: {  	_ =	strace $0x90000047  }
0x154: {  	[bflag:$0x2] =	sbarrier.arrive $0xFFFF  }
0x155: {  	p0 =	sne.s32 s2, $0x0;
	s0 =	rddreg [dreg:$0x3]  }
0x156: {  	s0 =	sadd.s32 @!p0 $0x100000, s0  }
0x157: {  	[sflag:s0] =	ssyncadd.tile.s32 @!p0 $0x1;
	_ =	shalt  }
.Lfunc_end2:
_tile_overlayer_lowered:
.L_overlay_start_2:
0x158: {  	(tag) =	ssettag $0x2  }
0x159: {  	s0 =	rddreg [dreg:$0x0];
	s2 =	stileid.u32  }
0x15a: {  	s1 =	rddreg [dreg:$0x1];
	p0 =	sne.s32 s2, $0x0  }
0x15b: {  	s3 =	rddreg [dreg:$0x2];
	[bflag:$0x3] =	sbarrier.arrive $0xFFFF;
	s2 =	simm.s32 @!p0 $0x1C05  }
0x15c: {  	[timem:s3], [sflag:s2] =	dma.local @!p0 [hbm:s0], s1  }
0x15d: {  	s0 =	simm.s32 @!p0 $0x5  }
0x15e: {  	_ =	swait.ge @!p0 [sflag:s0], s1  }
0x15f: {  	s1 =	ssub.s32 @!p0 $0x0, s1;
	[sflag:s0] =	ssyncset.done @!p0 $0x0  }
0x160: {  	[sflag:s0] =	ssyncadd.s32 @!p0 s1  }
0x161: {  	[bflag:$0x3] =	sbarrier.arrive $0xFFFF  }
0x162: {  	_ =	shalt  }

// kernel: kernel.7.cloned.1.call-start
scs
__scs_entry_jumppad:
0x0: {  	(pc) =	sbr.rel $0x88, $3  }
0x1: {  	(tag) =	ssettag $0x0;
	lr =	simm.s32 $0x1  }
0x2: {  	[smem:$0x3F9F] =	sst lr;
	_ =	strace $0xD0000000  }
0x3: {  	_ = 	snop  }
0x4: {  	_ = 	snop  }
0x5: {  	_ = 	snop  }
0x6: {  	_ = 	snop  }
0x7: {  	_ = 	snop  }
__scs_overlays_trampoline_lowered:
0x8: {  	[smem:$0x3FAE] =	sst s0  }
0x9: {  	[smem:$0x3FAF] =	sst s1  }
0xa: {  	[smem:$0x3FB0] =	sst s2  }
0xb: {  	[smem:$0x3FB1] =	sst s3  }
0xc: {  	[smem:$0x3FB2] =	sst s4  }
0xd: {  	[smem:$0x3FB3] =	sst s5  }
0xe: {  	[smem:$0x3FB4] =	sst s6  }
0xf: {  	[smem:$0x3FB5] =	sst s7  }
0x10: {  	[smem:$0x3FB6] =	sst s8  }
0x11: {  	[smem:$0x3FB7] =	sst s9;
	s0 =	simm.s32 @!p0 $0x0  }
0x12: {  	s1 =	sld [smem:$0x3F9D];
	s0 =	simm.s32 @p0 $0x1  }
0x13: {  	[smem:$0x3FB8] =	sst s0;
	s0 =	simm.s32 @!p1 $0x0  }
0x14: {  	s2 =	sld [smem:$0x3F9C];
	s0 =	simm.s32 @p1 $0x1  }
0x15: {  	[smem:$0x3FB9] =	sst s0;
	s0 =	simm.s32 @!p2 $0x0  }
0x16: {  	s3 =	sld [smem:$0x3FDB];
	s0 =	simm.s32 @p2 $0x1  }
0x17: {  	s4 =	simm.s32 $0x1BF5;
	[smem:$0x3FBB] =	sst s0  }
0x18: {  	s0 =	sld [smem:$0x3F9E];
	_ =	swait.ge [sflag:s4], $0x0  }
0x19: {  	s7 =	sld [smem:$0x3F9F]  }
0x1a: {  	s8 =	sadd.s32 $0xFFFFE003, lr  }
0x1b: {  	s9 =	sadd.s32 $0xFFFFFEF7, lr;
	s5 =	simm.s32 $0xFFFFFFFF;
	p2 =	slt.u32 s8, $0xFFFFF086  }
0x1c: {  	p1 =	slt.u32 s9, $0xF7A;
	s5 =	simm.s32 @!p2 $0x0  }
0x1d: {  	s5 =	simm.s32 @p1 $0x1;
	p0 =	seq.s32 s7, s2  }
0x1e: {  	s7 =	smul.u32 @!p0 $0xF7A, s2;
	p2 =	seq.s32 @!p0 s5, $0x0  }
0x1f: {  	s9 =	smul.u32 $0xF7A, s1;
	s8 =	simm.s32 @!p0 $0x1BF5;
	p2 =	por !p2, p0  }
0x20: {  	[sflag:s8] =	ssyncset.s32 @!p0 $0xFFFFF086;
	s6 =	sadd.s32 @!p0 s3, s7;
	s7 =	simm.s32 @!p0 $0x108  }
0x21: {  	s3 =	sadd.s32 s3, s9;
	s6 =	sadd.s32 @!p0 $0x88, s6;
	s7 =	simm.s32 @p2 $0x1082  }
0x22: {  	[simem:s7], [sflag:s8] =	dma.local @!p0 [hbm:s6], $0xF7A  }
0x23: {  	s9 =	sor.u32 $0xD0000000, s2;
	s6 =	simm.s32 $0x108;
	_ =	swait.ge @!p0 [sflag:s8], $0x0  }
0x24: {  	s3 =	sadd.s32 $0x88, s3;
	s6 =	simm.s32 @!p1 $0x1082;
	[sflag:s4] =	ssyncset.s32 $0xFFFFF086  }
0x25: {  	[simem:s6], [sflag:s4] =	dma.local [hbm:s3], $0xF7A  }
0x26: {  	[smem:$0x3F9F] =	sst s1;
	(tag) =	ssettag s2;
	_ =	strace s9  }
0x27: {  	s1 =	sld [smem:$0x3FAF]  }
0x28: {  	s2 =	sld [smem:$0x3FB0]  }
0x29: {  	s4 =	sld [smem:$0x3FB2]  }
0x2a: {  	p0 =	seq.s32 s5, $0x0;
	s5 =	sld [smem:$0x3FB3]  }
0x2b: {  	s6 =	sld [smem:$0x3FB4]  }
0x2c: {  	s7 =	sld [smem:$0x3FB5]  }
0x2d: {  	s3 =	simm.s32 $0x108;
	s8 =	sld [smem:$0x3FB6]  }
0x2e: {  	s3 =	simm.s32 @!p0 $0x1082;
	s9 =	sld [smem:$0x3FB7]  }
0x2f: {  	lr =	sadd.s32 s0, s3;
	s0 =	sld [smem:$0x3FAE]  }
0x30: {  	s3 =	sld [smem:$0x3FB1]  }
0x31: {  	[smem:$0x3FBA] =	sst s10  }
0x32: {  	s10 =	sld [smem:$0x3FB8];
	_ =	sdelay $0x3  }
0x33: {  	p0 =	seq.s32 s10, $0x1;
	s10 =	sld [smem:$0x3FBA];
	_ =	sdelay $0x3  }
0x34: {  	[smem:$0x3FBA] =	sst s10  }
0x35: {  	s10 =	sld [smem:$0x3FB9];
	_ =	sdelay $0x3  }
0x36: {  	p1 =	seq.s32 s10, $0x1;
	s10 =	sld [smem:$0x3FBA];
	_ =	sdelay $0x3  }
0x37: {  	[smem:$0x3FBA] =	sst s10  }
0x38: {  	s10 =	sld [smem:$0x3FBB]  }
0x39: {  	_ = 	snop;
	(pc) =	sbr.ind lr, $3  }
0x3a: {  	_ = 	snop  }
0x3b: {  	_ = 	snop  }
0x3c: {  	p2 =	seq.s32 s10, $0x1;
	s10 =	sld [smem:$0x3FBA]  }
0x3d: {  	_ =	shalt  }
0x3e: {  	_ =	shalt  }
0x3f: {  	_ =	shalt  }
0x40: {  	_ =	shalt  }
0x41: {  	_ =	shalt  }
0x42: {  	_ =	shalt  }
0x43: {  	_ =	shalt  }
0x44: {  	_ =	shalt  }
0x45: {  	_ =	shalt  }
0x46: {  	_ =	shalt  }
0x47: {  	_ =	shalt  }
0x48: {  	_ =	shalt  }
0x49: {  	_ =	shalt  }
0x4a: {  	_ =	shalt  }
0x4b: {  	_ =	shalt  }
0x4c: {  	_ =	shalt  }
0x4d: {  	_ =	shalt  }
0x4e: {  	_ =	shalt  }
0x4f: {  	_ =	shalt  }
0x50: {  	_ =	shalt  }
0x51: {  	_ =	shalt  }
0x52: {  	_ =	shalt  }
0x53: {  	_ =	shalt  }
0x54: {  	_ =	shalt  }
0x55: {  	_ =	shalt  }
0x56: {  	_ =	shalt  }
0x57: {  	_ =	shalt  }
0x58: {  	_ =	shalt  }
0x59: {  	_ =	shalt  }
0x5a: {  	_ =	shalt  }
0x5b: {  	_ =	shalt  }
0x5c: {  	_ =	shalt  }
0x5d: {  	_ =	shalt  }
0x5e: {  	_ =	shalt  }
0x5f: {  	_ =	shalt  }
0x60: {  	_ =	shalt  }
0x61: {  	_ =	shalt  }
0x62: {  	_ =	shalt  }
0x63: {  	_ =	shalt  }
0x64: {  	_ =	shalt  }
0x65: {  	_ =	shalt  }
0x66: {  	_ =	shalt  }
0x67: {  	_ =	shalt  }
0x68: {  	_ =	shalt  }
0x69: {  	_ =	shalt  }
0x6a: {  	_ =	shalt  }
0x6b: {  	_ =	shalt  }
0x6c: {  	_ =	shalt  }
0x6d: {  	_ =	shalt  }
0x6e: {  	_ =	shalt  }
0x6f: {  	_ =	shalt  }
0x70: {  	_ =	shalt  }
0x71: {  	_ =	shalt  }
0x72: {  	_ =	shalt  }
0x73: {  	_ =	shalt  }
0x74: {  	_ =	shalt  }
0x75: {  	_ =	shalt  }
0x76: {  	_ =	shalt  }
0x77: {  	_ =	shalt  }
0x78: {  	_ =	shalt  }
0x79: {  	_ =	shalt  }
0x7a: {  	_ =	shalt  }
0x7b: {  	_ =	shalt  }
0x7c: {  	_ =	shalt  }
0x7d: {  	_ =	shalt  }
0x7e: {  	_ =	shalt  }
0x7f: {  	_ =	shalt  }
0x80: {  	_ =	shalt  }
0x81: {  	_ =	shalt  }
0x82: {  	_ =	shalt  }
0x83: {  	_ =	shalt  }
0x84: {  	_ =	shalt  }
0x85: {  	_ =	shalt  }
0x86: {  	_ =	shalt  }
0x87: {  	_ =	shalt  }
.Lfunc_end0:
.L_simem_size_0:
called_computation.1_lowered:
.L_overlay_start_0:
0x88: {  	s2 =	sld [smem:$0x3FD9]  }
0x89: {  	s3 =	sld [smem:$0x3FFE];
	_ =	sdelay $0x1  }
0x8a: {  	s1 =	srdreg.scid  }
0x8b: {  	s0 =	sand.u32 $0x1, s1  }
0x8c: {  	s17 =	sshll.u32 s0, $0xA;
	s2 =	sadd.s32 s3, s2  }
0x8d: {  	s2 =	sadd.s32 s2, s17  }
0x8e: {  	[smem:$0x3FC6] =	sst s2  }
0x8f: {  	_ = 	snop  }
0x90: {  	s2 =	sld [smem:$0x3FD0];
	(tm) =	ssettm $0x1  }
0x91: {  	s18 =	sld [smem:$0x3FFB];
	_ =	sdelay $0x3  }
0x92: {  	_ =	strace s18  }
0x93: {  	s3 =	sld [smem:$0x3FFC];
	_ =	sdelay $0x3  }
0x94: {  	_ =	strace s3  }
0x95: {  	s3 =	sld [smem:$0x3FFD];
	_ =	sdelay $0x3  }
0x96: {  	_ =	strace s3  }
0x97: {  	_ =	strace $0x8FFFFFFF  }
0x98: {  	s19 =	sld [smem:$0x3FDB];
	_ =	sdelay $0x1  }
0x99: {  	s4 =	simm.s32 $_scs_section_size  }
0x9a: {  	s5 =	simm.s32 $_size__tile_overlayer_lowered;
	s6 =	simm.s32 $_tile_overlayer_lowered  }
0x9b: {  	s22 =	simm.s32 $0x1BFF;
	s21 =	sshll.u32 s6, $0x1;
	s3 =	sadd.s32 s4, s19  }
0x9c: {  	s7 =	simm.s32 $0x0;
	s20 =	sshll.u32 s5, $0x1;
	s5 =	sadd.s32 s21, s3  }
0x9d: {  	[timem:s7], [sflag:s22] =	dma.local [hbm:s5], s20  }
0x9e: {  	_ =	swait.ge [sflag:s22], s20  }
0x9f: {  	s4 =	ssub.s32 $0x0, s20;
	[sflag:s22] =	ssyncset.done $0x0  }
0xa0: {  	[sflag:s22] =	ssyncadd.s32 s4;
	_ =	sdelay $0x1  }
0xa1: {  	s23 =	simm.s32 $0x1B8B  }
0xa2: {  	_ =	swait.ge [sflag:s23], $0x1  }
0xa3: {  	[sflag:s23] =	ssyncset.done $0x0  }
0xa4: {  	s25 =	simm.s32 $0x1B8E;
	s24 =	sld [smem:$0x3FFE];
	[sflag:s23] =	ssyncadd.s32 $0xFFFFFFFF  }
0xa5: {  	s26 =	simm.s32 $execute0_lowered;
	[smem:$0x3FD2] =	sst s25  }
0xa6: {  	s5 =	sshll.u32 s26, $0x1;
	_ =	strace $0x80000049;
	[dreg:$0x1] =	wrdreg $0xFFFFFFFF  }
0xa7: {  	s28 =	simm.s32 $_size_execute0_lowered;
	s3 =	sadd.s32 s3, s5;
	[dreg:$0x0] =	wrdreg $0x0  }
0xa8: {  	s5 =	sshll.u32 s28, $0x1;
	[dreg:$0x2] =	wrdreg s3  }
0xa9: {  	[dreg:$0x3] =	wrdreg s5  }
0xaa: {  	[dreg:$0x4] =	wrdreg $0xC0  }
0xab: {  	_ =	task [dreg:s7], $0x5FFFF  }
0xac: {  	[dreg:$0x1] =	wrdreg $0xFFFFFFFF  }
0xad: {  	[dreg:$0x0] =	wrdreg $0x60  }
0xae: {  	[dreg:$0x2] =	wrdreg s24  }
0xaf: {  	[dreg:$0x3] =	wrdreg s2  }
0xb0: {  	[dreg:$0x4] =	wrdreg $0x62800  }
0xb1: {  	[dreg:$0x5] =	wrdreg $0x63800  }
0xb2: {  	[dreg:$0x6] =	wrdreg $0x9  }
0xb3: {  	_ =	task.clear_ibuf [dreg:s7], $0x7FFFF;
	_ =	strace $0x90000049  }
0xb4: {  	s29 =	simm.s32 $0x9;
	_ =	strace $0x8000004B  }
0xb5: {  	_ =	swait.ge [sflag:s29], $0x1  }
0xb6: {  	[sflag:s29] =	ssyncadd.s32 $0xFFFFFFFF  }
0xb7: {  	_ =	strace $0x9000004B  }
0xb8: {  	_ =	sfence  }
0xb9: {  	s30 =	sld [smem:$0x0];
	_ =	sdelay $0x2  }
0xba: {  	s31 =	sshll.u32 s1, $0xD;
	s1 =	sshrl.u32 s1, $0x2  }
0xbb: {  	s3 =	sand.u32 $0x4000, s31;
	s1 =	sadd.s32 s1, s30  }
0xbc: {  	s0 =	sor.u32 s3, s0;
	s1 =	sshll.u32 s1, $0x11  }
0xbd: {  	s0 =	sor.u32 s1, s0  }
0xbe: {  	s0 =	sadd.s32 $0x8F2B, s0  }
0xbf: {  	[sflag:s0] =	ssyncadd.remote.s32 $0x1  }
0xc0: {  	_ =	sfence.sel $0xFFFF  }
0xc1: {  	[dreg:$0x0] =	wrdreg $0xFFFFFFFF;
	(pc) =	sbr.abs _section_cstart, $3  }
0xc2: {  	[dreg:$0x1] =	wrdreg $0xFFFFFFFF  }
0xc3: {  	_ =	task.clear_ibuf [dreg:s7], $0x2FFFF;
	_ =	strace $0x9FFFFFFF  }
0xc4: {  	(tm) =	ssettm $0x7FFFFFFF  }
0xc5: {  	_ =	shalt  }
tec
execute0_lowered:
.L_overlay_start_1:
0x0: {  	(tag) =	ssettag $0x1  }
0x1: {  	s1 =	srdreg.scid  }
0x2: {  	s1 =	sand.u32 $0x1, s1  }
0x3: {  	p0 =	seq.s32 s1, $0x1  }
.Ltmp0:
0x4: {  	s0 =	rddreg [dreg:$0x0];
	(pc) =	sbr.rel @p0 .LBB2_9-.Ltmp0, $4  }
0x5: {  	s17 =	rddreg [dreg:$0x2]  }
0x6: {  	s16 =	rddreg [dreg:$0x3];
	s5 =	simm.s32 $0x0  }
0x7: {  	[smem:$0x7FF] =	sst s5  }
0x8: {  	s9 =	rddreg [dreg:$0x4];
	s15 =	stileid.u32;
	_ =	strace $0x8000004A  }
0x9: {  	s7 =	sadd.s32 $0xC00, s0;
	s8 =	sshll.u32 s15, $0x5  }
0xa: {  	s1 =	sadd.s32 s7, s8  }
0xb: {  	[tilespmem:s5], [sflag:$0x1] =	stream.linear.gather [hbm4b:s1+s5], $0x80, $0x38;
	[tilespmem:$0x6480] =	vst v63  }
0xc: {  	s6 =	sadd.s32 $0x4C00, s0;
	s3 =	simm.s32 $0x400;
	s2 =	sadd.s32 $0x10, s1  }
0xd: {  	[tilespmem:s3], [sflag:$0x1] =	stream.linear.gather [hbm4b:s2+s5], $0x80, $0x38;
	[tilespmem:$0x6480] =	vst v63  }
0xe: {  	s9 =	simm.s32 $0x2000;
	s4 =	sadd.s32 s6, s8  }
0xf: {  	[tilespmem:s9], [sflag:$0x1] =	stream.linear.gather [hbm4b:s4+s5], $0x80, $0x38;
	[tilespmem:$0x6480] =	vst v63  }
0x10: {  	s10 =	sor.u32 $0x200, s8;
	s0 =	sadd.s32 $0x10, s4;
	s2 =	simm.s32 $0x2400  }
0x11: {  	[tilespmem:s2], [sflag:$0x1] =	stream.linear.gather [hbm4b:s0+s5], $0x80, $0x38;
	[tilespmem:$0x6480] =	vst v63  }
0x12: {  	s12 =	simm.s32 $0x80;
	s11 =	sadd.s32 s7, s10  }
0x13: {  	[tilespmem:s12], [sflag:$0x1] =	stream.linear.gather [hbm4b:s11+s5], $0x80, $0x38;
	[tilespmem:$0x6480] =	vst v63  }
0x14: {  	s13 =	simm.s32 $0x480;
	s0 =	sadd.s32 $0x10, s11  }
0x15: {  	[tilespmem:s13], [sflag:$0x1] =	stream.linear.gather [hbm4b:s0+s5], $0x80, $0x38;
	[tilespmem:$0x6480] =	vst v63  }
0x16: {  	s18 =	simm.s32 $0x2080;
	s14 =	sadd.s32 s6, s10  }
0x17: {  	[tilespmem:s18], [sflag:$0x1] =	stream.linear.gather [hbm4b:s14+s5], $0x80, $0x38;
	[tilespmem:$0x6480] =	vst v63  }
0x18: {  	s20 =	simm.s32 $0x2480;
	s19 =	sor.u32 $0x400, s8;
	s0 =	sadd.s32 $0x10, s14  }
0x19: {  	[tilespmem:s20], [sflag:$0x1] =	stream.linear.gather [hbm4b:s0+s5], $0x80, $0x38;
	[tilespmem:$0x6480] =	vst v63  }
0x1a: {  	s22 =	simm.s32 $0x100;
	s21 =	sadd.s32 s7, s19  }
0x1b: {  	[tilespmem:s22], [sflag:$0x1] =	stream.linear.gather [hbm4b:s21+s5], $0x80, $0x38;
	[tilespmem:$0x6480] =	vst v63  }
0x1c: {  	s23 =	simm.s32 $0x500;
	s0 =	sadd.s32 $0x10, s21  }
0x1d: {  	[tilespmem:s23], [sflag:$0x1] =	stream.linear.gather [hbm4b:s0+s5], $0x80, $0x38;
	[tilespmem:$0x6480] =	vst v63  }
0x1e: {  	s25 =	simm.s32 $0x2100;
	s24 =	sadd.s32 s6, s19  }
0x1f: {  	[tilespmem:s25], [sflag:$0x1] =	stream.linear.gather [hbm4b:s24+s5], $0x80, $0x38;
	[tilespmem:$0x6480] =	vst v63  }
0x20: {  	s28 =	simm.s32 $0x2500;
	s26 =	sor.u32 $0x600, s8;
	s0 =	sadd.s32 $0x10, s24  }
0x21: {  	[tilespmem:s28], [sflag:$0x1] =	stream.linear.gather [hbm4b:s0+s5], $0x80, $0x38;
	[tilespmem:$0x6480] =	vst v63  }
0x22: {  	s30 =	simm.s32 $0x180;
	s29 =	sadd.s32 s7, s26  }
0x23: {  	[tilespmem:s30], [sflag:$0x1] =	stream.linear.gather [hbm4b:s29+s5], $0x80, $0x38;
	[tilespmem:$0x6480] =	vst v63  }
0x24: {  	s31 =	simm.s32 $0x580;
	s0 =	sadd.s32 $0x10, s29  }
0x25: {  	[tilespmem:s31], [sflag:$0x1] =	stream.linear.gather [hbm4b:s0+s5], $0x80, $0x38;
	[tilespmem:$0x6480] =	vst v63  }
0x26: {  	s3 =	sadd.s32 s6, s26;
	s4 =	simm.s32 $0x2180  }
0x27: {  	[tilespmem:s4], [sflag:$0x1] =	stream.linear.gather [hbm4b:s3+s5], $0x80, $0x38;
	[tilespmem:$0x6480] =	vst v63  }
0x28: {  	s10 =	simm.s32 $0x2580;
	s9 =	sor.u32 $0x800, s8;
	s0 =	sadd.s32 $0x10, s3  }
0x29: {  	[tilespmem:s10], [sflag:$0x1] =	stream.linear.gather [hbm4b:s0+s5], $0x80, $0x38;
	[tilespmem:$0x6480] =	vst v63  }
0x2a: {  	s11 =	sadd.s32 s7, s9;
	s12 =	simm.s32 $0x200  }
0x2b: {  	[tilespmem:s12], [sflag:$0x1] =	stream.linear.gather [hbm4b:s11+s5], $0x80, $0x38;
	[tilespmem:$0x6480] =	vst v63  }
0x2c: {  	s13 =	simm.s32 $0x600;
	s0 =	sadd.s32 $0x10, s11  }
0x2d: {  	[tilespmem:s13], [sflag:$0x1] =	stream.linear.gather [hbm4b:s0+s5], $0x80, $0x38;
	[tilespmem:$0x6480] =	vst v63  }
0x2e: {  	s14 =	sadd.s32 s6, s9;
	s18 =	simm.s32 $0x2200  }
0x2f: {  	[tilespmem:s18], [sflag:$0x1] =	stream.linear.gather [hbm4b:s14+s5], $0x80, $0x38;
	[tilespmem:$0x6480] =	vst v63  }
0x30: {  	s19 =	sor.u32 $0xA00, s8;
	s20 =	simm.s32 $0x2600;
	s0 =	sadd.s32 $0x10, s14  }
0x31: {  	[tilespmem:s20], [sflag:$0x1] =	stream.linear.gather [hbm4b:s0+s5], $0x80, $0x38;
	[tilespmem:$0x6480] =	vst v63  }
0x32: {  	s21 =	sadd.s32 s7, s19;
	s22 =	simm.s32 $0x280  }
0x33: {  	[tilespmem:s22], [sflag:$0x1] =	stream.linear.gather [hbm4b:s21+s5], $0x80, $0x38;
	[tilespmem:$0x6480] =	vst v63  }
0x34: {  	s23 =	simm.s32 $0x680;
	s0 =	sadd.s32 $0x10, s21  }
0x35: {  	[tilespmem:s23], [sflag:$0x1] =	stream.linear.gather [hbm4b:s0+s5], $0x80, $0x38;
	[tilespmem:$0x6480] =	vst v63  }
0x36: {  	s24 =	sadd.s32 s6, s19;
	s25 =	simm.s32 $0x2280  }
0x37: {  	[tilespmem:s25], [sflag:$0x1] =	stream.linear.gather [hbm4b:s24+s5], $0x80, $0x38;
	[tilespmem:$0x6480] =	vst v63  }
0x38: {  	s26 =	sor.u32 $0xC00, s8;
	s28 =	simm.s32 $0x2680;
	s0 =	sadd.s32 $0x10, s24  }
0x39: {  	[tilespmem:s28], [sflag:$0x1] =	stream.linear.gather [hbm4b:s0+s5], $0x80, $0x38;
	[tilespmem:$0x6480] =	vst v63  }
0x3a: {  	s29 =	sadd.s32 s7, s26;
	s30 =	simm.s32 $0x300  }
0x3b: {  	[tilespmem:s30], [sflag:$0x1] =	stream.linear.gather [hbm4b:s29+s5], $0x80, $0x38;
	[tilespmem:$0x6480] =	vst v63  }
0x3c: {  	s31 =	simm.s32 $0x700;
	s0 =	sadd.s32 $0x10, s29  }
0x3d: {  	[tilespmem:s31], [sflag:$0x1] =	stream.linear.gather [hbm4b:s0+s5], $0x80, $0x38;
	[tilespmem:$0x6480] =	vst v63  }
0x3e: {  	s3 =	sadd.s32 s6, s26;
	s4 =	simm.s32 $0x2300  }
0x3f: {  	[tilespmem:s4], [sflag:$0x1] =	stream.linear.gather [hbm4b:s3+s5], $0x80, $0x38;
	[tilespmem:$0x6480] =	vst v63  }
0x40: {  	s9 =	sor.u32 $0xE00, s8;
	s10 =	simm.s32 $0x2700;
	s0 =	sadd.s32 $0x10, s3  }
0x41: {  	[tilespmem:s10], [sflag:$0x1] =	stream.linear.gather [hbm4b:s0+s5], $0x80, $0x38;
	[tilespmem:$0x6480] =	vst v63  }
0x42: {  	s11 =	sadd.s32 s7, s9;
	s12 =	simm.s32 $0x380  }
0x43: {  	[tilespmem:s12], [sflag:$0x1] =	stream.linear.gather [hbm4b:s11+s5], $0x80, $0x38;
	[tilespmem:$0x6480] =	vst v63  }
0x44: {  	s13 =	simm.s32 $0x780;
	s0 =	sadd.s32 $0x10, s11  }
0x45: {  	[tilespmem:s13], [sflag:$0x1] =	stream.linear.gather [hbm4b:s0+s5], $0x80, $0x38;
	[tilespmem:$0x6480] =	vst v63  }
0x46: {  	s14 =	sadd.s32 s6, s9;
	s18 =	simm.s32 $0x2380  }
0x47: {  	[tilespmem:s18], [sflag:$0x1] =	stream.linear.gather [hbm4b:s14+s5], $0x80, $0x38;
	[tilespmem:$0x6480] =	vst v63  }
0x48: {  	s19 =	sor.u32 $0x1000, s8;
	s20 =	simm.s32 $0x2780;
	s0 =	sadd.s32 $0x10, s14  }
0x49: {  	[tilespmem:s20], [sflag:$0x1] =	stream.linear.gather [hbm4b:s0+s5], $0x80, $0x38;
	[tilespmem:$0x6480] =	vst v63  }
0x4a: {  	s21 =	sadd.s32 s7, s19;
	s22 =	simm.s32 $0x800  }
0x4b: {  	[tilespmem:s22], [sflag:$0x1] =	stream.linear.gather [hbm4b:s21+s5], $0x80, $0x38;
	[tilespmem:$0x6480] =	vst v63  }
0x4c: {  	s23 =	simm.s32 $0xC00;
	s0 =	sadd.s32 $0x10, s21  }
0x4d: {  	[tilespmem:s23], [sflag:$0x1] =	stream.linear.gather [hbm4b:s0+s5], $0x80, $0x38;
	[tilespmem:$0x6480] =	vst v63  }
0x4e: {  	s24 =	sadd.s32 s6, s19;
	s25 =	simm.s32 $0x2800  }
0x4f: {  	[tilespmem:s25], [sflag:$0x1] =	stream.linear.gather [hbm4b:s24+s5], $0x80, $0x38;
	[tilespmem:$0x6480] =	vst v63  }
0x50: {  	s26 =	sor.u32 $0x1200, s8;
	s28 =	simm.s32 $0x2C00;
	s0 =	sadd.s32 $0x10, s24  }
0x51: {  	[tilespmem:s28], [sflag:$0x1] =	stream.linear.gather [hbm4b:s0+s5], $0x80, $0x38;
	[tilespmem:$0x6480] =	vst v63  }
0x52: {  	s29 =	sadd.s32 s7, s26;
	s30 =	simm.s32 $0x880  }
0x53: {  	[tilespmem:s30], [sflag:$0x1] =	stream.linear.gather [hbm4b:s29+s5], $0x80, $0x38;
	[tilespmem:$0x6480] =	vst v63  }
0x54: {  	s31 =	simm.s32 $0xC80;
	s0 =	sadd.s32 $0x10, s29  }
0x55: {  	[tilespmem:s31], [sflag:$0x1] =	stream.linear.gather [hbm4b:s0+s5], $0x80, $0x38;
	[tilespmem:$0x6480] =	vst v63  }
0x56: {  	s3 =	sadd.s32 s6, s26;
	s4 =	simm.s32 $0x2880  }
0x57: {  	[tilespmem:s4], [sflag:$0x1] =	stream.linear.gather [hbm4b:s3+s5], $0x80, $0x38;
	[tilespmem:$0x6480] =	vst v63  }
0x58: {  	s9 =	sor.u32 $0x1400, s8;
	s10 =	simm.s32 $0x2C80;
	s0 =	sadd.s32 $0x10, s3  }
0x59: {  	[tilespmem:s10], [sflag:$0x1] =	stream.linear.gather [hbm4b:s0+s5], $0x80, $0x38;
	[tilespmem:$0x6480] =	vst v63  }
0x5a: {  	s11 =	sadd.s32 s7, s9;
	s12 =	simm.s32 $0x900  }
0x5b: {  	[tilespmem:s12], [sflag:$0x1] =	stream.linear.gather [hbm4b:s11+s5], $0x80, $0x38;
	[tilespmem:$0x6480] =	vst v63  }
0x5c: {  	s13 =	simm.s32 $0xD00;
	s0 =	sadd.s32 $0x10, s11  }
0x5d: {  	[tilespmem:s13], [sflag:$0x1] =	stream.linear.gather [hbm4b:s0+s5], $0x80, $0x38;
	[tilespmem:$0x6480] =	vst v63  }
0x5e: {  	s14 =	sadd.s32 s6, s9;
	s18 =	simm.s32 $0x2900  }
0x5f: {  	[tilespmem:s18], [sflag:$0x1] =	stream.linear.gather [hbm4b:s14+s5], $0x80, $0x38;
	[tilespmem:$0x6480] =	vst v63  }
0x60: {  	s19 =	sor.u32 $0x1600, s8;
	s20 =	simm.s32 $0x2D00;
	s0 =	sadd.s32 $0x10, s14  }
0x61: {  	[tilespmem:s20], [sflag:$0x1] =	stream.linear.gather [hbm4b:s0+s5], $0x80, $0x38;
	[tilespmem:$0x6480] =	vst v63  }
0x62: {  	s21 =	sadd.s32 s7, s19;
	s22 =	simm.s32 $0x980  }
0x63: {  	[tilespmem:s22], [sflag:$0x1] =	stream.linear.gather [hbm4b:s21+s5], $0x80, $0x38;
	[tilespmem:$0x6480] =	vst v63  }
0x64: {  	s23 =	simm.s32 $0xD80;
	s0 =	sadd.s32 $0x10, s21  }
0x65: {  	[tilespmem:s23], [sflag:$0x1] =	stream.linear.gather [hbm4b:s0+s5], $0x80, $0x38;
	[tilespmem:$0x6480] =	vst v63  }
0x66: {  	s24 =	sadd.s32 s6, s19;
	s25 =	simm.s32 $0x2980  }
0x67: {  	[tilespmem:s25], [sflag:$0x1] =	stream.linear.gather [hbm4b:s24+s5], $0x80, $0x38;
	[tilespmem:$0x6480] =	vst v63  }
0x68: {  	s26 =	sor.u32 $0x1800, s8;
	s28 =	simm.s32 $0x2D80;
	s0 =	sadd.s32 $0x10, s24  }
0x69: {  	[tilespmem:s28], [sflag:$0x1] =	stream.linear.gather [hbm4b:s0+s5], $0x80, $0x38;
	[tilespmem:$0x6480] =	vst v63  }
0x6a: {  	s29 =	sadd.s32 s7, s26;
	s30 =	simm.s32 $0xA00  }
0x6b: {  	[tilespmem:s30], [sflag:$0x1] =	stream.linear.gather [hbm4b:s29+s5], $0x80, $0x38;
	[tilespmem:$0x6480] =	vst v63  }
0x6c: {  	s31 =	simm.s32 $0xE00;
	s0 =	sadd.s32 $0x10, s29  }
0x6d: {  	[tilespmem:s31], [sflag:$0x1] =	stream.linear.gather [hbm4b:s0+s5], $0x80, $0x38;
	[tilespmem:$0x6480] =	vst v63  }
0x6e: {  	s3 =	sadd.s32 s6, s26;
	s4 =	simm.s32 $0x2A00  }
0x6f: {  	[tilespmem:s4], [sflag:$0x1] =	stream.linear.gather [hbm4b:s3+s5], $0x80, $0x38;
	[tilespmem:$0x6480] =	vst v63  }
0x70: {  	s9 =	sor.u32 $0x1A00, s8;
	s10 =	simm.s32 $0x2E00;
	s0 =	sadd.s32 $0x10, s3  }
0x71: {  	[tilespmem:s10], [sflag:$0x1] =	stream.linear.gather [hbm4b:s0+s5], $0x80, $0x38;
	[tilespmem:$0x6480] =	vst v63  }
0x72: {  	s11 =	sadd.s32 s7, s9;
	s12 =	simm.s32 $0xA80  }
0x73: {  	[tilespmem:s12], [sflag:$0x1] =	stream.linear.gather [hbm4b:s11+s5], $0x80, $0x38;
	[tilespmem:$0x6480] =	vst v63  }
0x74: {  	s13 =	simm.s32 $0xE80;
	s0 =	sadd.s32 $0x10, s11  }
0x75: {  	[tilespmem:s13], [sflag:$0x1] =	stream.linear.gather [hbm4b:s0+s5], $0x80, $0x38;
	[tilespmem:$0x6480] =	vst v63  }
0x76: {  	s14 =	sadd.s32 s6, s9;
	s18 =	simm.s32 $0x2A80  }
0x77: {  	[tilespmem:s18], [sflag:$0x1] =	stream.linear.gather [hbm4b:s14+s5], $0x80, $0x38;
	[tilespmem:$0x6480] =	vst v63  }
0x78: {  	s19 =	sor.u32 $0x1C00, s8;
	s20 =	simm.s32 $0x2E80;
	s0 =	sadd.s32 $0x10, s14  }
0x79: {  	[tilespmem:s20], [sflag:$0x1] =	stream.linear.gather [hbm4b:s0+s5], $0x80, $0x38;
	[tilespmem:$0x6480] =	vst v63  }
0x7a: {  	s21 =	sadd.s32 s7, s19;
	s22 =	simm.s32 $0xB00  }
0x7b: {  	[tilespmem:s22], [sflag:$0x1] =	stream.linear.gather [hbm4b:s21+s5], $0x80, $0x38;
	[tilespmem:$0x6480] =	vst v63  }
0x7c: {  	s23 =	simm.s32 $0xF00;
	s0 =	sadd.s32 $0x10, s21  }
0x7d: {  	[tilespmem:s23], [sflag:$0x1] =	stream.linear.gather [hbm4b:s0+s5], $0x80, $0x38;
	[tilespmem:$0x6480] =	vst v63  }
0x7e: {  	s24 =	sadd.s32 s6, s19;
	s25 =	simm.s32 $0x2B00  }
0x7f: {  	[tilespmem:s25], [sflag:$0x1] =	stream.linear.gather [hbm4b:s24+s5], $0x80, $0x38;
	[tilespmem:$0x6480] =	vst v63  }
0x80: {  	s26 =	sor.u32 $0x1E00, s8;
	s28 =	simm.s32 $0x2F00;
	s0 =	sadd.s32 $0x10, s24  }
0x81: {  	[tilespmem:s28], [sflag:$0x1] =	stream.linear.gather [hbm4b:s0+s5], $0x80, $0x38;
	[tilespmem:$0x6480] =	vst v63  }
0x82: {  	s29 =	sadd.s32 s7, s26;
	s30 =	simm.s32 $0xB80  }
0x83: {  	[tilespmem:s30], [sflag:$0x1] =	stream.linear.gather [hbm4b:s29+s5], $0x80, $0x38;
	[tilespmem:$0x6480] =	vst v63  }
0x84: {  	s31 =	simm.s32 $0xF80;
	s0 =	sadd.s32 $0x10, s29  }
0x85: {  	[tilespmem:s31], [sflag:$0x1] =	stream.linear.gather [hbm4b:s0+s5], $0x80, $0x38;
	[tilespmem:$0x6480] =	vst v63  }
0x86: {  	s3 =	sadd.s32 s6, s26;
	s4 =	simm.s32 $0x2B80  }
0x87: {  	[tilespmem:s4], [sflag:$0x1] =	stream.linear.gather [hbm4b:s3+s5], $0x80, $0x38;
	[tilespmem:$0x6480] =	vst v63  }
0x88: {  	s9 =	sor.u32 $0x2000, s8;
	s10 =	simm.s32 $0x2F80;
	s0 =	sadd.s32 $0x10, s3  }
0x89: {  	[tilespmem:s10], [sflag:$0x1] =	stream.linear.gather [hbm4b:s0+s5], $0x80, $0x38;
	[tilespmem:$0x6480] =	vst v63  }
0x8a: {  	s11 =	sadd.s32 s7, s9;
	s12 =	simm.s32 $0x1000  }
0x8b: {  	[tilespmem:s12], [sflag:$0x1] =	stream.linear.gather [hbm4b:s11+s5], $0x80, $0x38;
	[tilespmem:$0x6480] =	vst v63  }
0x8c: {  	s13 =	simm.s32 $0x1400;
	s0 =	sadd.s32 $0x10, s11  }
0x8d: {  	[tilespmem:s13], [sflag:$0x1] =	stream.linear.gather [hbm4b:s0+s5], $0x80, $0x38;
	[tilespmem:$0x6480] =	vst v63  }
0x8e: {  	s14 =	sadd.s32 s6, s9;
	s18 =	simm.s32 $0x3000  }
0x8f: {  	[tilespmem:s18], [sflag:$0x1] =	stream.linear.gather [hbm4b:s14+s5], $0x80, $0x38;
	[tilespmem:$0x6480] =	vst v63  }
0x90: {  	s19 =	sor.u32 $0x2200, s8;
	s20 =	simm.s32 $0x3400;
	s0 =	sadd.s32 $0x10, s14  }
0x91: {  	[tilespmem:s20], [sflag:$0x1] =	stream.linear.gather [hbm4b:s0+s5], $0x80, $0x38;
	[tilespmem:$0x6480] =	vst v63  }
0x92: {  	s21 =	sadd.s32 s7, s19;
	s22 =	simm.s32 $0x1080  }
0x93: {  	[tilespmem:s22], [sflag:$0x1] =	stream.linear.gather [hbm4b:s21+s5], $0x80, $0x38;
	[tilespmem:$0x6480] =	vst v63  }
0x94: {  	s23 =	simm.s32 $0x1480;
	s0 =	sadd.s32 $0x10, s21  }
0x95: {  	[tilespmem:s23], [sflag:$0x1] =	stream.linear.gather [hbm4b:s0+s5], $0x80, $0x38;
	[tilespmem:$0x6480] =	vst v63  }
0x96: {  	s24 =	sadd.s32 s6, s19;
	s25 =	simm.s32 $0x3080  }
0x97: {  	[tilespmem:s25], [sflag:$0x1] =	stream.linear.gather [hbm4b:s24+s5], $0x80, $0x38;
	[tilespmem:$0x6480] =	vst v63  }
0x98: {  	s26 =	sor.u32 $0x2400, s8;
	s28 =	simm.s32 $0x3480;
	s0 =	sadd.s32 $0x10, s24  }
0x99: {  	[tilespmem:s28], [sflag:$0x1] =	stream.linear.gather [hbm4b:s0+s5], $0x80, $0x38;
	[tilespmem:$0x6480] =	vst v63  }
0x9a: {  	s29 =	sadd.s32 s7, s26;
	s30 =	simm.s32 $0x1100  }
0x9b: {  	[tilespmem:s30], [sflag:$0x1] =	stream.linear.gather [hbm4b:s29+s5], $0x80, $0x38;
	[tilespmem:$0x6480] =	vst v63  }
0x9c: {  	s31 =	simm.s32 $0x1500;
	s0 =	sadd.s32 $0x10, s29  }
0x9d: {  	[tilespmem:s31], [sflag:$0x1] =	stream.linear.gather [hbm4b:s0+s5], $0x80, $0x38;
	[tilespmem:$0x6480] =	vst v63  }
0x9e: {  	s3 =	sadd.s32 s6, s26;
	s4 =	simm.s32 $0x3100  }
0x9f: {  	[tilespmem:s4], [sflag:$0x1] =	stream.linear.gather [hbm4b:s3+s5], $0x80, $0x38;
	[tilespmem:$0x6480] =	vst v63  }
0xa0: {  	s9 =	sor.u32 $0x2600, s8;
	s10 =	simm.s32 $0x3500;
	s0 =	sadd.s32 $0x10, s3  }
0xa1: {  	[tilespmem:s10], [sflag:$0x1] =	stream.linear.gather [hbm4b:s0+s5], $0x80, $0x38;
	[tilespmem:$0x6480] =	vst v63  }
0xa2: {  	s11 =	sadd.s32 s7, s9;
	s12 =	simm.s32 $0x1180  }
0xa3: {  	[tilespmem:s12], [sflag:$0x1] =	stream.linear.gather [hbm4b:s11+s5], $0x80, $0x38;
	[tilespmem:$0x6480] =	vst v63  }
0xa4: {  	s13 =	simm.s32 $0x1580;
	s0 =	sadd.s32 $0x10, s11  }
0xa5: {  	[tilespmem:s13], [sflag:$0x1] =	stream.linear.gather [hbm4b:s0+s5], $0x80, $0x38;
	[tilespmem:$0x6480] =	vst v63  }
0xa6: {  	s14 =	sadd.s32 s6, s9;
	s18 =	simm.s32 $0x3180  }
0xa7: {  	[tilespmem:s18], [sflag:$0x1] =	stream.linear.gather [hbm4b:s14+s5], $0x80, $0x38;
	[tilespmem:$0x6480] =	vst v63  }
0xa8: {  	s19 =	sor.u32 $0x2800, s8;
	s20 =	simm.s32 $0x3580;
	s0 =	sadd.s32 $0x10, s14  }
0xa9: {  	[tilespmem:s20], [sflag:$0x1] =	stream.linear.gather [hbm4b:s0+s5], $0x80, $0x38;
	[tilespmem:$0x6480] =	vst v63  }
0xaa: {  	s21 =	sadd.s32 s7, s19;
	s22 =	simm.s32 $0x1200  }
0xab: {  	[tilespmem:s22], [sflag:$0x1] =	stream.linear.gather [hbm4b:s21+s5], $0x80, $0x38;
	[tilespmem:$0x6480] =	vst v63  }
0xac: {  	s23 =	simm.s32 $0x1600;
	s0 =	sadd.s32 $0x10, s21  }
0xad: {  	[tilespmem:s23], [sflag:$0x1] =	stream.linear.gather [hbm4b:s0+s5], $0x80, $0x38;
	[tilespmem:$0x6480] =	vst v63  }
0xae: {  	s24 =	sadd.s32 s6, s19;
	s25 =	simm.s32 $0x3200  }
0xaf: {  	[tilespmem:s25], [sflag:$0x1] =	stream.linear.gather [hbm4b:s24+s5], $0x80, $0x38;
	[tilespmem:$0x6480] =	vst v63  }
0xb0: {  	s26 =	sor.u32 $0x2A00, s8;
	s28 =	simm.s32 $0x3600;
	s0 =	sadd.s32 $0x10, s24  }
0xb1: {  	[tilespmem:s28], [sflag:$0x1] =	stream.linear.gather [hbm4b:s0+s5], $0x80, $0x38;
	[tilespmem:$0x6480] =	vst v63  }
0xb2: {  	s29 =	sadd.s32 s7, s26;
	s30 =	simm.s32 $0x1280  }
0xb3: {  	[tilespmem:s30], [sflag:$0x1] =	stream.linear.gather [hbm4b:s29+s5], $0x80, $0x38;
	[tilespmem:$0x6480] =	vst v63  }
0xb4: {  	s31 =	simm.s32 $0x1680;
	s0 =	sadd.s32 $0x10, s29  }
0xb5: {  	[tilespmem:s31], [sflag:$0x1] =	stream.linear.gather [hbm4b:s0+s5], $0x80, $0x38;
	[tilespmem:$0x6480] =	vst v63  }
0xb6: {  	s3 =	sadd.s32 s6, s26;
	s4 =	simm.s32 $0x3280  }
0xb7: {  	[tilespmem:s4], [sflag:$0x1] =	stream.linear.gather [hbm4b:s3+s5], $0x80, $0x38;
	[tilespmem:$0x6480] =	vst v63  }
0xb8: {  	s9 =	sor.u32 $0x2C00, s8;
	s10 =	simm.s32 $0x3680;
	s0 =	sadd.s32 $0x10, s3  }
0xb9: {  	[tilespmem:s10], [sflag:$0x1] =	stream.linear.gather [hbm4b:s0+s5], $0x80, $0x38;
	[tilespmem:$0x6480] =	vst v63  }
0xba: {  	s11 =	sadd.s32 s7, s9;
	s12 =	simm.s32 $0x1300  }
0xbb: {  	[tilespmem:s12], [sflag:$0x1] =	stream.linear.gather [hbm4b:s11+s5], $0x80, $0x38;
	[tilespmem:$0x6480] =	vst v63  }
0xbc: {  	s13 =	simm.s32 $0x1700;
	s0 =	sadd.s32 $0x10, s11  }
0xbd: {  	[tilespmem:s13], [sflag:$0x1] =	stream.linear.gather [hbm4b:s0+s5], $0x80, $0x38;
	[tilespmem:$0x6480] =	vst v63  }
0xbe: {  	s14 =	sadd.s32 s6, s9;
	s18 =	simm.s32 $0x3300  }
0xbf: {  	[tilespmem:s18], [sflag:$0x1] =	stream.linear.gather [hbm4b:s14+s5], $0x80, $0x38;
	[tilespmem:$0x6480] =	vst v63  }
0xc0: {  	s19 =	sor.u32 $0x2E00, s8;
	s20 =	simm.s32 $0x3700;
	s0 =	sadd.s32 $0x10, s14  }
0xc1: {  	[tilespmem:s20], [sflag:$0x1] =	stream.linear.gather [hbm4b:s0+s5], $0x80, $0x38;
	[tilespmem:$0x6480] =	vst v63  }
0xc2: {  	s21 =	sadd.s32 s7, s19;
	s22 =	simm.s32 $0x1380  }
0xc3: {  	[tilespmem:s22], [sflag:$0x1] =	stream.linear.gather [hbm4b:s21+s5], $0x80, $0x38;
	[tilespmem:$0x6480] =	vst v63  }
0xc4: {  	s23 =	simm.s32 $0x1780;
	s0 =	sadd.s32 $0x10, s21  }
0xc5: {  	[tilespmem:s23], [sflag:$0x1] =	stream.linear.gather [hbm4b:s0+s5], $0x80, $0x38;
	[tilespmem:$0x6480] =	vst v63  }
0xc6: {  	s24 =	sadd.s32 s6, s19;
	s25 =	simm.s32 $0x3380  }
0xc7: {  	[tilespmem:s25], [sflag:$0x1] =	stream.linear.gather [hbm4b:s24+s5], $0x80, $0x38;
	[tilespmem:$0x6480] =	vst v63  }
0xc8: {  	s26 =	sor.u32 $0x3000, s8;
	s28 =	simm.s32 $0x3780;
	s0 =	sadd.s32 $0x10, s24  }
0xc9: {  	[tilespmem:s28], [sflag:$0x1] =	stream.linear.gather [hbm4b:s0+s5], $0x80, $0x38;
	[tilespmem:$0x6480] =	vst v63  }
0xca: {  	s29 =	sadd.s32 s7, s26;
	s30 =	simm.s32 $0x1800  }
0xcb: {  	[tilespmem:s30], [sflag:$0x1] =	stream.linear.gather [hbm4b:s29+s5], $0x80, $0x38;
	[tilespmem:$0x6480] =	vst v63  }
0xcc: {  	s31 =	simm.s32 $0x1C00;
	s0 =	sadd.s32 $0x10, s29  }
0xcd: {  	[tilespmem:s31], [sflag:$0x1] =	stream.linear.gather [hbm4b:s0+s5], $0x80, $0x38;
	[tilespmem:$0x6480] =	vst v63  }
0xce: {  	s3 =	sadd.s32 s6, s26;
	s4 =	simm.s32 $0x3800  }
0xcf: {  	[tilespmem:s4], [sflag:$0x1] =	stream.linear.gather [hbm4b:s3+s5], $0x80, $0x38;
	[tilespmem:$0x6480] =	vst v63  }
0xd0: {  	s9 =	sor.u32 $0x3200, s8;
	s10 =	simm.s32 $0x3C00;
	s0 =	sadd.s32 $0x10, s3  }
0xd1: {  	[tilespmem:s10], [sflag:$0x1] =	stream.linear.gather [hbm4b:s0+s5], $0x80, $0x38;
	[tilespmem:$0x6480] =	vst v63  }
0xd2: {  	s11 =	sadd.s32 s7, s9;
	s12 =	simm.s32 $0x1880  }
0xd3: {  	[tilespmem:s12], [sflag:$0x1] =	stream.linear.gather [hbm4b:s11+s5], $0x80, $0x38;
	[tilespmem:$0x6480] =	vst v63  }
0xd4: {  	s13 =	simm.s32 $0x1C80;
	s0 =	sadd.s32 $0x10, s11  }
0xd5: {  	[tilespmem:s13], [sflag:$0x1] =	stream.linear.gather [hbm4b:s0+s5], $0x80, $0x38;
	[tilespmem:$0x6480] =	vst v63  }
0xd6: {  	s14 =	sadd.s32 s6, s9;
	s18 =	simm.s32 $0x3880  }
0xd7: {  	[tilespmem:s18], [sflag:$0x1] =	stream.linear.gather [hbm4b:s14+s5], $0x80, $0x38;
	[tilespmem:$0x6480] =	vst v63  }
0xd8: {  	s19 =	sor.u32 $0x3400, s8;
	s20 =	simm.s32 $0x3C80;
	s0 =	sadd.s32 $0x10, s14  }
0xd9: {  	[tilespmem:s20], [sflag:$0x1] =	stream.linear.gather [hbm4b:s0+s5], $0x80, $0x38;
	[tilespmem:$0x6480] =	vst v63  }
0xda: {  	s21 =	sadd.s32 s7, s19;
	s22 =	simm.s32 $0x1900  }
0xdb: {  	[tilespmem:s22], [sflag:$0x1] =	stream.linear.gather [hbm4b:s21+s5], $0x80, $0x38;
	[tilespmem:$0x6480] =	vst v63  }
0xdc: {  	s23 =	simm.s32 $0x1D00;
	s0 =	sadd.s32 $0x10, s21  }
0xdd: {  	[tilespmem:s23], [sflag:$0x1] =	stream.linear.gather [hbm4b:s0+s5], $0x80, $0x38;
	[tilespmem:$0x6480] =	vst v63  }
0xde: {  	s24 =	sadd.s32 s6, s19;
	s25 =	simm.s32 $0x3900  }
0xdf: {  	[tilespmem:s25], [sflag:$0x1] =	stream.linear.gather [hbm4b:s24+s5], $0x80, $0x38;
	[tilespmem:$0x6480] =	vst v63  }
0xe0: {  	s26 =	sor.u32 $0x3600, s8;
	s28 =	simm.s32 $0x3D00;
	s0 =	sadd.s32 $0x10, s24  }
0xe1: {  	[tilespmem:s28], [sflag:$0x1] =	stream.linear.gather [hbm4b:s0+s5], $0x80, $0x38;
	[tilespmem:$0x6480] =	vst v63  }
0xe2: {  	s29 =	sadd.s32 s7, s26;
	s30 =	simm.s32 $0x1980  }
0xe3: {  	[tilespmem:s30], [sflag:$0x1] =	stream.linear.gather [hbm4b:s29+s5], $0x80, $0x38;
	[tilespmem:$0x6480] =	vst v63  }
0xe4: {  	s31 =	simm.s32 $0x1D80;
	s0 =	sadd.s32 $0x10, s29  }
0xe5: {  	[tilespmem:s31], [sflag:$0x1] =	stream.linear.gather [hbm4b:s0+s5], $0x80, $0x38;
	[tilespmem:$0x6480] =	vst v63  }
0xe6: {  	s3 =	sadd.s32 s6, s26;
	s4 =	simm.s32 $0x3980  }
0xe7: {  	[tilespmem:s4], [sflag:$0x1] =	stream.linear.gather [hbm4b:s3+s5], $0x80, $0x38;
	[tilespmem:$0x6480] =	vst v63  }
0xe8: {  	s9 =	sor.u32 $0x3800, s8;
	s10 =	simm.s32 $0x3D80;
	s0 =	sadd.s32 $0x10, s3  }
0xe9: {  	[tilespmem:s10], [sflag:$0x1] =	stream.linear.gather [hbm4b:s0+s5], $0x80, $0x38;
	[tilespmem:$0x6480] =	vst v63  }
0xea: {  	s11 =	sadd.s32 s7, s9;
	s12 =	simm.s32 $0x1A00  }
0xeb: {  	[tilespmem:s12], [sflag:$0x1] =	stream.linear.gather [hbm4b:s11+s5], $0x80, $0x38;
	[tilespmem:$0x6480] =	vst v63  }
0xec: {  	s13 =	simm.s32 $0x1E00;
	s0 =	sadd.s32 $0x10, s11  }
0xed: {  	[tilespmem:s13], [sflag:$0x1] =	stream.linear.gather [hbm4b:s0+s5], $0x80, $0x38;
	[tilespmem:$0x6480] =	vst v63  }
0xee: {  	s14 =	sadd.s32 s6, s9;
	s18 =	simm.s32 $0x3A00  }
0xef: {  	[tilespmem:s18], [sflag:$0x1] =	stream.linear.gather [hbm4b:s14+s5], $0x80, $0x38;
	[tilespmem:$0x6480] =	vst v63  }
0xf0: {  	s19 =	sor.u32 $0x3A00, s8;
	s20 =	simm.s32 $0x3E00;
	s0 =	sadd.s32 $0x10, s14  }
0xf1: {  	[tilespmem:s20], [sflag:$0x1] =	stream.linear.gather [hbm4b:s0+s5], $0x80, $0x38;
	[tilespmem:$0x6480] =	vst v63  }
0xf2: {  	s21 =	sadd.s32 s7, s19;
	s22 =	simm.s32 $0x1A80  }
0xf3: {  	[tilespmem:s22], [sflag:$0x1] =	stream.linear.gather [hbm4b:s21+s5], $0x80, $0x38;
	[tilespmem:$0x6480] =	vst v63  }
0xf4: {  	s23 =	simm.s32 $0x1E80;
	s0 =	sadd.s32 $0x10, s21  }
0xf5: {  	[tilespmem:s23], [sflag:$0x1] =	stream.linear.gather [hbm4b:s0+s5], $0x80, $0x38;
	[tilespmem:$0x6480] =	vst v63  }
0xf6: {  	s24 =	sadd.s32 s6, s19;
	s25 =	simm.s32 $0x3A80  }
0xf7: {  	[tilespmem:s25], [sflag:$0x1] =	stream.linear.gather [hbm4b:s24+s5], $0x80, $0x38;
	[tilespmem:$0x6480] =	vst v63  }
0xf8: {  	s26 =	sor.u32 $0x3C00, s8;
	s28 =	simm.s32 $0x3E80;
	s0 =	sadd.s32 $0x10, s24  }
0xf9: {  	[tilespmem:s28], [sflag:$0x1] =	stream.linear.gather [hbm4b:s0+s5], $0x80, $0x38;
	[tilespmem:$0x6480] =	vst v63  }
0xfa: {  	s29 =	sadd.s32 s7, s26;
	s30 =	simm.s32 $0x1B00  }
0xfb: {  	[tilespmem:s30], [sflag:$0x1] =	stream.linear.gather [hbm4b:s29+s5], $0x80, $0x38;
	[tilespmem:$0x6480] =	vst v63  }
0xfc: {  	s31 =	simm.s32 $0x1F00;
	s0 =	sadd.s32 $0x10, s29  }
0xfd: {  	[tilespmem:s31], [sflag:$0x1] =	stream.linear.gather [hbm4b:s0+s5], $0x80, $0x38;
	[tilespmem:$0x6480] =	vst v63  }
0xfe: {  	s3 =	sadd.s32 s6, s26;
	s4 =	simm.s32 $0x3B00  }
0xff: {  	[tilespmem:s4], [sflag:$0x1] =	stream.linear.gather [hbm4b:s3+s5], $0x80, $0x38;
	[tilespmem:$0x6480] =	vst v63  }
0x100: {  	s9 =	sor.u32 $0x3E00, s8;
	s10 =	simm.s32 $0x3F00;
	s0 =	sadd.s32 $0x10, s3  }
0x101: {  	[tilespmem:s10], [sflag:$0x1] =	stream.linear.gather [hbm4b:s0+s5], $0x80, $0x38;
	[tilespmem:$0x6480] =	vst v63  }
0x102: {  	s11 =	sadd.s32 s7, s9;
	s12 =	simm.s32 $0x1B80  }
0x103: {  	[tilespmem:s12], [sflag:$0x1] =	stream.linear.gather [hbm4b:s11+s5], $0x80, $0x38;
	[tilespmem:$0x6480] =	vst v63  }
0x104: {  	s13 =	simm.s32 $0x1F80;
	s0 =	sadd.s32 $0x10, s11  }
0x105: {  	[tilespmem:s13], [sflag:$0x1] =	stream.linear.gather [hbm4b:s0+s5], $0x80, $0x38;
	[tilespmem:$0x6480] =	vst v63  }
0x106: {  	s14 =	sadd.s32 s6, s9;
	s18 =	simm.s32 $0x3B80  }
0x107: {  	[tilespmem:s18], [sflag:$0x1] =	stream.linear.gather [hbm4b:s14+s5], $0x80, $0x38;
	[tilespmem:$0x6480] =	vst v63  }
0x108: {  	s19 =	simm.s32 $0x3F80;
	s20 =	simm.s32 $0x1;
	s0 =	sadd.s32 $0x10, s14  }
0x109: {  	[tilespmem:s19], [sflag:$0x1] =	stream.linear.gather [hbm4b:s0+s5], $0x80, $0x38;
	[tilespmem:$0x6480] =	vst v63  }
0x10a: {  	_ =	swait.ge [sflag:s20], $0x100  }
0x10b: {  	[sflag:s20] =	ssyncset.done $0x0  }
0x10c: {  	[sflag:s20] =	ssyncadd.s32 $0xFFFFFF00  }
0x10d: {  	_ =	swait.ge [sflag:s20], $0x100  }
0x10e: {  	[sflag:s20] =	ssyncset.done $0x0  }
0x10f: {  	[sflag:s20] =	ssyncadd.s32 $0xFFFFFF00  }
0x110: {  	_ =	swait.ge [sflag:s20], $0x100  }
0x111: {  	[sflag:s20] =	ssyncset.done $0x0  }
0x112: {  	[sflag:s20] =	ssyncadd.s32 $0xFFFFFF00  }
0x113: {  	_ =	swait.ge [sflag:s20], $0x100  }
0x114: {  	[sflag:s20] =	ssyncset.done $0x0  }
0x115: {  	[sflag:s20] =	ssyncadd.s32 $0xFFFFFF00  }
0x116: {  	_ =	swait.ge [sflag:s20], $0x100  }
0x117: {  	[sflag:s20] =	ssyncset.done $0x0  }
0x118: {  	[sflag:s20] =	ssyncadd.s32 $0xFFFFFF00  }
0x119: {  	_ =	swait.ge [sflag:s20], $0x100  }
0x11a: {  	[sflag:s20] =	ssyncset.done $0x0  }
0x11b: {  	[sflag:s20] =	ssyncadd.s32 $0xFFFFFF00  }
0x11c: {  	_ =	swait.ge [sflag:s20], $0x100  }
0x11d: {  	[sflag:s20] =	ssyncset.done $0x0  }
0x11e: {  	[sflag:s20] =	ssyncadd.s32 $0xFFFFFF00  }
0x11f: {  	_ =	swait.ge [sflag:s20], $0x100  }
0x120: {  	[sflag:s20] =	ssyncset.done $0x0  }
0x121: {  	[sflag:s20] =	ssyncadd.s32 $0xFFFFFF00  }
0x122: {  	_ =	swait.ge [sflag:s20], $0x100  }
0x123: {  	[sflag:s20] =	ssyncset.done $0x0  }
0x124: {  	[sflag:s20] =	ssyncadd.s32 $0xFFFFFF00  }
0x125: {  	_ =	swait.ge [sflag:s20], $0x100  }
0x126: {  	[sflag:s20] =	ssyncset.done $0x0  }
0x127: {  	[sflag:s20] =	ssyncadd.s32 $0xFFFFFF00  }
0x128: {  	_ =	swait.ge [sflag:s20], $0x100  }
0x129: {  	[sflag:s20] =	ssyncset.done $0x0  }
0x12a: {  	[sflag:s20] =	ssyncadd.s32 $0xFFFFFF00  }
0x12b: {  	_ =	swait.ge [sflag:s20], $0x100  }
0x12c: {  	[sflag:s20] =	ssyncset.done $0x0  }
0x12d: {  	[sflag:s20] =	ssyncadd.s32 $0xFFFFFF00  }
0x12e: {  	_ =	swait.ge [sflag:s20], $0x100  }
0x12f: {  	[sflag:s20] =	ssyncset.done $0x0  }
0x130: {  	[sflag:s20] =	ssyncadd.s32 $0xFFFFFF00  }
0x131: {  	_ =	swait.ge [sflag:s20], $0x100  }
0x132: {  	[sflag:s20] =	ssyncset.done $0x0  }
0x133: {  	[sflag:s20] =	ssyncadd.s32 $0xFFFFFF00  }
0x134: {  	_ =	swait.ge [sflag:s20], $0x100  }
0x135: {  	[sflag:s20] =	ssyncset.done $0x0  }
0x136: {  	[sflag:s20] =	ssyncadd.s32 $0xFFFFFF00  }
0x137: {  	_ =	swait.ge [sflag:s20], $0x100  }
0x138: {  	[sflag:s20] =	ssyncset.done $0x0  }
0x139: {  	[sflag:s20] =	ssyncadd.s32 $0xFFFFFF00  }
0x13a: {  	_ =	swait.ge [sflag:s20], $0x100  }
0x13b: {  	[sflag:s20] =	ssyncset.done $0x0  }
0x13c: {  	[sflag:s20] =	ssyncadd.s32 $0xFFFFFF00  }
0x13d: {  	_ =	swait.ge [sflag:s20], $0x100  }
0x13e: {  	[sflag:s20] =	ssyncset.done $0x0  }
0x13f: {  	[sflag:s20] =	ssyncadd.s32 $0xFFFFFF00  }
0x140: {  	_ =	swait.ge [sflag:s20], $0x100  }
0x141: {  	[sflag:s20] =	ssyncset.done $0x0  }
0x142: {  	[sflag:s20] =	ssyncadd.s32 $0xFFFFFF00  }
0x143: {  	_ =	swait.ge [sflag:s20], $0x100  }
0x144: {  	[sflag:s20] =	ssyncset.done $0x0  }
0x145: {  	[sflag:s20] =	ssyncadd.s32 $0xFFFFFF00  }
0x146: {  	_ =	swait.ge [sflag:s20], $0x100  }
0x147: {  	[sflag:s20] =	ssyncset.done $0x0  }
0x148: {  	[sflag:s20] =	ssyncadd.s32 $0xFFFFFF00  }
0x149: {  	_ =	swait.ge [sflag:s20], $0x100  }
0x14a: {  	[sflag:s20] =	ssyncset.done $0x0  }
0x14b: {  	[sflag:s20] =	ssyncadd.s32 $0xFFFFFF00  }
0x14c: {  	_ =	swait.ge [sflag:s20], $0x100  }
0x14d: {  	[sflag:s20] =	ssyncset.done $0x0  }
0x14e: {  	[sflag:s20] =	ssyncadd.s32 $0xFFFFFF00  }
0x14f: {  	_ =	swait.ge [sflag:s20], $0x100  }
0x150: {  	[sflag:s20] =	ssyncset.done $0x0  }
0x151: {  	[sflag:s20] =	ssyncadd.s32 $0xFFFFFF00  }
0x152: {  	_ =	swait.ge [sflag:s20], $0x100  }
0x153: {  	[sflag:s20] =	ssyncset.done $0x0  }
0x154: {  	[sflag:s20] =	ssyncadd.s32 $0xFFFFFF00  }
0x155: {  	_ =	swait.ge [sflag:s20], $0x100  }
0x156: {  	[sflag:s20] =	ssyncset.done $0x0  }
0x157: {  	[sflag:s20] =	ssyncadd.s32 $0xFFFFFF00  }
0x158: {  	_ =	swait.ge [sflag:s20], $0x100  }
0x159: {  	[sflag:s20] =	ssyncset.done $0x0  }
0x15a: {  	[sflag:s20] =	ssyncadd.s32 $0xFFFFFF00  }
0x15b: {  	_ =	swait.ge [sflag:s20], $0x100  }
0x15c: {  	[sflag:s20] =	ssyncset.done $0x0  }
0x15d: {  	[sflag:s20] =	ssyncadd.s32 $0xFFFFFF00  }
0x15e: {  	_ =	swait.ge [sflag:s20], $0x100  }
0x15f: {  	[sflag:s20] =	ssyncset.done $0x0  }
0x160: {  	[sflag:s20] =	ssyncadd.s32 $0xFFFFFF00  }
0x161: {  	_ =	swait.ge [sflag:s20], $0x100  }
0x162: {  	[sflag:s20] =	ssyncset.done $0x0  }
0x163: {  	[sflag:s20] =	ssyncadd.s32 $0xFFFFFF00  }
0x164: {  	_ =	swait.ge [sflag:s20], $0x100  }
0x165: {  	[sflag:s20] =	ssyncset.done $0x0  }
0x166: {  	[sflag:s20] =	ssyncadd.s32 $0xFFFFFF00  }
0x167: {  	_ =	swait.ge [sflag:s20], $0x100  }
0x168: {  	[sflag:s20] =	ssyncset.done $0x0  }
0x169: {  	[sflag:s20] =	ssyncadd.s32 $0xFFFFFF00  }
0x16a: {  	_ =	swait.ge [sflag:s20], $0x100  }
0x16b: {  	[sflag:s20] =	ssyncset.done $0x0  }
0x16c: {  	[sflag:s20] =	ssyncadd.s32 $0xFFFFFF00  }
0x16d: {  	_ =	swait.ge [sflag:s20], $0x100  }
0x16e: {  	[sflag:s20] =	ssyncset.done $0x0  }
0x16f: {  	[sflag:s20] =	ssyncadd.s32 $0xFFFFFF00  }
0x170: {  	_ =	swait.ge [sflag:s20], $0x100  }
0x171: {  	[sflag:s20] =	ssyncset.done $0x0  }
0x172: {  	[sflag:s20] =	ssyncadd.s32 $0xFFFFFF00  }
0x173: {  	_ =	swait.ge [sflag:s20], $0x100  }
0x174: {  	[sflag:s20] =	ssyncset.done $0x0  }
0x175: {  	[sflag:s20] =	ssyncadd.s32 $0xFFFFFF00  }
0x176: {  	_ =	swait.ge [sflag:s20], $0x100  }
0x177: {  	[sflag:s20] =	ssyncset.done $0x0  }
0x178: {  	[sflag:s20] =	ssyncadd.s32 $0xFFFFFF00  }
0x179: {  	_ =	swait.ge [sflag:s20], $0x100  }
0x17a: {  	[sflag:s20] =	ssyncset.done $0x0  }
0x17b: {  	[sflag:s20] =	ssyncadd.s32 $0xFFFFFF00  }
0x17c: {  	_ =	swait.ge [sflag:s20], $0x100  }
0x17d: {  	[sflag:s20] =	ssyncset.done $0x0  }
0x17e: {  	[sflag:s20] =	ssyncadd.s32 $0xFFFFFF00  }
0x17f: {  	_ =	swait.ge [sflag:s20], $0x100  }
0x180: {  	[sflag:s20] =	ssyncset.done $0x0  }
0x181: {  	[sflag:s20] =	ssyncadd.s32 $0xFFFFFF00  }
0x182: {  	_ =	swait.ge [sflag:s20], $0x100  }
0x183: {  	[sflag:s20] =	ssyncset.done $0x0  }
0x184: {  	[sflag:s20] =	ssyncadd.s32 $0xFFFFFF00  }
0x185: {  	_ =	swait.ge [sflag:s20], $0x100  }
0x186: {  	[sflag:s20] =	ssyncset.done $0x0  }
0x187: {  	[sflag:s20] =	ssyncadd.s32 $0xFFFFFF00  }
0x188: {  	_ =	swait.ge [sflag:s20], $0x100  }
0x189: {  	[sflag:s20] =	ssyncset.done $0x0  }
0x18a: {  	[sflag:s20] =	ssyncadd.s32 $0xFFFFFF00  }
0x18b: {  	_ =	swait.ge [sflag:s20], $0x100  }
0x18c: {  	[sflag:s20] =	ssyncset.done $0x0  }
0x18d: {  	[sflag:s20] =	ssyncadd.s32 $0xFFFFFF00  }
0x18e: {  	_ =	swait.ge [sflag:s20], $0x100  }
0x18f: {  	[sflag:s20] =	ssyncset.done $0x0  }
0x190: {  	[sflag:s20] =	ssyncadd.s32 $0xFFFFFF00  }
0x191: {  	_ =	swait.ge [sflag:s20], $0x100  }
0x192: {  	[sflag:s20] =	ssyncset.done $0x0  }
0x193: {  	[sflag:s20] =	ssyncadd.s32 $0xFFFFFF00  }
0x194: {  	_ =	swait.ge [sflag:s20], $0x100  }
0x195: {  	[sflag:s20] =	ssyncset.done $0x0  }
0x196: {  	[sflag:s20] =	ssyncadd.s32 $0xFFFFFF00  }
0x197: {  	_ =	swait.ge [sflag:s20], $0x100  }
0x198: {  	[sflag:s20] =	ssyncset.done $0x0  }
0x199: {  	[sflag:s20] =	ssyncadd.s32 $0xFFFFFF00  }
0x19a: {  	_ =	swait.ge [sflag:s20], $0x100  }
0x19b: {  	[sflag:s20] =	ssyncset.done $0x0  }
0x19c: {  	[sflag:s20] =	ssyncadd.s32 $0xFFFFFF00  }
0x19d: {  	_ =	swait.ge [sflag:s20], $0x100  }
0x19e: {  	[sflag:s20] =	ssyncset.done $0x0  }
0x19f: {  	[sflag:s20] =	ssyncadd.s32 $0xFFFFFF00  }
0x1a0: {  	_ =	swait.ge [sflag:s20], $0x100  }
0x1a1: {  	[sflag:s20] =	ssyncset.done $0x0  }
0x1a2: {  	[sflag:s20] =	ssyncadd.s32 $0xFFFFFF00  }
0x1a3: {  	_ =	swait.ge [sflag:s20], $0x100  }
0x1a4: {  	[sflag:s20] =	ssyncset.done $0x0  }
0x1a5: {  	[sflag:s20] =	ssyncadd.s32 $0xFFFFFF00  }
0x1a6: {  	_ =	swait.ge [sflag:s20], $0x100  }
0x1a7: {  	[sflag:s20] =	ssyncset.done $0x0  }
0x1a8: {  	[sflag:s20] =	ssyncadd.s32 $0xFFFFFF00  }
0x1a9: {  	_ =	swait.ge [sflag:s20], $0x100  }
0x1aa: {  	[sflag:s20] =	ssyncset.done $0x0  }
0x1ab: {  	[sflag:s20] =	ssyncadd.s32 $0xFFFFFF00  }
0x1ac: {  	_ =	swait.ge [sflag:s20], $0x100  }
0x1ad: {  	[sflag:s20] =	ssyncset.done $0x0  }
0x1ae: {  	[sflag:s20] =	ssyncadd.s32 $0xFFFFFF00  }
0x1af: {  	_ =	swait.ge [sflag:s20], $0x100  }
0x1b0: {  	[sflag:s20] =	ssyncset.done $0x0  }
0x1b1: {  	[sflag:s20] =	ssyncadd.s32 $0xFFFFFF00  }
0x1b2: {  	_ =	swait.ge [sflag:s20], $0x100  }
0x1b3: {  	[sflag:s20] =	ssyncset.done $0x0  }
0x1b4: {  	[sflag:s20] =	ssyncadd.s32 $0xFFFFFF00  }
0x1b5: {  	_ =	swait.ge [sflag:s20], $0x100  }
0x1b6: {  	[sflag:s20] =	ssyncset.done $0x0  }
0x1b7: {  	[sflag:s20] =	ssyncadd.s32 $0xFFFFFF00  }
0x1b8: {  	_ =	swait.ge [sflag:s20], $0x100  }
0x1b9: {  	[sflag:s20] =	ssyncset.done $0x0  }
0x1ba: {  	[sflag:s20] =	ssyncadd.s32 $0xFFFFFF00  }
0x1bb: {  	_ =	swait.ge [sflag:s20], $0x100  }
0x1bc: {  	[sflag:s20] =	ssyncset.done $0x0  }
0x1bd: {  	[sflag:s20] =	ssyncadd.s32 $0xFFFFFF00  }
0x1be: {  	_ =	swait.ge [sflag:s20], $0x100  }
0x1bf: {  	[sflag:s20] =	ssyncset.done $0x0  }
0x1c0: {  	[sflag:s20] =	ssyncadd.s32 $0xFFFFFF00  }
0x1c1: {  	_ =	swait.ge [sflag:s20], $0x100  }
0x1c2: {  	[sflag:s20] =	ssyncset.done $0x0  }
0x1c3: {  	[sflag:s20] =	ssyncadd.s32 $0xFFFFFF00  }
0x1c4: {  	_ =	swait.ge [sflag:s20], $0x100  }
0x1c5: {  	[sflag:s20] =	ssyncset.done $0x0  }
0x1c6: {  	[sflag:s20] =	ssyncadd.s32 $0xFFFFFF00  }
0x1c7: {  	_ =	swait.ge [sflag:s20], $0x100  }
0x1c8: {  	[sflag:s20] =	ssyncset.done $0x0  }
0x1c9: {  	s1 =	sor.u32 $0x1B80, s5;
	[sflag:s20] =	ssyncadd.s32 $0xFFFFFF00  }
0x1ca: {  	v0 =	vld [tilespmem:s1+$0x0];
	_ =	sdelay $0x4  }
0x1cb: {  	s21 =	sor.u32 $0x1380, s5;
	[tilespmem:$0x1FE70] =	vst v0  }
0x1cc: {  	v0 =	vld [tilespmem:s21+$0x0];
	_ =	sdelay $0x4  }
0x1cd: {  	[tilespmem:$0x1FD20] =	vst v0  }
0x1ce: {  	v0 =	vld [tilespmem:s21+$0x2000];
	_ =	sdelay $0x4  }
0x1cf: {  	s3 =	sor.u32 $0xB80, s5;
	[tilespmem:$0x1FD30] =	vst v0  }
0x1d0: {  	v0 =	vld [tilespmem:s3+$0x0];
	_ =	sdelay $0x4  }
0x1d1: {  	[tilespmem:$0x1FC20] =	vst v0  }
0x1d2: {  	v0 =	vld [tilespmem:s3+$0x2000];
	_ =	sdelay $0x4  }
0x1d3: {  	s23 =	sor.u32 $0x380, s5;
	[tilespmem:$0x1FC30] =	vst v0  }
0x1d4: {  	v0 =	vld [tilespmem:s23+$0x0];
	_ =	sdelay $0x4  }
0x1d5: {  	[tilespmem:$0x1FAA0] =	vst v0  }
0x1d6: {  	v0 =	vld [tilespmem:s23+$0x2000];
	_ =	sdelay $0x2  }
0x1d7: {  	s22 =	sand.u32 $0x60, s5  }
0x1d8: {  	s24 =	sand.u32 $0x400, s5;
	s10 =	sor.u32 $0x10, s22  }
0x1d9: {  	s4 =	sor.u32 s24, s10;
	[tilespmem:$0x1FAC0] =	vst v0  }
0x1da: {  	v0 =	vld [tilespmem:s4+$0x1A80];
	_ =	sdelay $0x4  }
0x1db: {  	[tilespmem:$0x1FBA0] =	vst v0  }
0x1dc: {  	v0 =	vld [tilespmem:s4+$0x3A80];
	_ =	sdelay $0x4  }
0x1dd: {  	[tilespmem:$0x1FA30] =	vst v0  }
0x1de: {  	v0 =	vld [tilespmem:s4+$0x1A00];
	_ =	sdelay $0x4  }
0x1df: {  	[tilespmem:$0x1FB80] =	vst v0  }
0x1e0: {  	v0 =	vld [tilespmem:s4+$0x3A00];
	_ =	sdelay $0x4  }
0x1e1: {  	[tilespmem:$0x1FA20] =	vst v0  }
0x1e2: {  	v0 =	vld [tilespmem:s4+$0x1980];
	_ =	sdelay $0x4  }
0x1e3: {  	[tilespmem:$0x1FB60] =	vst v0  }
0x1e4: {  	v0 =	vld [tilespmem:s4+$0x3980];
	_ =	sdelay $0x4  }
0x1e5: {  	[tilespmem:$0x1FA10] =	vst v0  }
0x1e6: {  	v0 =	vld [tilespmem:s4+$0x1900];
	_ =	sdelay $0x4  }
0x1e7: {  	[tilespmem:$0x1FB40] =	vst v0  }
0x1e8: {  	v0 =	vld [tilespmem:s4+$0x3900];
	_ =	sdelay $0x4  }
0x1e9: {  	[tilespmem:$0x1FA00] =	vst v0  }
0x1ea: {  	v0 =	vld [tilespmem:s4+$0x1880];
	_ =	sdelay $0x4  }
0x1eb: {  	[tilespmem:$0x1FB20] =	vst v0  }
0x1ec: {  	v0 =	vld [tilespmem:s4+$0x3880];
	_ =	sdelay $0x4  }
0x1ed: {  	[tilespmem:$0x1F9F0] =	vst v0  }
0x1ee: {  	v0 =	vld [tilespmem:s4+$0x1800];
	_ =	sdelay $0x4  }
0x1ef: {  	[tilespmem:$0x1FB00] =	vst v0  }
0x1f0: {  	v0 =	vld [tilespmem:s4+$0x3800];
	_ =	sdelay $0x4  }
0x1f1: {  	[tilespmem:$0x1F9E0] =	vst v0  }
0x1f2: {  	v0 =	vld [tilespmem:s4+$0x1280];
	_ =	sdelay $0x4  }
0x1f3: {  	[tilespmem:$0x1FAD0] =	vst v0  }
0x1f4: {  	v0 =	vld [tilespmem:s4+$0x3280];
	_ =	sdelay $0x4  }
0x1f5: {  	[tilespmem:$0x1F9D0] =	vst v0  }
0x1f6: {  	v0 =	vld [tilespmem:s4+$0x1200];
	_ =	sdelay $0x4  }
0x1f7: {  	[tilespmem:$0x1FAB0] =	vst v0  }
0x1f8: {  	v0 =	vld [tilespmem:s4+$0x1180];
	_ =	sdelay $0x4  }
0x1f9: {  	v61 =	vld [tilespmem:s4+$0x3200];
	[tilespmem:$0x1FA90] =	vst v0  }
0x1fa: {  	v0 =	vld [tilespmem:s4+$0x1100];
	_ =	sdelay $0x4  }
0x1fb: {  	v50 =	vld [tilespmem:s4+$0x3180];
	[tilespmem:$0x1FA80] =	vst v0  }
0x1fc: {  	v0 =	vld [tilespmem:s4+$0x1080];
	_ =	sdelay $0x4  }
0x1fd: {  	v39 =	vld [tilespmem:s4+$0x3100];
	[tilespmem:$0x1FA70] =	vst v0  }
0x1fe: {  	v0 =	vld [tilespmem:s4+$0x1000];
	_ =	sdelay $0x4  }
0x1ff: {  	v55 =	vld [tilespmem:s4+$0x3080];
	[tilespmem:$0x1FA60] =	vst v0  }
0x200: {  	v0 =	vld [tilespmem:s4+$0xA80];
	_ =	sdelay $0x4  }
0x201: {  	v37 =	vld [tilespmem:s4+$0x3000];
	[tilespmem:$0x1FA50] =	vst v0  }
0x202: {  	v48 =	vld [tilespmem:s4+$0x2A80]  }
0x203: {  	v9 =	vld [tilespmem:s4+$0x2000]  }
0x204: {  	s25 =	sand.u32 $0x3, s5;
	v0 =	vld [tilespmem:s4+$0x2080]  }
0x205: {  	s0 =	sshll.u32 s25, $0x5;
	v1 =	vld [tilespmem:s4+$0x2100]  }
0x206: {  	s0 =	sadd.s32 $0x0, s0;
	v2 =	vld [tilespmem:s4+$0x2180]  }
0x207: {  	s26 =	sadd.s32 $0x10, s0;
	v4 =	vld [tilespmem:s4+$0x2200]  }
0x208: {  	s28 =	sor.u32 $0x300, s26;
	v5 =	vld [tilespmem:s4+$0x2280]  }
0x209: {  	s29 =	sor.u32 $0x380, s26;
	v6 =	vld [tilespmem:s28+$0x2000]  }
0x20a: {  	v7 =	vld [tilespmem:s29+$0x2000]  }
0x20b: {  	v3 =	vld [tilespmem:s4+$0xA00]  }
0x20c: {  	v8 =	vld [tilespmem:s4+$0x2800]  }
0x20d: {  	v10 =	vld [tilespmem:s4+$0x2880]  }
0x20e: {  	v11 =	vld [tilespmem:s4+$0x2900]  }
0x20f: {  	v13 =	vld [tilespmem:s4+$0x2980]  }
0x210: {  	s9 =	sor.u32 $0xB00, s26;
	v14 =	vld [tilespmem:s4+$0x2A00];
	[tilespmem:$0x1FA40] =	vst v3  }
0x211: {  	s11 =	sor.u32 $0xB80, s26;
	v58 =	vld [tilespmem:s9+$0x2000]  }
0x212: {  	v17 =	vld [tilespmem:s11+$0x2000]  }
0x213: {  	v60 =	vld [tilespmem:s4+$0x980]  }
0x214: {  	v56 =	vld [tilespmem:s4+$0x900]  }
0x215: {  	v47 =	vld [tilespmem:s4+$0x880]  }
0x216: {  	v26 =	vld [tilespmem:s4+$0x800]  }
0x217: {  	v25 =	vld [tilespmem:s4+$0x280]  }
0x218: {  	s30 =	sor.u32 $0x1B80, s26;
	v23 =	vld [tilespmem:s4+$0x200]  }
0x219: {  	s12 =	sor.u32 $0x1300, s26;
	v3 =	vld [tilespmem:s30+$0x0]  }
0x21a: {  	v22 =	vld [tilespmem:s12+$0x2000]  }
0x21b: {  	v21 =	vld [tilespmem:s4+$0x180]  }
0x21c: {  	v18 =	vld [tilespmem:s4+$0x100]  }
0x21d: {  	v15 =	vld [tilespmem:s4+$0x0]  }
0x21e: {  	s6 =	sor.u32 $0x1B00, s26;
	v12 =	vld [tilespmem:s4+$0x80];
	[tilespmem:$0x1FBE0] =	vst v3  }
0x21f: {  	v3 =	vld [tilespmem:s6+$0x0];
	_ =	sdelay $0x2  }
0x220: {  	s31 =	sor.u32 $0x1380, s26;
	v49 =	vld [tilespmem:s30+$0x2000]  }
0x221: {  	v20 =	vld [tilespmem:s31+$0x2000]  }
0x222: {  	v41 =	vld [tilespmem:s6+$0x2000];
	[tilespmem:$0x1FBC0] =	vst v3  }
0x223: {  	v3 =	vld [tilespmem:s31+$0x0];
	_ =	sdelay $0x4  }
0x224: {  	[tilespmem:$0x1FAF0] =	vst v3  }
0x225: {  	v3 =	vld [tilespmem:s12+$0x0];
	_ =	sdelay $0x4  }
0x226: {  	[tilespmem:$0x1FAE0] =	vst v3  }
0x227: {  	v52 =	vld [tilespmem:s11+$0x0]  }
0x228: {  	s6 =	sand.u32 $0xFFFFFC00, s5;
	v44 =	vld [tilespmem:s9+$0x0]  }
0x229: {  	s4 =	sadd.s32 $0x0, s6;
	v19 =	vld [tilespmem:s29+$0x0]  }
0x22a: {  	s8 =	sor.u32 $0x80, s4;
	v16 =	vld [tilespmem:s28+$0x0]  }
0x22b: {  	v32 =	vld [tilespmem:s8+$0x0]  }
0x22c: {  	s2 =	sor.u32 s22, s24;
	v30 =	vld [tilespmem:s8+$0x2000]  }
0x22d: {  	v27 =	vld [tilespmem:s2+$0x0]  }
0x22e: {  	v28 =	vld [tilespmem:s2+$0x2000]  }
0x22f: {  	v33 =	vld [tilespmem:s2+$0x100]  }
0x230: {  	v29 =	vld [tilespmem:s2+$0x2100]  }
0x231: {  	v38 =	vld [tilespmem:s2+$0x200]  }
0x232: {  	s12 =	sor.u32 $0x300, s0;
	v36 =	vld [tilespmem:s2+$0x2200]  }
0x233: {  	v45 =	vld [tilespmem:s12+$0x0]  }
0x234: {  	v46 =	vld [tilespmem:s12+$0x2000]  }
0x235: {  	v53 =	vld [tilespmem:s2+$0x800]  }
0x236: {  	s13 =	sor.u32 $0x880, s4;
	v54 =	vld [tilespmem:s2+$0x2800]  }
0x237: {  	v57 =	vld [tilespmem:s13+$0x0]  }
0x238: {  	v3 =	vld [tilespmem:s2+$0x900]  }
0x239: {  	s9 =	sor.u32 $0x180, s4;
	v62 =	vld [tilespmem:s13+$0x2000]  }
0x23a: {  	v35 =	vld [tilespmem:s9+$0x0]  }
0x23b: {  	s11 =	sor.u32 $0x280, s4;
	v34 =	vld [tilespmem:s9+$0x2000]  }
0x23c: {  	v42 =	vld [tilespmem:s11+$0x0]  }
0x23d: {  	v40 =	vld [tilespmem:s11+$0x2000];
	[tilespmem:$0x1FB10] =	vst v3  }
0x23e: {  	v3 =	vld [tilespmem:s2+$0x2900];
	_ =	sdelay $0x4  }
0x23f: {  	s14 =	sor.u32 $0x980, s4;
	[tilespmem:$0x1FB30] =	vst v3  }
0x240: {  	v3 =	vld [tilespmem:s14+$0x0];
	_ =	sdelay $0x4  }
0x241: {  	[tilespmem:$0x1FB50] =	vst v3  }
0x242: {  	v3 =	vld [tilespmem:s14+$0x2000];
	_ =	sdelay $0x4  }
0x243: {  	[tilespmem:$0x1FB70] =	vst v3  }
0x244: {  	v3 =	vld [tilespmem:s2+$0xA00];
	_ =	sdelay $0x4  }
0x245: {  	[tilespmem:$0x1FB90] =	vst v3  }
0x246: {  	v3 =	vld [tilespmem:s2+$0x2A00];
	_ =	sdelay $0x4  }
0x247: {  	s18 =	sor.u32 $0xA80, s4;
	[tilespmem:$0x1FBB0] =	vst v3  }
0x248: {  	v3 =	vld [tilespmem:s18+$0x0];
	_ =	sdelay $0x4  }
0x249: {  	[tilespmem:$0x1FBD0] =	vst v3  }
0x24a: {  	v3 =	vld [tilespmem:s18+$0x2000];
	_ =	sdelay $0x4  }
0x24b: {  	s19 =	sor.u32 $0xB00, s0;
	[tilespmem:$0x1FBF0] =	vst v3  }
0x24c: {  	v3 =	vld [tilespmem:s19+$0x0];
	_ =	sdelay $0x4  }
0x24d: {  	[tilespmem:$0x1FC00] =	vst v3  }
0x24e: {  	v3 =	vld [tilespmem:s19+$0x2000];
	_ =	sdelay $0x4  }
0x24f: {  	[tilespmem:$0x1FC10] =	vst v3  }
0x250: {  	v3 =	vld [tilespmem:s2+$0x1000];
	_ =	sdelay $0x4  }
0x251: {  	[tilespmem:$0x1FC40] =	vst v3  }
0x252: {  	v3 =	vld [tilespmem:s2+$0x3000];
	_ =	sdelay $0x4  }
0x253: {  	s20 =	sor.u32 $0x1080, s4;
	[tilespmem:$0x1FC50] =	vst v3  }
0x254: {  	v3 =	vld [tilespmem:s20+$0x0];
	_ =	sdelay $0x4  }
0x255: {  	[tilespmem:$0x1FC60] =	vst v3  }
0x256: {  	v3 =	vld [tilespmem:s20+$0x2000];
	_ =	sdelay $0x4  }
0x257: {  	[tilespmem:$0x1FC70] =	vst v3  }
0x258: {  	v3 =	vld [tilespmem:s2+$0x1100];
	_ =	sdelay $0x4  }
0x259: {  	[tilespmem:$0x1FC80] =	vst v3  }
0x25a: {  	v3 =	vld [tilespmem:s2+$0x3100];
	_ =	sdelay $0x4  }
0x25b: {  	s21 =	sor.u32 $0x1180, s4;
	[tilespmem:$0x1FC90] =	vst v3  }
0x25c: {  	v3 =	vld [tilespmem:s21+$0x0];
	_ =	sdelay $0x4  }
0x25d: {  	[tilespmem:$0x1FCA0] =	vst v3  }
0x25e: {  	v3 =	vld [tilespmem:s21+$0x2000];
	_ =	sdelay $0x4  }
0x25f: {  	[tilespmem:$0x1FCB0] =	vst v3  }
0x260: {  	v3 =	vld [tilespmem:s2+$0x1200];
	_ =	sdelay $0x4  }
0x261: {  	[tilespmem:$0x1FCC0] =	vst v3  }
0x262: {  	v3 =	vld [tilespmem:s2+$0x3200];
	_ =	sdelay $0x4  }
0x263: {  	s22 =	sor.u32 $0x1280, s4;
	[tilespmem:$0x1FCD0] =	vst v3  }
0x264: {  	v3 =	vld [tilespmem:s22+$0x0];
	_ =	sdelay $0x4  }
0x265: {  	[tilespmem:$0x1FCE0] =	vst v3  }
0x266: {  	v3 =	vld [tilespmem:s22+$0x2000];
	_ =	sdelay $0x4  }
0x267: {  	s23 =	sor.u32 $0x1300, s0;
	[tilespmem:$0x1FCF0] =	vst v3  }
0x268: {  	v3 =	vld [tilespmem:s23+$0x0];
	_ =	sdelay $0x4  }
0x269: {  	[tilespmem:$0x1FD00] =	vst v3  }
0x26a: {  	v3 =	vld [tilespmem:s23+$0x2000];
	_ =	sdelay $0x4  }
0x26b: {  	[tilespmem:$0x1FD10] =	vst v3  }
0x26c: {  	v3 =	vld [tilespmem:s2+$0x1800];
	_ =	sdelay $0x4  }
0x26d: {  	[tilespmem:$0x1FD40] =	vst v3  }
0x26e: {  	v3 =	vld [tilespmem:s2+$0x3800];
	_ =	sdelay $0x4  }
0x26f: {  	s24 =	sor.u32 $0x1880, s4;
	[tilespmem:$0x1FD50] =	vst v3  }
0x270: {  	v3 =	vld [tilespmem:s24+$0x0];
	_ =	sdelay $0x4  }
0x271: {  	[tilespmem:$0x1FD60] =	vst v3  }
0x272: {  	v3 =	vld [tilespmem:s24+$0x2000];
	_ =	sdelay $0x4  }
0x273: {  	[tilespmem:$0x1FD70] =	vst v3  }
0x274: {  	v3 =	vld [tilespmem:s2+$0x1900];
	_ =	sdelay $0x4  }
0x275: {  	[tilespmem:$0x1FD80] =	vst v3  }
0x276: {  	v3 =	vld [tilespmem:s2+$0x3900];
	_ =	sdelay $0x4  }
0x277: {  	s25 =	sor.u32 $0x1980, s4;
	[tilespmem:$0x1FD90] =	vst v3  }
0x278: {  	v3 =	vld [tilespmem:s25+$0x0];
	_ =	sdelay $0x4  }
0x279: {  	[tilespmem:$0x1FDA0] =	vst v3  }
0x27a: {  	v3 =	vld [tilespmem:s25+$0x2000];
	_ =	sdelay $0x4  }
0x27b: {  	[tilespmem:$0x1FDB0] =	vst v3  }
0x27c: {  	v3 =	vld [tilespmem:s2+$0x1A00];
	_ =	sdelay $0x4  }
0x27d: {  	[tilespmem:$0x1FDD0] =	vst v3  }
0x27e: {  	v3 =	vld [tilespmem:s2+$0x3A00];
	_ =	sdelay $0x4  }
0x27f: {  	s26 =	sor.u32 $0x1A80, s4;
	[tilespmem:$0x1FDE0] =	vst v3  }
0x280: {  	v3 =	vld [tilespmem:s26+$0x0];
	_ =	sdelay $0x4  }
0x281: {  	[tilespmem:$0x1FE00] =	vst v3  }
0x282: {  	v3 =	vld [tilespmem:s26+$0x2000];
	_ =	sdelay $0x4  }
0x283: {  	s0 =	sor.u32 $0x1B00, s0;
	[tilespmem:$0x1FE10] =	vst v3  }
0x284: {  	v3 =	vld [tilespmem:s0+$0x0];
	_ =	sdelay $0x4  }
0x285: {  	[tilespmem:$0x1FE30] =	vst v3  }
0x286: {  	v3 =	vld [tilespmem:s0+$0x2000];
	_ =	sdelay $0x4  }
0x287: {  	[tilespmem:$0x1FE50] =	vst v3  }
0x288: {  	v3 =	vld [tilespmem:s1+$0x2000];
	_ =	sdelay $0x3  }
0x289: {  	s28 =	simm.s32 $0x120  }
0x28a: {  	s29 =	sor.u32 $0x1380, s28;
	[tilespmem:$0x1FE90] =	vst v3  }
0x28b: {  	v3 =	vld [tilespmem:s29+$0x0];
	_ =	sdelay $0x4  }
0x28c: {  	[tilespmem:$0x1FFB0] =	vst v3  }
0x28d: {  	v3 =	vld [tilespmem:s29+$0x2000];
	_ =	sdelay $0x4  }
0x28e: {  	s30 =	sor.u32 $0xB80, s28;
	[tilespmem:$0x1FFD0] =	vst v3  }
0x28f: {  	v3 =	vld [tilespmem:s30+$0x0];
	_ =	sdelay $0x4  }
0x290: {  	[tilespmem:$0x1FF30] =	vst v3  }
0x291: {  	v3 =	vld [tilespmem:s30+$0x2000];
	_ =	sdelay $0x4  }
0x292: {  	s4 =	sor.u32 $0x380, s28;
	[tilespmem:$0x1FF50] =	vst v3  }
0x293: {  	v3 =	vld [tilespmem:s4+$0x0];
	_ =	sdelay $0x4  }
0x294: {  	[tilespmem:$0x1FEB0] =	vst v3  }
0x295: {  	v3 =	vld [tilespmem:s4+$0x2000];
	_ =	sdelay $0x1  }
0x296: {  	s6 =	simm.s32 $0x20  }
0x297: {  	s7 =	simm.s32 $0x100;
	s31 =	sand.u32 $0x60, s6  }
0x298: {  	s11 =	sor.u32 $0x10, s31;
	s14 =	sand.u32 $0x400, s7  }
0x299: {  	s8 =	sor.u32 s14, s11;
	[tilespmem:$0x1FED0] =	vst v3  }
0x29a: {  	v3 =	vld [tilespmem:s8+$0x1A80];
	_ =	sdelay $0x4  }
0x29b: {  	[tilespmem:$0x1FFE0] =	vst v3  }
0x29c: {  	v3 =	vld [tilespmem:s8+$0x3A80];
	_ =	sdelay $0x4  }
0x29d: {  	[tilespmem:$0x1FE80] =	vst v3  }
0x29e: {  	v3 =	vld [tilespmem:s8+$0x1A00];
	_ =	sdelay $0x4  }
0x29f: {  	[tilespmem:$0x1FFC0] =	vst v3  }
0x2a0: {  	v3 =	vld [tilespmem:s8+$0x3A00];
	_ =	sdelay $0x4  }
0x2a1: {  	[tilespmem:$0x1FE60] =	vst v3  }
0x2a2: {  	v3 =	vld [tilespmem:s8+$0x1980];
	_ =	sdelay $0x4  }
0x2a3: {  	[tilespmem:$0x1FFA0] =	vst v3  }
0x2a4: {  	v3 =	vld [tilespmem:s8+$0x3980];
	_ =	sdelay $0x4  }
0x2a5: {  	[tilespmem:$0x1FE40] =	vst v3  }
0x2a6: {  	v3 =	vld [tilespmem:s8+$0x1900];
	_ =	sdelay $0x4  }
0x2a7: {  	[tilespmem:$0x1FF90] =	vst v3  }
0x2a8: {  	v3 =	vld [tilespmem:s8+$0x3900];
	_ =	sdelay $0x4  }
0x2a9: {  	[tilespmem:$0x1FE20] =	vst v3  }
0x2aa: {  	v3 =	vld [tilespmem:s8+$0x1880];
	_ =	sdelay $0x4  }
0x2ab: {  	[tilespmem:$0x1FF80] =	vst v3  }
0x2ac: {  	v3 =	vld [tilespmem:s8+$0x3880];
	_ =	sdelay $0x4  }
0x2ad: {  	[tilespmem:$0x1FDF0] =	vst v3  }
0x2ae: {  	v3 =	vld [tilespmem:s8+$0x1800];
	_ =	sdelay $0x4  }
0x2af: {  	[tilespmem:$0x1FF70] =	vst v3  }
0x2b0: {  	v3 =	vld [tilespmem:s8+$0x3800];
	_ =	sdelay $0x4  }
0x2b1: {  	[tilespmem:$0x1FDC0] =	vst v3  }
0x2b2: {  	v3 =	vld [tilespmem:s8+$0x1280];
	_ =	sdelay $0x4  }
0x2b3: {  	[tilespmem:$0x1FF60] =	vst v3  }
0x2b4: {  	v3 =	vld [tilespmem:s8+$0x1200];
	_ =	sdelay $0x4  }
0x2b5: {  	v63 =	vld [tilespmem:s8+$0x3280];
	[tilespmem:$0x1FF40] =	vst v3  }
0x2b6: {  	v3 =	vld [tilespmem:s8+$0x1180];
	_ =	sdelay $0x4  }
0x2b7: {  	v59 =	vld [tilespmem:s8+$0x3200];
	[tilespmem:$0x1FF20] =	vst v3  }
0x2b8: {  	v3 =	vld [tilespmem:s8+$0x1100];
	_ =	sdelay $0x4  }
0x2b9: {  	v51 =	vld [tilespmem:s8+$0x3180];
	[tilespmem:$0x1FF10] =	vst v3  }
0x2ba: {  	v3 =	vld [tilespmem:s8+$0x1080];
	_ =	sdelay $0x4  }
0x2bb: {  	v43 =	vld [tilespmem:s8+$0x3100];
	[tilespmem:$0x1FF00] =	vst v3  }
0x2bc: {  	v3 =	vld [tilespmem:s8+$0x1000];
	_ =	sdelay $0x4  }
0x2bd: {  	v31 =	vld [tilespmem:s8+$0x3080];
	[tilespmem:$0x1FEF0] =	vst v3  }
0x2be: {  	v0 =	vadd.s32 v9, v0;
	v3 =	vld [tilespmem:s8+$0xA80]  }
0x2bf: {  	v0 =	vadd.s32 v1, v0  }
0x2c0: {  	v0 =	vadd.s32 v2, v0  }
0x2c1: {  	v0 =	vadd.s32 v4, v0  }
0x2c2: {  	v0 =	vadd.s32 v5, v0  }
0x2c3: {  	v0 =	vadd.s32 v6, v0;
	v24 =	vld [tilespmem:s8+$0x3000];
	[tilespmem:$0x1FEE0] =	vst v3  }
0x2c4: {  	v0 =	vadd.s32 v7, v0;
	v9 =	vld [tilespmem:s8+$0x2A80]  }
0x2c5: {  	v0 =	vadd.s32 v8, v0;
	v2 =	vld [tilespmem:s8+$0x2000]  }
0x2c6: {  	v0 =	vadd.s32 v10, v0;
	v4 =	vld [tilespmem:s8+$0x2080]  }
0x2c7: {  	v0 =	vadd.s32 v11, v0;
	v1 =	vld [tilespmem:s8+$0x2100]  }
0x2c8: {  	v0 =	vadd.s32 v13, v0;
	v3 =	vld [tilespmem:s8+$0x2180]  }
0x2c9: {  	v0 =	vadd.s32 v14, v0;
	v5 =	vld [tilespmem:s8+$0x2200]  }
0x2ca: {  	v0 =	vadd.s32 v48, v0;
	v8 =	vld [tilespmem:s8+$0x2280]  }
0x2cb: {  	v0 =	vadd.s32 v58, v0;
	v58 =	vld [tilespmem:s8+$0xA00]  }
0x2cc: {  	v7 =	vld [tilespmem:s8+$0x2800]  }
0x2cd: {  	v10 =	vld [tilespmem:s8+$0x2880]  }
0x2ce: {  	v6 =	vld [tilespmem:s8+$0x2900]  }
0x2cf: {  	v14 =	vld [tilespmem:s8+$0x2980]  }
0x2d0: {  	v13 =	vld [tilespmem:s8+$0x2A00];
	[tilespmem:$0x1FEC0] =	vst v58  }
0x2d1: {  	v11 =	vld [tilespmem:s8+$0x980]  }
0x2d2: {  	v2 =	vadd.s32 v2, v4  }
0x2d3: {  	v4 =	vld [tilespmem:$0x1FAF0];
	v1 =	vadd.s32 v1, v2  }
0x2d4: {  	v2 =	vld [tilespmem:$0x1FB00];
	v1 =	vadd.s32 v3, v1  }
0x2d5: {  	v0 =	vadd.s32 v17, v0;
	v17 =	vadd.s32 v15, v12;
	v1 =	vadd.s32 v5, v1;
	v5 =	vld [tilespmem:$0x1FB40]  }
0x2d6: {  	[tilespmem:$0x1FEA0] =	vst v11;
	v11 =	vadd.s32 v18, v17;
	v18 =	vld [tilespmem:$0x1F9D0]  }
0x2d7: {  	v0 =	vadd.s32 v37, v0;
	v58 =	vld [tilespmem:s8+$0x900]  }
0x2d8: {  	v0 =	vadd.s32 v55, v0;
	s18 =	simm.s32 $0x1;
	v55 =	vld [tilespmem:s8+$0x880]  }
0x2d9: {  	v0 =	vadd.s32 v39, v0;
	s12 =	sand.u32 $0x3, s18;
	v48 =	vld [tilespmem:s8+$0x800]  }
0x2da: {  	v0 =	vadd.s32 v50, v0;
	s2 =	sshll.u32 s12, $0x5;
	v37 =	vld [tilespmem:s8+$0x280]  }
0x2db: {  	v0 =	vadd.s32 v61, v0;
	s12 =	sadd.s32 $0x100, s2;
	v61 =	vld [tilespmem:s8+$0x200]  }
0x2dc: {  	s2 =	sadd.s32 $0x10, s12;
	v21 =	vadd.s32 v21, v11;
	v11 =	vld [tilespmem:s8+$0x180]  }
0x2dd: {  	s13 =	sor.u32 $0x1B80, s2;
	v39 =	vld [tilespmem:s8+$0x100]  }
0x2de: {  	v50 =	vld [tilespmem:s13+$0x0]  }
0x2df: {  	v12 =	vadd.s32 v23, v21;
	v23 =	vld [tilespmem:s8+$0x0]  }
0x2e0: {  	v21 =	vld [tilespmem:$0x1FA30]  }
0x2e1: {  	v12 =	vadd.s32 v25, v12;
	v25 =	vld [tilespmem:$0x1F9F0]  }
0x2e2: {  	v12 =	vadd.s32 v16, v12;
	v0 =	vadd.s32 v18, v0;
	v18 =	vld [tilespmem:$0x1FA00]  }
0x2e3: {  	v12 =	vadd.s32 v19, v12;
	v0 =	vadd.s32 v22, v0;
	v22 =	vld [tilespmem:$0x1F9E0]  }
0x2e4: {  	v19 =	vld [tilespmem:$0x1FA10];
	v12 =	vadd.s32 v26, v12  }
0x2e5: {  	v0 =	vadd.s32 v20, v0;
	v12 =	vadd.s32 v47, v12;
	v20 =	vld [tilespmem:$0x1FA20]  }
0x2e6: {  	v12 =	vadd.s32 v56, v12;
	v56 =	vld [tilespmem:$0x1FB80]  }
0x2e7: {  	v12 =	vadd.s32 v60, v12;
	v60 =	vld [tilespmem:$0x1FBA0]  }
0x2e8: {  	v0 =	vadd.s32 v22, v0;
	v22 =	vld [tilespmem:s8+$0x80];
	[tilespmem:$0x1FFF0] =	vst v50  }
0x2e9: {  	s19 =	sor.u32 $0x1B00, s2;
	v50 =	vld [tilespmem:s13+$0x2000]  }
0x2ea: {  	v26 =	vld [tilespmem:s19+$0x2000]  }
0x2eb: {  	v47 =	vld [tilespmem:s19+$0x0]  }
0x2ec: {  	s21 =	sor.u32 $0x1380, s2;
	v0 =	vadd.s32 v25, v0;
	v25 =	vld [tilespmem:$0x1FA40]  }
0x2ed: {  	v16 =	vld [tilespmem:s21+$0x2000]  }
0x2ee: {  	s23 =	sor.u32 $0xB80, s2;
	v17 =	vld [tilespmem:s21+$0x0]  }
0x2ef: {  	v27 =	vadd.s32 v27, v32;
	v32 =	vadd.s32 v28, v30;
	s14 =	sor.u32 s31, s14;
	s26 =	sand.u32 $0xFFFFFC00, s7;
	v28 =	vld [tilespmem:s23+$0x2000]  }
0x2f0: {  	s20 =	sor.u32 $0x1300, s2;
	v1 =	vadd.s32 v8, v1;
	s13 =	sadd.s32 $0x20, s26;
	v8 =	vld [tilespmem:s14+$0x0]  }
0x2f1: {  	s4 =	sor.u32 $0x1B80, s28;
	v0 =	vadd.s32 v18, v0;
	v18 =	vld [tilespmem:s20+$0x2000];
	s28 =	sor.u32 $0x80, s13  }
0x2f2: {  	v3 =	vld [tilespmem:s28+$0x0]  }
0x2f3: {  	v0 =	vadd.s32 v19, v0;
	v19 =	vadd.s32 v29, v32;
	v29 =	vld [tilespmem:s14+$0x100]  }
0x2f4: {  	v0 =	vadd.s32 v20, v0;
	v20 =	vld [tilespmem:s20+$0x0]  }
0x2f5: {  	v19 =	vadd.s32 v34, v19;
	v34 =	vld [tilespmem:$0x1FA60]  }
0x2f6: {  	v0 =	vadd.s32 v21, v0;
	v21 =	vld [tilespmem:s23+$0x0]  }
0x2f7: {  	v19 =	vadd.s32 v36, v19;
	v36 =	vld [tilespmem:$0x1FA80];
	v0 =	vadd.s32 v41, v0  }
0x2f8: {  	s25 =	sor.u32 $0x300, s2;
	v15 =	vadd.s32 v49, v0;
	v0 =	vld [tilespmem:$0x1FA50]  }
0x2f9: {  	s22 =	sor.u32 $0xB00, s2;
	v49 =	vld [tilespmem:s25+$0x2000]  }
0x2fa: {  	s24 =	sor.u32 $0x380, s2;
	v12 =	vadd.s32 v25, v12;
	v25 =	vld [tilespmem:s22+$0x0]  }
0x2fb: {  	v19 =	vadd.s32 v40, v19;
	v40 =	vld [tilespmem:s24+$0x2000]  }
0x2fc: {  	v41 =	vld [tilespmem:$0x1FAA0]  }
0x2fd: {  	v0 =	vadd.s32 v0, v12;
	v12 =	vadd.s32 v33, v27;
	v27 =	vld [tilespmem:s22+$0x2000]  }
0x2fe: {  	v1 =	vadd.s32 v49, v1;
	v49 =	vld [tilespmem:$0x1FC80]  }
0x2ff: {  	v12 =	vadd.s32 v35, v12;
	v35 =	vld [tilespmem:$0x1FA70]  }
0x300: {  	v0 =	vadd.s32 v44, v0;
	v44 =	vld [tilespmem:$0x1FAC0]  }
0x301: {  	v1 =	vadd.s32 v40, v1;
	v40 =	vld [tilespmem:$0x1FC20]  }
0x302: {  	v12 =	vadd.s32 v38, v12;
	v38 =	vld [tilespmem:$0x1FA90]  }
0x303: {  	v0 =	vadd.s32 v52, v0;
	v52 =	vld [tilespmem:$0x1FAE0]  }
0x304: {  	v1 =	vadd.s32 v7, v1;
	v7 =	vld [tilespmem:s14+$0x2100]  }
0x305: {  	s29 =	sor.u32 $0x180, s13;
	v12 =	vadd.s32 v42, v12;
	v42 =	vld [tilespmem:$0x1FAB0]  }
0x306: {  	s1 =	sor.u32 $0x880, s13;
	v1 =	vadd.s32 v10, v1;
	v10 =	vld [tilespmem:s29+$0x0]  }
0x307: {  	v0 =	vadd.s32 v34, v0;
	v34 =	vld [tilespmem:s1+$0x0]  }
0x308: {  	v12 =	vadd.s32 v45, v12;
	v45 =	vld [tilespmem:$0x1FAD0]  }
0x309: {  	v1 =	vadd.s32 v6, v1;
	v6 =	vld [tilespmem:s29+$0x2000]  }
0x30a: {  	v30 =	vadd.s32 v41, v12;
	v12 =	vld [tilespmem:s24+$0x0]  }
0x30b: {  	v1 =	vadd.s32 v14, v1;
	v14 =	vld [tilespmem:s14+$0x200]  }
0x30c: {  	v41 =	vld [tilespmem:$0x1FC30]  }
0x30d: {  	s30 =	sor.u32 $0x280, s13;
	v30 =	vadd.s32 v53, v30;
	v53 =	vld [tilespmem:$0x1FB20]  }
0x30e: {  	v19 =	vadd.s32 v46, v19;
	v1 =	vadd.s32 v13, v1;
	v13 =	vld [tilespmem:s30+$0x0]  }
0x30f: {  	v19 =	vadd.s32 v44, v19;
	v44 =	vld [tilespmem:$0x1FC50]  }
0x310: {  	v0 =	vadd.s32 v35, v0;
	v35 =	vld [tilespmem:s1+$0x2000]  }
0x311: {  	v46 =	vadd.s32 v54, v19;
	v19 =	vld [tilespmem:s25+$0x0]  }
0x312: {  	v54 =	vld [tilespmem:$0x1FB30]  }
0x313: {  	v0 =	vadd.s32 v36, v0;
	v30 =	vadd.s32 v57, v30;
	v57 =	vld [tilespmem:$0x1FB90]  }
0x314: {  	v36 =	vld [tilespmem:$0x1FC00];
	v0 =	vadd.s32 v38, v0  }
0x315: {  	v1 =	vadd.s32 v9, v1;
	v9 =	vld [tilespmem:s30+$0x2000];
	v0 =	vadd.s32 v42, v0  }
0x316: {  	v32 =	vadd.s32 v62, v46;
	v62 =	vld [tilespmem:$0x1FBB0];
	v0 =	vadd.s32 v45, v0  }
0x317: {  	v38 =	vld [tilespmem:$0x1FC10];
	v0 =	vadd.s32 v52, v0  }
0x318: {  	v46 =	vld [tilespmem:$0x1FC70];
	v4 =	vadd.s32 v4, v0  }
0x319: {  	v1 =	vadd.s32 v27, v1;
	v27 =	vld [tilespmem:s14+$0x2200];
	v2 =	vadd.s32 v2, v4  }
0x31a: {  	v4 =	vld [tilespmem:$0x1FB10];
	v2 =	vadd.s32 v53, v2  }
0x31b: {  	v2 =	vadd.s32 v5, v2;
	v5 =	vld [tilespmem:$0x1FB50]  }
0x31c: {  	s31 =	sor.u32 $0x300, s12;
	v42 =	vld [tilespmem:$0x1FC40]  }
0x31d: {  	v1 =	vadd.s32 v28, v1;
	v28 =	vld [tilespmem:s31+$0x0]  }
0x31e: {  	v45 =	vld [tilespmem:$0x1FC60]  }
0x31f: {  	v1 =	vadd.s32 v24, v1;
	v24 =	vld [tilespmem:s31+$0x2000];
	v4 =	vadd.s32 v4, v30  }
0x320: {  	v4 =	vadd.s32 v5, v4;
	v5 =	vld [tilespmem:$0x1FB60]  }
0x321: {  	v52 =	vld [tilespmem:$0x1FC90]  }
0x322: {  	v1 =	vadd.s32 v31, v1;
	v31 =	vld [tilespmem:s14+$0x800]  }
0x323: {  	v0 =	vld [tilespmem:s4+$0x0]  }
0x324: {  	v1 =	vadd.s32 v43, v1;
	v43 =	vld [tilespmem:$0x1FD50]  }
0x325: {  	v2 =	vadd.s32 v5, v2;
	v5 =	vld [tilespmem:$0x1FB70]  }
0x326: {  	v1 =	vadd.s32 v51, v1;
	v51 =	vld [tilespmem:$0x1FDA0]  }
0x327: {  	v53 =	vld [tilespmem:$0x1FCA0]  }
0x328: {  	v1 =	vadd.s32 v59, v1;
	v59 =	vld [tilespmem:$0x1FE00]  }
0x329: {  	v1 =	vadd.s32 v63, v1;
	v63 =	vld [tilespmem:$0x1FE30];
	v30 =	vadd.s32 v54, v32  }
0x32a: {  	v1 =	vadd.s32 v18, v1;
	v18 =	vld [tilespmem:s14+$0x2900];
	v5 =	vadd.s32 v5, v30  }
0x32b: {  	s2 =	sor.u32 $0x980, s13;
	v33 =	vadd.s32 v62, v5;
	v5 =	vld [tilespmem:$0x1FBC0]  }
0x32c: {  	v1 =	vadd.s32 v16, v1;
	v16 =	vld [tilespmem:s2+$0x0]  }
0x32d: {  	v32 =	vld [tilespmem:s28+$0x2000]  }
0x32e: {  	v54 =	vld [tilespmem:$0x1FCB0];
	v2 =	vadd.s32 v56, v2  }
0x32f: {  	v4 =	vadd.s32 v57, v4;
	v57 =	vld [tilespmem:$0x1FCD0];
	v2 =	vadd.s32 v60, v2  }
0x330: {  	v2 =	vadd.s32 v5, v2;
	v5 =	vld [tilespmem:$0x1FBD0]  }
0x331: {  	v56 =	vld [tilespmem:$0x1FCC0]  }
0x332: {  	v60 =	vld [tilespmem:$0x1FCE0]  }
0x333: {  	v30 =	vld [tilespmem:s14+$0x2000]  }
0x334: {  	v62 =	vld [tilespmem:$0x1FCF0]  }
0x335: {  	v4 =	vadd.s32 v5, v4;
	v5 =	vld [tilespmem:$0x1FBE0]  }
0x336: {  	v4 =	vadd.s32 v36, v4;
	v36 =	vld [tilespmem:$0x1FD00]  }
0x337: {  	v4 =	vadd.s32 v40, v4;
	v40 =	vld [tilespmem:$0x1FD20]  }
0x338: {  	v4 =	vadd.s32 v42, v4;
	v42 =	vld [tilespmem:$0x1FD40]  }
0x339: {  	v4 =	vadd.s32 v45, v4;
	v45 =	vld [tilespmem:$0x1FD70]  }
0x33a: {  	v5 =	vadd.s32 v5, v2;
	v2 =	vld [tilespmem:$0x1FBF0]  }
0x33b: {  	v4 =	vadd.s32 v49, v4;
	v49 =	vld [tilespmem:$0x1FD90]  }
0x33c: {  	v4 =	vadd.s32 v53, v4;
	v53 =	vld [tilespmem:$0x1FDC0]  }
0x33d: {  	v4 =	vadd.s32 v56, v4;
	v56 =	vld [tilespmem:$0x1FDE0]  }
0x33e: {  	v4 =	vadd.s32 v60, v4;
	v60 =	vld [tilespmem:$0x1FE10]  }
0x33f: {  	v4 =	vadd.s32 v36, v4;
	v36 =	vld [tilespmem:s14+$0x900]  }
0x340: {  	v2 =	vadd.s32 v2, v33;
	v33 =	vld [tilespmem:s14+$0x2800]  }
0x341: {  	v4 =	vadd.s32 v40, v4;
	v40 =	vld [tilespmem:s14+$0xA00]  }
0x342: {  	v2 =	vadd.s32 v38, v2;
	v38 =	vld [tilespmem:$0x1FD10]  }
0x343: {  	v1 =	vadd.s32 v53, v1;
	v53 =	vld [tilespmem:$0x1FE70]  }
0x344: {  	v2 =	vadd.s32 v41, v2;
	v41 =	vld [tilespmem:$0x1FD30]  }
0x345: {  	v2 =	vadd.s32 v44, v2;
	v44 =	vld [tilespmem:$0x1FD60]  }
0x346: {  	v2 =	vadd.s32 v46, v2;
	v46 =	vld [tilespmem:$0x1FD80]  }
0x347: {  	v2 =	vadd.s32 v52, v2;
	v52 =	vld [tilespmem:$0x1FDB0]  }
0x348: {  	v2 =	vadd.s32 v54, v2;
	v54 =	vld [tilespmem:$0x1FDD0]  }
0x349: {  	v2 =	vadd.s32 v57, v2;
	v57 =	vld [tilespmem:$0x1FDF0]  }
0x34a: {  	s21 =	sor.u32 $0x1300, s12;
	v4 =	vadd.s32 v42, v4;
	v2 =	vadd.s32 v62, v2;
	v62 =	vld [tilespmem:$0x1FE20]  }
0x34b: {  	v4 =	vadd.s32 v44, v4;
	v44 =	vld [tilespmem:s21+$0x0]  }
0x34c: {  	s3 =	sor.u32 $0xA80, s13;
	v2 =	vadd.s32 v38, v2;
	v38 =	vld [tilespmem:s2+$0x2000]  }
0x34d: {  	v4 =	vadd.s32 v46, v4;
	v46 =	vld [tilespmem:s3+$0x2000]  }
0x34e: {  	v2 =	vadd.s32 v41, v2;
	v41 =	vld [tilespmem:s3+$0x0]  }
0x34f: {  	v4 =	vadd.s32 v51, v4;
	v51 =	vld [tilespmem:$0x1FE60]  }
0x350: {  	v4 =	vadd.s32 v54, v4;
	v54 =	vld [tilespmem:$0x1FE80]  }
0x351: {  	v2 =	vadd.s32 v43, v2;
	v43 =	vld [tilespmem:$0x1FF00]  }
0x352: {  	v2 =	vadd.s32 v45, v2;
	v45 =	vld [tilespmem:$0x1FE40]  }
0x353: {  	s8 =	sor.u32 $0xB00, s12;
	v1 =	vadd.s32 v57, v1;
	v57 =	vld [tilespmem:$0x1FE90]  }
0x354: {  	v4 =	vadd.s32 v59, v4;
	v59 =	vld [tilespmem:s8+$0x2000]  }
0x355: {  	v2 =	vadd.s32 v49, v2;
	v49 =	vld [tilespmem:$0x1FE50]  }
0x356: {  	v1 =	vadd.s32 v62, v1;
	v62 =	vld [tilespmem:s14+$0x3100]  }
0x357: {  	v4 =	vadd.s32 v63, v4;
	v63 =	vld [tilespmem:$0x1FEA0]  }
0x358: {  	v2 =	vadd.s32 v52, v2;
	v52 =	vld [tilespmem:s14+$0x2A00]  }
0x359: {  	v4 =	vadd.s32 v53, v4;
	v53 =	vld [tilespmem:$0x1FF60]  }
0x35a: {  	v2 =	vadd.s32 v56, v2;
	v56 =	vld [tilespmem:s8+$0x0]  }
0x35b: {  	v2 =	vadd.s32 v60, v2;
	v60 =	vld [tilespmem:s14+$0x3000]  }
0x35c: {  	v22 =	vadd.s32 v23, v22;
	v1 =	vadd.s32 v45, v1;
	v45 =	vld [tilespmem:$0x1FF10]  }
0x35d: {  	v22 =	vadd.s32 v39, v22;
	v2 =	vadd.s32 v49, v2;
	v49 =	vld [tilespmem:$0x1FF30]  }
0x35e: {  	v11 =	vadd.s32 v11, v22;
	v1 =	vadd.s32 v51, v1;
	v51 =	vld [tilespmem:$0x1FF40]  }
0x35f: {  	v42 =	vadd.s32 v57, v2;
	v2 =	vadd.s32 v61, v11;
	v61 =	vld [tilespmem:s14+$0x1100]  }
0x360: {  	v1 =	vadd.s32 v54, v1;
	v54 =	vld [tilespmem:s14+$0x1900]  }
0x361: {  	v57 =	vld [tilespmem:$0x1FF80]  }
0x362: {  	v1 =	vadd.s32 v26, v1;
	v2 =	vadd.s32 v37, v2;
	v37 =	vld [tilespmem:$0x1FEF0]  }
0x363: {  	v26 =	vadd.s32 v50, v1;
	v1 =	vadd.s32 v8, v3;
	v3 =	vld [tilespmem:s14+$0x1000];
	v8 =	vadd.s32 v30, v32  }
0x364: {  	v30 =	vld [tilespmem:$0x1FED0];
	v7 =	vadd.s32 v7, v8  }
0x365: {  	v32 =	vld [tilespmem:$0x1FEE0];
	v6 =	vadd.s32 v6, v7  }
0x366: {  	v1 =	vadd.s32 v29, v1;
	v6 =	vadd.s32 v27, v6;
	v27 =	vld [tilespmem:$0x1FEB0]  }
0x367: {  	v2 =	vadd.s32 v19, v2;
	v50 =	vld [tilespmem:s14+$0x1800];
	v1 =	vadd.s32 v10, v1  }
0x368: {  	s9 =	sor.u32 $0x1080, s13;
	v2 =	vadd.s32 v12, v2;
	v29 =	vld [tilespmem:$0x1FEC0];
	v1 =	vadd.s32 v14, v1;
	v6 =	vadd.s32 v9, v6  }
0x369: {  	v8 =	vld [tilespmem:s9+$0x0];
	v2 =	vadd.s32 v48, v2;
	v1 =	vadd.s32 v13, v1;
	v6 =	vadd.s32 v24, v6  }
0x36a: {  	v7 =	vld [tilespmem:s9+$0x2000];
	v2 =	vadd.s32 v55, v2;
	v1 =	vadd.s32 v28, v1;
	v6 =	vadd.s32 v30, v6  }
0x36b: {  	v48 =	vld [tilespmem:$0x1FF20];
	v2 =	vadd.s32 v58, v2;
	v6 =	vadd.s32 v33, v6;
	v1 =	vadd.s32 v27, v1  }
0x36c: {  	s23 =	sor.u32 $0x1980, s13;
	v55 =	vld [tilespmem:$0x1FF70];
	v2 =	vadd.s32 v63, v2;
	v6 =	vadd.s32 v35, v6;
	v1 =	vadd.s32 v31, v1  }
0x36d: {  	s19 =	sor.u32 $0x1180, s13;
	v58 =	vld [tilespmem:s23+$0x0];
	v2 =	vadd.s32 v29, v2;
	v6 =	vadd.s32 v18, v6;
	v1 =	vadd.s32 v34, v1  }
0x36e: {  	v28 =	vld [tilespmem:s19+$0x0];
	v2 =	vadd.s32 v32, v2;
	v6 =	vadd.s32 v38, v6;
	v1 =	vadd.s32 v36, v1  }
0x36f: {  	v2 =	vadd.s32 v25, v2;
	v6 =	vadd.s32 v52, v6;
	v52 =	vld [tilespmem:$0x1FF50];
	v1 =	vadd.s32 v16, v1  }
0x370: {  	s20 =	sor.u32 $0x1280, s13;
	v63 =	vld [tilespmem:s14+$0x1A00];
	v2 =	vadd.s32 v21, v2;
	v1 =	vadd.s32 v40, v1  }
0x371: {  	v35 =	vld [tilespmem:s20+$0x0];
	v2 =	vadd.s32 v37, v2;
	v1 =	vadd.s32 v41, v1  }
0x372: {  	v31 =	vld [tilespmem:s19+$0x2000];
	v2 =	vadd.s32 v43, v2;
	v6 =	vadd.s32 v46, v6;
	v1 =	vadd.s32 v56, v1  }
0x373: {  	s24 =	sand.u32 $0x80, s5;
	v34 =	vld [tilespmem:s14+$0x1200];
	v2 =	vadd.s32 v45, v2;
	v6 =	vadd.s32 v59, v6;
	v1 =	vadd.s32 v49, v1  }
0x374: {  	s1 =	sor.u32 s24, s10;
	v36 =	vld [tilespmem:s20+$0x2000];
	v2 =	vadd.s32 v48, v2;
	v6 =	vadd.s32 v52, v6;
	v1 =	vadd.s32 v3, v1  }
0x375: {  	v59 =	vld [tilespmem:$0x1FF90];
	[tilespmem:s1+$0x4100] =	vst v15;
	v2 =	vadd.s32 v51, v2;
	v6 =	vadd.s32 v60, v6;
	v1 =	vadd.s32 v8, v1  }
0x376: {  	v2 =	vadd.s32 v53, v2;
	v6 =	vadd.s32 v7, v6;
	v1 =	vadd.s32 v61, v1;
	v61 =	vld [tilespmem:$0x1FFA0]  }
0x377: {  	v2 =	vadd.s32 v20, v2;
	v6 =	vadd.s32 v62, v6;
	v62 =	vld [tilespmem:$0x1FFB0];
	[tilespmem:s1+$0x4000] =	vst v5  }
0x378: {  	v2 =	vadd.s32 v17, v2;
	v5 =	vld [tilespmem:$0x1FFC0]  }
0x379: {  	v46 =	vld [tilespmem:s21+$0x2000];
	v2 =	vadd.s32 v55, v2  }
0x37a: {  	v40 =	vld [tilespmem:s14+$0x3200];
	v2 =	vadd.s32 v57, v2  }
0x37b: {  	s22 =	sor.u32 $0x1880, s13;
	v3 =	vld [tilespmem:s14+$0x3800];
	v2 =	vadd.s32 v59, v2  }
0x37c: {  	s5 =	simm.s32 $0x4000;
	v8 =	vld [tilespmem:s22+$0x0];
	v2 =	vadd.s32 v61, v2  }
0x37d: {  	v1 =	vadd.s32 v28, v1;
	v2 =	vadd.s32 v5, v2;
	v5 =	vld [tilespmem:$0x1FFD0];
	[tilespmem:s5+$0x0] =	vst v4  }
0x37e: {  	v6 =	vadd.s32 v31, v6;
	v1 =	vadd.s32 v34, v1;
	v4 =	vld [tilespmem:$0x1FFE0]  }
0x37f: {  	v7 =	vld [tilespmem:s22+$0x2000];
	v6 =	vadd.s32 v40, v6;
	v1 =	vadd.s32 v35, v1  }
0x380: {  	v56 =	vld [tilespmem:s14+$0x3900];
	v6 =	vadd.s32 v36, v6;
	v1 =	vadd.s32 v44, v1  }
0x381: {  	v60 =	vld [tilespmem:s23+$0x2000];
	v6 =	vadd.s32 v46, v6;
	v1 =	vadd.s32 v62, v1  }
0x382: {  	s10 =	simm.s32 $0x4100;
	s25 =	sor.u32 $0x1A80, s13;
	s28 =	sshll.u32 s15, $0x8;
	v5 =	vadd.s32 v5, v6;
	v6 =	vadd.s32 v50, v1;
	v1 =	vld [tilespmem:s14+$0x3A00]  }
0x383: {  	s26 =	sand.u32 $0x80, s6;
	s30 =	sadd.s32 s28, s17;
	[tilespmem:s10+$0x0] =	vst v42;
	v4 =	vadd.s32 v4, v2;
	v3 =	vadd.s32 v3, v5;
	v2 =	vld [tilespmem:s25+$0x0]  }
0x384: {  	s1 =	sor.u32 s26, s11;
	v5 =	vadd.s32 v8, v6;
	v6 =	vadd.s32 v7, v3;
	v3 =	vld [tilespmem:s25+$0x2000];
	[dreg:$0x8] =	wrdreg s30  }
0x385: {  	[tilespmem:s1+$0x4100] =	vst v26  }
0x386: {  	v7 =	vld [tilespmem:$0x1FFF0];
	_ =	sdelay $0x3  }
0x387: {  	s29 =	sor.u32 $0x1B00, s12;
	s31 =	sadd.s32 s28, s16;
	v4 =	vadd.s32 v47, v4;
	v5 =	vadd.s32 v54, v5  }
0x388: {  	v6 =	vadd.s32 v56, v6;
	v5 =	vadd.s32 v58, v5;
	v7 =	vadd.s32 v7, v4;
	v4 =	vld [tilespmem:s29+$0x0];
	[dreg:$0x9] =	wrdreg s31  }
0x389: {  	s13 =	simm.s32 $0x2;
	s14 =	simm.s32 $0x240;
	[tilespmem:s1+$0x4000] =	vst v7;
	v7 =	vadd.s32 v60, v6;
	v6 =	vadd.s32 v63, v5;
	v5 =	vld [tilespmem:s29+$0x2000]  }
.LBB2_2:
0x38a: {  	v8 =	vld [tilespmem:s4+$0x2000];
	s17 =	sor.u32 $0x1B80, s14;
	s6 =	sadd.s32 $0x20, s6  }
0x38b: {  	s0 =	sor.u32 $0x1380, s14;
	s7 =	sadd.s32 $0x100, s7;
	v9 =	vld [tilespmem:s17+$0x0];
	s29 =	sand.u32 $0x60, s6  }
0x38c: {  	s3 =	sand.u32 $0x400, s7;
	s31 =	sor.u32 $0x10, s29;
	v7 =	vadd.s32 v1, v7;
	v1 =	vld [tilespmem:s0+$0x0]  }
0x38d: {  	s15 =	sor.u32 s29, s3;
	s3 =	sor.u32 s3, s31;
	v6 =	vadd.s32 v2, v6;
	v2 =	vld [tilespmem:s0+$0x2000]  }
0x38e: {  	v19 =	vld [tilespmem:s3+$0x3A80]  }
0x38f: {  	v21 =	vld [tilespmem:s3+$0x3A00]  }
0x390: {  	v22 =	vld [tilespmem:s3+$0x3980]  }
0x391: {  	v10 =	vld [tilespmem:s3+$0x1900]  }
0x392: {  	v24 =	vld [tilespmem:s3+$0x3900]  }
0x393: {  	v11 =	vld [tilespmem:s3+$0x1880]  }
0x394: {  	v25 =	vld [tilespmem:s3+$0x3880]  }
0x395: {  	v12 =	vld [tilespmem:s3+$0x1800]  }
0x396: {  	v26 =	vld [tilespmem:s3+$0x3800]  }
0x397: {  	v13 =	vld [tilespmem:s3+$0x1280]  }
0x398: {  	v23 =	vld [tilespmem:s3+$0x3280]  }
0x399: {  	v14 =	vld [tilespmem:s3+$0x1200]  }
0x39a: {  	v27 =	vld [tilespmem:s3+$0x3200]  }
0x39b: {  	v15 =	vld [tilespmem:s3+$0x1180]  }
0x39c: {  	v28 =	vld [tilespmem:s3+$0x3180]  }
0x39d: {  	v16 =	vld [tilespmem:s3+$0x1100]  }
0x39e: {  	v29 =	vld [tilespmem:s3+$0x3100]  }
0x39f: {  	v17 =	vld [tilespmem:s3+$0x1080]  }
0x3a0: {  	v30 =	vld [tilespmem:s3+$0x3080]  }
0x3a1: {  	v18 =	vld [tilespmem:s3+$0x1000]  }
0x3a2: {  	v31 =	vld [tilespmem:s3+$0x3000]  }
0x3a3: {  	v20 =	vld [tilespmem:s3+$0xA80]  }
0x3a4: {  	v32 =	vld [tilespmem:s3+$0x2A80]  }
0x3a5: {  	v33 =	vld [tilespmem:s3+$0x2000]  }
0x3a6: {  	v34 =	vld [tilespmem:s3+$0x2080]  }
0x3a7: {  	v35 =	vld [tilespmem:s3+$0x2100]  }
0x3a8: {  	v36 =	vld [tilespmem:s3+$0x2180]  }
0x3a9: {  	v37 =	vld [tilespmem:s3+$0x2200]  }
0x3aa: {  	v38 =	vld [tilespmem:s3+$0x2280]  }
0x3ab: {  	v54 =	vld [tilespmem:s3+$0x2800]  }
0x3ac: {  	v55 =	vld [tilespmem:s3+$0x2880]  }
0x3ad: {  	v56 =	vld [tilespmem:s3+$0x2900]  }
0x3ae: {  	v57 =	vld [tilespmem:s3+$0x2980]  }
0x3af: {  	v58 =	vld [tilespmem:s3+$0x2A00]  }
0x3b0: {  	v39 =	vld [tilespmem:s3+$0x980]  }
0x3b1: {  	s1 =	sor.u32 $0xB80, s14;
	v61 =	vld [tilespmem:s3+$0x280]  }
0x3b2: {  	s5 =	sadd.s32 $0x20, s5;
	s10 =	sadd.s32 $0x20, s10;
	s30 =	sand.u32 $0xFFFFFC00, s7;
	v62 =	vld [tilespmem:s3+$0x200]  }
0x3b3: {  	s2 =	sor.u32 $0x380, s14;
	s18 =	sadd.s32 $0x1, s18;
	s4 =	sadd.s32 s30, s6;
	v41 =	vld [tilespmem:s3+$0x180]  }
0x3b4: {  	s11 =	sand.u32 $0x3, s18;
	s30 =	sor.u32 $0x180, s4;
	s28 =	sor.u32 $0x280, s4;
	v42 =	vld [tilespmem:s3+$0x100]  }
0x3b5: {  	s26 =	sor.u32 $0x880, s4;
	s24 =	sor.u32 $0x980, s4;
	s0 =	sor.u32 $0x1A80, s4;
	v43 =	vld [tilespmem:s3+$0x0];
	v7 =	vadd.s32 v3, v7;
	v4 =	vadd.s32 v4, v6  }
0x3b6: {  	s23 =	sor.u32 $0xA80, s4;
	v3 =	vld [tilespmem:s1+$0x0];
	[dreg:$0x5] =	wrdreg s0;
	s0 =	sshll.u32 s11, $0x5;
	v5 =	vadd.s32 v5, v7;
	v6 =	vadd.s32 v0, v4  }
0x3b7: {  	s22 =	sor.u32 $0x1080, s4;
	s20 =	sor.u32 $0x1180, s4;
	v4 =	vld [tilespmem:s1+$0x2000];
	s12 =	sadd.s32 s0, s7;
	v5 =	vadd.s32 v8, v5;
	[tilespmem:s5+$0x0] =	vst v6  }
0x3b8: {  	s19 =	sor.u32 $0x1280, s4;
	s8 =	sor.u32 $0x1880, s4;
	s11 =	sadd.s32 $0x10, s12;
	v8 =	vld [tilespmem:s2+$0x0];
	[tilespmem:s10+$0x0] =	vst v5  }
0x3b9: {  	s9 =	sor.u32 $0x1980, s4;
	v0 =	vmov v9;
	s1 =	sor.u32 $0x80, s4;
	s4 =	sor.u32 $0x300, s11;
	v9 =	vld [tilespmem:s2+$0x2000]  }
0x3ba: {  	v33 =	vadd.s32 v33, v34;
	v52 =	vld [tilespmem:s4+$0x2000];
	s2 =	sor.u32 $0x380, s11  }
0x3bb: {  	v33 =	vadd.s32 v35, v33;
	v53 =	vld [tilespmem:s2+$0x2000]  }
0x3bc: {  	v44 =	vld [tilespmem:s3+$0x80];
	v33 =	vadd.s32 v36, v33  }
0x3bd: {  	v7 =	vld [tilespmem:s3+$0x1980];
	v33 =	vadd.s32 v37, v33  }
0x3be: {  	v6 =	vld [tilespmem:s3+$0x1A00];
	s0 =	sor.u32 $0x300, s12;
	s29 =	sor.u32 $0xB00, s12;
	v33 =	vadd.s32 v38, v33  }
0x3bf: {  	s25 =	sor.u32 $0x1300, s12;
	s21 =	sor.u32 $0x1B00, s12;
	v5 =	vld [tilespmem:s3+$0x1A80];
	s12 =	sor.u32 $0xB00, s11;
	v33 =	vadd.s32 v52, v33  }
0x3c0: {  	[dreg:$0x6] =	wrdreg s9;
	s9 =	sor.u32 $0xB80, s11;
	v59 =	vld [tilespmem:s12+$0x2000];
	v33 =	vadd.s32 v53, v33  }
0x3c1: {  	v60 =	vld [tilespmem:s9+$0x2000];
	v33 =	vadd.s32 v54, v33  }
0x3c2: {  	[dreg:$0x7] =	wrdreg s8;
	s8 =	sor.u32 $0x1300, s11;
	v34 =	vld [tilespmem:s3+$0x900];
	v33 =	vadd.s32 v55, v33  }
0x3c3: {  	s16 =	sor.u32 $0x1380, s11;
	v63 =	vld [tilespmem:s8+$0x2000];
	v33 =	vadd.s32 v56, v33  }
0x3c4: {  	v40 =	vld [tilespmem:s16+$0x2000];
	v33 =	vadd.s32 v57, v33  }
0x3c5: {  	v49 =	vld [tilespmem:s9+$0x0];
	v33 =	vadd.s32 v58, v33  }
0x3c6: {  	v51 =	vld [tilespmem:s12+$0x0];
	v32 =	vadd.s32 v32, v33  }
0x3c7: {  	v35 =	vld [tilespmem:s3+$0x880];
	v32 =	vadd.s32 v59, v32  }
0x3c8: {  	v36 =	vld [tilespmem:s3+$0xA00];
	v32 =	vadd.s32 v60, v32  }
0x3c9: {  	v37 =	vld [tilespmem:s28+$0x0];
	v31 =	vadd.s32 v31, v32  }
0x3ca: {  	v38 =	vld [tilespmem:s28+$0x2000];
	v30 =	vadd.s32 v30, v31  }
0x3cb: {  	v52 =	vld [tilespmem:s2+$0x0];
	v29 =	vadd.s32 v29, v30  }
0x3cc: {  	v53 =	vld [tilespmem:s4+$0x0];
	v28 =	vadd.s32 v28, v29  }
0x3cd: {  	v54 =	vld [tilespmem:s1+$0x0];
	v27 =	vadd.s32 v27, v28  }
0x3ce: {  	v55 =	vld [tilespmem:s1+$0x2000];
	v23 =	vadd.s32 v23, v27  }
0x3cf: {  	v56 =	vld [tilespmem:s15+$0x0];
	v23 =	vadd.s32 v63, v23  }
0x3d0: {  	v57 =	vld [tilespmem:s15+$0x2000];
	v30 =	vadd.s32 v40, v23  }
0x3d1: {  	v58 =	vld [tilespmem:s15+$0x100];
	v26 =	vadd.s32 v26, v30  }
0x3d2: {  	v33 =	vld [tilespmem:s3+$0x800];
	s3 =	sor.u32 $0x1B80, s11;
	v27 =	vadd.s32 v43, v44;
	v25 =	vadd.s32 v25, v26  }
0x3d3: {  	s11 =	sor.u32 $0x1B00, s11;
	v45 =	vld [tilespmem:s3+$0x2000];
	v47 =	vadd.s32 v42, v27;
	v25 =	vadd.s32 v24, v25  }
0x3d4: {  	v46 =	vld [tilespmem:s11+$0x2000];
	v48 =	vadd.s32 v41, v47;
	v22 =	vadd.s32 v22, v25  }
0x3d5: {  	v59 =	vld [tilespmem:s15+$0x2100];
	v50 =	vadd.s32 v62, v48;
	v21 =	vadd.s32 v21, v22  }
0x3d6: {  	v60 =	vld [tilespmem:s30+$0x0];
	v19 =	vadd.s32 v19, v21;
	v21 =	vadd.s32 v61, v50  }
0x3d7: {  	v28 =	vld [tilespmem:s16+$0x0];
	v21 =	vadd.s32 v53, v21  }
0x3d8: {  	v43 =	vld [tilespmem:s15+$0x2800];
	v21 =	vadd.s32 v52, v21  }
0x3d9: {  	v27 =	vld [tilespmem:s8+$0x0];
	v21 =	vadd.s32 v33, v21  }
0x3da: {  	v63 =	vld [tilespmem:s15+$0x2200];
	v21 =	vadd.s32 v35, v21  }
0x3db: {  	v42 =	vld [tilespmem:s15+$0x800];
	v21 =	vadd.s32 v34, v21  }
0x3dc: {  	v23 =	vld [tilespmem:s3+$0x0];
	v21 =	vadd.s32 v39, v21  }
0x3dd: {  	v40 =	vld [tilespmem:s0+$0x0];
	v21 =	vadd.s32 v36, v21  }
0x3de: {  	v41 =	vld [tilespmem:s0+$0x2000];
	v20 =	vadd.s32 v20, v21  }
0x3df: {  	v47 =	vld [tilespmem:s26+$0x2000];
	v20 =	vadd.s32 v51, v20  }
0x3e0: {  	v62 =	vld [tilespmem:s15+$0x200];
	v20 =	vadd.s32 v49, v20  }
0x3e1: {  	s16 =	sand.u32 $0x80, s6;
	v30 =	vadd.s32 v57, v55;
	v55 =	vld [tilespmem:s23+$0x0];
	v19 =	vadd.s32 v46, v19;
	v18 =	vadd.s32 v18, v20  }
0x3e2: {  	s3 =	sor.u32 s16, s31;
	v24 =	vld [tilespmem:s11+$0x0];
	v19 =	vadd.s32 v45, v19;
	v17 =	vadd.s32 v17, v18  }
0x3e3: {  	v61 =	vld [tilespmem:s30+$0x2000];
	[tilespmem:s3+$0x4100] =	vst v19;
	v19 =	vadd.s32 v56, v54;
	v16 =	vadd.s32 v16, v17  }
0x3e4: {  	v57 =	vld [tilespmem:s29+$0x0];
	v19 =	vadd.s32 v58, v19;
	v15 =	vadd.s32 v15, v16  }
0x3e5: {  	v29 =	vadd.s32 v59, v30;
	v59 =	vld [tilespmem:s15+$0x3000];
	v19 =	vadd.s32 v60, v19;
	v14 =	vadd.s32 v14, v15  }
0x3e6: {  	v45 =	vld [tilespmem:s26+$0x0];
	v19 =	vadd.s32 v62, v19;
	v13 =	vadd.s32 v13, v14  }
0x3e7: {  	v19 =	vadd.s32 v37, v19;
	v49 =	vld [tilespmem:s15+$0x900];
	v13 =	vadd.s32 v27, v13  }
0x3e8: {  	v39 =	vadd.s32 v61, v29;
	v46 =	vadd.s32 v40, v19;
	v51 =	vld [tilespmem:s24+$0x0];
	v13 =	vadd.s32 v28, v13  }
0x3e9: {  	v53 =	vld [tilespmem:s15+$0xA00];
	v21 =	vadd.s32 v63, v39;
	v8 =	vadd.s32 v8, v46;
	v12 =	vadd.s32 v12, v13  }
0x3ea: {  	v50 =	vld [tilespmem:s15+$0x2900];
	v44 =	vadd.s32 v38, v21;
	v8 =	vadd.s32 v42, v8;
	v11 =	vadd.s32 v11, v12  }
0x3eb: {  	v52 =	vld [tilespmem:s24+$0x2000];
	v48 =	vadd.s32 v41, v44;
	v8 =	vadd.s32 v45, v8;
	v10 =	vadd.s32 v10, v11  }
0x3ec: {  	v54 =	vld [tilespmem:s15+$0x2A00];
	v9 =	vadd.s32 v9, v48;
	v8 =	vadd.s32 v49, v8;
	v7 =	vadd.s32 v7, v10  }
0x3ed: {  	v56 =	vld [tilespmem:s23+$0x2000];
	v9 =	vadd.s32 v43, v9;
	v8 =	vadd.s32 v51, v8;
	v6 =	vadd.s32 v6, v7  }
0x3ee: {  	v9 =	vadd.s32 v47, v9;
	v7 =	vadd.s32 v53, v8;
	v8 =	vld [tilespmem:s29+$0x2000];
	v5 =	vadd.s32 v5, v6  }
0x3ef: {  	v58 =	vld [tilespmem:s15+$0x1000];
	v9 =	vadd.s32 v50, v9;
	v5 =	vadd.s32 v24, v5  }
0x3f0: {  	v60 =	vld [tilespmem:s22+$0x0];
	v9 =	vadd.s32 v52, v9;
	v7 =	vadd.s32 v55, v7;
	v5 =	vadd.s32 v23, v5  }
0x3f1: {  	v6 =	vadd.s32 v54, v9;
	[tilespmem:s3+$0x4000] =	vst v5;
	v5 =	vadd.s32 v57, v7;
	v7 =	vld [tilespmem:s22+$0x2000]  }
0x3f2: {  	v61 =	vld [tilespmem:s20+$0x2000];
	v6 =	vadd.s32 v56, v6  }
0x3f3: {  	v6 =	vadd.s32 v8, v6;
	v3 =	vadd.s32 v3, v5;
	v5 =	vld [tilespmem:s15+$0x1100]  }
0x3f4: {  	v4 =	vadd.s32 v4, v6;
	v6 =	vld [tilespmem:s15+$0x3100]  }
0x3f5: {  	v8 =	vld [tilespmem:s20+$0x0];
	v4 =	vadd.s32 v59, v4  }
0x3f6: {  	v3 =	vadd.s32 v58, v3;
	v4 =	vadd.s32 v7, v4;
	v7 =	vld [tilespmem:s15+$0x1200]  }
0x3f7: {  	v62 =	vld [tilespmem:s25+$0x0];
	v3 =	vadd.s32 v60, v3  }
0x3f8: {  	v3 =	vadd.s32 v5, v3;
	v5 =	vld [tilespmem:s15+$0x3200]  }
0x3f9: {  	v4 =	vadd.s32 v6, v4;
	v6 =	vld [tilespmem:s19+$0x0]  }
0x3fa: {  	v3 =	vadd.s32 v8, v3;
	v8 =	vld [tilespmem:s19+$0x2000]  }
0x3fb: {  	s29 =	rddreg [dreg:$0x7];
	v3 =	vadd.s32 v7, v3;
	v7 =	vld [tilespmem:s25+$0x2000]  }
0x3fc: {  	v63 =	vld [tilespmem:s29+$0x2000];
	v4 =	vadd.s32 v61, v4  }
0x3fd: {  	v4 =	vadd.s32 v5, v4;
	v5 =	vld [tilespmem:s15+$0x1800]  }
0x3fe: {  	v3 =	vadd.s32 v6, v3;
	v6 =	vld [tilespmem:s15+$0x3800]  }
0x3ff: {  	v4 =	vadd.s32 v8, v4;
	v8 =	vld [tilespmem:s29+$0x0];
	v3 =	vadd.s32 v62, v3  }
0x400: {  	v1 =	vadd.s32 v1, v3;
	v3 =	vld [tilespmem:s15+$0x1900];
	v4 =	vadd.s32 v7, v4  }
0x401: {  	s30 =	rddreg [dreg:$0x6];
	v2 =	vadd.s32 v2, v4;
	v4 =	vld [tilespmem:s15+$0x3900]  }
0x402: {  	v1 =	vadd.s32 v5, v1;
	v5 =	vld [tilespmem:s30+$0x0]  }
0x403: {  	s13 =	sadd.s32 $0x2, s13;
	v2 =	vadd.s32 v6, v2;
	v6 =	vld [tilespmem:s30+$0x2000]  }
0x404: {  	p0 =	slt.u32 s13, $0xE;
	v1 =	vadd.s32 v8, v1;
	v8 =	vld [tilespmem:s15+$0x1A00]  }
.Ltmp1:
0x405: {  	s31 =	rddreg [dreg:$0x5];
	v2 =	vadd.s32 v63, v2;
	v3 =	vadd.s32 v3, v1;
	v1 =	vld [tilespmem:s15+$0x3A00];
	(pc) =	sbr.rel @p0 .LBB2_2-.Ltmp1, $4  }
0x406: {  	v4 =	vadd.s32 v4, v2;
	v2 =	vld [tilespmem:s31+$0x0]  }
0x407: {  	v5 =	vadd.s32 v5, v3;
	v3 =	vld [tilespmem:s31+$0x2000]  }
0x408: {  	v7 =	vadd.s32 v6, v4;
	v4 =	vld [tilespmem:s21+$0x0]  }
0x409: {  	s14 =	sadd.s32 $0x120, s14;
	s4 =	smov.u32 s17;
	v6 =	vadd.s32 v8, v5;
	v5 =	vld [tilespmem:s21+$0x2000]  }
0x40a: {  	v8 =	vld [tilespmem:s4+$0x2000];
	_ =	sdelay $0x1  }
0x40b: {  	v1 =	vadd.s32 v1, v7;
	v2 =	vadd.s32 v2, v6  }
0x40c: {  	v1 =	vadd.s32 v3, v1;
	v2 =	vadd.s32 v4, v2  }
0x40d: {  	s0 =	sadd.s32 $0x20, s5;
	v1 =	vadd.s32 v5, v1;
	v0 =	vadd.s32 v0, v2  }
0x40e: {  	s1 =	sadd.s32 $0x20, s10;
	v1 =	vadd.s32 v8, v1;
	[tilespmem:s0+$0x0] =	vst v0  }
0x40f: {  	[tilespmem:s1+$0x0] =	vst v1  }
0x410: {  	s30 =	simm.s32 $0x4000;
	s0 =	simm.s32 $0x2;
	s1 =	rddreg [dreg:$0x8]  }
0x411: {  	[spmem:s1] =	stream.linear.scatter [tilespmem:s30], [sflag:$0x2], $0x100, $0x38;
	[tilespmem:$0x6480] =	vst v63  }
0x412: {  	_ =	swait.ge [sflag:s0], $0x100  }
0x413: {  	[sflag:s0] =	ssyncset.done $0x0  }
0x414: {  	s31 =	simm.s32 $0x4100;
	s2 =	rddreg [dreg:$0x9];
	[sflag:s0] =	ssyncadd.s32 $0xFFFFFF00  }
0x415: {  	[spmem:s2] =	stream.linear.scatter [tilespmem:s31], [sflag:$0x2], $0x100, $0x38;
	[tilespmem:$0x6480] =	vst v63  }
0x416: {  	_ =	swait.ge [sflag:s0], $0x100  }
0x417: {  	s15 =	stileid.u32;
	[sflag:s0] =	ssyncset.done $0x0  }
0x418: {  	p0 =	sne.s32 s15, $0x0;
	[sflag:s0] =	ssyncadd.s32 $0xFFFFFF00  }
.Ltmp2:
0x419: {  	[bflag:$0x0] =	sbarrier.arrive $0xFFFF;
	(pc) =	sbr.rel @p0 .LBB2_9-.Ltmp2, $4  }
0x41a: {  	s9 =	rddreg [dreg:$0x4]  }
0x41b: {  	s10 =	rddreg [dreg:$0x1]  }
0x41c: {  	s2 =	rddreg [dreg:$0x3]  }
0x41d: {  	s3 =	rddreg [dreg:$0x2]  }
0x41e: {  	s1 =	simm.s32 $0x4200  }
0x41f: {  	[tilespmem:s1], [sflag:$0x2] =	stream.linear.gather [spmem:s3], $0x1000, $0x38;
	[tilespmem:$0x6480] =	vst v63  }
0x420: {  	_ =	swait.ge [sflag:s0], $0x1000  }
0x421: {  	[sflag:s0] =	ssyncset.done $0x0  }
0x422: {  	s30 =	simm.s32 $0x5200;
	[sflag:s0] =	ssyncadd.s32 $0xFFFFF000  }
0x423: {  	[tilespmem:s30], [sflag:$0x2] =	stream.linear.gather [spmem:s2], $0x1000, $0x38;
	[tilespmem:$0x6480] =	vst v63  }
0x424: {  	_ =	swait.ge [sflag:s0], $0x1000  }
0x425: {  	[sflag:s0] =	ssyncset.done $0x0  }
0x426: {  	s31 =	simm.s32 $0x5220;
	[sflag:s0] =	ssyncadd.s32 $0xFFFFF000  }
0x427: {  	v2 =	vld [tilespmem:s31+$0xFFFFFFE0]  }
0x428: {  	v3 =	vld [tilespmem:s31+$0xFFFFFFF0]  }
0x429: {  	v4 =	vld [tilespmem:s31+$0x0];
	_ =	sdelay $0x1  }
0x42a: {  	v5 =	vimm.s32 $0x0;
	s0 =	simm.s32 $0x5260;
	v1 =	vld [tilespmem:s31+$0x10]  }
0x42b: {  	v0 =	vld [tilespmem:s0+$0x0];
	v5 =	vadd.s32 v5, v2  }
0x42c: {  	v2 =	vld [tilespmem:s0+$0xFFFFFFE0];
	v5 =	vadd.s32 v3, v5  }
0x42d: {  	s1 =	simm.s32 $0x4;
	s2 =	simm.s32 $0x52A0;
	v3 =	vld [tilespmem:s0+$0xFFFFFFF0];
	v4 =	vadd.s32 v4, v5  }
.LBB2_5:
0x42e: {  	s1 =	sadd.s32 $0x4, s1  }
0x42f: {  	v5 =	vld [tilespmem:s2+$0x0];
	v4 =	vadd.s32 v1, v4;
	p0 =	slt.u32 s1, $0xFC  }
.Ltmp3:
0x430: {  	v1 =	vld [tilespmem:s0+$0x10];
	s0 =	smov.u32 s2;
	(pc) =	sbr.rel @p0 .LBB2_5-.Ltmp3, $4  }
0x431: {  	_ = 	snop  }
0x432: {  	v4 =	vadd.s32 v4, v2  }
0x433: {  	v2 =	vld [tilespmem:s2+$0xFFFFFFE0];
	v4 =	vadd.s32 v3, v4  }
0x434: {  	s2 =	sadd.s32 $0x40, s2;
	v3 =	vld [tilespmem:s0+$0xFFFFFFF0];
	v4 =	vadd.s32 v0, v4;
	v0 =	vmov v5  }
0x435: {  	_ = 	snop  }
0x436: {  	v5 =	vld [tilespmem:s0+$0x10]  }
0x437: {  	v1 =	vadd.s32 v1, v4  }
0x438: {  	v1 =	vadd.s32 v1, v2  }
0x439: {  	v1 =	vadd.s32 v3, v1  }
0x43a: {  	v0 =	vadd.s32 v0, v1  }
0x43b: {  	v0 =	vadd.s32 v5, v0  }
0x43c: {  	(xrf0) =	vadd.scan.msk.s32 $0xffff, v0;
	_ =	sdelay $0x2  }
0x43d: {  	s22 =	simm.s32 $0x4200  }
0x43e: {  	s23 =	simm.s32 $0x5200;
	v1 =	vld [tilespmem:s22+$0x0]  }
0x43f: {  	v2 =	vld [tilespmem:s23+$0x0]  }
0x440: {  	v0, _, _ =	vpop (xrf0)  }
0x441: {  	(v2sf) =	vpush v0, $0xF;
	_ =	sdelay $0x1  }
0x442: {  	(xrf0) =	vadd.scan.msk.s32 $0xffff, v1  }
0x443: {  	(xrf0) =	vadd.scan.msk.s32 $0xffff, v2;
	_ =	sdelay $0x3  }
0x444: {  	s24 =	simm.s32 $0x4210  }
0x445: {  	v7 =	vld [tilespmem:s24+$0x0];
	v0, _, _ =	vpop (xrf0)  }
0x446: {  	s25 =	simm.s32 $0x5210;
	(v2sf) =	vpush v0, $0xF;
	v3, _, _ =	vpop (xrf0)  }
0x447: {  	v11 =	vld [tilespmem:s25+$0x0];
	(v2sf) =	vpush v3, $0xF;
	_ =	sdelay $0x2  }
0x448: {  	(xrf0) =	vadd.scan.msk.s32 $0xffff, v7  }
0x449: {  	s26 =	simm.s32 $0x0  }
0x44a: {  	v4 =	vsub.s32 s26, v1;
	(xrf0) =	vadd.scan.msk.s32 $0xffff, v11;
	s1 =	spop (v2sf)  }
0x44b: {  	v0 =	vadd.s32 v0, v4;
	s1 =	scvt.s32.f32 s1  }
0x44c: {  	v5 =	vsub.s32 s26, v2;
	v4 =	vcvt.s32.f32 v0  }
0x44d: {  	s28 =	simm.s32 $0x4220;
	v3 =	vadd.s32 v3, v5;
	v0 =	vmov s1  }
0x44e: {  	v5 =	vld [tilespmem:s28+$0x0];
	v14 =	vcvt.s32.f32 v3;
	v6, _, _ =	vpop (xrf0);
	v3 =	vadd.f32 v4, v0  }
0x44f: {  	s29 =	simm.s32 $0x5220;
	(v2sf) =	vpush v6, $0xF  }
0x450: {  	v13 =	vcvt.s32.f32 v1;
	v8, _, _ =	vpop (xrf0);
	v4 =	vld [tilespmem:s29+$0x0];
	v15 =	vsub.f32 v3, v14  }
0x451: {  	(v2sf) =	vpush v8, $0xF  }
0x452: {  	v16 =	vcvt.s32.f32 v2;
	v1 =	vadd.f32 v13, v15  }
0x453: {  	(xrf0) =	vadd.scan.msk.s32 $0xffff, v5;
	s30 =	spop (v2sf)  }
0x454: {  	s2 =	sadd.s32 $0x0, s30;
	s31 =	spop (v2sf);
	v1 =	vsub.f32 v1, v16  }
0x455: {  	v2 =	vlaneseq.u32;
	v3 =	vsub.s32 s2, v7;
	s4 =	sadd.s32 $0x0, s31;
	(xrf0) =	vadd.scan.msk.s32 $0xffff, v4  }
0x456: {  	v3 =	vadd.s32 v6, v3;
	v6 =	vsub.s32 s4, v11;
	v1 =	vmul.f32 v1, v15  }
0x457: {  	v9 =	vmul.u32 $0xFFFFFFFF, v2;
	v3 =	vcvt.s32.f32 v3;
	v6 =	vadd.s32 v8, v6  }
0x458: {  	s5 =	simm.s32 $0x4230;
	v6 =	vcvt.s32.f32 v6;
	v8 =	vmax.f32 v1, $1.000000000e+00  }
0x459: {  	v12, _, _ =	vpop (xrf0);
	v17 =	vadd.f32 v3, v0;
	v1 =	vadd.s32 $0xFFF, v9;
	v9 =	vld [tilespmem:s5+$0x0];
	(erf) = vrcp.f32 v8  }
0x45a: {  	s6 =	simm.s32 $0x5230;
	v19 =	vsub.f32 v13, v16;
	(v2sf) =	vpush v12, $0xF  }
0x45b: {  	v10 =	vld [tilespmem:s6+$0x0];
	v18 =	vor.u32 s26, v2;
	v8 =	vcvt.s32.f32 v7;
	v7 =	vsub.f32 v17, v6;
	v13, _, _ =	vpop (xrf0)  }
0x45c: {  	v14 =	vsub.f32 v0, v14;
	v17 =	vcvt.s32.f32 v18;
	(v2sf) =	vpush v13, $0xF  }
0x45d: {  	v11 =	vcvt.s32.f32 v11;
	v18 =	vadd.f32 v8, v7  }
0x45e: {  	v20 =	vmov s26;
	v14 =	vmul.f32 v14, v19;
	s7 =	spop (v2sf);
	v21 =	vsub.f32 $4.094500000e+03, v17;
	(xrf0) =	vadd.scan.msk.s32 $0xffff, v9  }
0x45f: {  	s3 =	simm.s32 $0x10;
	s0 =	simm.s32 $0x30;
	v3 =	vimm.f32 $0.0e+00;
	v15 =	vmul.f32 v16, v15;
	s2 =	sadd.s32 s2, s7;
	v17 =	vsub.f32 v18, v11  }
0x460: {  	s1 =	simm.s32 $0x20;
	s7 =	simm.s32 $0x40;
	s8 =	spop (v2sf);
	vm0 =	veq.s32 v20, v1;
	v18 =	vsub.s32 s2, v5;
	v16 =	vmul.f32 $2.442002530e-03, v21;
	(xrf0) =	vadd.scan.msk.s32 $0xffff, v10  }
.LBB2_7:
0x461: {  	p0 =	sne.s32 s7, $0xFF0;
	v12 =	vadd.s32 v12, v18;
	v17 =	vmul.f32 v17, v7;
	s4 =	sadd.s32 s4, s8;
	v14 =	vadd.f32 v15, v14;
	v15 =	vmovc v11  }
0x462: {  	v11 =	vcvt.s32.f32 v12;
	v19 =	vsub.s32 s4, v4;
	v16 =	vsel vm0, $0x0, v16;
	v18 =	vpop (erf)  }
0x463: {  	s5 =	sadd.s32 $0x10, s5;
	v13 =	vadd.s32 v13, v19;
	v17 =	vmax.f32 v17, $1.000000000e+00;
	v14 =	vmul.f32 v18, v14  }
0x464: {  	v18 =	vld [tilespmem:s5+$0x0];
	v12, _, _ =	vpop (xrf0);
	v19 =	vcvt.s32.f32 v13;
	v11 =	vadd.f32 v11, v0;
	(erf) = vrcp.f32 v17  }
0x465: {  	s6 =	sadd.s32 $0x10, s6;
	v17 =	vor.u32 s3, v2;
	(v2sf) =	vpush v12, $0xF;
	v14 =	vmul.f32 v14, v16  }
0x466: {  	v21 =	vsub.f32 v8, v15;
	v8 =	vcvt.s32.f32 v5;
	v20 =	vld [tilespmem:s6+$0x0];
	v13, _, _ =	vpop (xrf0);
	v16 =	vsub.f32 v11, v19  }
.Ltmp4:
0x467: {  	v5 =	vmovc v9;
	v17 =	vcvt.s32.f32 v17;
	(v2sf) =	vpush v13, $0xF;
	v3 =	vadd.f32 v14, v3;
	(pc) =	sbr.rel @p0 .LBB2_7-.Ltmp4, $4  }
0x468: {  	v22 =	vsub.f32 v0, v6;
	v11 =	vcvt.s32.f32 v4;
	v6 =	vmovc v19;
	v4 =	vmovc v10;
	v14 =	vadd.f32 v8, v16  }
0x469: {  	v23 =	vmov s3;
	s3 =	smov.u32 s1;
	s1 =	smov.u32 s0;
	v19 =	vsub.f32 $4.094500000e+03, v17;
	(xrf0) =	vadd.scan.msk.s32 $0xffff, v18;
	s8 =	spop (v2sf);
	v9 =	vmov v18  }
0x46a: {  	v15 =	vmul.f32 v15, v7;
	s0 =	smov.u32 s7;
	v7 =	vmovc v16;
	v17 =	vsub.f32 v14, v11;
	s2 =	sadd.s32 s2, s8;
	v14 =	vmul.f32 v22, v21  }
0x46b: {  	vm0 =	veq.s32 v23, v1;
	s7 =	sadd.s32 $0x10, s7;
	v16 =	vmul.f32 $2.442002530e-03, v19;
	(xrf0) =	vadd.scan.msk.s32 $0xffff, v20;
	v18 =	vsub.s32 s2, v5;
	s8 =	spop (v2sf);
	v10 =	vmovc v20  }
0x46c: {  	_ =	sdelay $0x7  }
0x46d: {  	s4 =	sadd.s32 s4, s8;
	s5 =	spop (v2sf)  }
0x46e: {  	v12 =	vadd.s32 v12, v18;
	v36 =	vsub.s32 s4, v4;
	s2 =	sadd.s32 s2, s5  }
0x46f: {  	v12 =	vcvt.s32.f32 v12;
	v13 =	vadd.s32 v13, v36;
	v37, _, _ =	vpop (xrf0);
	v19 =	vsub.s32 s2, v9;
	s28 =	spop (v2sf)  }
0x470: {  	v13 =	vcvt.s32.f32 v13;
	v19 =	vadd.s32 v37, v19;
	s2 =	sadd.s32 s4, s28  }
0x471: {  	v12 =	vadd.f32 v12, v0;
	v20, _, _ =	vpop (xrf0);
	v19 =	vcvt.s32.f32 v19;
	v21 =	vsub.s32 s2, v10  }
0x472: {  	v17 =	vmul.f32 v17, v7;
	v5 =	vcvt.s32.f32 v5;
	v21 =	vadd.s32 v20, v21  }
0x473: {  	v12 =	vsub.f32 v12, v13;
	v38 =	vcvt.s32.f32 v21;
	v19 =	vadd.f32 v19, v0  }
0x474: {  	v39 =	vcvt.s32.f32 v4;
	v41 =	vcvt.s32.f32 v9;
	v17 =	vmax.f32 v17, $1.000000000e+00  }
0x475: {  	(erf) = vrcp.f32 v17;
	v40 =	vadd.f32 v5, v12;
	v19 =	vsub.f32 v19, v38  }
0x476: {  	v8 =	vsub.f32 v8, v11;
	v6 =	vsub.f32 v0, v6  }
0x477: {  	v42 =	vcvt.s32.f32 v10;
	v21 =	vsub.f32 v40, v39;
	v43 =	vadd.f32 v41, v19  }
0x478: {  	v22 =	vor.u32 s3, v2;
	v14 =	vadd.f32 v15, v14;
	v45 =	vmul.f32 v11, v7  }
0x479: {  	v50 =	vmov s3;
	v21 =	vmul.f32 v21, v12;
	v10 =	vsub.f32 v43, v42  }
0x47a: {  	v52 =	vor.u32 s1, v2;
	v54 =	vor.u32 s0, v2;
	v59 =	vmov s1  }
0x47b: {  	v44 =	vcvt.s32.f32 v22;
	v49 =	vmax.f32 v21, $1.000000000e+00;
	v10 =	vmul.f32 v10, v19  }
0x47c: {  	v46 =	vpop (erf);
	v48 =	vsel vm0, $0x0, v16;
	v53 =	vcvt.s32.f32 v52;
	(erf) = vrcp.f32 v49  }
0x47d: {  	v6 =	vmul.f32 v6, v8;
	v47 =	vsub.f32 $4.094500000e+03, v44;
	v10 =	vmax.f32 v10, $1.000000000e+00  }
0x47e: {  	vm13 =	veq.s32 v50, v1;
	v11 =	vmul.f32 v46, v14;
	v51 =	vpop (erf);
	(erf) = vrcp.f32 v10  }
0x47f: {  	v2 =	vcvt.s32.f32 v54;
	v6 =	vadd.f32 v45, v6;
	v7 =	vmul.f32 $2.442002530e-03, v47  }
0x480: {  	v11 =	vmul.f32 v11, v48;
	v13 =	vsub.f32 v0, v13;
	v5 =	vsub.f32 v5, v39  }
0x481: {  	v7 =	vsel vm13, $0x0, v7;
	v4 =	vmul.f32 v39, v12;
	v6 =	vmul.f32 v51, v6  }
0x482: {  	v5 =	vmul.f32 v13, v5;
	v9 =	vsub.f32 v41, v42;
	v55 =	vsub.f32 v0, v38  }
0x483: {  	v56 =	vsub.f32 $4.094500000e+03, v53;
	v3 =	vadd.f32 v11, v3;
	v6 =	vmul.f32 v6, v7  }
0x484: {  	v4 =	vadd.f32 v4, v5;
	v0 =	vmul.f32 v55, v9;
	v57 =	vmul.f32 v42, v19  }
0x485: {  	v2 =	vsub.f32 $4.094500000e+03, v2;
	v3 =	vadd.f32 v6, v3;
	v6 =	vmul.f32 $2.442002530e-03, v56;
	v58 =	vpop (erf)  }
0x486: {  	vm14 =	veq.s32 v59, v1;
	v0 =	vadd.f32 v57, v0;
	v4 =	vmul.f32 v58, v4  }
0x487: {  	v61 =	vmov s0;
	v2 =	vmul.f32 $2.442002530e-03, v2;
	v60 =	vsel vm14, $0x0, v6;
	v62 =	vpop (erf)  }
0x488: {  	vm15 =	veq.s32 v61, v1;
	v4 =	vmul.f32 v4, v60;
	v0 =	vmul.f32 v62, v0  }
0x489: {  	v1 =	vsel vm15, $0x0, v2  }
0x48a: {  	v63 =	vadd.f32 v4, v3;
	v0 =	vmul.f32 v0, v1;
	_ =	sdelay $0x1  }
0x48b: {  	(v2sf) =	vpush v37, $0xF;
	v0 =	vadd.f32 v0, v63;
	_ =	sdelay $0x1  }
0x48c: {  	(v2sf) =	vpush v20, $0xF;
	(xrf2) =	vadd.scan.msk.f32 $0xffff, v0;
	_ =	sdelay $0x9  }
0x48d: {  	v0, _, _ =	vpop (xrf2)  }
0x48e: {  	v0 =	vbroadcast v0, $0xF;
	_ =	sdelay $0x1  }
0x48f: {  	s0 =	simm.s32 $0x0;
	s30 =	simm.s32 $0x6200;
	s29 =	spop (v2sf);
	[tilespmem:$0x6200] =	vst v0  }
0x490: {  	[hbm4b:s10+s0] =	stream.linear.scatter [tilespmem:s30], [sflag:$0x2], $0x80, $0x38;
	[tilespmem:$0x6480] =	vst v63  }
0x491: {  	s31 =	spop (v2sf);
	s0 =	simm.s32 $0x2  }
0x492: {  	_ =	swait.ge [sflag:s0], $0x80  }
0x493: {  	[sflag:s0] =	ssyncset.done $0x0  }
0x494: {  	[sflag:s0] =	ssyncadd.s32 $0xFFFFFF80  }
.LBB2_9:
0x495: {  	_ =	sfence.sel $0x180000  }
0x496: {  	[bflag:$0x0] =	sbarrier.arrive $0xFFFF  }
0x497: {  	p0 =	sne.s32 s15, $0x0;
	_ =	strace $0x9000004A  }
0x498: {  	s0 =	sadd.s32 @!p0 $0x100000, s9;
	[bflag:$0x2] =	sbarrier.arrive $0xFFFF  }
0x499: {  	[sflag:s0] =	ssyncadd.tile.s32 @!p0 $0x1;
	_ =	shalt  }
.Lfunc_end2:
_tile_overlayer_lowered:
.L_overlay_start_2:
0x49a: {  	(tag) =	ssettag $0x2  }
0x49b: {  	s0 =	rddreg [dreg:$0x0];
	s2 =	stileid.u32  }
0x49c: {  	s1 =	rddreg [dreg:$0x1];
	p0 =	sne.s32 s2, $0x0  }
0x49d: {  	s3 =	rddreg [dreg:$0x2];
	[bflag:$0x3] =	sbarrier.arrive $0xFFFF;
	s2 =	simm.s32 @!p0 $0x1C02  }
0x49e: {  	[timem:s3], [sflag:s2] =	dma.local @!p0 [hbm:s0], s1  }
0x49f: {  	s0 =	simm.s32 @!p0 $0x2  }
0x4a0: {  	_ =	swait.ge @!p0 [sflag:s0], s1  }
0x4a1: {  	s1 =	ssub.s32 @!p0 $0x0, s1;
	[sflag:s0] =	ssyncset.done @!p0 $0x0  }
0x4a2: {  	[sflag:s0] =	ssyncadd.s32 @!p0 s1  }
0x4a3: {  	[bflag:$0x3] =	sbarrier.arrive $0xFFFF  }
0x4a4: {  	_ =	shalt  }

</sc_bundles>
